<compile_context>
chip_gen: v7x
topology: tpu7x:2x2x1
jax: 0.10.2.dev20260603
libtpu: 0.0.44.dev20260713+nightly
codegen_flags: <defaults>
</compile_context>

<pallas_src>
import jax
import jax.numpy as jnp
from jax import lax
from jax.experimental import pallas as pl
from jax.experimental.pallas import tpu as pltpu
from jax.experimental.pallas import tpu_sc as plsc

N_NODES = 10000
DIM = 128
N_EDGES = 320000

NC = 2
NS = 16
NW = NC * NS
EPW = N_EDGES // NW
K = 80
NCHUNK = EPW // K
N_PAD = 10240
RPT = N_PAD // NS
DEGW = 16

_MESH = plsc.VectorSubcoreMesh(core_axis_name="c", subcore_axis_name="s")


def _deg_body(dst_hbm, deg_out, slots_sh, hist_v, dall_v, tmp_v, col_v):
    c = lax.axis_index("c")
    s = lax.axis_index("s")
    wid = s * NC + c
    pltpu.sync_copy(dst_hbm.at[pl.ds(wid * EPW, EPW)], dall_v)

    @pl.loop(0, N_PAD // 16, unroll=8)
    def _z(i):
        hist_v[pl.ds(i * 16, 16)] = jnp.zeros((16,), jnp.float32)

    ones16 = jnp.ones((16,), jnp.float32)

    @pl.loop(0, EPW // 16, unroll=8)
    def _h(i):
        idx = dall_v[pl.ds(i * 16, 16)]
        plsc.addupdate_scatter(hist_v, [idx], ones16)

    pltpu.sync_copy(hist_v, slots_sh.at[pl.ds(s * N_PAD, N_PAD)])
    plsc.subcore_barrier()

    @pl.loop(0, N_PAD // 16, unroll=8)
    def _z2(i):
        hist_v[pl.ds(i * 16, 16)] = jnp.zeros((16,), jnp.float32)

    for t in range(NS):
        pltpu.sync_copy(slots_sh.at[pl.ds(t * N_PAD + s * RPT, RPT)], tmp_v)

        @pl.loop(0, RPT // 16, unroll=8)
        def _acc(i):
            sl = pl.ds(i * 16, 16)
            hist_v[sl] = hist_v[sl] + tmp_v[sl]

    zcol = jnp.zeros((16,), jnp.int32)

    @pl.loop(0, RPT // 16)
    def _col(i):
        rows = jax.lax.iota(jnp.int32, 16) + i * 16
        vals = hist_v[pl.ds(i * 16, 16)]
        plsc.store_scatter(col_v, [rows, zcol], vals)

    pltpu.sync_copy(col_v, deg_out.at[c, pl.ds(s * RPT, RPT)])


def _degree_hist(dst):
    return pl.kernel(
        _deg_body,
        out_type=jax.ShapeDtypeStruct((NC, N_PAD, DEGW), jnp.float32),
        mesh=_MESH,
        compiler_params=pltpu.CompilerParams(needs_layout_passes=False),
        scratch_types=[
            pltpu.VMEM_SHARED((NS * N_PAD,), jnp.float32),
            pltpu.VMEM((N_PAD,), jnp.float32),
            pltpu.VMEM((EPW,), jnp.int32),
            pltpu.VMEM((RPT,), jnp.float32),
            pltpu.VMEM((RPT, DEGW), jnp.float32),
        ],
    )(dst)


NBUF = 4
GI = 3
GG = 2
TAIL = 1


def _edge_body(src_hbm, dst_hbm, y_hbm, zeros_hbm, acc_out,
               acc_sh, sidx_v, didx_v, rows_v, isems, gsems, ssems):
    c = lax.axis_index("c")
    s = lax.axis_index("s")
    wid = s * NC + c

    @pl.when(c == 0)
    def _iy():
        pltpu.sync_copy(y_hbm.at[pl.ds(s * RPT, RPT)],
                        acc_sh.at[pl.ds(s * RPT, RPT)])

    @pl.when(c == 1)
    def _iz():
        pltpu.sync_copy(zeros_hbm.at[pl.ds(s * RPT, RPT)],
                        acc_sh.at[pl.ds(s * RPT, RPT)])

    plsc.subcore_barrier()

    def start_idx(x, p):
        base = wid * EPW + x * K
        pltpu.async_copy(src_hbm.at[pl.ds(base, K)], sidx_v[p], isems[p])
        pltpu.async_copy(dst_hbm.at[pl.ds(base, K)], didx_v[p], isems[p])

    def wait_idx(x, p):
        base = wid * EPW + x * K
        pltpu.make_async_copy(src_hbm.at[pl.ds(base, K)],
                              sidx_v[p], isems[p]).wait()
        pltpu.make_async_copy(dst_hbm.at[pl.ds(base, K)],
                              didx_v[p], isems[p]).wait()

    def start_gather(p):
        pltpu.async_copy(y_hbm.at[sidx_v[p]], rows_v[p], gsems[p])

    def wait_gather(p):
        pltpu.make_async_copy(y_hbm.at[sidx_v[p]], rows_v[p],
                              gsems[p]).wait()

    def start_scatter(p):
        pltpu.async_copy(rows_v[p], acc_sh.at[didx_v[p]], ssems[p], add=True)

    def wait_scatter(p):
        pltpu.make_async_copy(rows_v[p], acc_sh.at[didx_v[p]],
                              ssems[p]).wait()

    for x0 in range(GI):
        start_idx(x0, x0)
    for x0 in range(GG):
        wait_idx(x0, x0)
        start_gather(x0)

    @pl.loop(0, NCHUNK - TAIL, step=NBUF)
    def _blk(j):
        for p in range(NBUF):
            x = j + p
            pi = (p + GI) % NBUF
            pg = (p + GG) % NBUF
            xi = x + GI
            xg = x + GG
            wait_gather(p)

            @pl.when(jnp.logical_and(xi < NCHUNK, xi >= NBUF))
            def _ws():
                wait_scatter(pi)

            @pl.when(xi < NCHUNK)
            def _i():
                start_idx(xi, pi)

            @pl.when(xg < NCHUNK)
            def _g():
                wait_idx(xg, pg)
                start_gather(pg)

            start_scatter(p)

    for t in range(TAIL):
        wait_gather(t)
        start_scatter(t)
    for p in range(NBUF):
        wait_scatter(p)

    plsc.subcore_barrier()
    pltpu.sync_copy(acc_sh.at[pl.ds(s * RPT, RPT)],
                    acc_out.at[c, pl.ds(s * RPT, RPT)])


def _edge_pass(src, dst, y, zeros):
    return pl.kernel(
        _edge_body,
        out_type=jax.ShapeDtypeStruct((NC, N_PAD, DIM), jnp.float32),
        mesh=_MESH,
        scratch_types=[
            pltpu.VMEM_SHARED((N_PAD, DIM), jnp.float32),
            [pltpu.VMEM((K,), jnp.int32) for _ in range(NBUF)],
            [pltpu.VMEM((K,), jnp.int32) for _ in range(NBUF)],
            [pltpu.VMEM((K, DIM), jnp.float32) for _ in range(NBUF)],
            [pltpu.SemaphoreType.DMA for _ in range(NBUF)],
            [pltpu.SemaphoreType.DMA for _ in range(NBUF)],
            [pltpu.SemaphoreType.DMA for _ in range(NBUF)],
        ],
    )(src, dst, y, zeros)


RB = 2000


def _scale_body(deg_ref, emb_ref, w_ref, y_ref, dinv_ref):
    deg = deg_ref[0, :, 0:1] + deg_ref[1, :, 0:1] + 1.0
    dinv = lax.rsqrt(jnp.maximum(deg, 1.0))
    xw = jnp.dot(emb_ref[...], w_ref[...], preferred_element_type=jnp.float32)
    y_ref[...] = xw * dinv
    dinv_ref[...] = dinv


def _scale(dega, emb, w):
    grid = N_NODES // RB
    return pl.pallas_call(
        _scale_body,
        grid=(grid,),
        in_specs=[
            pl.BlockSpec((NC, RB, DEGW), lambda i: (0, i, 0)),
            pl.BlockSpec((RB, DIM), lambda i: (i, 0)),
            pl.BlockSpec((DIM, DIM), lambda i: (0, 0)),
        ],
        out_specs=[
            pl.BlockSpec((RB, DIM), lambda i: (i, 0)),
            pl.BlockSpec((RB, 1), lambda i: (i, 0)),
        ],
        out_shape=[
            jax.ShapeDtypeStruct((N_PAD, DIM), jnp.float32),
            jax.ShapeDtypeStruct((N_NODES, 1), jnp.float32),
        ],
    )(dega, emb, w)


def _final_body(acc_ref, dinv_ref, b_ref, out_ref):
    tot = acc_ref[0] + acc_ref[1]
    out_ref[...] = dinv_ref[...] * tot + b_ref[...]


def _final(acc, dinv, b2):
    grid = N_NODES // RB
    return pl.pallas_call(
        _final_body,
        grid=(grid,),
        in_specs=[
            pl.BlockSpec((NC, RB, DIM), lambda i: (0, i, 0)),
            pl.BlockSpec((RB, 1), lambda i: (i, 0)),
            pl.BlockSpec((1, DIM), lambda i: (0, 0)),
        ],
        out_specs=pl.BlockSpec((RB, DIM), lambda i: (i, 0)),
        out_shape=jax.ShapeDtypeStruct((N_NODES, DIM), jnp.float32),
    )(acc, dinv, b2)


@jax.jit
def kernel(edge_index, emb, W, b):
    ei = jnp.asarray(edge_index, jnp.int32)
    src = ei[0]
    dst = ei[1]
    zeros = jnp.zeros((N_PAD, DIM), jnp.float32)

    dega = _degree_hist(dst)
    y, dinv = _scale(dega, emb, W)
    acc = _edge_pass(src, dst, y, zeros)
    out = _final(acc, dinv, b.reshape(1, DIM))
    return out

# --- scband reference (transcript-rebuilt; emitter-appended) ---
"""Pipeline reference for scband-gnnwith-emb-layer-22643067585308 (READ-ONLY COPY).

The authoritative reference and input builder live on the scoring server;
editing this copy changes nothing except your own understanding.
"""

import jax, jax.numpy as jnp
import numpy as np

N_NODES = 10000
DIM = 128
N_EDGES = 320000


def setup_inputs(seed: int = 0) -> dict:
    key = jax.random.key(seed)
    k1, k2, k3 = jax.random.split(key, 3)
    edge_index = jax.random.randint(k1, (2, N_EDGES), 0, N_NODES)
    # Embedding table initialized uniform(-0.5/dim, 0.5/dim) as in the torch module
    emb = jax.random.uniform(k2, (N_NODES, DIM), minval=-0.5 / DIM, maxval=0.5 / DIM, dtype=jnp.float32)
    # GCN layer parameters (the `gnn` submodule: single GCNConv(128, 128))
    W = jax.random.normal(k3, (DIM, DIM), dtype=jnp.float32) * (1.0 / np.sqrt(DIM))
    b = jnp.zeros((DIM,), dtype=jnp.float32)
    return {"edge_index": edge_index, "emb": emb, "W": W, "b": b}


def reference(edge_index, emb, W, b):
    # node_ids is None -> arange over all nodes
    node_ids = jnp.arange(N_NODES)
    base_emb = jnp.take(emb, node_ids, axis=0)  # embedding lookup (gather)
    # GCNConv forward with self-loops and symmetric degree normalization
    self_loops = jnp.arange(N_NODES)
    src = jnp.concatenate([edge_index[0], self_loops])
    dst = jnp.concatenate([edge_index[1], self_loops])
    deg = jax.ops.segment_sum(jnp.ones_like(src, dtype=base_emb.dtype), dst, num_segments=N_NODES)
    dinv = jax.lax.rsqrt(jnp.maximum(deg, 1.0))
    norm = dinv[src] * dinv[dst]
    xw = base_emb @ W
    msgs = jnp.take(xw, src, axis=0) * norm[:, None]  # gather over edges
    out = jax.ops.segment_sum(msgs, dst, num_segments=N_NODES) + b  # scatter-add
    return out

if __name__ == "__main__":
    import jax
    _d = setup_inputs()
    print(jax.jit(kernel)(*tuple(_d.values())))

</pallas_src>

<mosaic_0001>
#map = affine_map<(d0, d1) -> (0)>
#map1 = affine_map<(d0, d1) -> (0, 0, 0)>
module attributes {stable_mosaic.version = 14 : i64} {
  func.func @_deg_body(%arg0: i32, %arg1: i32, %arg2: memref<320000xi32, #tpu.memory_space<hbm>>, %arg3: memref<2x10240x16xf32, #tpu.memory_space<hbm>>, %arg4: memref<163840xf32, #tpu.memory_space<vmem_shared>>, %arg5: memref<10240xf32, #tpu.memory_space<vmem>>, %arg6: memref<10000xi32, #tpu.memory_space<vmem>>, %arg7: memref<640xf32, #tpu.memory_space<vmem>>, %arg8: memref<640x16xf32, #tpu.memory_space<vmem>>) attributes {dimension_semantics = [#tpu.dimension_semantics<core_parallel>, #tpu.dimension_semantics<subcore_parallel>], iteration_bounds = array<i64: 2, 16>, scalar_prefetch = 0 : i64, scratch_operands = 5 : i64, tpu.core_type = #tpu.core_type<sc_vector_subcore>, window_params = [{transform_indices = #map}, {transform_indices = #map1}]} {
    %mul3A = arith.constant 2 : i32
    %mul3A_0 = arith.muli %arg1, %mul3A : i32
    %add3A = arith.addi %mul3A_0, %arg0 : i32
    %mul3A_1 = arith.constant 10000 : i32
    %mul3A_2 = arith.muli %add3A, %mul3A_1 : i32
    "tpu.region"() ({
      %run_scoped3A = tpu.sem_alloc : memref<!tpu.dma_semaphore, #tpu.memory_space<semaphore_mem>>
      %dma_start3A = tpu.memref_slice %arg2[%mul3A_2] : memref<320000xi32, #tpu.memory_space<hbm>> -> memref<10000xi32, #tpu.memory_space<hbm>>
      %dma_start3A_182 = tpu.memref_slice %arg2[%mul3A_2] : memref<320000xi32, #tpu.memory_space<hbm>> -> memref<10000xi32, #tpu.memory_space<hbm>>
      tpu.enqueue_dma source(%dma_start3A_182 : memref<10000xi32, #tpu.memory_space<hbm>>) target(%arg6 : memref<10000xi32, #tpu.memory_space<vmem>>) target_semaphore(%run_scoped3A : memref<!tpu.dma_semaphore, #tpu.memory_space<semaphore_mem>>)
      %dma_wait3A = tpu.memref_slice %arg2[%mul3A_2] : memref<320000xi32, #tpu.memory_space<hbm>> -> memref<10000xi32, #tpu.memory_space<hbm>>
      %dma_wait3A_183 = tpu.memref_slice %arg2[%mul3A_2] : memref<320000xi32, #tpu.memory_space<hbm>> -> memref<10000xi32, #tpu.memory_space<hbm>>
      tpu.wait_dma2 semaphore(%run_scoped3A : memref<!tpu.dma_semaphore, #tpu.memory_space<semaphore_mem>>) src(%dma_wait3A_183 : memref<10000xi32, #tpu.memory_space<hbm>>) dst(%arg6 : memref<10000xi32, #tpu.memory_space<vmem>>)
      tpu.yield
    }) : () -> ()
    %scan3A = arith.constant 0 : i32
    %scan3A_3 = arith.constant 640 : i32
    %scan3A_4 = arith.addi %scan3A, %scan3A_3 : i32
    %scan3A_5 = arith.constant 8 : i32
    scf.for %scan3A_182 = %scan3A to %scan3A_4 step %scan3A_5  : i32 {
      %mul3A_183 = arith.constant 1 : i32
      %mul3A_184 = arith.muli %scan3A_182, %mul3A_183 : i32
      %add3A_185 = arith.constant 0 : i32
      %add3A_186 = arith.addi %add3A_185, %mul3A_184 : i32
      %broadcast_in_dim3A_187 = arith.constant 0.000000e+00 : f32
      %broadcast_in_dim3A_188 = vector.broadcast %broadcast_in_dim3A_187 : f32 to vector<16xf32>
      %mul3A_189 = arith.constant 16 : i32
      %mul3A_190 = arith.muli %add3A_186, %mul3A_189 : i32
      %swap3A = arith.index_cast %mul3A_190 : i32 to index
      %swap3A_191 = tpu.vector_load %arg5[%swap3A] {strides = array<i32>} : memref<10240xf32, #tpu.memory_space<vmem>>, vector<16xf32>,
      tpu.vector_store %arg5[%swap3A], %broadcast_in_dim3A_188 {strides = array<i32>} : memref<10240xf32, #tpu.memory_space<vmem>>, vector<16xf32>,
      %scan3A_192 = arith.constant 1 : i32
      %scan3A_193 = arith.addi %scan3A_182, %scan3A_192 : i32
      %mul3A_194 = arith.constant 1 : i32
      %mul3A_195 = arith.muli %scan3A_193, %mul3A_194 : i32
      %add3A_196 = arith.constant 0 : i32
      %add3A_197 = arith.addi %add3A_196, %mul3A_195 : i32
      %broadcast_in_dim3A_198 = arith.constant 0.000000e+00 : f32
      %broadcast_in_dim3A_199 = vector.broadcast %broadcast_in_dim3A_198 : f32 to vector<16xf32>
      %mul3A_200 = arith.constant 16 : i32
      %mul3A_201 = arith.muli %add3A_197, %mul3A_200 : i32
      %swap3A_202 = arith.index_cast %mul3A_201 : i32 to index
      %swap3A_203 = tpu.vector_load %arg5[%swap3A_202] {strides = array<i32>} : memref<10240xf32, #tpu.memory_space<vmem>>, vector<16xf32>,
      tpu.vector_store %arg5[%swap3A_202], %broadcast_in_dim3A_199 {strides = array<i32>} : memref<10240xf32, #tpu.memory_space<vmem>>, vector<16xf32>,
      %scan3A_204 = arith.constant 2 : i32
      %scan3A_205 = arith.addi %scan3A_182, %scan3A_204 : i32
      %mul3A_206 = arith.constant 1 : i32
      %mul3A_207 = arith.muli %scan3A_205, %mul3A_206 : i32
      %add3A_208 = arith.constant 0 : i32
      %add3A_209 = arith.addi %add3A_208, %mul3A_207 : i32
      %broadcast_in_dim3A_210 = arith.constant 0.000000e+00 : f32
      %broadcast_in_dim3A_211 = vector.broadcast %broadcast_in_dim3A_210 : f32 to vector<16xf32>
      %mul3A_212 = arith.constant 16 : i32
      %mul3A_213 = arith.muli %add3A_209, %mul3A_212 : i32
      %swap3A_214 = arith.index_cast %mul3A_213 : i32 to index
      %swap3A_215 = tpu.vector_load %arg5[%swap3A_214] {strides = array<i32>} : memref<10240xf32, #tpu.memory_space<vmem>>, vector<16xf32>,
      tpu.vector_store %arg5[%swap3A_214], %broadcast_in_dim3A_211 {strides = array<i32>} : memref<10240xf32, #tpu.memory_space<vmem>>, vector<16xf32>,
      %scan3A_216 = arith.constant 3 : i32
      %scan3A_217 = arith.addi %scan3A_182, %scan3A_216 : i32
      %mul3A_218 = arith.constant 1 : i32
      %mul3A_219 = arith.muli %scan3A_217, %mul3A_218 : i32
      %add3A_220 = arith.constant 0 : i32
      %add3A_221 = arith.addi %add3A_220, %mul3A_219 : i32
      %broadcast_in_dim3A_222 = arith.constant 0.000000e+00 : f32
      %broadcast_in_dim3A_223 = vector.broadcast %broadcast_in_dim3A_222 : f32 to vector<16xf32>
      %mul3A_224 = arith.constant 16 : i32
      %mul3A_225 = arith.muli %add3A_221, %mul3A_224 : i32
      %swap3A_226 = arith.index_cast %mul3A_225 : i32 to index
      %swap3A_227 = tpu.vector_load %arg5[%swap3A_226] {strides = array<i32>} : memref<10240xf32, #tpu.memory_space<vmem>>, vector<16xf32>,
      tpu.vector_store %arg5[%swap3A_226], %broadcast_in_dim3A_223 {strides = array<i32>} : memref<10240xf32, #tpu.memory_space<vmem>>, vector<16xf32>,
      %scan3A_228 = arith.constant 4 : i32
      %scan3A_229 = arith.addi %scan3A_182, %scan3A_228 : i32
      %mul3A_230 = arith.constant 1 : i32
      %mul3A_231 = arith.muli %scan3A_229, %mul3A_230 : i32
      %add3A_232 = arith.constant 0 : i32
      %add3A_233 = arith.addi %add3A_232, %mul3A_231 : i32
      %broadcast_in_dim3A_234 = arith.constant 0.000000e+00 : f32
      %broadcast_in_dim3A_235 = vector.broadcast %broadcast_in_dim3A_234 : f32 to vector<16xf32>
      %mul3A_236 = arith.constant 16 : i32
      %mul3A_237 = arith.muli %add3A_233, %mul3A_236 : i32
      %swap3A_238 = arith.index_cast %mul3A_237 : i32 to index
      %swap3A_239 = tpu.vector_load %arg5[%swap3A_238] {strides = array<i32>} : memref<10240xf32, #tpu.memory_space<vmem>>, vector<16xf32>,
      tpu.vector_store %arg5[%swap3A_238], %broadcast_in_dim3A_235 {strides = array<i32>} : memref<10240xf32, #tpu.memory_space<vmem>>, vector<16xf32>,
      %scan3A_240 = arith.constant 5 : i32
      %scan3A_241 = arith.addi %scan3A_182, %scan3A_240 : i32
      %mul3A_242 = arith.constant 1 : i32
      %mul3A_243 = arith.muli %scan3A_241, %mul3A_242 : i32
      %add3A_244 = arith.constant 0 : i32
      %add3A_245 = arith.addi %add3A_244, %mul3A_243 : i32
      %broadcast_in_dim3A_246 = arith.constant 0.000000e+00 : f32
      %broadcast_in_dim3A_247 = vector.broadcast %broadcast_in_dim3A_246 : f32 to vector<16xf32>
      %mul3A_248 = arith.constant 16 : i32
      %mul3A_249 = arith.muli %add3A_245, %mul3A_248 : i32
      %swap3A_250 = arith.index_cast %mul3A_249 : i32 to index
      %swap3A_251 = tpu.vector_load %arg5[%swap3A_250] {strides = array<i32>} : memref<10240xf32, #tpu.memory_space<vmem>>, vector<16xf32>,
      tpu.vector_store %arg5[%swap3A_250], %broadcast_in_dim3A_247 {strides = array<i32>} : memref<10240xf32, #tpu.memory_space<vmem>>, vector<16xf32>,
      %scan3A_252 = arith.constant 6 : i32
      %scan3A_253 = arith.addi %scan3A_182, %scan3A_252 : i32
      %mul3A_254 = arith.constant 1 : i32
      %mul3A_255 = arith.muli %scan3A_253, %mul3A_254 : i32
      %add3A_256 = arith.constant 0 : i32
      %add3A_257 = arith.addi %add3A_256, %mul3A_255 : i32
      %broadcast_in_dim3A_258 = arith.constant 0.000000e+00 : f32
      %broadcast_in_dim3A_259 = vector.broadcast %broadcast_in_dim3A_258 : f32 to vector<16xf32>
      %mul3A_260 = arith.constant 16 : i32
      %mul3A_261 = arith.muli %add3A_257, %mul3A_260 : i32
      %swap3A_262 = arith.index_cast %mul3A_261 : i32 to index
      %swap3A_263 = tpu.vector_load %arg5[%swap3A_262] {strides = array<i32>} : memref<10240xf32, #tpu.memory_space<vmem>>, vector<16xf32>,
      tpu.vector_store %arg5[%swap3A_262], %broadcast_in_dim3A_259 {strides = array<i32>} : memref<10240xf32, #tpu.memory_space<vmem>>, vector<16xf32>,
      %scan3A_264 = arith.constant 7 : i32
      %scan3A_265 = arith.addi %scan3A_182, %scan3A_264 : i32
      %mul3A_266 = arith.constant 1 : i32
      %mul3A_267 = arith.muli %scan3A_265, %mul3A_266 : i32
      %add3A_268 = arith.constant 0 : i32
      %add3A_269 = arith.addi %add3A_268, %mul3A_267 : i32
      %broadcast_in_dim3A_270 = arith.constant 0.000000e+00 : f32
      %broadcast_in_dim3A_271 = vector.broadcast %broadcast_in_dim3A_270 : f32 to vector<16xf32>
      %mul3A_272 = arith.constant 16 : i32
      %mul3A_273 = arith.muli %add3A_269, %mul3A_272 : i32
      %swap3A_274 = arith.index_cast %mul3A_273 : i32 to index
      %swap3A_275 = tpu.vector_load %arg5[%swap3A_274] {strides = array<i32>} : memref<10240xf32, #tpu.memory_space<vmem>>, vector<16xf32>,
      tpu.vector_store %arg5[%swap3A_274], %broadcast_in_dim3A_271 {strides = array<i32>} : memref<10240xf32, #tpu.memory_space<vmem>>, vector<16xf32>,
    }
    %scan3A_6 = arith.constant 640 : i32
    %broadcast_in_dim3A = arith.constant 1.000000e+00 : f32
    %broadcast_in_dim3A_7 = vector.broadcast %broadcast_in_dim3A : f32 to vector<16xf32>
    %scan3A_8 = arith.constant 0 : i32
    %scan3A_9 = arith.constant 624 : i32
    %scan3A_10 = arith.addi %scan3A_8, %scan3A_9 : i32
    %scan3A_11 = arith.constant 8 : i32
    scf.for %scan3A_182 = %scan3A_8 to %scan3A_10 step %scan3A_11  : i32 {
      %mul3A_183 = arith.constant 1 : i32
      %mul3A_184 = arith.muli %scan3A_182, %mul3A_183 : i32
      %add3A_185 = arith.constant 0 : i32
      %add3A_186 = arith.addi %add3A_185, %mul3A_184 : i32
      %mul3A_187 = arith.constant 16 : i32
      %mul3A_188 = arith.muli %add3A_186, %mul3A_187 : i32
      %get3A_189 = arith.index_cast %mul3A_188 : i32 to index
      %get3A_190 = tpu.vector_load %arg6[%get3A_189] {strides = array<i32>} : memref<10000xi32, #tpu.memory_space<vmem>>, vector<16xi32>,
      tpu.vector_store_idx %arg5[%get3A_190], %broadcast_in_dim3A_7 {add = true} : memref<10240xf32, #tpu.memory_space<vmem>>[vector<16xi32>], vector<16xf32>,
      %scan3A_191 = arith.constant 1 : i32
      %scan3A_192 = arith.addi %scan3A_182, %scan3A_191 : i32
      %mul3A_193 = arith.constant 1 : i32
      %mul3A_194 = arith.muli %scan3A_192, %mul3A_193 : i32
      %add3A_195 = arith.constant 0 : i32
      %add3A_196 = arith.addi %add3A_195, %mul3A_194 : i32
      %mul3A_197 = arith.constant 16 : i32
      %mul3A_198 = arith.muli %add3A_196, %mul3A_197 : i32
      %get3A_199 = arith.index_cast %mul3A_198 : i32 to index
      %get3A_200 = tpu.vector_load %arg6[%get3A_199] {strides = array<i32>} : memref<10000xi32, #tpu.memory_space<vmem>>, vector<16xi32>,
      tpu.vector_store_idx %arg5[%get3A_200], %broadcast_in_dim3A_7 {add = true} : memref<10240xf32, #tpu.memory_space<vmem>>[vector<16xi32>], vector<16xf32>,
      %scan3A_201 = arith.constant 2 : i32
      %scan3A_202 = arith.addi %scan3A_182, %scan3A_201 : i32
      %mul3A_203 = arith.constant 1 : i32
      %mul3A_204 = arith.muli %scan3A_202, %mul3A_203 : i32
      %add3A_205 = arith.constant 0 : i32
      %add3A_206 = arith.addi %add3A_205, %mul3A_204 : i32
      %mul3A_207 = arith.constant 16 : i32
      %mul3A_208 = arith.muli %add3A_206, %mul3A_207 : i32
      %get3A_209 = arith.index_cast %mul3A_208 : i32 to index
      %get3A_210 = tpu.vector_load %arg6[%get3A_209] {strides = array<i32>} : memref<10000xi32, #tpu.memory_space<vmem>>, vector<16xi32>,
      tpu.vector_store_idx %arg5[%get3A_210], %broadcast_in_dim3A_7 {add = true} : memref<10240xf32, #tpu.memory_space<vmem>>[vector<16xi32>], vector<16xf32>,
      %scan3A_211 = arith.constant 3 : i32
      %scan3A_212 = arith.addi %scan3A_182, %scan3A_211 : i32
      %mul3A_213 = arith.constant 1 : i32
      %mul3A_214 = arith.muli %scan3A_212, %mul3A_213 : i32
      %add3A_215 = arith.constant 0 : i32
      %add3A_216 = arith.addi %add3A_215, %mul3A_214 : i32
      %mul3A_217 = arith.constant 16 : i32
      %mul3A_218 = arith.muli %add3A_216, %mul3A_217 : i32
      %get3A_219 = arith.index_cast %mul3A_218 : i32 to index
      %get3A_220 = tpu.vector_load %arg6[%get3A_219] {strides = array<i32>} : memref<10000xi32, #tpu.memory_space<vmem>>, vector<16xi32>,
      tpu.vector_store_idx %arg5[%get3A_220], %broadcast_in_dim3A_7 {add = true} : memref<10240xf32, #tpu.memory_space<vmem>>[vector<16xi32>], vector<16xf32>,
      %scan3A_221 = arith.constant 4 : i32
      %scan3A_222 = arith.addi %scan3A_182, %scan3A_221 : i32
      %mul3A_223 = arith.constant 1 : i32
      %mul3A_224 = arith.muli %scan3A_222, %mul3A_223 : i32
      %add3A_225 = arith.constant 0 : i32
      %add3A_226 = arith.addi %add3A_225, %mul3A_224 : i32
      %mul3A_227 = arith.constant 16 : i32
      %mul3A_228 = arith.muli %add3A_226, %mul3A_227 : i32
      %get3A_229 = arith.index_cast %mul3A_228 : i32 to index
      %get3A_230 = tpu.vector_load %arg6[%get3A_229] {strides = array<i32>} : memref<10000xi32, #tpu.memory_space<vmem>>, vector<16xi32>,
      tpu.vector_store_idx %arg5[%get3A_230], %broadcast_in_dim3A_7 {add = true} : memref<10240xf32, #tpu.memory_space<vmem>>[vector<16xi32>], vector<16xf32>,
      %scan3A_231 = arith.constant 5 : i32
      %scan3A_232 = arith.addi %scan3A_182, %scan3A_231 : i32
      %mul3A_233 = arith.constant 1 : i32
      %mul3A_234 = arith.muli %scan3A_232, %mul3A_233 : i32
      %add3A_235 = arith.constant 0 : i32
      %add3A_236 = arith.addi %add3A_235, %mul3A_234 : i32
      %mul3A_237 = arith.constant 16 : i32
      %mul3A_238 = arith.muli %add3A_236, %mul3A_237 : i32
      %get3A_239 = arith.index_cast %mul3A_238 : i32 to index
      %get3A_240 = tpu.vector_load %arg6[%get3A_239] {strides = array<i32>} : memref<10000xi32, #tpu.memory_space<vmem>>, vector<16xi32>,
      tpu.vector_store_idx %arg5[%get3A_240], %broadcast_in_dim3A_7 {add = true} : memref<10240xf32, #tpu.memory_space<vmem>>[vector<16xi32>], vector<16xf32>,
      %scan3A_241 = arith.constant 6 : i32
      %scan3A_242 = arith.addi %scan3A_182, %scan3A_241 : i32
      %mul3A_243 = arith.constant 1 : i32
      %mul3A_244 = arith.muli %scan3A_242, %mul3A_243 : i32
      %add3A_245 = arith.constant 0 : i32
      %add3A_246 = arith.addi %add3A_245, %mul3A_244 : i32
      %mul3A_247 = arith.constant 16 : i32
      %mul3A_248 = arith.muli %add3A_246, %mul3A_247 : i32
      %get3A_249 = arith.index_cast %mul3A_248 : i32 to index
      %get3A_250 = tpu.vector_load %arg6[%get3A_249] {strides = array<i32>} : memref<10000xi32, #tpu.memory_space<vmem>>, vector<16xi32>,
      tpu.vector_store_idx %arg5[%get3A_250], %broadcast_in_dim3A_7 {add = true} : memref<10240xf32, #tpu.memory_space<vmem>>[vector<16xi32>], vector<16xf32>,
      %scan3A_251 = arith.constant 7 : i32
      %scan3A_252 = arith.addi %scan3A_182, %scan3A_251 : i32
      %mul3A_253 = arith.constant 1 : i32
      %mul3A_254 = arith.muli %scan3A_252, %mul3A_253 : i32
      %add3A_255 = arith.constant 0 : i32
      %add3A_256 = arith.addi %add3A_255, %mul3A_254 : i32
      %mul3A_257 = arith.constant 16 : i32
      %mul3A_258 = arith.muli %add3A_256, %mul3A_257 : i32
      %get3A_259 = arith.index_cast %mul3A_258 : i32 to index
      %get3A_260 = tpu.vector_load %arg6[%get3A_259] {strides = array<i32>} : memref<10000xi32, #tpu.memory_space<vmem>>, vector<16xi32>,
      tpu.vector_store_idx %arg5[%get3A_260], %broadcast_in_dim3A_7 {add = true} : memref<10240xf32, #tpu.memory_space<vmem>>[vector<16xi32>], vector<16xf32>,
    }
    %scan3A_12 = arith.constant 624 : i32
    %scan3A_13 = arith.addi %scan3A_8, %scan3A_12 : i32
    %mul3A_14 = arith.constant 1 : i32
    %mul3A_15 = arith.muli %scan3A_13, %mul3A_14 : i32
    %add3A_16 = arith.constant 0 : i32
    %add3A_17 = arith.addi %add3A_16, %mul3A_15 : i32
    %mul3A_18 = arith.constant 16 : i32
    %mul3A_19 = arith.muli %add3A_17, %mul3A_18 : i32
    %get3A = arith.index_cast %mul3A_19 : i32 to index
    %get3A_20 = tpu.vector_load %arg6[%get3A] {strides = array<i32>} : memref<10000xi32, #tpu.memory_space<vmem>>, vector<16xi32>,
    tpu.vector_store_idx %arg5[%get3A_20], %broadcast_in_dim3A_7 {add = true} : memref<10240xf32, #tpu.memory_space<vmem>>[vector<16xi32>], vector<16xf32>,
    %scan3A_21 = arith.constant 625 : i32
    %mul3A_22 = arith.constant 10240 : i32
    %mul3A_23 = arith.muli %arg1, %mul3A_22 : i32
    "tpu.region"() ({
      %run_scoped3A = tpu.sem_alloc : memref<!tpu.dma_semaphore, #tpu.memory_space<semaphore_mem>>
      %dma_start3A = tpu.memref_slice %arg4[%mul3A_23] : memref<163840xf32, #tpu.memory_space<vmem_shared>> -> memref<10240xf32, #tpu.memory_space<vmem_shared>>
      %dma_start3A_182 = tpu.memref_slice %arg4[%mul3A_23] : memref<163840xf32, #tpu.memory_space<vmem_shared>> -> memref<10240xf32, #tpu.memory_space<vmem_shared>>
      tpu.enqueue_dma source(%arg5 : memref<10240xf32, #tpu.memory_space<vmem>>) target(%dma_start3A_182 : memref<10240xf32, #tpu.memory_space<vmem_shared>>) target_semaphore(%run_scoped3A : memref<!tpu.dma_semaphore, #tpu.memory_space<semaphore_mem>>)
      %dma_wait3A = tpu.memref_slice %arg4[%mul3A_23] : memref<163840xf32, #tpu.memory_space<vmem_shared>> -> memref<10240xf32, #tpu.memory_space<vmem_shared>>
      %dma_wait3A_183 = tpu.memref_slice %arg4[%mul3A_23] : memref<163840xf32, #tpu.memory_space<vmem_shared>> -> memref<10240xf32, #tpu.memory_space<vmem_shared>>
      tpu.wait_dma2 semaphore(%run_scoped3A : memref<!tpu.dma_semaphore, #tpu.memory_space<semaphore_mem>>) src(%arg5 : memref<10240xf32, #tpu.memory_space<vmem>>) dst(%dma_wait3A_183 : memref<10240xf32, #tpu.memory_space<vmem_shared>>)
      tpu.yield
    }) : () -> ()
    %barrier3A = arith.constant 0 : index
    tpu.barrier barrier_id(%barrier3A)
    %scan3A_24 = arith.constant 0 : i32
    %scan3A_25 = arith.constant 640 : i32
    %scan3A_26 = arith.addi %scan3A_24, %scan3A_25 : i32
    %scan3A_27 = arith.constant 8 : i32
    scf.for %scan3A_182 = %scan3A_24 to %scan3A_26 step %scan3A_27  : i32 {
      %mul3A_183 = arith.constant 1 : i32
      %mul3A_184 = arith.muli %scan3A_182, %mul3A_183 : i32
      %add3A_185 = arith.constant 0 : i32
      %add3A_186 = arith.addi %add3A_185, %mul3A_184 : i32
      %broadcast_in_dim3A_187 = arith.constant 0.000000e+00 : f32
      %broadcast_in_dim3A_188 = vector.broadcast %broadcast_in_dim3A_187 : f32 to vector<16xf32>
      %mul3A_189 = arith.constant 16 : i32
      %mul3A_190 = arith.muli %add3A_186, %mul3A_189 : i32
      %swap3A = arith.index_cast %mul3A_190 : i32 to index
      %swap3A_191 = tpu.vector_load %arg5[%swap3A] {strides = array<i32>} : memref<10240xf32, #tpu.memory_space<vmem>>, vector<16xf32>,
      tpu.vector_store %arg5[%swap3A], %broadcast_in_dim3A_188 {strides = array<i32>} : memref<10240xf32, #tpu.memory_space<vmem>>, vector<16xf32>,
      %scan3A_192 = arith.constant 1 : i32
      %scan3A_193 = arith.addi %scan3A_182, %scan3A_192 : i32
      %mul3A_194 = arith.constant 1 : i32
      %mul3A_195 = arith.muli %scan3A_193, %mul3A_194 : i32
      %add3A_196 = arith.constant 0 : i32
      %add3A_197 = arith.addi %add3A_196, %mul3A_195 : i32
      %broadcast_in_dim3A_198 = arith.constant 0.000000e+00 : f32
      %broadcast_in_dim3A_199 = vector.broadcast %broadcast_in_dim3A_198 : f32 to vector<16xf32>
      %mul3A_200 = arith.constant 16 : i32
      %mul3A_201 = arith.muli %add3A_197, %mul3A_200 : i32
      %swap3A_202 = arith.index_cast %mul3A_201 : i32 to index
      %swap3A_203 = tpu.vector_load %arg5[%swap3A_202] {strides = array<i32>} : memref<10240xf32, #tpu.memory_space<vmem>>, vector<16xf32>,
      tpu.vector_store %arg5[%swap3A_202], %broadcast_in_dim3A_199 {strides = array<i32>} : memref<10240xf32, #tpu.memory_space<vmem>>, vector<16xf32>,
      %scan3A_204 = arith.constant 2 : i32
      %scan3A_205 = arith.addi %scan3A_182, %scan3A_204 : i32
      %mul3A_206 = arith.constant 1 : i32
      %mul3A_207 = arith.muli %scan3A_205, %mul3A_206 : i32
      %add3A_208 = arith.constant 0 : i32
      %add3A_209 = arith.addi %add3A_208, %mul3A_207 : i32
      %broadcast_in_dim3A_210 = arith.constant 0.000000e+00 : f32
      %broadcast_in_dim3A_211 = vector.broadcast %broadcast_in_dim3A_210 : f32 to vector<16xf32>
      %mul3A_212 = arith.constant 16 : i32
      %mul3A_213 = arith.muli %add3A_209, %mul3A_212 : i32
      %swap3A_214 = arith.index_cast %mul3A_213 : i32 to index
      %swap3A_215 = tpu.vector_load %arg5[%swap3A_214] {strides = array<i32>} : memref<10240xf32, #tpu.memory_space<vmem>>, vector<16xf32>,
      tpu.vector_store %arg5[%swap3A_214], %broadcast_in_dim3A_211 {strides = array<i32>} : memref<10240xf32, #tpu.memory_space<vmem>>, vector<16xf32>,
      %scan3A_216 = arith.constant 3 : i32
      %scan3A_217 = arith.addi %scan3A_182, %scan3A_216 : i32
      %mul3A_218 = arith.constant 1 : i32
      %mul3A_219 = arith.muli %scan3A_217, %mul3A_218 : i32
      %add3A_220 = arith.constant 0 : i32
      %add3A_221 = arith.addi %add3A_220, %mul3A_219 : i32
      %broadcast_in_dim3A_222 = arith.constant 0.000000e+00 : f32
      %broadcast_in_dim3A_223 = vector.broadcast %broadcast_in_dim3A_222 : f32 to vector<16xf32>
      %mul3A_224 = arith.constant 16 : i32
      %mul3A_225 = arith.muli %add3A_221, %mul3A_224 : i32
      %swap3A_226 = arith.index_cast %mul3A_225 : i32 to index
      %swap3A_227 = tpu.vector_load %arg5[%swap3A_226] {strides = array<i32>} : memref<10240xf32, #tpu.memory_space<vmem>>, vector<16xf32>,
      tpu.vector_store %arg5[%swap3A_226], %broadcast_in_dim3A_223 {strides = array<i32>} : memref<10240xf32, #tpu.memory_space<vmem>>, vector<16xf32>,
      %scan3A_228 = arith.constant 4 : i32
      %scan3A_229 = arith.addi %scan3A_182, %scan3A_228 : i32
      %mul3A_230 = arith.constant 1 : i32
      %mul3A_231 = arith.muli %scan3A_229, %mul3A_230 : i32
      %add3A_232 = arith.constant 0 : i32
      %add3A_233 = arith.addi %add3A_232, %mul3A_231 : i32
      %broadcast_in_dim3A_234 = arith.constant 0.000000e+00 : f32
      %broadcast_in_dim3A_235 = vector.broadcast %broadcast_in_dim3A_234 : f32 to vector<16xf32>
      %mul3A_236 = arith.constant 16 : i32
      %mul3A_237 = arith.muli %add3A_233, %mul3A_236 : i32
      %swap3A_238 = arith.index_cast %mul3A_237 : i32 to index
      %swap3A_239 = tpu.vector_load %arg5[%swap3A_238] {strides = array<i32>} : memref<10240xf32, #tpu.memory_space<vmem>>, vector<16xf32>,
      tpu.vector_store %arg5[%swap3A_238], %broadcast_in_dim3A_235 {strides = array<i32>} : memref<10240xf32, #tpu.memory_space<vmem>>, vector<16xf32>,
      %scan3A_240 = arith.constant 5 : i32
      %scan3A_241 = arith.addi %scan3A_182, %scan3A_240 : i32
      %mul3A_242 = arith.constant 1 : i32
      %mul3A_243 = arith.muli %scan3A_241, %mul3A_242 : i32
      %add3A_244 = arith.constant 0 : i32
      %add3A_245 = arith.addi %add3A_244, %mul3A_243 : i32
      %broadcast_in_dim3A_246 = arith.constant 0.000000e+00 : f32
      %broadcast_in_dim3A_247 = vector.broadcast %broadcast_in_dim3A_246 : f32 to vector<16xf32>
      %mul3A_248 = arith.constant 16 : i32
      %mul3A_249 = arith.muli %add3A_245, %mul3A_248 : i32
      %swap3A_250 = arith.index_cast %mul3A_249 : i32 to index
      %swap3A_251 = tpu.vector_load %arg5[%swap3A_250] {strides = array<i32>} : memref<10240xf32, #tpu.memory_space<vmem>>, vector<16xf32>,
      tpu.vector_store %arg5[%swap3A_250], %broadcast_in_dim3A_247 {strides = array<i32>} : memref<10240xf32, #tpu.memory_space<vmem>>, vector<16xf32>,
      %scan3A_252 = arith.constant 6 : i32
      %scan3A_253 = arith.addi %scan3A_182, %scan3A_252 : i32
      %mul3A_254 = arith.constant 1 : i32
      %mul3A_255 = arith.muli %scan3A_253, %mul3A_254 : i32
      %add3A_256 = arith.constant 0 : i32
      %add3A_257 = arith.addi %add3A_256, %mul3A_255 : i32
      %broadcast_in_dim3A_258 = arith.constant 0.000000e+00 : f32
      %broadcast_in_dim3A_259 = vector.broadcast %broadcast_in_dim3A_258 : f32 to vector<16xf32>
      %mul3A_260 = arith.constant 16 : i32
      %mul3A_261 = arith.muli %add3A_257, %mul3A_260 : i32
      %swap3A_262 = arith.index_cast %mul3A_261 : i32 to index
      %swap3A_263 = tpu.vector_load %arg5[%swap3A_262] {strides = array<i32>} : memref<10240xf32, #tpu.memory_space<vmem>>, vector<16xf32>,
      tpu.vector_store %arg5[%swap3A_262], %broadcast_in_dim3A_259 {strides = array<i32>} : memref<10240xf32, #tpu.memory_space<vmem>>, vector<16xf32>,
      %scan3A_264 = arith.constant 7 : i32
      %scan3A_265 = arith.addi %scan3A_182, %scan3A_264 : i32
      %mul3A_266 = arith.constant 1 : i32
      %mul3A_267 = arith.muli %scan3A_265, %mul3A_266 : i32
      %add3A_268 = arith.constant 0 : i32
      %add3A_269 = arith.addi %add3A_268, %mul3A_267 : i32
      %broadcast_in_dim3A_270 = arith.constant 0.000000e+00 : f32
      %broadcast_in_dim3A_271 = vector.broadcast %broadcast_in_dim3A_270 : f32 to vector<16xf32>
      %mul3A_272 = arith.constant 16 : i32
      %mul3A_273 = arith.muli %add3A_269, %mul3A_272 : i32
      %swap3A_274 = arith.index_cast %mul3A_273 : i32 to index
      %swap3A_275 = tpu.vector_load %arg5[%swap3A_274] {strides = array<i32>} : memref<10240xf32, #tpu.memory_space<vmem>>, vector<16xf32>,
      tpu.vector_store %arg5[%swap3A_274], %broadcast_in_dim3A_271 {strides = array<i32>} : memref<10240xf32, #tpu.memory_space<vmem>>, vector<16xf32>,
    }
    %scan3A_28 = arith.constant 640 : i32
    %mul3A_29 = arith.constant 640 : i32
    %mul3A_30 = arith.muli %arg1, %mul3A_29 : i32
    %add3A_31 = arith.constant 0 : i32
    %add3A_32 = arith.addi %add3A_31, %mul3A_30 : i32
    "tpu.region"() ({
      %run_scoped3A = tpu.sem_alloc : memref<!tpu.dma_semaphore, #tpu.memory_space<semaphore_mem>>
      %dma_start3A = tpu.memref_slice %arg4[%add3A_32] : memref<163840xf32, #tpu.memory_space<vmem_shared>> -> memref<640xf32, #tpu.memory_space<vmem_shared>>
      %dma_start3A_182 = tpu.memref_slice %arg4[%add3A_32] : memref<163840xf32, #tpu.memory_space<vmem_shared>> -> memref<640xf32, #tpu.memory_space<vmem_shared>>
      tpu.enqueue_dma source(%dma_start3A_182 : memref<640xf32, #tpu.memory_space<vmem_shared>>) target(%arg7 : memref<640xf32, #tpu.memory_space<vmem>>) target_semaphore(%run_scoped3A : memref<!tpu.dma_semaphore, #tpu.memory_space<semaphore_mem>>)
      %dma_wait3A = tpu.memref_slice %arg4[%add3A_32] : memref<163840xf32, #tpu.memory_space<vmem_shared>> -> memref<640xf32, #tpu.memory_space<vmem_shared>>
      %dma_wait3A_183 = tpu.memref_slice %arg4[%add3A_32] : memref<163840xf32, #tpu.memory_space<vmem_shared>> -> memref<640xf32, #tpu.memory_space<vmem_shared>>
      tpu.wait_dma2 semaphore(%run_scoped3A : memref<!tpu.dma_semaphore, #tpu.memory_space<semaphore_mem>>) src(%dma_wait3A_183 : memref<640xf32, #tpu.memory_space<vmem_shared>>) dst(%arg7 : memref<640xf32, #tpu.memory_space<vmem>>)
      tpu.yield
    }) : () -> ()
    %scan3A_33 = arith.constant 0 : i32
    %scan3A_34 = arith.constant 40 : i32
    %scan3A_35 = arith.addi %scan3A_33, %scan3A_34 : i32
    %scan3A_36 = arith.constant 8 : i32
    scf.for %scan3A_182 = %scan3A_33 to %scan3A_35 step %scan3A_36  : i32 {
      %mul3A_183 = arith.constant 1 : i32
      %mul3A_184 = arith.muli %scan3A_182, %mul3A_183 : i32
      %add3A_185 = arith.constant 0 : i32
      %add3A_186 = arith.addi %add3A_185, %mul3A_184 : i32
      %mul3A_187 = arith.constant 16 : i32
      %mul3A_188 = arith.muli %add3A_186, %mul3A_187 : i32
      %get3A_189 = arith.index_cast %mul3A_188 : i32 to index
      %get3A_190 = tpu.vector_load %arg5[%get3A_189] {strides = array<i32>} : memref<10240xf32, #tpu.memory_space<vmem>>, vector<16xf32>,
      %get3A_191 = arith.index_cast %mul3A_188 : i32 to index
      %get3A_192 = tpu.vector_load %arg7[%get3A_191] {strides = array<i32>} : memref<640xf32, #tpu.memory_space<vmem>>, vector<16xf32>,
      %add3A_193 = arith.addf %get3A_190, %get3A_192 : vector<16xf32>
      %swap3A = arith.index_cast %mul3A_188 : i32 to index
      %swap3A_194 = tpu.vector_load %arg5[%swap3A] {strides = array<i32>} : memref<10240xf32, #tpu.memory_space<vmem>>, vector<16xf32>,
      tpu.vector_store %arg5[%swap3A], %add3A_193 {strides = array<i32>} : memref<10240xf32, #tpu.memory_space<vmem>>, vector<16xf32>,
      %scan3A_195 = arith.constant 1 : i32
      %scan3A_196 = arith.addi %scan3A_182, %scan3A_195 : i32
      %mul3A_197 = arith.constant 1 : i32
      %mul3A_198 = arith.muli %scan3A_196, %mul3A_197 : i32
      %add3A_199 = arith.constant 0 : i32
      %add3A_200 = arith.addi %add3A_199, %mul3A_198 : i32
      %mul3A_201 = arith.constant 16 : i32
      %mul3A_202 = arith.muli %add3A_200, %mul3A_201 : i32
      %get3A_203 = arith.index_cast %mul3A_202 : i32 to index
      %get3A_204 = tpu.vector_load %arg5[%get3A_203] {strides = array<i32>} : memref<10240xf32, #tpu.memory_space<vmem>>, vector<16xf32>,
      %get3A_205 = arith.index_cast %mul3A_202 : i32 to index
      %get3A_206 = tpu.vector_load %arg7[%get3A_205] {strides = array<i32>} : memref<640xf32, #tpu.memory_space<vmem>>, vector<16xf32>,
      %add3A_207 = arith.addf %get3A_204, %get3A_206 : vector<16xf32>
      %swap3A_208 = arith.index_cast %mul3A_202 : i32 to index
      %swap3A_209 = tpu.vector_load %arg5[%swap3A_208] {strides = array<i32>} : memref<10240xf32, #tpu.memory_space<vmem>>, vector<16xf32>,
      tpu.vector_store %arg5[%swap3A_208], %add3A_207 {strides = array<i32>} : memref<10240xf32, #tpu.memory_space<vmem>>, vector<16xf32>,
      %scan3A_210 = arith.constant 2 : i32
      %scan3A_211 = arith.addi %scan3A_182, %scan3A_210 : i32
      %mul3A_212 = arith.constant 1 : i32
      %mul3A_213 = arith.muli %scan3A_211, %mul3A_212 : i32
      %add3A_214 = arith.constant 0 : i32
      %add3A_215 = arith.addi %add3A_214, %mul3A_213 : i32
      %mul3A_216 = arith.constant 16 : i32
      %mul3A_217 = arith.muli %add3A_215, %mul3A_216 : i32
      %get3A_218 = arith.index_cast %mul3A_217 : i32 to index
      %get3A_219 = tpu.vector_load %arg5[%get3A_218] {strides = array<i32>} : memref<10240xf32, #tpu.memory_space<vmem>>, vector<16xf32>,
      %get3A_220 = arith.index_cast %mul3A_217 : i32 to index
      %get3A_221 = tpu.vector_load %arg7[%get3A_220] {strides = array<i32>} : memref<640xf32, #tpu.memory_space<vmem>>, vector<16xf32>,
      %add3A_222 = arith.addf %get3A_219, %get3A_221 : vector<16xf32>
      %swap3A_223 = arith.index_cast %mul3A_217 : i32 to index
      %swap3A_224 = tpu.vector_load %arg5[%swap3A_223] {strides = array<i32>} : memref<10240xf32, #tpu.memory_space<vmem>>, vector<16xf32>,
      tpu.vector_store %arg5[%swap3A_223], %add3A_222 {strides = array<i32>} : memref<10240xf32, #tpu.memory_space<vmem>>, vector<16xf32>,
      %scan3A_225 = arith.constant 3 : i32
      %scan3A_226 = arith.addi %scan3A_182, %scan3A_225 : i32
      %mul3A_227 = arith.constant 1 : i32
      %mul3A_228 = arith.muli %scan3A_226, %mul3A_227 : i32
      %add3A_229 = arith.constant 0 : i32
      %add3A_230 = arith.addi %add3A_229, %mul3A_228 : i32
      %mul3A_231 = arith.constant 16 : i32
      %mul3A_232 = arith.muli %add3A_230, %mul3A_231 : i32
      %get3A_233 = arith.index_cast %mul3A_232 : i32 to index
      %get3A_234 = tpu.vector_load %arg5[%get3A_233] {strides = array<i32>} : memref<10240xf32, #tpu.memory_space<vmem>>, vector<16xf32>,
      %get3A_235 = arith.index_cast %mul3A_232 : i32 to index
      %get3A_236 = tpu.vector_load %arg7[%get3A_235] {strides = array<i32>} : memref<640xf32, #tpu.memory_space<vmem>>, vector<16xf32>,
      %add3A_237 = arith.addf %get3A_234, %get3A_236 : vector<16xf32>
      %swap3A_238 = arith.index_cast %mul3A_232 : i32 to index
      %swap3A_239 = tpu.vector_load %arg5[%swap3A_238] {strides = array<i32>} : memref<10240xf32, #tpu.memory_space<vmem>>, vector<16xf32>,
      tpu.vector_store %arg5[%swap3A_238], %add3A_237 {strides = array<i32>} : memref<10240xf32, #tpu.memory_space<vmem>>, vector<16xf32>,
      %scan3A_240 = arith.constant 4 : i32
      %scan3A_241 = arith.addi %scan3A_182, %scan3A_240 : i32
      %mul3A_242 = arith.constant 1 : i32
      %mul3A_243 = arith.muli %scan3A_241, %mul3A_242 : i32
      %add3A_244 = arith.constant 0 : i32
      %add3A_245 = arith.addi %add3A_244, %mul3A_243 : i32
      %mul3A_246 = arith.constant 16 : i32
      %mul3A_247 = arith.muli %add3A_245, %mul3A_246 : i32
      %get3A_248 = arith.index_cast %mul3A_247 : i32 to index
      %get3A_249 = tpu.vector_load %arg5[%get3A_248] {strides = array<i32>} : memref<10240xf32, #tpu.memory_space<vmem>>, vector<16xf32>,
      %get3A_250 = arith.index_cast %mul3A_247 : i32 to index
      %get3A_251 = tpu.vector_load %arg7[%get3A_250] {strides = array<i32>} : memref<640xf32, #tpu.memory_space<vmem>>, vector<16xf32>,
      %add3A_252 = arith.addf %get3A_249, %get3A_251 : vector<16xf32>
      %swap3A_253 = arith.index_cast %mul3A_247 : i32 to index
      %swap3A_254 = tpu.vector_load %arg5[%swap3A_253] {strides = array<i32>} : memref<10240xf32, #tpu.memory_space<vmem>>, vector<16xf32>,
      tpu.vector_store %arg5[%swap3A_253], %add3A_252 {strides = array<i32>} : memref<10240xf32, #tpu.memory_space<vmem>>, vector<16xf32>,
      %scan3A_255 = arith.constant 5 : i32
      %scan3A_256 = arith.addi %scan3A_182, %scan3A_255 : i32
      %mul3A_257 = arith.constant 1 : i32
      %mul3A_258 = arith.muli %scan3A_256, %mul3A_257 : i32
      %add3A_259 = arith.constant 0 : i32
      %add3A_260 = arith.addi %add3A_259, %mul3A_258 : i32
      %mul3A_261 = arith.constant 16 : i32
      %mul3A_262 = arith.muli %add3A_260, %mul3A_261 : i32
      %get3A_263 = arith.index_cast %mul3A_262 : i32 to index
      %get3A_264 = tpu.vector_load %arg5[%get3A_263] {strides = array<i32>} : memref<10240xf32, #tpu.memory_space<vmem>>, vector<16xf32>,
      %get3A_265 = arith.index_cast %mul3A_262 : i32 to index
      %get3A_266 = tpu.vector_load %arg7[%get3A_265] {strides = array<i32>} : memref<640xf32, #tpu.memory_space<vmem>>, vector<16xf32>,
      %add3A_267 = arith.addf %get3A_264, %get3A_266 : vector<16xf32>
      %swap3A_268 = arith.index_cast %mul3A_262 : i32 to index
      %swap3A_269 = tpu.vector_load %arg5[%swap3A_268] {strides = array<i32>} : memref<10240xf32, #tpu.memory_space<vmem>>, vector<16xf32>,
      tpu.vector_store %arg5[%swap3A_268], %add3A_267 {strides = array<i32>} : memref<10240xf32, #tpu.memory_space<vmem>>, vector<16xf32>,
      %scan3A_270 = arith.constant 6 : i32
      %scan3A_271 = arith.addi %scan3A_182, %scan3A_270 : i32
      %mul3A_272 = arith.constant 1 : i32
      %mul3A_273 = arith.muli %scan3A_271, %mul3A_272 : i32
      %add3A_274 = arith.constant 0 : i32
      %add3A_275 = arith.addi %add3A_274, %mul3A_273 : i32
      %mul3A_276 = arith.constant 16 : i32
      %mul3A_277 = arith.muli %add3A_275, %mul3A_276 : i32
      %get3A_278 = arith.index_cast %mul3A_277 : i32 to index
      %get3A_279 = tpu.vector_load %arg5[%get3A_278] {strides = array<i32>} : memref<10240xf32, #tpu.memory_space<vmem>>, vector<16xf32>,
      %get3A_280 = arith.index_cast %mul3A_277 : i32 to index
      %get3A_281 = tpu.vector_load %arg7[%get3A_280] {strides = array<i32>} : memref<640xf32, #tpu.memory_space<vmem>>, vector<16xf32>,
      %add3A_282 = arith.addf %get3A_279, %get3A_281 : vector<16xf32>
      %swap3A_283 = arith.index_cast %mul3A_277 : i32 to index
      %swap3A_284 = tpu.vector_load %arg5[%swap3A_283] {strides = array<i32>} : memref<10240xf32, #tpu.memory_space<vmem>>, vector<16xf32>,
      tpu.vector_store %arg5[%swap3A_283], %add3A_282 {strides = array<i32>} : memref<10240xf32, #tpu.memory_space<vmem>>, vector<16xf32>,
      %scan3A_285 = arith.constant 7 : i32
      %scan3A_286 = arith.addi %scan3A_182, %scan3A_285 : i32
      %mul3A_287 = arith.constant 1 : i32
      %mul3A_288 = arith.muli %scan3A_286, %mul3A_287 : i32
      %add3A_289 = arith.constant 0 : i32
      %add3A_290 = arith.addi %add3A_289, %mul3A_288 : i32
      %mul3A_291 = arith.constant 16 : i32
      %mul3A_292 = arith.muli %add3A_290, %mul3A_291 : i32
      %get3A_293 = arith.index_cast %mul3A_292 : i32 to index
      %get3A_294 = tpu.vector_load %arg5[%get3A_293] {strides = array<i32>} : memref<10240xf32, #tpu.memory_space<vmem>>, vector<16xf32>,
      %get3A_295 = arith.index_cast %mul3A_292 : i32 to index
      %get3A_296 = tpu.vector_load %arg7[%get3A_295] {strides = array<i32>} : memref<640xf32, #tpu.memory_space<vmem>>, vector<16xf32>,
      %add3A_297 = arith.addf %get3A_294, %get3A_296 : vector<16xf32>
      %swap3A_298 = arith.index_cast %mul3A_292 : i32 to index
      %swap3A_299 = tpu.vector_load %arg5[%swap3A_298] {strides = array<i32>} : memref<10240xf32, #tpu.memory_space<vmem>>, vector<16xf32>,
      tpu.vector_store %arg5[%swap3A_298], %add3A_297 {strides = array<i32>} : memref<10240xf32, #tpu.memory_space<vmem>>, vector<16xf32>,
    }
    %scan3A_37 = arith.constant 40 : i32
    %mul3A_38 = arith.constant 640 : i32
    %mul3A_39 = arith.muli %arg1, %mul3A_38 : i32
    %add3A_40 = arith.constant 10240 : i32
    %add3A_41 = arith.addi %add3A_40, %mul3A_39 : i32
    "tpu.region"() ({
      %run_scoped3A = tpu.sem_alloc : memref<!tpu.dma_semaphore, #tpu.memory_space<semaphore_mem>>
      %dma_start3A = tpu.memref_slice %arg4[%add3A_41] : memref<163840xf32, #tpu.memory_space<vmem_shared>> -> memref<640xf32, #tpu.memory_space<vmem_shared>>
      %dma_start3A_182 = tpu.memref_slice %arg4[%add3A_41] : memref<163840xf32, #tpu.memory_space<vmem_shared>> -> memref<640xf32, #tpu.memory_space<vmem_shared>>
      tpu.enqueue_dma source(%dma_start3A_182 : memref<640xf32, #tpu.memory_space<vmem_shared>>) target(%arg7 : memref<640xf32, #tpu.memory_space<vmem>>) target_semaphore(%run_scoped3A : memref<!tpu.dma_semaphore, #tpu.memory_space<semaphore_mem>>)
      %dma_wait3A = tpu.memref_slice %arg4[%add3A_41] : memref<163840xf32, #tpu.memory_space<vmem_shared>> -> memref<640xf32, #tpu.memory_space<vmem_shared>>
      %dma_wait3A_183 = tpu.memref_slice %arg4[%add3A_41] : memref<163840xf32, #tpu.memory_space<vmem_shared>> -> memref<640xf32, #tpu.memory_space<vmem_shared>>
      tpu.wait_dma2 semaphore(%run_scoped3A : memref<!tpu.dma_semaphore, #tpu.memory_space<semaphore_mem>>) src(%dma_wait3A_183 : memref<640xf32, #tpu.memory_space<vmem_shared>>) dst(%arg7 : memref<640xf32, #tpu.memory_space<vmem>>)
      tpu.yield
    }) : () -> ()
    %scan3A_42 = arith.constant 0 : i32
    %scan3A_43 = arith.constant 40 : i32
    %scan3A_44 = arith.addi %scan3A_42, %scan3A_43 : i32
    %scan3A_45 = arith.constant 8 : i32
    scf.for %scan3A_182 = %scan3A_42 to %scan3A_44 step %scan3A_45  : i32 {
      %mul3A_183 = arith.constant 1 : i32
      %mul3A_184 = arith.muli %scan3A_182, %mul3A_183 : i32
      %add3A_185 = arith.constant 0 : i32
      %add3A_186 = arith.addi %add3A_185, %mul3A_184 : i32
      %mul3A_187 = arith.constant 16 : i32
      %mul3A_188 = arith.muli %add3A_186, %mul3A_187 : i32
      %get3A_189 = arith.index_cast %mul3A_188 : i32 to index
      %get3A_190 = tpu.vector_load %arg5[%get3A_189] {strides = array<i32>} : memref<10240xf32, #tpu.memory_space<vmem>>, vector<16xf32>,
      %get3A_191 = arith.index_cast %mul3A_188 : i32 to index
      %get3A_192 = tpu.vector_load %arg7[%get3A_191] {strides = array<i32>} : memref<640xf32, #tpu.memory_space<vmem>>, vector<16xf32>,
      %add3A_193 = arith.addf %get3A_190, %get3A_192 : vector<16xf32>
      %swap3A = arith.index_cast %mul3A_188 : i32 to index
      %swap3A_194 = tpu.vector_load %arg5[%swap3A] {strides = array<i32>} : memref<10240xf32, #tpu.memory_space<vmem>>, vector<16xf32>,
      tpu.vector_store %arg5[%swap3A], %add3A_193 {strides = array<i32>} : memref<10240xf32, #tpu.memory_space<vmem>>, vector<16xf32>,
      %scan3A_195 = arith.constant 1 : i32
      %scan3A_196 = arith.addi %scan3A_182, %scan3A_195 : i32
      %mul3A_197 = arith.constant 1 : i32
      %mul3A_198 = arith.muli %scan3A_196, %mul3A_197 : i32
      %add3A_199 = arith.constant 0 : i32
      %add3A_200 = arith.addi %add3A_199, %mul3A_198 : i32
      %mul3A_201 = arith.constant 16 : i32
      %mul3A_202 = arith.muli %add3A_200, %mul3A_201 : i32
      %get3A_203 = arith.index_cast %mul3A_202 : i32 to index
      %get3A_204 = tpu.vector_load %arg5[%get3A_203] {strides = array<i32>} : memref<10240xf32, #tpu.memory_space<vmem>>, vector<16xf32>,
      %get3A_205 = arith.index_cast %mul3A_202 : i32 to index
      %get3A_206 = tpu.vector_load %arg7[%get3A_205] {strides = array<i32>} : memref<640xf32, #tpu.memory_space<vmem>>, vector<16xf32>,
      %add3A_207 = arith.addf %get3A_204, %get3A_206 : vector<16xf32>
      %swap3A_208 = arith.index_cast %mul3A_202 : i32 to index
      %swap3A_209 = tpu.vector_load %arg5[%swap3A_208] {strides = array<i32>} : memref<10240xf32, #tpu.memory_space<vmem>>, vector<16xf32>,
      tpu.vector_store %arg5[%swap3A_208], %add3A_207 {strides = array<i32>} : memref<10240xf32, #tpu.memory_space<vmem>>, vector<16xf32>,
      %scan3A_210 = arith.constant 2 : i32
      %scan3A_211 = arith.addi %scan3A_182, %scan3A_210 : i32
      %mul3A_212 = arith.constant 1 : i32
      %mul3A_213 = arith.muli %scan3A_211, %mul3A_212 : i32
      %add3A_214 = arith.constant 0 : i32
      %add3A_215 = arith.addi %add3A_214, %mul3A_213 : i32
      %mul3A_216 = arith.constant 16 : i32
      %mul3A_217 = arith.muli %add3A_215, %mul3A_216 : i32
      %get3A_218 = arith.index_cast %mul3A_217 : i32 to index
      %get3A_219 = tpu.vector_load %arg5[%get3A_218] {strides = array<i32>} : memref<10240xf32, #tpu.memory_space<vmem>>, vector<16xf32>,
      %get3A_220 = arith.index_cast %mul3A_217 : i32 to index
      %get3A_221 = tpu.vector_load %arg7[%get3A_220] {strides = array<i32>} : memref<640xf32, #tpu.memory_space<vmem>>, vector<16xf32>,
      %add3A_222 = arith.addf %get3A_219, %get3A_221 : vector<16xf32>
      %swap3A_223 = arith.index_cast %mul3A_217 : i32 to index
      %swap3A_224 = tpu.vector_load %arg5[%swap3A_223] {strides = array<i32>} : memref<10240xf32, #tpu.memory_space<vmem>>, vector<16xf32>,
      tpu.vector_store %arg5[%swap3A_223], %add3A_222 {strides = array<i32>} : memref<10240xf32, #tpu.memory_space<vmem>>, vector<16xf32>,
      %scan3A_225 = arith.constant 3 : i32
      %scan3A_226 = arith.addi %scan3A_182, %scan3A_225 : i32
      %mul3A_227 = arith.constant 1 : i32
      %mul3A_228 = arith.muli %scan3A_226, %mul3A_227 : i32
      %add3A_229 = arith.constant 0 : i32
      %add3A_230 = arith.addi %add3A_229, %mul3A_228 : i32
      %mul3A_231 = arith.constant 16 : i32
      %mul3A_232 = arith.muli %add3A_230, %mul3A_231 : i32
      %get3A_233 = arith.index_cast %mul3A_232 : i32 to index
      %get3A_234 = tpu.vector_load %arg5[%get3A_233] {strides = array<i32>} : memref<10240xf32, #tpu.memory_space<vmem>>, vector<16xf32>,
      %get3A_235 = arith.index_cast %mul3A_232 : i32 to index
      %get3A_236 = tpu.vector_load %arg7[%get3A_235] {strides = array<i32>} : memref<640xf32, #tpu.memory_space<vmem>>, vector<16xf32>,
      %add3A_237 = arith.addf %get3A_234, %get3A_236 : vector<16xf32>
      %swap3A_238 = arith.index_cast %mul3A_232 : i32 to index
      %swap3A_239 = tpu.vector_load %arg5[%swap3A_238] {strides = array<i32>} : memref<10240xf32, #tpu.memory_space<vmem>>, vector<16xf32>,
      tpu.vector_store %arg5[%swap3A_238], %add3A_237 {strides = array<i32>} : memref<10240xf32, #tpu.memory_space<vmem>>, vector<16xf32>,
      %scan3A_240 = arith.constant 4 : i32
      %scan3A_241 = arith.addi %scan3A_182, %scan3A_240 : i32
      %mul3A_242 = arith.constant 1 : i32
      %mul3A_243 = arith.muli %scan3A_241, %mul3A_242 : i32
      %add3A_244 = arith.constant 0 : i32
      %add3A_245 = arith.addi %add3A_244, %mul3A_243 : i32
      %mul3A_246 = arith.constant 16 : i32
      %mul3A_247 = arith.muli %add3A_245, %mul3A_246 : i32
      %get3A_248 = arith.index_cast %mul3A_247 : i32 to index
      %get3A_249 = tpu.vector_load %arg5[%get3A_248] {strides = array<i32>} : memref<10240xf32, #tpu.memory_space<vmem>>, vector<16xf32>,
      %get3A_250 = arith.index_cast %mul3A_247 : i32 to index
      %get3A_251 = tpu.vector_load %arg7[%get3A_250] {strides = array<i32>} : memref<640xf32, #tpu.memory_space<vmem>>, vector<16xf32>,
      %add3A_252 = arith.addf %get3A_249, %get3A_251 : vector<16xf32>
      %swap3A_253 = arith.index_cast %mul3A_247 : i32 to index
      %swap3A_254 = tpu.vector_load %arg5[%swap3A_253] {strides = array<i32>} : memref<10240xf32, #tpu.memory_space<vmem>>, vector<16xf32>,
      tpu.vector_store %arg5[%swap3A_253], %add3A_252 {strides = array<i32>} : memref<10240xf32, #tpu.memory_space<vmem>>, vector<16xf32>,
      %scan3A_255 = arith.constant 5 : i32
      %scan3A_256 = arith.addi %scan3A_182, %scan3A_255 : i32
      %mul3A_257 = arith.constant 1 : i32
      %mul3A_258 = arith.muli %scan3A_256, %mul3A_257 : i32
      %add3A_259 = arith.constant 0 : i32
      %add3A_260 = arith.addi %add3A_259, %mul3A_258 : i32
      %mul3A_261 = arith.constant 16 : i32
      %mul3A_262 = arith.muli %add3A_260, %mul3A_261 : i32
      %get3A_263 = arith.index_cast %mul3A_262 : i32 to index
      %get3A_264 = tpu.vector_load %arg5[%get3A_263] {strides = array<i32>} : memref<10240xf32, #tpu.memory_space<vmem>>, vector<16xf32>,
      %get3A_265 = arith.index_cast %mul3A_262 : i32 to index
      %get3A_266 = tpu.vector_load %arg7[%get3A_265] {strides = array<i32>} : memref<640xf32, #tpu.memory_space<vmem>>, vector<16xf32>,
      %add3A_267 = arith.addf %get3A_264, %get3A_266 : vector<16xf32>
      %swap3A_268 = arith.index_cast %mul3A_262 : i32 to index
      %swap3A_269 = tpu.vector_load %arg5[%swap3A_268] {strides = array<i32>} : memref<10240xf32, #tpu.memory_space<vmem>>, vector<16xf32>,
      tpu.vector_store %arg5[%swap3A_268], %add3A_267 {strides = array<i32>} : memref<10240xf32, #tpu.memory_space<vmem>>, vector<16xf32>,
      %scan3A_270 = arith.constant 6 : i32
      %scan3A_271 = arith.addi %scan3A_182, %scan3A_270 : i32
      %mul3A_272 = arith.constant 1 : i32
      %mul3A_273 = arith.muli %scan3A_271, %mul3A_272 : i32
      %add3A_274 = arith.constant 0 : i32
      %add3A_275 = arith.addi %add3A_274, %mul3A_273 : i32
      %mul3A_276 = arith.constant 16 : i32
      %mul3A_277 = arith.muli %add3A_275, %mul3A_276 : i32
      %get3A_278 = arith.index_cast %mul3A_277 : i32 to index
      %get3A_279 = tpu.vector_load %arg5[%get3A_278] {strides = array<i32>} : memref<10240xf32, #tpu.memory_space<vmem>>, vector<16xf32>,
      %get3A_280 = arith.index_cast %mul3A_277 : i32 to index
      %get3A_281 = tpu.vector_load %arg7[%get3A_280] {strides = array<i32>} : memref<640xf32, #tpu.memory_space<vmem>>, vector<16xf32>,
      %add3A_282 = arith.addf %get3A_279, %get3A_281 : vector<16xf32>
      %swap3A_283 = arith.index_cast %mul3A_277 : i32 to index
      %swap3A_284 = tpu.vector_load %arg5[%swap3A_283] {strides = array<i32>} : memref<10240xf32, #tpu.memory_space<vmem>>, vector<16xf32>,
      tpu.vector_store %arg5[%swap3A_283], %add3A_282 {strides = array<i32>} : memref<10240xf32, #tpu.memory_space<vmem>>, vector<16xf32>,
      %scan3A_285 = arith.constant 7 : i32
      %scan3A_286 = arith.addi %scan3A_182, %scan3A_285 : i32
      %mul3A_287 = arith.constant 1 : i32
      %mul3A_288 = arith.muli %scan3A_286, %mul3A_287 : i32
      %add3A_289 = arith.constant 0 : i32
      %add3A_290 = arith.addi %add3A_289, %mul3A_288 : i32
      %mul3A_291 = arith.constant 16 : i32
      %mul3A_292 = arith.muli %add3A_290, %mul3A_291 : i32
      %get3A_293 = arith.index_cast %mul3A_292 : i32 to index
      %get3A_294 = tpu.vector_load %arg5[%get3A_293] {strides = array<i32>} : memref<10240xf32, #tpu.memory_space<vmem>>, vector<16xf32>,
      %get3A_295 = arith.index_cast %mul3A_292 : i32 to index
      %get3A_296 = tpu.vector_load %arg7[%get3A_295] {strides = array<i32>} : memref<640xf32, #tpu.memory_space<vmem>>, vector<16xf32>,
      %add3A_297 = arith.addf %get3A_294, %get3A_296 : vector<16xf32>
      %swap3A_298 = arith.index_cast %mul3A_292 : i32 to index
      %swap3A_299 = tpu.vector_load %arg5[%swap3A_298] {strides = array<i32>} : memref<10240xf32, #tpu.memory_space<vmem>>, vector<16xf32>,
      tpu.vector_store %arg5[%swap3A_298], %add3A_297 {strides = array<i32>} : memref<10240xf32, #tpu.memory_space<vmem>>, vector<16xf32>,
    }
    %scan3A_46 = arith.constant 40 : i32
    %mul3A_47 = arith.constant 640 : i32
    %mul3A_48 = arith.muli %arg1, %mul3A_47 : i32
    %add3A_49 = arith.constant 20480 : i32
    %add3A_50 = arith.addi %add3A_49, %mul3A_48 : i32
    "tpu.region"() ({
      %run_scoped3A = tpu.sem_alloc : memref<!tpu.dma_semaphore, #tpu.memory_space<semaphore_mem>>
      %dma_start3A = tpu.memref_slice %arg4[%add3A_50] : memref<163840xf32, #tpu.memory_space<vmem_shared>> -> memref<640xf32, #tpu.memory_space<vmem_shared>>
      %dma_start3A_182 = tpu.memref_slice %arg4[%add3A_50] : memref<163840xf32, #tpu.memory_space<vmem_shared>> -> memref<640xf32, #tpu.memory_space<vmem_shared>>
      tpu.enqueue_dma source(%dma_start3A_182 : memref<640xf32, #tpu.memory_space<vmem_shared>>) target(%arg7 : memref<640xf32, #tpu.memory_space<vmem>>) target_semaphore(%run_scoped3A : memref<!tpu.dma_semaphore, #tpu.memory_space<semaphore_mem>>)
      %dma_wait3A = tpu.memref_slice %arg4[%add3A_50] : memref<163840xf32, #tpu.memory_space<vmem_shared>> -> memref<640xf32, #tpu.memory_space<vmem_shared>>
      %dma_wait3A_183 = tpu.memref_slice %arg4[%add3A_50] : memref<163840xf32, #tpu.memory_space<vmem_shared>> -> memref<640xf32, #tpu.memory_space<vmem_shared>>
      tpu.wait_dma2 semaphore(%run_scoped3A : memref<!tpu.dma_semaphore, #tpu.memory_space<semaphore_mem>>) src(%dma_wait3A_183 : memref<640xf32, #tpu.memory_space<vmem_shared>>) dst(%arg7 : memref<640xf32, #tpu.memory_space<vmem>>)
      tpu.yield
    }) : () -> ()
    %scan3A_51 = arith.constant 0 : i32
    %scan3A_52 = arith.constant 40 : i32
    %scan3A_53 = arith.addi %scan3A_51, %scan3A_52 : i32
    %scan3A_54 = arith.constant 8 : i32
    scf.for %scan3A_182 = %scan3A_51 to %scan3A_53 step %scan3A_54  : i32 {
      %mul3A_183 = arith.constant 1 : i32
      %mul3A_184 = arith.muli %scan3A_182, %mul3A_183 : i32
      %add3A_185 = arith.constant 0 : i32
      %add3A_186 = arith.addi %add3A_185, %mul3A_184 : i32
      %mul3A_187 = arith.constant 16 : i32
      %mul3A_188 = arith.muli %add3A_186, %mul3A_187 : i32
      %get3A_189 = arith.index_cast %mul3A_188 : i32 to index
      %get3A_190 = tpu.vector_load %arg5[%get3A_189] {strides = array<i32>} : memref<10240xf32, #tpu.memory_space<vmem>>, vector<16xf32>,
      %get3A_191 = arith.index_cast %mul3A_188 : i32 to index
      %get3A_192 = tpu.vector_load %arg7[%get3A_191] {strides = array<i32>} : memref<640xf32, #tpu.memory_space<vmem>>, vector<16xf32>,
      %add3A_193 = arith.addf %get3A_190, %get3A_192 : vector<16xf32>
      %swap3A = arith.index_cast %mul3A_188 : i32 to index
      %swap3A_194 = tpu.vector_load %arg5[%swap3A] {strides = array<i32>} : memref<10240xf32, #tpu.memory_space<vmem>>, vector<16xf32>,
      tpu.vector_store %arg5[%swap3A], %add3A_193 {strides = array<i32>} : memref<10240xf32, #tpu.memory_space<vmem>>, vector<16xf32>,
      %scan3A_195 = arith.constant 1 : i32
      %scan3A_196 = arith.addi %scan3A_182, %scan3A_195 : i32
      %mul3A_197 = arith.constant 1 : i32
      %mul3A_198 = arith.muli %scan3A_196, %mul3A_197 : i32
      %add3A_199 = arith.constant 0 : i32
      %add3A_200 = arith.addi %add3A_199, %mul3A_198 : i32
      %mul3A_201 = arith.constant 16 : i32
      %mul3A_202 = arith.muli %add3A_200, %mul3A_201 : i32
      %get3A_203 = arith.index_cast %mul3A_202 : i32 to index
      %get3A_204 = tpu.vector_load %arg5[%get3A_203] {strides = array<i32>} : memref<10240xf32, #tpu.memory_space<vmem>>, vector<16xf32>,
      %get3A_205 = arith.index_cast %mul3A_202 : i32 to index
      %get3A_206 = tpu.vector_load %arg7[%get3A_205] {strides = array<i32>} : memref<640xf32, #tpu.memory_space<vmem>>, vector<16xf32>,
      %add3A_207 = arith.addf %get3A_204, %get3A_206 : vector<16xf32>
      %swap3A_208 = arith.index_cast %mul3A_202 : i32 to index
      %swap3A_209 = tpu.vector_load %arg5[%swap3A_208] {strides = array<i32>} : memref<10240xf32, #tpu.memory_space<vmem>>, vector<16xf32>,
      tpu.vector_store %arg5[%swap3A_208], %add3A_207 {strides = array<i32>} : memref<10240xf32, #tpu.memory_space<vmem>>, vector<16xf32>,
      %scan3A_210 = arith.constant 2 : i32
      %scan3A_211 = arith.addi %scan3A_182, %scan3A_210 : i32
      %mul3A_212 = arith.constant 1 : i32
      %mul3A_213 = arith.muli %scan3A_211, %mul3A_212 : i32
      %add3A_214 = arith.constant 0 : i32
      %add3A_215 = arith.addi %add3A_214, %mul3A_213 : i32
      %mul3A_216 = arith.constant 16 : i32
      %mul3A_217 = arith.muli %add3A_215, %mul3A_216 : i32
      %get3A_218 = arith.index_cast %mul3A_217 : i32 to index
      %get3A_219 = tpu.vector_load %arg5[%get3A_218] {strides = array<i32>} : memref<10240xf32, #tpu.memory_space<vmem>>, vector<16xf32>,
      %get3A_220 = arith.index_cast %mul3A_217 : i32 to index
      %get3A_221 = tpu.vector_load %arg7[%get3A_220] {strides = array<i32>} : memref<640xf32, #tpu.memory_space<vmem>>, vector<16xf32>,
      %add3A_222 = arith.addf %get3A_219, %get3A_221 : vector<16xf32>
      %swap3A_223 = arith.index_cast %mul3A_217 : i32 to index
      %swap3A_224 = tpu.vector_load %arg5[%swap3A_223] {strides = array<i32>} : memref<10240xf32, #tpu.memory_space<vmem>>, vector<16xf32>,
      tpu.vector_store %arg5[%swap3A_223], %add3A_222 {strides = array<i32>} : memref<10240xf32, #tpu.memory_space<vmem>>, vector<16xf32>,
      %scan3A_225 = arith.constant 3 : i32
      %scan3A_226 = arith.addi %scan3A_182, %scan3A_225 : i32
      %mul3A_227 = arith.constant 1 : i32
      %mul3A_228 = arith.muli %scan3A_226, %mul3A_227 : i32
      %add3A_229 = arith.constant 0 : i32
      %add3A_230 = arith.addi %add3A_229, %mul3A_228 : i32
      %mul3A_231 = arith.constant 16 : i32
      %mul3A_232 = arith.muli %add3A_230, %mul3A_231 : i32
      %get3A_233 = arith.index_cast %mul3A_232 : i32 to index
      %get3A_234 = tpu.vector_load %arg5[%get3A_233] {strides = array<i32>} : memref<10240xf32, #tpu.memory_space<vmem>>, vector<16xf32>,
      %get3A_235 = arith.index_cast %mul3A_232 : i32 to index
      %get3A_236 = tpu.vector_load %arg7[%get3A_235] {strides = array<i32>} : memref<640xf32, #tpu.memory_space<vmem>>, vector<16xf32>,
      %add3A_237 = arith.addf %get3A_234, %get3A_236 : vector<16xf32>
      %swap3A_238 = arith.index_cast %mul3A_232 : i32 to index
      %swap3A_239 = tpu.vector_load %arg5[%swap3A_238] {strides = array<i32>} : memref<10240xf32, #tpu.memory_space<vmem>>, vector<16xf32>,
      tpu.vector_store %arg5[%swap3A_238], %add3A_237 {strides = array<i32>} : memref<10240xf32, #tpu.memory_space<vmem>>, vector<16xf32>,
      %scan3A_240 = arith.constant 4 : i32
      %scan3A_241 = arith.addi %scan3A_182, %scan3A_240 : i32
      %mul3A_242 = arith.constant 1 : i32
      %mul3A_243 = arith.muli %scan3A_241, %mul3A_242 : i32
      %add3A_244 = arith.constant 0 : i32
      %add3A_245 = arith.addi %add3A_244, %mul3A_243 : i32
      %mul3A_246 = arith.constant 16 : i32
      %mul3A_247 = arith.muli %add3A_245, %mul3A_246 : i32
      %get3A_248 = arith.index_cast %mul3A_247 : i32 to index
      %get3A_249 = tpu.vector_load %arg5[%get3A_248] {strides = array<i32>} : memref<10240xf32, #tpu.memory_space<vmem>>, vector<16xf32>,
      %get3A_250 = arith.index_cast %mul3A_247 : i32 to index
      %get3A_251 = tpu.vector_load %arg7[%get3A_250] {strides = array<i32>} : memref<640xf32, #tpu.memory_space<vmem>>, vector<16xf32>,
      %add3A_252 = arith.addf %get3A_249, %get3A_251 : vector<16xf32>
      %swap3A_253 = arith.index_cast %mul3A_247 : i32 to index
      %swap3A_254 = tpu.vector_load %arg5[%swap3A_253] {strides = array<i32>} : memref<10240xf32, #tpu.memory_space<vmem>>, vector<16xf32>,
      tpu.vector_store %arg5[%swap3A_253], %add3A_252 {strides = array<i32>} : memref<10240xf32, #tpu.memory_space<vmem>>, vector<16xf32>,
      %scan3A_255 = arith.constant 5 : i32
      %scan3A_256 = arith.addi %scan3A_182, %scan3A_255 : i32
      %mul3A_257 = arith.constant 1 : i32
      %mul3A_258 = arith.muli %scan3A_256, %mul3A_257 : i32
      %add3A_259 = arith.constant 0 : i32
      %add3A_260 = arith.addi %add3A_259, %mul3A_258 : i32
      %mul3A_261 = arith.constant 16 : i32
      %mul3A_262 = arith.muli %add3A_260, %mul3A_261 : i32
      %get3A_263 = arith.index_cast %mul3A_262 : i32 to index
      %get3A_264 = tpu.vector_load %arg5[%get3A_263] {strides = array<i32>} : memref<10240xf32, #tpu.memory_space<vmem>>, vector<16xf32>,
      %get3A_265 = arith.index_cast %mul3A_262 : i32 to index
      %get3A_266 = tpu.vector_load %arg7[%get3A_265] {strides = array<i32>} : memref<640xf32, #tpu.memory_space<vmem>>, vector<16xf32>,
      %add3A_267 = arith.addf %get3A_264, %get3A_266 : vector<16xf32>
      %swap3A_268 = arith.index_cast %mul3A_262 : i32 to index
      %swap3A_269 = tpu.vector_load %arg5[%swap3A_268] {strides = array<i32>} : memref<10240xf32, #tpu.memory_space<vmem>>, vector<16xf32>,
      tpu.vector_store %arg5[%swap3A_268], %add3A_267 {strides = array<i32>} : memref<10240xf32, #tpu.memory_space<vmem>>, vector<16xf32>,
      %scan3A_270 = arith.constant 6 : i32
      %scan3A_271 = arith.addi %scan3A_182, %scan3A_270 : i32
      %mul3A_272 = arith.constant 1 : i32
      %mul3A_273 = arith.muli %scan3A_271, %mul3A_272 : i32
      %add3A_274 = arith.constant 0 : i32
      %add3A_275 = arith.addi %add3A_274, %mul3A_273 : i32
      %mul3A_276 = arith.constant 16 : i32
      %mul3A_277 = arith.muli %add3A_275, %mul3A_276 : i32
      %get3A_278 = arith.index_cast %mul3A_277 : i32 to index
      %get3A_279 = tpu.vector_load %arg5[%get3A_278] {strides = array<i32>} : memref<10240xf32, #tpu.memory_space<vmem>>, vector<16xf32>,
      %get3A_280 = arith.index_cast %mul3A_277 : i32 to index
      %get3A_281 = tpu.vector_load %arg7[%get3A_280] {strides = array<i32>} : memref<640xf32, #tpu.memory_space<vmem>>, vector<16xf32>,
      %add3A_282 = arith.addf %get3A_279, %get3A_281 : vector<16xf32>
      %swap3A_283 = arith.index_cast %mul3A_277 : i32 to index
      %swap3A_284 = tpu.vector_load %arg5[%swap3A_283] {strides = array<i32>} : memref<10240xf32, #tpu.memory_space<vmem>>, vector<16xf32>,
      tpu.vector_store %arg5[%swap3A_283], %add3A_282 {strides = array<i32>} : memref<10240xf32, #tpu.memory_space<vmem>>, vector<16xf32>,
      %scan3A_285 = arith.constant 7 : i32
      %scan3A_286 = arith.addi %scan3A_182, %scan3A_285 : i32
      %mul3A_287 = arith.constant 1 : i32
      %mul3A_288 = arith.muli %scan3A_286, %mul3A_287 : i32
      %add3A_289 = arith.constant 0 : i32
      %add3A_290 = arith.addi %add3A_289, %mul3A_288 : i32
      %mul3A_291 = arith.constant 16 : i32
      %mul3A_292 = arith.muli %add3A_290, %mul3A_291 : i32
      %get3A_293 = arith.index_cast %mul3A_292 : i32 to index
      %get3A_294 = tpu.vector_load %arg5[%get3A_293] {strides = array<i32>} : memref<10240xf32, #tpu.memory_space<vmem>>, vector<16xf32>,
      %get3A_295 = arith.index_cast %mul3A_292 : i32 to index
      %get3A_296 = tpu.vector_load %arg7[%get3A_295] {strides = array<i32>} : memref<640xf32, #tpu.memory_space<vmem>>, vector<16xf32>,
      %add3A_297 = arith.addf %get3A_294, %get3A_296 : vector<16xf32>
      %swap3A_298 = arith.index_cast %mul3A_292 : i32 to index
      %swap3A_299 = tpu.vector_load %arg5[%swap3A_298] {strides = array<i32>} : memref<10240xf32, #tpu.memory_space<vmem>>, vector<16xf32>,
      tpu.vector_store %arg5[%swap3A_298], %add3A_297 {strides = array<i32>} : memref<10240xf32, #tpu.memory_space<vmem>>, vector<16xf32>,
    }
    %scan3A_55 = arith.constant 40 : i32
    %mul3A_56 = arith.constant 640 : i32
    %mul3A_57 = arith.muli %arg1, %mul3A_56 : i32
    %add3A_58 = arith.constant 30720 : i32
    %add3A_59 = arith.addi %add3A_58, %mul3A_57 : i32
    "tpu.region"() ({
      %run_scoped3A = tpu.sem_alloc : memref<!tpu.dma_semaphore, #tpu.memory_space<semaphore_mem>>
      %dma_start3A = tpu.memref_slice %arg4[%add3A_59] : memref<163840xf32, #tpu.memory_space<vmem_shared>> -> memref<640xf32, #tpu.memory_space<vmem_shared>>
      %dma_start3A_182 = tpu.memref_slice %arg4[%add3A_59] : memref<163840xf32, #tpu.memory_space<vmem_shared>> -> memref<640xf32, #tpu.memory_space<vmem_shared>>
      tpu.enqueue_dma source(%dma_start3A_182 : memref<640xf32, #tpu.memory_space<vmem_shared>>) target(%arg7 : memref<640xf32, #tpu.memory_space<vmem>>) target_semaphore(%run_scoped3A : memref<!tpu.dma_semaphore, #tpu.memory_space<semaphore_mem>>)
      %dma_wait3A = tpu.memref_slice %arg4[%add3A_59] : memref<163840xf32, #tpu.memory_space<vmem_shared>> -> memref<640xf32, #tpu.memory_space<vmem_shared>>
      %dma_wait3A_183 = tpu.memref_slice %arg4[%add3A_59] : memref<163840xf32, #tpu.memory_space<vmem_shared>> -> memref<640xf32, #tpu.memory_space<vmem_shared>>
      tpu.wait_dma2 semaphore(%run_scoped3A : memref<!tpu.dma_semaphore, #tpu.memory_space<semaphore_mem>>) src(%dma_wait3A_183 : memref<640xf32, #tpu.memory_space<vmem_shared>>) dst(%arg7 : memref<640xf32, #tpu.memory_space<vmem>>)
      tpu.yield
    }) : () -> ()
    %scan3A_60 = arith.constant 0 : i32
    %scan3A_61 = arith.constant 40 : i32
    %scan3A_62 = arith.addi %scan3A_60, %scan3A_61 : i32
    %scan3A_63 = arith.constant 8 : i32
    scf.for %scan3A_182 = %scan3A_60 to %scan3A_62 step %scan3A_63  : i32 {
      %mul3A_183 = arith.constant 1 : i32
      %mul3A_184 = arith.muli %scan3A_182, %mul3A_183 : i32
      %add3A_185 = arith.constant 0 : i32
      %add3A_186 = arith.addi %add3A_185, %mul3A_184 : i32
      %mul3A_187 = arith.constant 16 : i32
      %mul3A_188 = arith.muli %add3A_186, %mul3A_187 : i32
      %get3A_189 = arith.index_cast %mul3A_188 : i32 to index
      %get3A_190 = tpu.vector_load %arg5[%get3A_189] {strides = array<i32>} : memref<10240xf32, #tpu.memory_space<vmem>>, vector<16xf32>,
      %get3A_191 = arith.index_cast %mul3A_188 : i32 to index
      %get3A_192 = tpu.vector_load %arg7[%get3A_191] {strides = array<i32>} : memref<640xf32, #tpu.memory_space<vmem>>, vector<16xf32>,
      %add3A_193 = arith.addf %get3A_190, %get3A_192 : vector<16xf32>
      %swap3A = arith.index_cast %mul3A_188 : i32 to index
      %swap3A_194 = tpu.vector_load %arg5[%swap3A] {strides = array<i32>} : memref<10240xf32, #tpu.memory_space<vmem>>, vector<16xf32>,
      tpu.vector_store %arg5[%swap3A], %add3A_193 {strides = array<i32>} : memref<10240xf32, #tpu.memory_space<vmem>>, vector<16xf32>,
      %scan3A_195 = arith.constant 1 : i32
      %scan3A_196 = arith.addi %scan3A_182, %scan3A_195 : i32
      %mul3A_197 = arith.constant 1 : i32
      %mul3A_198 = arith.muli %scan3A_196, %mul3A_197 : i32
      %add3A_199 = arith.constant 0 : i32
      %add3A_200 = arith.addi %add3A_199, %mul3A_198 : i32
      %mul3A_201 = arith.constant 16 : i32
      %mul3A_202 = arith.muli %add3A_200, %mul3A_201 : i32
      %get3A_203 = arith.index_cast %mul3A_202 : i32 to index
      %get3A_204 = tpu.vector_load %arg5[%get3A_203] {strides = array<i32>} : memref<10240xf32, #tpu.memory_space<vmem>>, vector<16xf32>,
      %get3A_205 = arith.index_cast %mul3A_202 : i32 to index
      %get3A_206 = tpu.vector_load %arg7[%get3A_205] {strides = array<i32>} : memref<640xf32, #tpu.memory_space<vmem>>, vector<16xf32>,
      %add3A_207 = arith.addf %get3A_204, %get3A_206 : vector<16xf32>
      %swap3A_208 = arith.index_cast %mul3A_202 : i32 to index
      %swap3A_209 = tpu.vector_load %arg5[%swap3A_208] {strides = array<i32>} : memref<10240xf32, #tpu.memory_space<vmem>>, vector<16xf32>,
      tpu.vector_store %arg5[%swap3A_208], %add3A_207 {strides = array<i32>} : memref<10240xf32, #tpu.memory_space<vmem>>, vector<16xf32>,
      %scan3A_210 = arith.constant 2 : i32
      %scan3A_211 = arith.addi %scan3A_182, %scan3A_210 : i32
      %mul3A_212 = arith.constant 1 : i32
      %mul3A_213 = arith.muli %scan3A_211, %mul3A_212 : i32
      %add3A_214 = arith.constant 0 : i32
      %add3A_215 = arith.addi %add3A_214, %mul3A_213 : i32
      %mul3A_216 = arith.constant 16 : i32
      %mul3A_217 = arith.muli %add3A_215, %mul3A_216 : i32
      %get3A_218 = arith.index_cast %mul3A_217 : i32 to index
      %get3A_219 = tpu.vector_load %arg5[%get3A_218] {strides = array<i32>} : memref<10240xf32, #tpu.memory_space<vmem>>, vector<16xf32>,
      %get3A_220 = arith.index_cast %mul3A_217 : i32 to index
      %get3A_221 = tpu.vector_load %arg7[%get3A_220] {strides = array<i32>} : memref<640xf32, #tpu.memory_space<vmem>>, vector<16xf32>,
      %add3A_222 = arith.addf %get3A_219, %get3A_221 : vector<16xf32>
      %swap3A_223 = arith.index_cast %mul3A_217 : i32 to index
      %swap3A_224 = tpu.vector_load %arg5[%swap3A_223] {strides = array<i32>} : memref<10240xf32, #tpu.memory_space<vmem>>, vector<16xf32>,
      tpu.vector_store %arg5[%swap3A_223], %add3A_222 {strides = array<i32>} : memref<10240xf32, #tpu.memory_space<vmem>>, vector<16xf32>,
      %scan3A_225 = arith.constant 3 : i32
      %scan3A_226 = arith.addi %scan3A_182, %scan3A_225 : i32
      %mul3A_227 = arith.constant 1 : i32
      %mul3A_228 = arith.muli %scan3A_226, %mul3A_227 : i32
      %add3A_229 = arith.constant 0 : i32
      %add3A_230 = arith.addi %add3A_229, %mul3A_228 : i32
      %mul3A_231 = arith.constant 16 : i32
      %mul3A_232 = arith.muli %add3A_230, %mul3A_231 : i32
      %get3A_233 = arith.index_cast %mul3A_232 : i32 to index
      %get3A_234 = tpu.vector_load %arg5[%get3A_233] {strides = array<i32>} : memref<10240xf32, #tpu.memory_space<vmem>>, vector<16xf32>,
      %get3A_235 = arith.index_cast %mul3A_232 : i32 to index
      %get3A_236 = tpu.vector_load %arg7[%get3A_235] {strides = array<i32>} : memref<640xf32, #tpu.memory_space<vmem>>, vector<16xf32>,
      %add3A_237 = arith.addf %get3A_234, %get3A_236 : vector<16xf32>
      %swap3A_238 = arith.index_cast %mul3A_232 : i32 to index
      %swap3A_239 = tpu.vector_load %arg5[%swap3A_238] {strides = array<i32>} : memref<10240xf32, #tpu.memory_space<vmem>>, vector<16xf32>,
      tpu.vector_store %arg5[%swap3A_238], %add3A_237 {strides = array<i32>} : memref<10240xf32, #tpu.memory_space<vmem>>, vector<16xf32>,
      %scan3A_240 = arith.constant 4 : i32
      %scan3A_241 = arith.addi %scan3A_182, %scan3A_240 : i32
      %mul3A_242 = arith.constant 1 : i32
      %mul3A_243 = arith.muli %scan3A_241, %mul3A_242 : i32
      %add3A_244 = arith.constant 0 : i32
      %add3A_245 = arith.addi %add3A_244, %mul3A_243 : i32
      %mul3A_246 = arith.constant 16 : i32
      %mul3A_247 = arith.muli %add3A_245, %mul3A_246 : i32
      %get3A_248 = arith.index_cast %mul3A_247 : i32 to index
      %get3A_249 = tpu.vector_load %arg5[%get3A_248] {strides = array<i32>} : memref<10240xf32, #tpu.memory_space<vmem>>, vector<16xf32>,
      %get3A_250 = arith.index_cast %mul3A_247 : i32 to index
      %get3A_251 = tpu.vector_load %arg7[%get3A_250] {strides = array<i32>} : memref<640xf32, #tpu.memory_space<vmem>>, vector<16xf32>,
      %add3A_252 = arith.addf %get3A_249, %get3A_251 : vector<16xf32>
      %swap3A_253 = arith.index_cast %mul3A_247 : i32 to index
      %swap3A_254 = tpu.vector_load %arg5[%swap3A_253] {strides = array<i32>} : memref<10240xf32, #tpu.memory_space<vmem>>, vector<16xf32>,
      tpu.vector_store %arg5[%swap3A_253], %add3A_252 {strides = array<i32>} : memref<10240xf32, #tpu.memory_space<vmem>>, vector<16xf32>,
      %scan3A_255 = arith.constant 5 : i32
      %scan3A_256 = arith.addi %scan3A_182, %scan3A_255 : i32
      %mul3A_257 = arith.constant 1 : i32
      %mul3A_258 = arith.muli %scan3A_256, %mul3A_257 : i32
      %add3A_259 = arith.constant 0 : i32
      %add3A_260 = arith.addi %add3A_259, %mul3A_258 : i32
      %mul3A_261 = arith.constant 16 : i32
      %mul3A_262 = arith.muli %add3A_260, %mul3A_261 : i32
      %get3A_263 = arith.index_cast %mul3A_262 : i32 to index
      %get3A_264 = tpu.vector_load %arg5[%get3A_263] {strides = array<i32>} : memref<10240xf32, #tpu.memory_space<vmem>>, vector<16xf32>,
      %get3A_265 = arith.index_cast %mul3A_262 : i32 to index
      %get3A_266 = tpu.vector_load %arg7[%get3A_265] {strides = array<i32>} : memref<640xf32, #tpu.memory_space<vmem>>, vector<16xf32>,
      %add3A_267 = arith.addf %get3A_264, %get3A_266 : vector<16xf32>
      %swap3A_268 = arith.index_cast %mul3A_262 : i32 to index
      %swap3A_269 = tpu.vector_load %arg5[%swap3A_268] {strides = array<i32>} : memref<10240xf32, #tpu.memory_space<vmem>>, vector<16xf32>,
      tpu.vector_store %arg5[%swap3A_268], %add3A_267 {strides = array<i32>} : memref<10240xf32, #tpu.memory_space<vmem>>, vector<16xf32>,
      %scan3A_270 = arith.constant 6 : i32
      %scan3A_271 = arith.addi %scan3A_182, %scan3A_270 : i32
      %mul3A_272 = arith.constant 1 : i32
      %mul3A_273 = arith.muli %scan3A_271, %mul3A_272 : i32
      %add3A_274 = arith.constant 0 : i32
      %add3A_275 = arith.addi %add3A_274, %mul3A_273 : i32
      %mul3A_276 = arith.constant 16 : i32
      %mul3A_277 = arith.muli %add3A_275, %mul3A_276 : i32
      %get3A_278 = arith.index_cast %mul3A_277 : i32 to index
      %get3A_279 = tpu.vector_load %arg5[%get3A_278] {strides = array<i32>} : memref<10240xf32, #tpu.memory_space<vmem>>, vector<16xf32>,
      %get3A_280 = arith.index_cast %mul3A_277 : i32 to index
      %get3A_281 = tpu.vector_load %arg7[%get3A_280] {strides = array<i32>} : memref<640xf32, #tpu.memory_space<vmem>>, vector<16xf32>,
      %add3A_282 = arith.addf %get3A_279, %get3A_281 : vector<16xf32>
      %swap3A_283 = arith.index_cast %mul3A_277 : i32 to index
      %swap3A_284 = tpu.vector_load %arg5[%swap3A_283] {strides = array<i32>} : memref<10240xf32, #tpu.memory_space<vmem>>, vector<16xf32>,
      tpu.vector_store %arg5[%swap3A_283], %add3A_282 {strides = array<i32>} : memref<10240xf32, #tpu.memory_space<vmem>>, vector<16xf32>,
      %scan3A_285 = arith.constant 7 : i32
      %scan3A_286 = arith.addi %scan3A_182, %scan3A_285 : i32
      %mul3A_287 = arith.constant 1 : i32
      %mul3A_288 = arith.muli %scan3A_286, %mul3A_287 : i32
      %add3A_289 = arith.constant 0 : i32
      %add3A_290 = arith.addi %add3A_289, %mul3A_288 : i32
      %mul3A_291 = arith.constant 16 : i32
      %mul3A_292 = arith.muli %add3A_290, %mul3A_291 : i32
      %get3A_293 = arith.index_cast %mul3A_292 : i32 to index
      %get3A_294 = tpu.vector_load %arg5[%get3A_293] {strides = array<i32>} : memref<10240xf32, #tpu.memory_space<vmem>>, vector<16xf32>,
      %get3A_295 = arith.index_cast %mul3A_292 : i32 to index
      %get3A_296 = tpu.vector_load %arg7[%get3A_295] {strides = array<i32>} : memref<640xf32, #tpu.memory_space<vmem>>, vector<16xf32>,
      %add3A_297 = arith.addf %get3A_294, %get3A_296 : vector<16xf32>
      %swap3A_298 = arith.index_cast %mul3A_292 : i32 to index
      %swap3A_299 = tpu.vector_load %arg5[%swap3A_298] {strides = array<i32>} : memref<10240xf32, #tpu.memory_space<vmem>>, vector<16xf32>,
      tpu.vector_store %arg5[%swap3A_298], %add3A_297 {strides = array<i32>} : memref<10240xf32, #tpu.memory_space<vmem>>, vector<16xf32>,
    }
    %scan3A_64 = arith.constant 40 : i32
    %mul3A_65 = arith.constant 640 : i32
    %mul3A_66 = arith.muli %arg1, %mul3A_65 : i32
    %add3A_67 = arith.constant 40960 : i32
    %add3A_68 = arith.addi %add3A_67, %mul3A_66 : i32
    "tpu.region"() ({
      %run_scoped3A = tpu.sem_alloc : memref<!tpu.dma_semaphore, #tpu.memory_space<semaphore_mem>>
      %dma_start3A = tpu.memref_slice %arg4[%add3A_68] : memref<163840xf32, #tpu.memory_space<vmem_shared>> -> memref<640xf32, #tpu.memory_space<vmem_shared>>
      %dma_start3A_182 = tpu.memref_slice %arg4[%add3A_68] : memref<163840xf32, #tpu.memory_space<vmem_shared>> -> memref<640xf32, #tpu.memory_space<vmem_shared>>
      tpu.enqueue_dma source(%dma_start3A_182 : memref<640xf32, #tpu.memory_space<vmem_shared>>) target(%arg7 : memref<640xf32, #tpu.memory_space<vmem>>) target_semaphore(%run_scoped3A : memref<!tpu.dma_semaphore, #tpu.memory_space<semaphore_mem>>)
      %dma_wait3A = tpu.memref_slice %arg4[%add3A_68] : memref<163840xf32, #tpu.memory_space<vmem_shared>> -> memref<640xf32, #tpu.memory_space<vmem_shared>>
      %dma_wait3A_183 = tpu.memref_slice %arg4[%add3A_68] : memref<163840xf32, #tpu.memory_space<vmem_shared>> -> memref<640xf32, #tpu.memory_space<vmem_shared>>
      tpu.wait_dma2 semaphore(%run_scoped3A : memref<!tpu.dma_semaphore, #tpu.memory_space<semaphore_mem>>) src(%dma_wait3A_183 : memref<640xf32, #tpu.memory_space<vmem_shared>>) dst(%arg7 : memref<640xf32, #tpu.memory_space<vmem>>)
      tpu.yield
    }) : () -> ()
    %scan3A_69 = arith.constant 0 : i32
    %scan3A_70 = arith.constant 40 : i32
    %scan3A_71 = arith.addi %scan3A_69, %scan3A_70 : i32
    %scan3A_72 = arith.constant 8 : i32
    scf.for %scan3A_182 = %scan3A_69 to %scan3A_71 step %scan3A_72  : i32 {
      %mul3A_183 = arith.constant 1 : i32
      %mul3A_184 = arith.muli %scan3A_182, %mul3A_183 : i32
      %add3A_185 = arith.constant 0 : i32
      %add3A_186 = arith.addi %add3A_185, %mul3A_184 : i32
      %mul3A_187 = arith.constant 16 : i32
      %mul3A_188 = arith.muli %add3A_186, %mul3A_187 : i32
      %get3A_189 = arith.index_cast %mul3A_188 : i32 to index
      %get3A_190 = tpu.vector_load %arg5[%get3A_189] {strides = array<i32>} : memref<10240xf32, #tpu.memory_space<vmem>>, vector<16xf32>,
      %get3A_191 = arith.index_cast %mul3A_188 : i32 to index
      %get3A_192 = tpu.vector_load %arg7[%get3A_191] {strides = array<i32>} : memref<640xf32, #tpu.memory_space<vmem>>, vector<16xf32>,
      %add3A_193 = arith.addf %get3A_190, %get3A_192 : vector<16xf32>
      %swap3A = arith.index_cast %mul3A_188 : i32 to index
      %swap3A_194 = tpu.vector_load %arg5[%swap3A] {strides = array<i32>} : memref<10240xf32, #tpu.memory_space<vmem>>, vector<16xf32>,
      tpu.vector_store %arg5[%swap3A], %add3A_193 {strides = array<i32>} : memref<10240xf32, #tpu.memory_space<vmem>>, vector<16xf32>,
      %scan3A_195 = arith.constant 1 : i32
      %scan3A_196 = arith.addi %scan3A_182, %scan3A_195 : i32
      %mul3A_197 = arith.constant 1 : i32
      %mul3A_198 = arith.muli %scan3A_196, %mul3A_197 : i32
      %add3A_199 = arith.constant 0 : i32
      %add3A_200 = arith.addi %add3A_199, %mul3A_198 : i32
      %mul3A_201 = arith.constant 16 : i32
      %mul3A_202 = arith.muli %add3A_200, %mul3A_201 : i32
      %get3A_203 = arith.index_cast %mul3A_202 : i32 to index
      %get3A_204 = tpu.vector_load %arg5[%get3A_203] {strides = array<i32>} : memref<10240xf32, #tpu.memory_space<vmem>>, vector<16xf32>,
      %get3A_205 = arith.index_cast %mul3A_202 : i32 to index
      %get3A_206 = tpu.vector_load %arg7[%get3A_205] {strides = array<i32>} : memref<640xf32, #tpu.memory_space<vmem>>, vector<16xf32>,
      %add3A_207 = arith.addf %get3A_204, %get3A_206 : vector<16xf32>
      %swap3A_208 = arith.index_cast %mul3A_202 : i32 to index
      %swap3A_209 = tpu.vector_load %arg5[%swap3A_208] {strides = array<i32>} : memref<10240xf32, #tpu.memory_space<vmem>>, vector<16xf32>,
      tpu.vector_store %arg5[%swap3A_208], %add3A_207 {strides = array<i32>} : memref<10240xf32, #tpu.memory_space<vmem>>, vector<16xf32>,
      %scan3A_210 = arith.constant 2 : i32
      %scan3A_211 = arith.addi %scan3A_182, %scan3A_210 : i32
      %mul3A_212 = arith.constant 1 : i32
      %mul3A_213 = arith.muli %scan3A_211, %mul3A_212 : i32
      %add3A_214 = arith.constant 0 : i32
      %add3A_215 = arith.addi %add3A_214, %mul3A_213 : i32
      %mul3A_216 = arith.constant 16 : i32
      %mul3A_217 = arith.muli %add3A_215, %mul3A_216 : i32
      %get3A_218 = arith.index_cast %mul3A_217 : i32 to index
      %get3A_219 = tpu.vector_load %arg5[%get3A_218] {strides = array<i32>} : memref<10240xf32, #tpu.memory_space<vmem>>, vector<16xf32>,
      %get3A_220 = arith.index_cast %mul3A_217 : i32 to index
      %get3A_221 = tpu.vector_load %arg7[%get3A_220] {strides = array<i32>} : memref<640xf32, #tpu.memory_space<vmem>>, vector<16xf32>,
      %add3A_222 = arith.addf %get3A_219, %get3A_221 : vector<16xf32>
      %swap3A_223 = arith.index_cast %mul3A_217 : i32 to index
      %swap3A_224 = tpu.vector_load %arg5[%swap3A_223] {strides = array<i32>} : memref<10240xf32, #tpu.memory_space<vmem>>, vector<16xf32>,
      tpu.vector_store %arg5[%swap3A_223], %add3A_222 {strides = array<i32>} : memref<10240xf32, #tpu.memory_space<vmem>>, vector<16xf32>,
      %scan3A_225 = arith.constant 3 : i32
      %scan3A_226 = arith.addi %scan3A_182, %scan3A_225 : i32
      %mul3A_227 = arith.constant 1 : i32
      %mul3A_228 = arith.muli %scan3A_226, %mul3A_227 : i32
      %add3A_229 = arith.constant 0 : i32
      %add3A_230 = arith.addi %add3A_229, %mul3A_228 : i32
      %mul3A_231 = arith.constant 16 : i32
      %mul3A_232 = arith.muli %add3A_230, %mul3A_231 : i32
      %get3A_233 = arith.index_cast %mul3A_232 : i32 to index
      %get3A_234 = tpu.vector_load %arg5[%get3A_233] {strides = array<i32>} : memref<10240xf32, #tpu.memory_space<vmem>>, vector<16xf32>,
      %get3A_235 = arith.index_cast %mul3A_232 : i32 to index
      %get3A_236 = tpu.vector_load %arg7[%get3A_235] {strides = array<i32>} : memref<640xf32, #tpu.memory_space<vmem>>, vector<16xf32>,
      %add3A_237 = arith.addf %get3A_234, %get3A_236 : vector<16xf32>
      %swap3A_238 = arith.index_cast %mul3A_232 : i32 to index
      %swap3A_239 = tpu.vector_load %arg5[%swap3A_238] {strides = array<i32>} : memref<10240xf32, #tpu.memory_space<vmem>>, vector<16xf32>,
      tpu.vector_store %arg5[%swap3A_238], %add3A_237 {strides = array<i32>} : memref<10240xf32, #tpu.memory_space<vmem>>, vector<16xf32>,
      %scan3A_240 = arith.constant 4 : i32
      %scan3A_241 = arith.addi %scan3A_182, %scan3A_240 : i32
      %mul3A_242 = arith.constant 1 : i32
      %mul3A_243 = arith.muli %scan3A_241, %mul3A_242 : i32
      %add3A_244 = arith.constant 0 : i32
      %add3A_245 = arith.addi %add3A_244, %mul3A_243 : i32
      %mul3A_246 = arith.constant 16 : i32
      %mul3A_247 = arith.muli %add3A_245, %mul3A_246 : i32
      %get3A_248 = arith.index_cast %mul3A_247 : i32 to index
      %get3A_249 = tpu.vector_load %arg5[%get3A_248] {strides = array<i32>} : memref<10240xf32, #tpu.memory_space<vmem>>, vector<16xf32>,
      %get3A_250 = arith.index_cast %mul3A_247 : i32 to index
      %get3A_251 = tpu.vector_load %arg7[%get3A_250] {strides = array<i32>} : memref<640xf32, #tpu.memory_space<vmem>>, vector<16xf32>,
      %add3A_252 = arith.addf %get3A_249, %get3A_251 : vector<16xf32>
      %swap3A_253 = arith.index_cast %mul3A_247 : i32 to index
      %swap3A_254 = tpu.vector_load %arg5[%swap3A_253] {strides = array<i32>} : memref<10240xf32, #tpu.memory_space<vmem>>, vector<16xf32>,
      tpu.vector_store %arg5[%swap3A_253], %add3A_252 {strides = array<i32>} : memref<10240xf32, #tpu.memory_space<vmem>>, vector<16xf32>,
      %scan3A_255 = arith.constant 5 : i32
      %scan3A_256 = arith.addi %scan3A_182, %scan3A_255 : i32
      %mul3A_257 = arith.constant 1 : i32
      %mul3A_258 = arith.muli %scan3A_256, %mul3A_257 : i32
      %add3A_259 = arith.constant 0 : i32
      %add3A_260 = arith.addi %add3A_259, %mul3A_258 : i32
      %mul3A_261 = arith.constant 16 : i32
      %mul3A_262 = arith.muli %add3A_260, %mul3A_261 : i32
      %get3A_263 = arith.index_cast %mul3A_262 : i32 to index
      %get3A_264 = tpu.vector_load %arg5[%get3A_263] {strides = array<i32>} : memref<10240xf32, #tpu.memory_space<vmem>>, vector<16xf32>,
      %get3A_265 = arith.index_cast %mul3A_262 : i32 to index
      %get3A_266 = tpu.vector_load %arg7[%get3A_265] {strides = array<i32>} : memref<640xf32, #tpu.memory_space<vmem>>, vector<16xf32>,
      %add3A_267 = arith.addf %get3A_264, %get3A_266 : vector<16xf32>
      %swap3A_268 = arith.index_cast %mul3A_262 : i32 to index
      %swap3A_269 = tpu.vector_load %arg5[%swap3A_268] {strides = array<i32>} : memref<10240xf32, #tpu.memory_space<vmem>>, vector<16xf32>,
      tpu.vector_store %arg5[%swap3A_268], %add3A_267 {strides = array<i32>} : memref<10240xf32, #tpu.memory_space<vmem>>, vector<16xf32>,
      %scan3A_270 = arith.constant 6 : i32
      %scan3A_271 = arith.addi %scan3A_182, %scan3A_270 : i32
      %mul3A_272 = arith.constant 1 : i32
      %mul3A_273 = arith.muli %scan3A_271, %mul3A_272 : i32
      %add3A_274 = arith.constant 0 : i32
      %add3A_275 = arith.addi %add3A_274, %mul3A_273 : i32
      %mul3A_276 = arith.constant 16 : i32
      %mul3A_277 = arith.muli %add3A_275, %mul3A_276 : i32
      %get3A_278 = arith.index_cast %mul3A_277 : i32 to index
      %get3A_279 = tpu.vector_load %arg5[%get3A_278] {strides = array<i32>} : memref<10240xf32, #tpu.memory_space<vmem>>, vector<16xf32>,
      %get3A_280 = arith.index_cast %mul3A_277 : i32 to index
      %get3A_281 = tpu.vector_load %arg7[%get3A_280] {strides = array<i32>} : memref<640xf32, #tpu.memory_space<vmem>>, vector<16xf32>,
      %add3A_282 = arith.addf %get3A_279, %get3A_281 : vector<16xf32>
      %swap3A_283 = arith.index_cast %mul3A_277 : i32 to index
      %swap3A_284 = tpu.vector_load %arg5[%swap3A_283] {strides = array<i32>} : memref<10240xf32, #tpu.memory_space<vmem>>, vector<16xf32>,
      tpu.vector_store %arg5[%swap3A_283], %add3A_282 {strides = array<i32>} : memref<10240xf32, #tpu.memory_space<vmem>>, vector<16xf32>,
      %scan3A_285 = arith.constant 7 : i32
      %scan3A_286 = arith.addi %scan3A_182, %scan3A_285 : i32
      %mul3A_287 = arith.constant 1 : i32
      %mul3A_288 = arith.muli %scan3A_286, %mul3A_287 : i32
      %add3A_289 = arith.constant 0 : i32
      %add3A_290 = arith.addi %add3A_289, %mul3A_288 : i32
      %mul3A_291 = arith.constant 16 : i32
      %mul3A_292 = arith.muli %add3A_290, %mul3A_291 : i32
      %get3A_293 = arith.index_cast %mul3A_292 : i32 to index
      %get3A_294 = tpu.vector_load %arg5[%get3A_293] {strides = array<i32>} : memref<10240xf32, #tpu.memory_space<vmem>>, vector<16xf32>,
      %get3A_295 = arith.index_cast %mul3A_292 : i32 to index
      %get3A_296 = tpu.vector_load %arg7[%get3A_295] {strides = array<i32>} : memref<640xf32, #tpu.memory_space<vmem>>, vector<16xf32>,
      %add3A_297 = arith.addf %get3A_294, %get3A_296 : vector<16xf32>
      %swap3A_298 = arith.index_cast %mul3A_292 : i32 to index
      %swap3A_299 = tpu.vector_load %arg5[%swap3A_298] {strides = array<i32>} : memref<10240xf32, #tpu.memory_space<vmem>>, vector<16xf32>,
      tpu.vector_store %arg5[%swap3A_298], %add3A_297 {strides = array<i32>} : memref<10240xf32, #tpu.memory_space<vmem>>, vector<16xf32>,
    }
    %scan3A_73 = arith.constant 40 : i32
    %mul3A_74 = arith.constant 640 : i32
    %mul3A_75 = arith.muli %arg1, %mul3A_74 : i32
    %add3A_76 = arith.constant 51200 : i32
    %add3A_77 = arith.addi %add3A_76, %mul3A_75 : i32
    "tpu.region"() ({
      %run_scoped3A = tpu.sem_alloc : memref<!tpu.dma_semaphore, #tpu.memory_space<semaphore_mem>>
      %dma_start3A = tpu.memref_slice %arg4[%add3A_77] : memref<163840xf32, #tpu.memory_space<vmem_shared>> -> memref<640xf32, #tpu.memory_space<vmem_shared>>
      %dma_start3A_182 = tpu.memref_slice %arg4[%add3A_77] : memref<163840xf32, #tpu.memory_space<vmem_shared>> -> memref<640xf32, #tpu.memory_space<vmem_shared>>
      tpu.enqueue_dma source(%dma_start3A_182 : memref<640xf32, #tpu.memory_space<vmem_shared>>) target(%arg7 : memref<640xf32, #tpu.memory_space<vmem>>) target_semaphore(%run_scoped3A : memref<!tpu.dma_semaphore, #tpu.memory_space<semaphore_mem>>)
      %dma_wait3A = tpu.memref_slice %arg4[%add3A_77] : memref<163840xf32, #tpu.memory_space<vmem_shared>> -> memref<640xf32, #tpu.memory_space<vmem_shared>>
      %dma_wait3A_183 = tpu.memref_slice %arg4[%add3A_77] : memref<163840xf32, #tpu.memory_space<vmem_shared>> -> memref<640xf32, #tpu.memory_space<vmem_shared>>
      tpu.wait_dma2 semaphore(%run_scoped3A : memref<!tpu.dma_semaphore, #tpu.memory_space<semaphore_mem>>) src(%dma_wait3A_183 : memref<640xf32, #tpu.memory_space<vmem_shared>>) dst(%arg7 : memref<640xf32, #tpu.memory_space<vmem>>)
      tpu.yield
    }) : () -> ()
    %scan3A_78 = arith.constant 0 : i32
    %scan3A_79 = arith.constant 40 : i32
    %scan3A_80 = arith.addi %scan3A_78, %scan3A_79 : i32
    %scan3A_81 = arith.constant 8 : i32
    scf.for %scan3A_182 = %scan3A_78 to %scan3A_80 step %scan3A_81  : i32 {
      %mul3A_183 = arith.constant 1 : i32
      %mul3A_184 = arith.muli %scan3A_182, %mul3A_183 : i32
      %add3A_185 = arith.constant 0 : i32
      %add3A_186 = arith.addi %add3A_185, %mul3A_184 : i32
      %mul3A_187 = arith.constant 16 : i32
      %mul3A_188 = arith.muli %add3A_186, %mul3A_187 : i32
      %get3A_189 = arith.index_cast %mul3A_188 : i32 to index
      %get3A_190 = tpu.vector_load %arg5[%get3A_189] {strides = array<i32>} : memref<10240xf32, #tpu.memory_space<vmem>>, vector<16xf32>,
      %get3A_191 = arith.index_cast %mul3A_188 : i32 to index
      %get3A_192 = tpu.vector_load %arg7[%get3A_191] {strides = array<i32>} : memref<640xf32, #tpu.memory_space<vmem>>, vector<16xf32>,
      %add3A_193 = arith.addf %get3A_190, %get3A_192 : vector<16xf32>
      %swap3A = arith.index_cast %mul3A_188 : i32 to index
      %swap3A_194 = tpu.vector_load %arg5[%swap3A] {strides = array<i32>} : memref<10240xf32, #tpu.memory_space<vmem>>, vector<16xf32>,
      tpu.vector_store %arg5[%swap3A], %add3A_193 {strides = array<i32>} : memref<10240xf32, #tpu.memory_space<vmem>>, vector<16xf32>,
      %scan3A_195 = arith.constant 1 : i32
      %scan3A_196 = arith.addi %scan3A_182, %scan3A_195 : i32
      %mul3A_197 = arith.constant 1 : i32
      %mul3A_198 = arith.muli %scan3A_196, %mul3A_197 : i32
      %add3A_199 = arith.constant 0 : i32
      %add3A_200 = arith.addi %add3A_199, %mul3A_198 : i32
      %mul3A_201 = arith.constant 16 : i32
      %mul3A_202 = arith.muli %add3A_200, %mul3A_201 : i32
      %get3A_203 = arith.index_cast %mul3A_202 : i32 to index
      %get3A_204 = tpu.vector_load %arg5[%get3A_203] {strides = array<i32>} : memref<10240xf32, #tpu.memory_space<vmem>>, vector<16xf32>,
      %get3A_205 = arith.index_cast %mul3A_202 : i32 to index
      %get3A_206 = tpu.vector_load %arg7[%get3A_205] {strides = array<i32>} : memref<640xf32, #tpu.memory_space<vmem>>, vector<16xf32>,
      %add3A_207 = arith.addf %get3A_204, %get3A_206 : vector<16xf32>
      %swap3A_208 = arith.index_cast %mul3A_202 : i32 to index
      %swap3A_209 = tpu.vector_load %arg5[%swap3A_208] {strides = array<i32>} : memref<10240xf32, #tpu.memory_space<vmem>>, vector<16xf32>,
      tpu.vector_store %arg5[%swap3A_208], %add3A_207 {strides = array<i32>} : memref<10240xf32, #tpu.memory_space<vmem>>, vector<16xf32>,
      %scan3A_210 = arith.constant 2 : i32
      %scan3A_211 = arith.addi %scan3A_182, %scan3A_210 : i32
      %mul3A_212 = arith.constant 1 : i32
      %mul3A_213 = arith.muli %scan3A_211, %mul3A_212 : i32
      %add3A_214 = arith.constant 0 : i32
      %add3A_215 = arith.addi %add3A_214, %mul3A_213 : i32
      %mul3A_216 = arith.constant 16 : i32
      %mul3A_217 = arith.muli %add3A_215, %mul3A_216 : i32
      %get3A_218 = arith.index_cast %mul3A_217 : i32 to index
      %get3A_219 = tpu.vector_load %arg5[%get3A_218] {strides = array<i32>} : memref<10240xf32, #tpu.memory_space<vmem>>, vector<16xf32>,
      %get3A_220 = arith.index_cast %mul3A_217 : i32 to index
      %get3A_221 = tpu.vector_load %arg7[%get3A_220] {strides = array<i32>} : memref<640xf32, #tpu.memory_space<vmem>>, vector<16xf32>,
      %add3A_222 = arith.addf %get3A_219, %get3A_221 : vector<16xf32>
      %swap3A_223 = arith.index_cast %mul3A_217 : i32 to index
      %swap3A_224 = tpu.vector_load %arg5[%swap3A_223] {strides = array<i32>} : memref<10240xf32, #tpu.memory_space<vmem>>, vector<16xf32>,
      tpu.vector_store %arg5[%swap3A_223], %add3A_222 {strides = array<i32>} : memref<10240xf32, #tpu.memory_space<vmem>>, vector<16xf32>,
      %scan3A_225 = arith.constant 3 : i32
      %scan3A_226 = arith.addi %scan3A_182, %scan3A_225 : i32
      %mul3A_227 = arith.constant 1 : i32
      %mul3A_228 = arith.muli %scan3A_226, %mul3A_227 : i32
      %add3A_229 = arith.constant 0 : i32
      %add3A_230 = arith.addi %add3A_229, %mul3A_228 : i32
      %mul3A_231 = arith.constant 16 : i32
      %mul3A_232 = arith.muli %add3A_230, %mul3A_231 : i32
      %get3A_233 = arith.index_cast %mul3A_232 : i32 to index
      %get3A_234 = tpu.vector_load %arg5[%get3A_233] {strides = array<i32>} : memref<10240xf32, #tpu.memory_space<vmem>>, vector<16xf32>,
      %get3A_235 = arith.index_cast %mul3A_232 : i32 to index
      %get3A_236 = tpu.vector_load %arg7[%get3A_235] {strides = array<i32>} : memref<640xf32, #tpu.memory_space<vmem>>, vector<16xf32>,
      %add3A_237 = arith.addf %get3A_234, %get3A_236 : vector<16xf32>
      %swap3A_238 = arith.index_cast %mul3A_232 : i32 to index
      %swap3A_239 = tpu.vector_load %arg5[%swap3A_238] {strides = array<i32>} : memref<10240xf32, #tpu.memory_space<vmem>>, vector<16xf32>,
      tpu.vector_store %arg5[%swap3A_238], %add3A_237 {strides = array<i32>} : memref<10240xf32, #tpu.memory_space<vmem>>, vector<16xf32>,
      %scan3A_240 = arith.constant 4 : i32
      %scan3A_241 = arith.addi %scan3A_182, %scan3A_240 : i32
      %mul3A_242 = arith.constant 1 : i32
      %mul3A_243 = arith.muli %scan3A_241, %mul3A_242 : i32
      %add3A_244 = arith.constant 0 : i32
      %add3A_245 = arith.addi %add3A_244, %mul3A_243 : i32
      %mul3A_246 = arith.constant 16 : i32
      %mul3A_247 = arith.muli %add3A_245, %mul3A_246 : i32
      %get3A_248 = arith.index_cast %mul3A_247 : i32 to index
      %get3A_249 = tpu.vector_load %arg5[%get3A_248] {strides = array<i32>} : memref<10240xf32, #tpu.memory_space<vmem>>, vector<16xf32>,
      %get3A_250 = arith.index_cast %mul3A_247 : i32 to index
      %get3A_251 = tpu.vector_load %arg7[%get3A_250] {strides = array<i32>} : memref<640xf32, #tpu.memory_space<vmem>>, vector<16xf32>,
      %add3A_252 = arith.addf %get3A_249, %get3A_251 : vector<16xf32>
      %swap3A_253 = arith.index_cast %mul3A_247 : i32 to index
      %swap3A_254 = tpu.vector_load %arg5[%swap3A_253] {strides = array<i32>} : memref<10240xf32, #tpu.memory_space<vmem>>, vector<16xf32>,
      tpu.vector_store %arg5[%swap3A_253], %add3A_252 {strides = array<i32>} : memref<10240xf32, #tpu.memory_space<vmem>>, vector<16xf32>,
      %scan3A_255 = arith.constant 5 : i32
      %scan3A_256 = arith.addi %scan3A_182, %scan3A_255 : i32
      %mul3A_257 = arith.constant 1 : i32
      %mul3A_258 = arith.muli %scan3A_256, %mul3A_257 : i32
      %add3A_259 = arith.constant 0 : i32
      %add3A_260 = arith.addi %add3A_259, %mul3A_258 : i32
      %mul3A_261 = arith.constant 16 : i32
      %mul3A_262 = arith.muli %add3A_260, %mul3A_261 : i32
      %get3A_263 = arith.index_cast %mul3A_262 : i32 to index
      %get3A_264 = tpu.vector_load %arg5[%get3A_263] {strides = array<i32>} : memref<10240xf32, #tpu.memory_space<vmem>>, vector<16xf32>,
      %get3A_265 = arith.index_cast %mul3A_262 : i32 to index
      %get3A_266 = tpu.vector_load %arg7[%get3A_265] {strides = array<i32>} : memref<640xf32, #tpu.memory_space<vmem>>, vector<16xf32>,
      %add3A_267 = arith.addf %get3A_264, %get3A_266 : vector<16xf32>
      %swap3A_268 = arith.index_cast %mul3A_262 : i32 to index
      %swap3A_269 = tpu.vector_load %arg5[%swap3A_268] {strides = array<i32>} : memref<10240xf32, #tpu.memory_space<vmem>>, vector<16xf32>,
      tpu.vector_store %arg5[%swap3A_268], %add3A_267 {strides = array<i32>} : memref<10240xf32, #tpu.memory_space<vmem>>, vector<16xf32>,
      %scan3A_270 = arith.constant 6 : i32
      %scan3A_271 = arith.addi %scan3A_182, %scan3A_270 : i32
      %mul3A_272 = arith.constant 1 : i32
      %mul3A_273 = arith.muli %scan3A_271, %mul3A_272 : i32
      %add3A_274 = arith.constant 0 : i32
      %add3A_275 = arith.addi %add3A_274, %mul3A_273 : i32
      %mul3A_276 = arith.constant 16 : i32
      %mul3A_277 = arith.muli %add3A_275, %mul3A_276 : i32
      %get3A_278 = arith.index_cast %mul3A_277 : i32 to index
      %get3A_279 = tpu.vector_load %arg5[%get3A_278] {strides = array<i32>} : memref<10240xf32, #tpu.memory_space<vmem>>, vector<16xf32>,
      %get3A_280 = arith.index_cast %mul3A_277 : i32 to index
      %get3A_281 = tpu.vector_load %arg7[%get3A_280] {strides = array<i32>} : memref<640xf32, #tpu.memory_space<vmem>>, vector<16xf32>,
      %add3A_282 = arith.addf %get3A_279, %get3A_281 : vector<16xf32>
      %swap3A_283 = arith.index_cast %mul3A_277 : i32 to index
      %swap3A_284 = tpu.vector_load %arg5[%swap3A_283] {strides = array<i32>} : memref<10240xf32, #tpu.memory_space<vmem>>, vector<16xf32>,
      tpu.vector_store %arg5[%swap3A_283], %add3A_282 {strides = array<i32>} : memref<10240xf32, #tpu.memory_space<vmem>>, vector<16xf32>,
      %scan3A_285 = arith.constant 7 : i32
      %scan3A_286 = arith.addi %scan3A_182, %scan3A_285 : i32
      %mul3A_287 = arith.constant 1 : i32
      %mul3A_288 = arith.muli %scan3A_286, %mul3A_287 : i32
      %add3A_289 = arith.constant 0 : i32
      %add3A_290 = arith.addi %add3A_289, %mul3A_288 : i32
      %mul3A_291 = arith.constant 16 : i32
      %mul3A_292 = arith.muli %add3A_290, %mul3A_291 : i32
      %get3A_293 = arith.index_cast %mul3A_292 : i32 to index
      %get3A_294 = tpu.vector_load %arg5[%get3A_293] {strides = array<i32>} : memref<10240xf32, #tpu.memory_space<vmem>>, vector<16xf32>,
      %get3A_295 = arith.index_cast %mul3A_292 : i32 to index
      %get3A_296 = tpu.vector_load %arg7[%get3A_295] {strides = array<i32>} : memref<640xf32, #tpu.memory_space<vmem>>, vector<16xf32>,
      %add3A_297 = arith.addf %get3A_294, %get3A_296 : vector<16xf32>
      %swap3A_298 = arith.index_cast %mul3A_292 : i32 to index
      %swap3A_299 = tpu.vector_load %arg5[%swap3A_298] {strides = array<i32>} : memref<10240xf32, #tpu.memory_space<vmem>>, vector<16xf32>,
      tpu.vector_store %arg5[%swap3A_298], %add3A_297 {strides = array<i32>} : memref<10240xf32, #tpu.memory_space<vmem>>, vector<16xf32>,
    }
    %scan3A_82 = arith.constant 40 : i32
    %mul3A_83 = arith.constant 640 : i32
    %mul3A_84 = arith.muli %arg1, %mul3A_83 : i32
    %add3A_85 = arith.constant 61440 : i32
    %add3A_86 = arith.addi %add3A_85, %mul3A_84 : i32
    "tpu.region"() ({
      %run_scoped3A = tpu.sem_alloc : memref<!tpu.dma_semaphore, #tpu.memory_space<semaphore_mem>>
      %dma_start3A = tpu.memref_slice %arg4[%add3A_86] : memref<163840xf32, #tpu.memory_space<vmem_shared>> -> memref<640xf32, #tpu.memory_space<vmem_shared>>
      %dma_start3A_182 = tpu.memref_slice %arg4[%add3A_86] : memref<163840xf32, #tpu.memory_space<vmem_shared>> -> memref<640xf32, #tpu.memory_space<vmem_shared>>
      tpu.enqueue_dma source(%dma_start3A_182 : memref<640xf32, #tpu.memory_space<vmem_shared>>) target(%arg7 : memref<640xf32, #tpu.memory_space<vmem>>) target_semaphore(%run_scoped3A : memref<!tpu.dma_semaphore, #tpu.memory_space<semaphore_mem>>)
      %dma_wait3A = tpu.memref_slice %arg4[%add3A_86] : memref<163840xf32, #tpu.memory_space<vmem_shared>> -> memref<640xf32, #tpu.memory_space<vmem_shared>>
      %dma_wait3A_183 = tpu.memref_slice %arg4[%add3A_86] : memref<163840xf32, #tpu.memory_space<vmem_shared>> -> memref<640xf32, #tpu.memory_space<vmem_shared>>
      tpu.wait_dma2 semaphore(%run_scoped3A : memref<!tpu.dma_semaphore, #tpu.memory_space<semaphore_mem>>) src(%dma_wait3A_183 : memref<640xf32, #tpu.memory_space<vmem_shared>>) dst(%arg7 : memref<640xf32, #tpu.memory_space<vmem>>)
      tpu.yield
    }) : () -> ()
    %scan3A_87 = arith.constant 0 : i32
    %scan3A_88 = arith.constant 40 : i32
    %scan3A_89 = arith.addi %scan3A_87, %scan3A_88 : i32
    %scan3A_90 = arith.constant 8 : i32
    scf.for %scan3A_182 = %scan3A_87 to %scan3A_89 step %scan3A_90  : i32 {
      %mul3A_183 = arith.constant 1 : i32
      %mul3A_184 = arith.muli %scan3A_182, %mul3A_183 : i32
      %add3A_185 = arith.constant 0 : i32
      %add3A_186 = arith.addi %add3A_185, %mul3A_184 : i32
      %mul3A_187 = arith.constant 16 : i32
      %mul3A_188 = arith.muli %add3A_186, %mul3A_187 : i32
      %get3A_189 = arith.index_cast %mul3A_188 : i32 to index
      %get3A_190 = tpu.vector_load %arg5[%get3A_189] {strides = array<i32>} : memref<10240xf32, #tpu.memory_space<vmem>>, vector<16xf32>,
      %get3A_191 = arith.index_cast %mul3A_188 : i32 to index
      %get3A_192 = tpu.vector_load %arg7[%get3A_191] {strides = array<i32>} : memref<640xf32, #tpu.memory_space<vmem>>, vector<16xf32>,
      %add3A_193 = arith.addf %get3A_190, %get3A_192 : vector<16xf32>
      %swap3A = arith.index_cast %mul3A_188 : i32 to index
      %swap3A_194 = tpu.vector_load %arg5[%swap3A] {strides = array<i32>} : memref<10240xf32, #tpu.memory_space<vmem>>, vector<16xf32>,
      tpu.vector_store %arg5[%swap3A], %add3A_193 {strides = array<i32>} : memref<10240xf32, #tpu.memory_space<vmem>>, vector<16xf32>,
      %scan3A_195 = arith.constant 1 : i32
      %scan3A_196 = arith.addi %scan3A_182, %scan3A_195 : i32
      %mul3A_197 = arith.constant 1 : i32
      %mul3A_198 = arith.muli %scan3A_196, %mul3A_197 : i32
      %add3A_199 = arith.constant 0 : i32
      %add3A_200 = arith.addi %add3A_199, %mul3A_198 : i32
      %mul3A_201 = arith.constant 16 : i32
      %mul3A_202 = arith.muli %add3A_200, %mul3A_201 : i32
      %get3A_203 = arith.index_cast %mul3A_202 : i32 to index
      %get3A_204 = tpu.vector_load %arg5[%get3A_203] {strides = array<i32>} : memref<10240xf32, #tpu.memory_space<vmem>>, vector<16xf32>,
      %get3A_205 = arith.index_cast %mul3A_202 : i32 to index
      %get3A_206 = tpu.vector_load %arg7[%get3A_205] {strides = array<i32>} : memref<640xf32, #tpu.memory_space<vmem>>, vector<16xf32>,
      %add3A_207 = arith.addf %get3A_204, %get3A_206 : vector<16xf32>
      %swap3A_208 = arith.index_cast %mul3A_202 : i32 to index
      %swap3A_209 = tpu.vector_load %arg5[%swap3A_208] {strides = array<i32>} : memref<10240xf32, #tpu.memory_space<vmem>>, vector<16xf32>,
      tpu.vector_store %arg5[%swap3A_208], %add3A_207 {strides = array<i32>} : memref<10240xf32, #tpu.memory_space<vmem>>, vector<16xf32>,
      %scan3A_210 = arith.constant 2 : i32
      %scan3A_211 = arith.addi %scan3A_182, %scan3A_210 : i32
      %mul3A_212 = arith.constant 1 : i32
      %mul3A_213 = arith.muli %scan3A_211, %mul3A_212 : i32
      %add3A_214 = arith.constant 0 : i32
      %add3A_215 = arith.addi %add3A_214, %mul3A_213 : i32
      %mul3A_216 = arith.constant 16 : i32
      %mul3A_217 = arith.muli %add3A_215, %mul3A_216 : i32
      %get3A_218 = arith.index_cast %mul3A_217 : i32 to index
      %get3A_219 = tpu.vector_load %arg5[%get3A_218] {strides = array<i32>} : memref<10240xf32, #tpu.memory_space<vmem>>, vector<16xf32>,
      %get3A_220 = arith.index_cast %mul3A_217 : i32 to index
      %get3A_221 = tpu.vector_load %arg7[%get3A_220] {strides = array<i32>} : memref<640xf32, #tpu.memory_space<vmem>>, vector<16xf32>,
      %add3A_222 = arith.addf %get3A_219, %get3A_221 : vector<16xf32>
      %swap3A_223 = arith.index_cast %mul3A_217 : i32 to index
      %swap3A_224 = tpu.vector_load %arg5[%swap3A_223] {strides = array<i32>} : memref<10240xf32, #tpu.memory_space<vmem>>, vector<16xf32>,
      tpu.vector_store %arg5[%swap3A_223], %add3A_222 {strides = array<i32>} : memref<10240xf32, #tpu.memory_space<vmem>>, vector<16xf32>,
      %scan3A_225 = arith.constant 3 : i32
      %scan3A_226 = arith.addi %scan3A_182, %scan3A_225 : i32
      %mul3A_227 = arith.constant 1 : i32
      %mul3A_228 = arith.muli %scan3A_226, %mul3A_227 : i32
      %add3A_229 = arith.constant 0 : i32
      %add3A_230 = arith.addi %add3A_229, %mul3A_228 : i32
      %mul3A_231 = arith.constant 16 : i32
      %mul3A_232 = arith.muli %add3A_230, %mul3A_231 : i32
      %get3A_233 = arith.index_cast %mul3A_232 : i32 to index
      %get3A_234 = tpu.vector_load %arg5[%get3A_233] {strides = array<i32>} : memref<10240xf32, #tpu.memory_space<vmem>>, vector<16xf32>,
      %get3A_235 = arith.index_cast %mul3A_232 : i32 to index
      %get3A_236 = tpu.vector_load %arg7[%get3A_235] {strides = array<i32>} : memref<640xf32, #tpu.memory_space<vmem>>, vector<16xf32>,
      %add3A_237 = arith.addf %get3A_234, %get3A_236 : vector<16xf32>
      %swap3A_238 = arith.index_cast %mul3A_232 : i32 to index
      %swap3A_239 = tpu.vector_load %arg5[%swap3A_238] {strides = array<i32>} : memref<10240xf32, #tpu.memory_space<vmem>>, vector<16xf32>,
      tpu.vector_store %arg5[%swap3A_238], %add3A_237 {strides = array<i32>} : memref<10240xf32, #tpu.memory_space<vmem>>, vector<16xf32>,
      %scan3A_240 = arith.constant 4 : i32
      %scan3A_241 = arith.addi %scan3A_182, %scan3A_240 : i32
      %mul3A_242 = arith.constant 1 : i32
      %mul3A_243 = arith.muli %scan3A_241, %mul3A_242 : i32
      %add3A_244 = arith.constant 0 : i32
      %add3A_245 = arith.addi %add3A_244, %mul3A_243 : i32
      %mul3A_246 = arith.constant 16 : i32
      %mul3A_247 = arith.muli %add3A_245, %mul3A_246 : i32
      %get3A_248 = arith.index_cast %mul3A_247 : i32 to index
      %get3A_249 = tpu.vector_load %arg5[%get3A_248] {strides = array<i32>} : memref<10240xf32, #tpu.memory_space<vmem>>, vector<16xf32>,
      %get3A_250 = arith.index_cast %mul3A_247 : i32 to index
      %get3A_251 = tpu.vector_load %arg7[%get3A_250] {strides = array<i32>} : memref<640xf32, #tpu.memory_space<vmem>>, vector<16xf32>,
      %add3A_252 = arith.addf %get3A_249, %get3A_251 : vector<16xf32>
      %swap3A_253 = arith.index_cast %mul3A_247 : i32 to index
      %swap3A_254 = tpu.vector_load %arg5[%swap3A_253] {strides = array<i32>} : memref<10240xf32, #tpu.memory_space<vmem>>, vector<16xf32>,
      tpu.vector_store %arg5[%swap3A_253], %add3A_252 {strides = array<i32>} : memref<10240xf32, #tpu.memory_space<vmem>>, vector<16xf32>,
      %scan3A_255 = arith.constant 5 : i32
      %scan3A_256 = arith.addi %scan3A_182, %scan3A_255 : i32
      %mul3A_257 = arith.constant 1 : i32
      %mul3A_258 = arith.muli %scan3A_256, %mul3A_257 : i32
      %add3A_259 = arith.constant 0 : i32
      %add3A_260 = arith.addi %add3A_259, %mul3A_258 : i32
      %mul3A_261 = arith.constant 16 : i32
      %mul3A_262 = arith.muli %add3A_260, %mul3A_261 : i32
      %get3A_263 = arith.index_cast %mul3A_262 : i32 to index
      %get3A_264 = tpu.vector_load %arg5[%get3A_263] {strides = array<i32>} : memref<10240xf32, #tpu.memory_space<vmem>>, vector<16xf32>,
      %get3A_265 = arith.index_cast %mul3A_262 : i32 to index
      %get3A_266 = tpu.vector_load %arg7[%get3A_265] {strides = array<i32>} : memref<640xf32, #tpu.memory_space<vmem>>, vector<16xf32>,
      %add3A_267 = arith.addf %get3A_264, %get3A_266 : vector<16xf32>
      %swap3A_268 = arith.index_cast %mul3A_262 : i32 to index
      %swap3A_269 = tpu.vector_load %arg5[%swap3A_268] {strides = array<i32>} : memref<10240xf32, #tpu.memory_space<vmem>>, vector<16xf32>,
      tpu.vector_store %arg5[%swap3A_268], %add3A_267 {strides = array<i32>} : memref<10240xf32, #tpu.memory_space<vmem>>, vector<16xf32>,
      %scan3A_270 = arith.constant 6 : i32
      %scan3A_271 = arith.addi %scan3A_182, %scan3A_270 : i32
      %mul3A_272 = arith.constant 1 : i32
      %mul3A_273 = arith.muli %scan3A_271, %mul3A_272 : i32
      %add3A_274 = arith.constant 0 : i32
      %add3A_275 = arith.addi %add3A_274, %mul3A_273 : i32
      %mul3A_276 = arith.constant 16 : i32
      %mul3A_277 = arith.muli %add3A_275, %mul3A_276 : i32
      %get3A_278 = arith.index_cast %mul3A_277 : i32 to index
      %get3A_279 = tpu.vector_load %arg5[%get3A_278] {strides = array<i32>} : memref<10240xf32, #tpu.memory_space<vmem>>, vector<16xf32>,
      %get3A_280 = arith.index_cast %mul3A_277 : i32 to index
      %get3A_281 = tpu.vector_load %arg7[%get3A_280] {strides = array<i32>} : memref<640xf32, #tpu.memory_space<vmem>>, vector<16xf32>,
      %add3A_282 = arith.addf %get3A_279, %get3A_281 : vector<16xf32>
      %swap3A_283 = arith.index_cast %mul3A_277 : i32 to index
      %swap3A_284 = tpu.vector_load %arg5[%swap3A_283] {strides = array<i32>} : memref<10240xf32, #tpu.memory_space<vmem>>, vector<16xf32>,
      tpu.vector_store %arg5[%swap3A_283], %add3A_282 {strides = array<i32>} : memref<10240xf32, #tpu.memory_space<vmem>>, vector<16xf32>,
      %scan3A_285 = arith.constant 7 : i32
      %scan3A_286 = arith.addi %scan3A_182, %scan3A_285 : i32
      %mul3A_287 = arith.constant 1 : i32
      %mul3A_288 = arith.muli %scan3A_286, %mul3A_287 : i32
      %add3A_289 = arith.constant 0 : i32
      %add3A_290 = arith.addi %add3A_289, %mul3A_288 : i32
      %mul3A_291 = arith.constant 16 : i32
      %mul3A_292 = arith.muli %add3A_290, %mul3A_291 : i32
      %get3A_293 = arith.index_cast %mul3A_292 : i32 to index
      %get3A_294 = tpu.vector_load %arg5[%get3A_293] {strides = array<i32>} : memref<10240xf32, #tpu.memory_space<vmem>>, vector<16xf32>,
      %get3A_295 = arith.index_cast %mul3A_292 : i32 to index
      %get3A_296 = tpu.vector_load %arg7[%get3A_295] {strides = array<i32>} : memref<640xf32, #tpu.memory_space<vmem>>, vector<16xf32>,
      %add3A_297 = arith.addf %get3A_294, %get3A_296 : vector<16xf32>
      %swap3A_298 = arith.index_cast %mul3A_292 : i32 to index
      %swap3A_299 = tpu.vector_load %arg5[%swap3A_298] {strides = array<i32>} : memref<10240xf32, #tpu.memory_space<vmem>>, vector<16xf32>,
      tpu.vector_store %arg5[%swap3A_298], %add3A_297 {strides = array<i32>} : memref<10240xf32, #tpu.memory_space<vmem>>, vector<16xf32>,
    }
    %scan3A_91 = arith.constant 40 : i32
    %mul3A_92 = arith.constant 640 : i32
    %mul3A_93 = arith.muli %arg1, %mul3A_92 : i32
    %add3A_94 = arith.constant 71680 : i32
    %add3A_95 = arith.addi %add3A_94, %mul3A_93 : i32
    "tpu.region"() ({
      %run_scoped3A = tpu.sem_alloc : memref<!tpu.dma_semaphore, #tpu.memory_space<semaphore_mem>>
      %dma_start3A = tpu.memref_slice %arg4[%add3A_95] : memref<163840xf32, #tpu.memory_space<vmem_shared>> -> memref<640xf32, #tpu.memory_space<vmem_shared>>
      %dma_start3A_182 = tpu.memref_slice %arg4[%add3A_95] : memref<163840xf32, #tpu.memory_space<vmem_shared>> -> memref<640xf32, #tpu.memory_space<vmem_shared>>
      tpu.enqueue_dma source(%dma_start3A_182 : memref<640xf32, #tpu.memory_space<vmem_shared>>) target(%arg7 : memref<640xf32, #tpu.memory_space<vmem>>) target_semaphore(%run_scoped3A : memref<!tpu.dma_semaphore, #tpu.memory_space<semaphore_mem>>)
      %dma_wait3A = tpu.memref_slice %arg4[%add3A_95] : memref<163840xf32, #tpu.memory_space<vmem_shared>> -> memref<640xf32, #tpu.memory_space<vmem_shared>>
      %dma_wait3A_183 = tpu.memref_slice %arg4[%add3A_95] : memref<163840xf32, #tpu.memory_space<vmem_shared>> -> memref<640xf32, #tpu.memory_space<vmem_shared>>
      tpu.wait_dma2 semaphore(%run_scoped3A : memref<!tpu.dma_semaphore, #tpu.memory_space<semaphore_mem>>) src(%dma_wait3A_183 : memref<640xf32, #tpu.memory_space<vmem_shared>>) dst(%arg7 : memref<640xf32, #tpu.memory_space<vmem>>)
      tpu.yield
    }) : () -> ()
    %scan3A_96 = arith.constant 0 : i32
    %scan3A_97 = arith.constant 40 : i32
    %scan3A_98 = arith.addi %scan3A_96, %scan3A_97 : i32
    %scan3A_99 = arith.constant 8 : i32
    scf.for %scan3A_182 = %scan3A_96 to %scan3A_98 step %scan3A_99  : i32 {
      %mul3A_183 = arith.constant 1 : i32
      %mul3A_184 = arith.muli %scan3A_182, %mul3A_183 : i32
      %add3A_185 = arith.constant 0 : i32
      %add3A_186 = arith.addi %add3A_185, %mul3A_184 : i32
      %mul3A_187 = arith.constant 16 : i32
      %mul3A_188 = arith.muli %add3A_186, %mul3A_187 : i32
      %get3A_189 = arith.index_cast %mul3A_188 : i32 to index
      %get3A_190 = tpu.vector_load %arg5[%get3A_189] {strides = array<i32>} : memref<10240xf32, #tpu.memory_space<vmem>>, vector<16xf32>,
      %get3A_191 = arith.index_cast %mul3A_188 : i32 to index
      %get3A_192 = tpu.vector_load %arg7[%get3A_191] {strides = array<i32>} : memref<640xf32, #tpu.memory_space<vmem>>, vector<16xf32>,
      %add3A_193 = arith.addf %get3A_190, %get3A_192 : vector<16xf32>
      %swap3A = arith.index_cast %mul3A_188 : i32 to index
      %swap3A_194 = tpu.vector_load %arg5[%swap3A] {strides = array<i32>} : memref<10240xf32, #tpu.memory_space<vmem>>, vector<16xf32>,
      tpu.vector_store %arg5[%swap3A], %add3A_193 {strides = array<i32>} : memref<10240xf32, #tpu.memory_space<vmem>>, vector<16xf32>,
      %scan3A_195 = arith.constant 1 : i32
      %scan3A_196 = arith.addi %scan3A_182, %scan3A_195 : i32
      %mul3A_197 = arith.constant 1 : i32
      %mul3A_198 = arith.muli %scan3A_196, %mul3A_197 : i32
      %add3A_199 = arith.constant 0 : i32
      %add3A_200 = arith.addi %add3A_199, %mul3A_198 : i32
      %mul3A_201 = arith.constant 16 : i32
      %mul3A_202 = arith.muli %add3A_200, %mul3A_201 : i32
      %get3A_203 = arith.index_cast %mul3A_202 : i32 to index
      %get3A_204 = tpu.vector_load %arg5[%get3A_203] {strides = array<i32>} : memref<10240xf32, #tpu.memory_space<vmem>>, vector<16xf32>,
      %get3A_205 = arith.index_cast %mul3A_202 : i32 to index
      %get3A_206 = tpu.vector_load %arg7[%get3A_205] {strides = array<i32>} : memref<640xf32, #tpu.memory_space<vmem>>, vector<16xf32>,
      %add3A_207 = arith.addf %get3A_204, %get3A_206 : vector<16xf32>
      %swap3A_208 = arith.index_cast %mul3A_202 : i32 to index
      %swap3A_209 = tpu.vector_load %arg5[%swap3A_208] {strides = array<i32>} : memref<10240xf32, #tpu.memory_space<vmem>>, vector<16xf32>,
      tpu.vector_store %arg5[%swap3A_208], %add3A_207 {strides = array<i32>} : memref<10240xf32, #tpu.memory_space<vmem>>, vector<16xf32>,
      %scan3A_210 = arith.constant 2 : i32
      %scan3A_211 = arith.addi %scan3A_182, %scan3A_210 : i32
      %mul3A_212 = arith.constant 1 : i32
      %mul3A_213 = arith.muli %scan3A_211, %mul3A_212 : i32
      %add3A_214 = arith.constant 0 : i32
      %add3A_215 = arith.addi %add3A_214, %mul3A_213 : i32
      %mul3A_216 = arith.constant 16 : i32
      %mul3A_217 = arith.muli %add3A_215, %mul3A_216 : i32
      %get3A_218 = arith.index_cast %mul3A_217 : i32 to index
      %get3A_219 = tpu.vector_load %arg5[%get3A_218] {strides = array<i32>} : memref<10240xf32, #tpu.memory_space<vmem>>, vector<16xf32>,
      %get3A_220 = arith.index_cast %mul3A_217 : i32 to index
      %get3A_221 = tpu.vector_load %arg7[%get3A_220] {strides = array<i32>} : memref<640xf32, #tpu.memory_space<vmem>>, vector<16xf32>,
      %add3A_222 = arith.addf %get3A_219, %get3A_221 : vector<16xf32>
      %swap3A_223 = arith.index_cast %mul3A_217 : i32 to index
      %swap3A_224 = tpu.vector_load %arg5[%swap3A_223] {strides = array<i32>} : memref<10240xf32, #tpu.memory_space<vmem>>, vector<16xf32>,
      tpu.vector_store %arg5[%swap3A_223], %add3A_222 {strides = array<i32>} : memref<10240xf32, #tpu.memory_space<vmem>>, vector<16xf32>,
      %scan3A_225 = arith.constant 3 : i32
      %scan3A_226 = arith.addi %scan3A_182, %scan3A_225 : i32
      %mul3A_227 = arith.constant 1 : i32
      %mul3A_228 = arith.muli %scan3A_226, %mul3A_227 : i32
      %add3A_229 = arith.constant 0 : i32
      %add3A_230 = arith.addi %add3A_229, %mul3A_228 : i32
      %mul3A_231 = arith.constant 16 : i32
      %mul3A_232 = arith.muli %add3A_230, %mul3A_231 : i32
      %get3A_233 = arith.index_cast %mul3A_232 : i32 to index
      %get3A_234 = tpu.vector_load %arg5[%get3A_233] {strides = array<i32>} : memref<10240xf32, #tpu.memory_space<vmem>>, vector<16xf32>,
      %get3A_235 = arith.index_cast %mul3A_232 : i32 to index
      %get3A_236 = tpu.vector_load %arg7[%get3A_235] {strides = array<i32>} : memref<640xf32, #tpu.memory_space<vmem>>, vector<16xf32>,
      %add3A_237 = arith.addf %get3A_234, %get3A_236 : vector<16xf32>
      %swap3A_238 = arith.index_cast %mul3A_232 : i32 to index
      %swap3A_239 = tpu.vector_load %arg5[%swap3A_238] {strides = array<i32>} : memref<10240xf32, #tpu.memory_space<vmem>>, vector<16xf32>,
      tpu.vector_store %arg5[%swap3A_238], %add3A_237 {strides = array<i32>} : memref<10240xf32, #tpu.memory_space<vmem>>, vector<16xf32>,
      %scan3A_240 = arith.constant 4 : i32
      %scan3A_241 = arith.addi %scan3A_182, %scan3A_240 : i32
      %mul3A_242 = arith.constant 1 : i32
      %mul3A_243 = arith.muli %scan3A_241, %mul3A_242 : i32
      %add3A_244 = arith.constant 0 : i32
      %add3A_245 = arith.addi %add3A_244, %mul3A_243 : i32
      %mul3A_246 = arith.constant 16 : i32
      %mul3A_247 = arith.muli %add3A_245, %mul3A_246 : i32
      %get3A_248 = arith.index_cast %mul3A_247 : i32 to index
      %get3A_249 = tpu.vector_load %arg5[%get3A_248] {strides = array<i32>} : memref<10240xf32, #tpu.memory_space<vmem>>, vector<16xf32>,
      %get3A_250 = arith.index_cast %mul3A_247 : i32 to index
      %get3A_251 = tpu.vector_load %arg7[%get3A_250] {strides = array<i32>} : memref<640xf32, #tpu.memory_space<vmem>>, vector<16xf32>,
      %add3A_252 = arith.addf %get3A_249, %get3A_251 : vector<16xf32>
      %swap3A_253 = arith.index_cast %mul3A_247 : i32 to index
      %swap3A_254 = tpu.vector_load %arg5[%swap3A_253] {strides = array<i32>} : memref<10240xf32, #tpu.memory_space<vmem>>, vector<16xf32>,
      tpu.vector_store %arg5[%swap3A_253], %add3A_252 {strides = array<i32>} : memref<10240xf32, #tpu.memory_space<vmem>>, vector<16xf32>,
      %scan3A_255 = arith.constant 5 : i32
      %scan3A_256 = arith.addi %scan3A_182, %scan3A_255 : i32
      %mul3A_257 = arith.constant 1 : i32
      %mul3A_258 = arith.muli %scan3A_256, %mul3A_257 : i32
      %add3A_259 = arith.constant 0 : i32
      %add3A_260 = arith.addi %add3A_259, %mul3A_258 : i32
      %mul3A_261 = arith.constant 16 : i32
      %mul3A_262 = arith.muli %add3A_260, %mul3A_261 : i32
      %get3A_263 = arith.index_cast %mul3A_262 : i32 to index
      %get3A_264 = tpu.vector_load %arg5[%get3A_263] {strides = array<i32>} : memref<10240xf32, #tpu.memory_space<vmem>>, vector<16xf32>,
      %get3A_265 = arith.index_cast %mul3A_262 : i32 to index
      %get3A_266 = tpu.vector_load %arg7[%get3A_265] {strides = array<i32>} : memref<640xf32, #tpu.memory_space<vmem>>, vector<16xf32>,
      %add3A_267 = arith.addf %get3A_264, %get3A_266 : vector<16xf32>
      %swap3A_268 = arith.index_cast %mul3A_262 : i32 to index
      %swap3A_269 = tpu.vector_load %arg5[%swap3A_268] {strides = array<i32>} : memref<10240xf32, #tpu.memory_space<vmem>>, vector<16xf32>,
      tpu.vector_store %arg5[%swap3A_268], %add3A_267 {strides = array<i32>} : memref<10240xf32, #tpu.memory_space<vmem>>, vector<16xf32>,
      %scan3A_270 = arith.constant 6 : i32
      %scan3A_271 = arith.addi %scan3A_182, %scan3A_270 : i32
      %mul3A_272 = arith.constant 1 : i32
      %mul3A_273 = arith.muli %scan3A_271, %mul3A_272 : i32
      %add3A_274 = arith.constant 0 : i32
      %add3A_275 = arith.addi %add3A_274, %mul3A_273 : i32
      %mul3A_276 = arith.constant 16 : i32
      %mul3A_277 = arith.muli %add3A_275, %mul3A_276 : i32
      %get3A_278 = arith.index_cast %mul3A_277 : i32 to index
      %get3A_279 = tpu.vector_load %arg5[%get3A_278] {strides = array<i32>} : memref<10240xf32, #tpu.memory_space<vmem>>, vector<16xf32>,
      %get3A_280 = arith.index_cast %mul3A_277 : i32 to index
      %get3A_281 = tpu.vector_load %arg7[%get3A_280] {strides = array<i32>} : memref<640xf32, #tpu.memory_space<vmem>>, vector<16xf32>,
      %add3A_282 = arith.addf %get3A_279, %get3A_281 : vector<16xf32>
      %swap3A_283 = arith.index_cast %mul3A_277 : i32 to index
      %swap3A_284 = tpu.vector_load %arg5[%swap3A_283] {strides = array<i32>} : memref<10240xf32, #tpu.memory_space<vmem>>, vector<16xf32>,
      tpu.vector_store %arg5[%swap3A_283], %add3A_282 {strides = array<i32>} : memref<10240xf32, #tpu.memory_space<vmem>>, vector<16xf32>,
      %scan3A_285 = arith.constant 7 : i32
      %scan3A_286 = arith.addi %scan3A_182, %scan3A_285 : i32
      %mul3A_287 = arith.constant 1 : i32
      %mul3A_288 = arith.muli %scan3A_286, %mul3A_287 : i32
      %add3A_289 = arith.constant 0 : i32
      %add3A_290 = arith.addi %add3A_289, %mul3A_288 : i32
      %mul3A_291 = arith.constant 16 : i32
      %mul3A_292 = arith.muli %add3A_290, %mul3A_291 : i32
      %get3A_293 = arith.index_cast %mul3A_292 : i32 to index
      %get3A_294 = tpu.vector_load %arg5[%get3A_293] {strides = array<i32>} : memref<10240xf32, #tpu.memory_space<vmem>>, vector<16xf32>,
      %get3A_295 = arith.index_cast %mul3A_292 : i32 to index
      %get3A_296 = tpu.vector_load %arg7[%get3A_295] {strides = array<i32>} : memref<640xf32, #tpu.memory_space<vmem>>, vector<16xf32>,
      %add3A_297 = arith.addf %get3A_294, %get3A_296 : vector<16xf32>
      %swap3A_298 = arith.index_cast %mul3A_292 : i32 to index
      %swap3A_299 = tpu.vector_load %arg5[%swap3A_298] {strides = array<i32>} : memref<10240xf32, #tpu.memory_space<vmem>>, vector<16xf32>,
      tpu.vector_store %arg5[%swap3A_298], %add3A_297 {strides = array<i32>} : memref<10240xf32, #tpu.memory_space<vmem>>, vector<16xf32>,
    }
    %scan3A_100 = arith.constant 40 : i32
    %mul3A_101 = arith.constant 640 : i32
    %mul3A_102 = arith.muli %arg1, %mul3A_101 : i32
    %add3A_103 = arith.constant 81920 : i32
    %add3A_104 = arith.addi %add3A_103, %mul3A_102 : i32
    "tpu.region"() ({
      %run_scoped3A = tpu.sem_alloc : memref<!tpu.dma_semaphore, #tpu.memory_space<semaphore_mem>>
      %dma_start3A = tpu.memref_slice %arg4[%add3A_104] : memref<163840xf32, #tpu.memory_space<vmem_shared>> -> memref<640xf32, #tpu.memory_space<vmem_shared>>
      %dma_start3A_182 = tpu.memref_slice %arg4[%add3A_104] : memref<163840xf32, #tpu.memory_space<vmem_shared>> -> memref<640xf32, #tpu.memory_space<vmem_shared>>
      tpu.enqueue_dma source(%dma_start3A_182 : memref<640xf32, #tpu.memory_space<vmem_shared>>) target(%arg7 : memref<640xf32, #tpu.memory_space<vmem>>) target_semaphore(%run_scoped3A : memref<!tpu.dma_semaphore, #tpu.memory_space<semaphore_mem>>)
      %dma_wait3A = tpu.memref_slice %arg4[%add3A_104] : memref<163840xf32, #tpu.memory_space<vmem_shared>> -> memref<640xf32, #tpu.memory_space<vmem_shared>>
      %dma_wait3A_183 = tpu.memref_slice %arg4[%add3A_104] : memref<163840xf32, #tpu.memory_space<vmem_shared>> -> memref<640xf32, #tpu.memory_space<vmem_shared>>
      tpu.wait_dma2 semaphore(%run_scoped3A : memref<!tpu.dma_semaphore, #tpu.memory_space<semaphore_mem>>) src(%dma_wait3A_183 : memref<640xf32, #tpu.memory_space<vmem_shared>>) dst(%arg7 : memref<640xf32, #tpu.memory_space<vmem>>)
      tpu.yield
    }) : () -> ()
    %scan3A_105 = arith.constant 0 : i32
    %scan3A_106 = arith.constant 40 : i32
    %scan3A_107 = arith.addi %scan3A_105, %scan3A_106 : i32
    %scan3A_108 = arith.constant 8 : i32
    scf.for %scan3A_182 = %scan3A_105 to %scan3A_107 step %scan3A_108  : i32 {
      %mul3A_183 = arith.constant 1 : i32
      %mul3A_184 = arith.muli %scan3A_182, %mul3A_183 : i32
      %add3A_185 = arith.constant 0 : i32
      %add3A_186 = arith.addi %add3A_185, %mul3A_184 : i32
      %mul3A_187 = arith.constant 16 : i32
      %mul3A_188 = arith.muli %add3A_186, %mul3A_187 : i32
      %get3A_189 = arith.index_cast %mul3A_188 : i32 to index
      %get3A_190 = tpu.vector_load %arg5[%get3A_189] {strides = array<i32>} : memref<10240xf32, #tpu.memory_space<vmem>>, vector<16xf32>,
      %get3A_191 = arith.index_cast %mul3A_188 : i32 to index
      %get3A_192 = tpu.vector_load %arg7[%get3A_191] {strides = array<i32>} : memref<640xf32, #tpu.memory_space<vmem>>, vector<16xf32>,
      %add3A_193 = arith.addf %get3A_190, %get3A_192 : vector<16xf32>
      %swap3A = arith.index_cast %mul3A_188 : i32 to index
      %swap3A_194 = tpu.vector_load %arg5[%swap3A] {strides = array<i32>} : memref<10240xf32, #tpu.memory_space<vmem>>, vector<16xf32>,
      tpu.vector_store %arg5[%swap3A], %add3A_193 {strides = array<i32>} : memref<10240xf32, #tpu.memory_space<vmem>>, vector<16xf32>,
      %scan3A_195 = arith.constant 1 : i32
      %scan3A_196 = arith.addi %scan3A_182, %scan3A_195 : i32
      %mul3A_197 = arith.constant 1 : i32
      %mul3A_198 = arith.muli %scan3A_196, %mul3A_197 : i32
      %add3A_199 = arith.constant 0 : i32
      %add3A_200 = arith.addi %add3A_199, %mul3A_198 : i32
      %mul3A_201 = arith.constant 16 : i32
      %mul3A_202 = arith.muli %add3A_200, %mul3A_201 : i32
      %get3A_203 = arith.index_cast %mul3A_202 : i32 to index
      %get3A_204 = tpu.vector_load %arg5[%get3A_203] {strides = array<i32>} : memref<10240xf32, #tpu.memory_space<vmem>>, vector<16xf32>,
      %get3A_205 = arith.index_cast %mul3A_202 : i32 to index
      %get3A_206 = tpu.vector_load %arg7[%get3A_205] {strides = array<i32>} : memref<640xf32, #tpu.memory_space<vmem>>, vector<16xf32>,
      %add3A_207 = arith.addf %get3A_204, %get3A_206 : vector<16xf32>
      %swap3A_208 = arith.index_cast %mul3A_202 : i32 to index
      %swap3A_209 = tpu.vector_load %arg5[%swap3A_208] {strides = array<i32>} : memref<10240xf32, #tpu.memory_space<vmem>>, vector<16xf32>,
      tpu.vector_store %arg5[%swap3A_208], %add3A_207 {strides = array<i32>} : memref<10240xf32, #tpu.memory_space<vmem>>, vector<16xf32>,
      %scan3A_210 = arith.constant 2 : i32
      %scan3A_211 = arith.addi %scan3A_182, %scan3A_210 : i32
      %mul3A_212 = arith.constant 1 : i32
      %mul3A_213 = arith.muli %scan3A_211, %mul3A_212 : i32
      %add3A_214 = arith.constant 0 : i32
      %add3A_215 = arith.addi %add3A_214, %mul3A_213 : i32
      %mul3A_216 = arith.constant 16 : i32
      %mul3A_217 = arith.muli %add3A_215, %mul3A_216 : i32
      %get3A_218 = arith.index_cast %mul3A_217 : i32 to index
      %get3A_219 = tpu.vector_load %arg5[%get3A_218] {strides = array<i32>} : memref<10240xf32, #tpu.memory_space<vmem>>, vector<16xf32>,
      %get3A_220 = arith.index_cast %mul3A_217 : i32 to index
      %get3A_221 = tpu.vector_load %arg7[%get3A_220] {strides = array<i32>} : memref<640xf32, #tpu.memory_space<vmem>>, vector<16xf32>,
      %add3A_222 = arith.addf %get3A_219, %get3A_221 : vector<16xf32>
      %swap3A_223 = arith.index_cast %mul3A_217 : i32 to index
      %swap3A_224 = tpu.vector_load %arg5[%swap3A_223] {strides = array<i32>} : memref<10240xf32, #tpu.memory_space<vmem>>, vector<16xf32>,
      tpu.vector_store %arg5[%swap3A_223], %add3A_222 {strides = array<i32>} : memref<10240xf32, #tpu.memory_space<vmem>>, vector<16xf32>,
      %scan3A_225 = arith.constant 3 : i32
      %scan3A_226 = arith.addi %scan3A_182, %scan3A_225 : i32
      %mul3A_227 = arith.constant 1 : i32
      %mul3A_228 = arith.muli %scan3A_226, %mul3A_227 : i32
      %add3A_229 = arith.constant 0 : i32
      %add3A_230 = arith.addi %add3A_229, %mul3A_228 : i32
      %mul3A_231 = arith.constant 16 : i32
      %mul3A_232 = arith.muli %add3A_230, %mul3A_231 : i32
      %get3A_233 = arith.index_cast %mul3A_232 : i32 to index
      %get3A_234 = tpu.vector_load %arg5[%get3A_233] {strides = array<i32>} : memref<10240xf32, #tpu.memory_space<vmem>>, vector<16xf32>,
      %get3A_235 = arith.index_cast %mul3A_232 : i32 to index
      %get3A_236 = tpu.vector_load %arg7[%get3A_235] {strides = array<i32>} : memref<640xf32, #tpu.memory_space<vmem>>, vector<16xf32>,
      %add3A_237 = arith.addf %get3A_234, %get3A_236 : vector<16xf32>
      %swap3A_238 = arith.index_cast %mul3A_232 : i32 to index
      %swap3A_239 = tpu.vector_load %arg5[%swap3A_238] {strides = array<i32>} : memref<10240xf32, #tpu.memory_space<vmem>>, vector<16xf32>,
      tpu.vector_store %arg5[%swap3A_238], %add3A_237 {strides = array<i32>} : memref<10240xf32, #tpu.memory_space<vmem>>, vector<16xf32>,
      %scan3A_240 = arith.constant 4 : i32
      %scan3A_241 = arith.addi %scan3A_182, %scan3A_240 : i32
      %mul3A_242 = arith.constant 1 : i32
      %mul3A_243 = arith.muli %scan3A_241, %mul3A_242 : i32
      %add3A_244 = arith.constant 0 : i32
      %add3A_245 = arith.addi %add3A_244, %mul3A_243 : i32
      %mul3A_246 = arith.constant 16 : i32
      %mul3A_247 = arith.muli %add3A_245, %mul3A_246 : i32
      %get3A_248 = arith.index_cast %mul3A_247 : i32 to index
      %get3A_249 = tpu.vector_load %arg5[%get3A_248] {strides = array<i32>} : memref<10240xf32, #tpu.memory_space<vmem>>, vector<16xf32>,
      %get3A_250 = arith.index_cast %mul3A_247 : i32 to index
      %get3A_251 = tpu.vector_load %arg7[%get3A_250] {strides = array<i32>} : memref<640xf32, #tpu.memory_space<vmem>>, vector<16xf32>,
      %add3A_252 = arith.addf %get3A_249, %get3A_251 : vector<16xf32>
      %swap3A_253 = arith.index_cast %mul3A_247 : i32 to index
      %swap3A_254 = tpu.vector_load %arg5[%swap3A_253] {strides = array<i32>} : memref<10240xf32, #tpu.memory_space<vmem>>, vector<16xf32>,
      tpu.vector_store %arg5[%swap3A_253], %add3A_252 {strides = array<i32>} : memref<10240xf32, #tpu.memory_space<vmem>>, vector<16xf32>,
      %scan3A_255 = arith.constant 5 : i32
      %scan3A_256 = arith.addi %scan3A_182, %scan3A_255 : i32
      %mul3A_257 = arith.constant 1 : i32
      %mul3A_258 = arith.muli %scan3A_256, %mul3A_257 : i32
      %add3A_259 = arith.constant 0 : i32
      %add3A_260 = arith.addi %add3A_259, %mul3A_258 : i32
      %mul3A_261 = arith.constant 16 : i32
      %mul3A_262 = arith.muli %add3A_260, %mul3A_261 : i32
      %get3A_263 = arith.index_cast %mul3A_262 : i32 to index
      %get3A_264 = tpu.vector_load %arg5[%get3A_263] {strides = array<i32>} : memref<10240xf32, #tpu.memory_space<vmem>>, vector<16xf32>,
      %get3A_265 = arith.index_cast %mul3A_262 : i32 to index
      %get3A_266 = tpu.vector_load %arg7[%get3A_265] {strides = array<i32>} : memref<640xf32, #tpu.memory_space<vmem>>, vector<16xf32>,
      %add3A_267 = arith.addf %get3A_264, %get3A_266 : vector<16xf32>
      %swap3A_268 = arith.index_cast %mul3A_262 : i32 to index
      %swap3A_269 = tpu.vector_load %arg5[%swap3A_268] {strides = array<i32>} : memref<10240xf32, #tpu.memory_space<vmem>>, vector<16xf32>,
      tpu.vector_store %arg5[%swap3A_268], %add3A_267 {strides = array<i32>} : memref<10240xf32, #tpu.memory_space<vmem>>, vector<16xf32>,
      %scan3A_270 = arith.constant 6 : i32
      %scan3A_271 = arith.addi %scan3A_182, %scan3A_270 : i32
      %mul3A_272 = arith.constant 1 : i32
      %mul3A_273 = arith.muli %scan3A_271, %mul3A_272 : i32
      %add3A_274 = arith.constant 0 : i32
      %add3A_275 = arith.addi %add3A_274, %mul3A_273 : i32
      %mul3A_276 = arith.constant 16 : i32
      %mul3A_277 = arith.muli %add3A_275, %mul3A_276 : i32
      %get3A_278 = arith.index_cast %mul3A_277 : i32 to index
      %get3A_279 = tpu.vector_load %arg5[%get3A_278] {strides = array<i32>} : memref<10240xf32, #tpu.memory_space<vmem>>, vector<16xf32>,
      %get3A_280 = arith.index_cast %mul3A_277 : i32 to index
      %get3A_281 = tpu.vector_load %arg7[%get3A_280] {strides = array<i32>} : memref<640xf32, #tpu.memory_space<vmem>>, vector<16xf32>,
      %add3A_282 = arith.addf %get3A_279, %get3A_281 : vector<16xf32>
      %swap3A_283 = arith.index_cast %mul3A_277 : i32 to index
      %swap3A_284 = tpu.vector_load %arg5[%swap3A_283] {strides = array<i32>} : memref<10240xf32, #tpu.memory_space<vmem>>, vector<16xf32>,
      tpu.vector_store %arg5[%swap3A_283], %add3A_282 {strides = array<i32>} : memref<10240xf32, #tpu.memory_space<vmem>>, vector<16xf32>,
      %scan3A_285 = arith.constant 7 : i32
      %scan3A_286 = arith.addi %scan3A_182, %scan3A_285 : i32
      %mul3A_287 = arith.constant 1 : i32
      %mul3A_288 = arith.muli %scan3A_286, %mul3A_287 : i32
      %add3A_289 = arith.constant 0 : i32
      %add3A_290 = arith.addi %add3A_289, %mul3A_288 : i32
      %mul3A_291 = arith.constant 16 : i32
      %mul3A_292 = arith.muli %add3A_290, %mul3A_291 : i32
      %get3A_293 = arith.index_cast %mul3A_292 : i32 to index
      %get3A_294 = tpu.vector_load %arg5[%get3A_293] {strides = array<i32>} : memref<10240xf32, #tpu.memory_space<vmem>>, vector<16xf32>,
      %get3A_295 = arith.index_cast %mul3A_292 : i32 to index
      %get3A_296 = tpu.vector_load %arg7[%get3A_295] {strides = array<i32>} : memref<640xf32, #tpu.memory_space<vmem>>, vector<16xf32>,
      %add3A_297 = arith.addf %get3A_294, %get3A_296 : vector<16xf32>
      %swap3A_298 = arith.index_cast %mul3A_292 : i32 to index
      %swap3A_299 = tpu.vector_load %arg5[%swap3A_298] {strides = array<i32>} : memref<10240xf32, #tpu.memory_space<vmem>>, vector<16xf32>,
      tpu.vector_store %arg5[%swap3A_298], %add3A_297 {strides = array<i32>} : memref<10240xf32, #tpu.memory_space<vmem>>, vector<16xf32>,
    }
    %scan3A_109 = arith.constant 40 : i32
    %mul3A_110 = arith.constant 640 : i32
    %mul3A_111 = arith.muli %arg1, %mul3A_110 : i32
    %add3A_112 = arith.constant 92160 : i32
    %add3A_113 = arith.addi %add3A_112, %mul3A_111 : i32
    "tpu.region"() ({
      %run_scoped3A = tpu.sem_alloc : memref<!tpu.dma_semaphore, #tpu.memory_space<semaphore_mem>>
      %dma_start3A = tpu.memref_slice %arg4[%add3A_113] : memref<163840xf32, #tpu.memory_space<vmem_shared>> -> memref<640xf32, #tpu.memory_space<vmem_shared>>
      %dma_start3A_182 = tpu.memref_slice %arg4[%add3A_113] : memref<163840xf32, #tpu.memory_space<vmem_shared>> -> memref<640xf32, #tpu.memory_space<vmem_shared>>
      tpu.enqueue_dma source(%dma_start3A_182 : memref<640xf32, #tpu.memory_space<vmem_shared>>) target(%arg7 : memref<640xf32, #tpu.memory_space<vmem>>) target_semaphore(%run_scoped3A : memref<!tpu.dma_semaphore, #tpu.memory_space<semaphore_mem>>)
      %dma_wait3A = tpu.memref_slice %arg4[%add3A_113] : memref<163840xf32, #tpu.memory_space<vmem_shared>> -> memref<640xf32, #tpu.memory_space<vmem_shared>>
      %dma_wait3A_183 = tpu.memref_slice %arg4[%add3A_113] : memref<163840xf32, #tpu.memory_space<vmem_shared>> -> memref<640xf32, #tpu.memory_space<vmem_shared>>
      tpu.wait_dma2 semaphore(%run_scoped3A : memref<!tpu.dma_semaphore, #tpu.memory_space<semaphore_mem>>) src(%dma_wait3A_183 : memref<640xf32, #tpu.memory_space<vmem_shared>>) dst(%arg7 : memref<640xf32, #tpu.memory_space<vmem>>)
      tpu.yield
    }) : () -> ()
    %scan3A_114 = arith.constant 0 : i32
    %scan3A_115 = arith.constant 40 : i32
    %scan3A_116 = arith.addi %scan3A_114, %scan3A_115 : i32
    %scan3A_117 = arith.constant 8 : i32
    scf.for %scan3A_182 = %scan3A_114 to %scan3A_116 step %scan3A_117  : i32 {
      %mul3A_183 = arith.constant 1 : i32
      %mul3A_184 = arith.muli %scan3A_182, %mul3A_183 : i32
      %add3A_185 = arith.constant 0 : i32
      %add3A_186 = arith.addi %add3A_185, %mul3A_184 : i32
      %mul3A_187 = arith.constant 16 : i32
      %mul3A_188 = arith.muli %add3A_186, %mul3A_187 : i32
      %get3A_189 = arith.index_cast %mul3A_188 : i32 to index
      %get3A_190 = tpu.vector_load %arg5[%get3A_189] {strides = array<i32>} : memref<10240xf32, #tpu.memory_space<vmem>>, vector<16xf32>,
      %get3A_191 = arith.index_cast %mul3A_188 : i32 to index
      %get3A_192 = tpu.vector_load %arg7[%get3A_191] {strides = array<i32>} : memref<640xf32, #tpu.memory_space<vmem>>, vector<16xf32>,
      %add3A_193 = arith.addf %get3A_190, %get3A_192 : vector<16xf32>
      %swap3A = arith.index_cast %mul3A_188 : i32 to index
      %swap3A_194 = tpu.vector_load %arg5[%swap3A] {strides = array<i32>} : memref<10240xf32, #tpu.memory_space<vmem>>, vector<16xf32>,
      tpu.vector_store %arg5[%swap3A], %add3A_193 {strides = array<i32>} : memref<10240xf32, #tpu.memory_space<vmem>>, vector<16xf32>,
      %scan3A_195 = arith.constant 1 : i32
      %scan3A_196 = arith.addi %scan3A_182, %scan3A_195 : i32
      %mul3A_197 = arith.constant 1 : i32
      %mul3A_198 = arith.muli %scan3A_196, %mul3A_197 : i32
      %add3A_199 = arith.constant 0 : i32
      %add3A_200 = arith.addi %add3A_199, %mul3A_198 : i32
      %mul3A_201 = arith.constant 16 : i32
      %mul3A_202 = arith.muli %add3A_200, %mul3A_201 : i32
      %get3A_203 = arith.index_cast %mul3A_202 : i32 to index
      %get3A_204 = tpu.vector_load %arg5[%get3A_203] {strides = array<i32>} : memref<10240xf32, #tpu.memory_space<vmem>>, vector<16xf32>,
      %get3A_205 = arith.index_cast %mul3A_202 : i32 to index
      %get3A_206 = tpu.vector_load %arg7[%get3A_205] {strides = array<i32>} : memref<640xf32, #tpu.memory_space<vmem>>, vector<16xf32>,
      %add3A_207 = arith.addf %get3A_204, %get3A_206 : vector<16xf32>
      %swap3A_208 = arith.index_cast %mul3A_202 : i32 to index
      %swap3A_209 = tpu.vector_load %arg5[%swap3A_208] {strides = array<i32>} : memref<10240xf32, #tpu.memory_space<vmem>>, vector<16xf32>,
      tpu.vector_store %arg5[%swap3A_208], %add3A_207 {strides = array<i32>} : memref<10240xf32, #tpu.memory_space<vmem>>, vector<16xf32>,
      %scan3A_210 = arith.constant 2 : i32
      %scan3A_211 = arith.addi %scan3A_182, %scan3A_210 : i32
      %mul3A_212 = arith.constant 1 : i32
      %mul3A_213 = arith.muli %scan3A_211, %mul3A_212 : i32
      %add3A_214 = arith.constant 0 : i32
      %add3A_215 = arith.addi %add3A_214, %mul3A_213 : i32
      %mul3A_216 = arith.constant 16 : i32
      %mul3A_217 = arith.muli %add3A_215, %mul3A_216 : i32
      %get3A_218 = arith.index_cast %mul3A_217 : i32 to index
      %get3A_219 = tpu.vector_load %arg5[%get3A_218] {strides = array<i32>} : memref<10240xf32, #tpu.memory_space<vmem>>, vector<16xf32>,
      %get3A_220 = arith.index_cast %mul3A_217 : i32 to index
      %get3A_221 = tpu.vector_load %arg7[%get3A_220] {strides = array<i32>} : memref<640xf32, #tpu.memory_space<vmem>>, vector<16xf32>,
      %add3A_222 = arith.addf %get3A_219, %get3A_221 : vector<16xf32>
      %swap3A_223 = arith.index_cast %mul3A_217 : i32 to index
      %swap3A_224 = tpu.vector_load %arg5[%swap3A_223] {strides = array<i32>} : memref<10240xf32, #tpu.memory_space<vmem>>, vector<16xf32>,
      tpu.vector_store %arg5[%swap3A_223], %add3A_222 {strides = array<i32>} : memref<10240xf32, #tpu.memory_space<vmem>>, vector<16xf32>,
      %scan3A_225 = arith.constant 3 : i32
      %scan3A_226 = arith.addi %scan3A_182, %scan3A_225 : i32
      %mul3A_227 = arith.constant 1 : i32
      %mul3A_228 = arith.muli %scan3A_226, %mul3A_227 : i32
      %add3A_229 = arith.constant 0 : i32
      %add3A_230 = arith.addi %add3A_229, %mul3A_228 : i32
      %mul3A_231 = arith.constant 16 : i32
      %mul3A_232 = arith.muli %add3A_230, %mul3A_231 : i32
      %get3A_233 = arith.index_cast %mul3A_232 : i32 to index
      %get3A_234 = tpu.vector_load %arg5[%get3A_233] {strides = array<i32>} : memref<10240xf32, #tpu.memory_space<vmem>>, vector<16xf32>,
      %get3A_235 = arith.index_cast %mul3A_232 : i32 to index
      %get3A_236 = tpu.vector_load %arg7[%get3A_235] {strides = array<i32>} : memref<640xf32, #tpu.memory_space<vmem>>, vector<16xf32>,
      %add3A_237 = arith.addf %get3A_234, %get3A_236 : vector<16xf32>
      %swap3A_238 = arith.index_cast %mul3A_232 : i32 to index
      %swap3A_239 = tpu.vector_load %arg5[%swap3A_238] {strides = array<i32>} : memref<10240xf32, #tpu.memory_space<vmem>>, vector<16xf32>,
      tpu.vector_store %arg5[%swap3A_238], %add3A_237 {strides = array<i32>} : memref<10240xf32, #tpu.memory_space<vmem>>, vector<16xf32>,
      %scan3A_240 = arith.constant 4 : i32
      %scan3A_241 = arith.addi %scan3A_182, %scan3A_240 : i32
      %mul3A_242 = arith.constant 1 : i32
      %mul3A_243 = arith.muli %scan3A_241, %mul3A_242 : i32
      %add3A_244 = arith.constant 0 : i32
      %add3A_245 = arith.addi %add3A_244, %mul3A_243 : i32
      %mul3A_246 = arith.constant 16 : i32
      %mul3A_247 = arith.muli %add3A_245, %mul3A_246 : i32
      %get3A_248 = arith.index_cast %mul3A_247 : i32 to index
      %get3A_249 = tpu.vector_load %arg5[%get3A_248] {strides = array<i32>} : memref<10240xf32, #tpu.memory_space<vmem>>, vector<16xf32>,
      %get3A_250 = arith.index_cast %mul3A_247 : i32 to index
      %get3A_251 = tpu.vector_load %arg7[%get3A_250] {strides = array<i32>} : memref<640xf32, #tpu.memory_space<vmem>>, vector<16xf32>,
      %add3A_252 = arith.addf %get3A_249, %get3A_251 : vector<16xf32>
      %swap3A_253 = arith.index_cast %mul3A_247 : i32 to index
      %swap3A_254 = tpu.vector_load %arg5[%swap3A_253] {strides = array<i32>} : memref<10240xf32, #tpu.memory_space<vmem>>, vector<16xf32>,
      tpu.vector_store %arg5[%swap3A_253], %add3A_252 {strides = array<i32>} : memref<10240xf32, #tpu.memory_space<vmem>>, vector<16xf32>,
      %scan3A_255 = arith.constant 5 : i32
      %scan3A_256 = arith.addi %scan3A_182, %scan3A_255 : i32
      %mul3A_257 = arith.constant 1 : i32
      %mul3A_258 = arith.muli %scan3A_256, %mul3A_257 : i32
      %add3A_259 = arith.constant 0 : i32
      %add3A_260 = arith.addi %add3A_259, %mul3A_258 : i32
      %mul3A_261 = arith.constant 16 : i32
      %mul3A_262 = arith.muli %add3A_260, %mul3A_261 : i32
      %get3A_263 = arith.index_cast %mul3A_262 : i32 to index
      %get3A_264 = tpu.vector_load %arg5[%get3A_263] {strides = array<i32>} : memref<10240xf32, #tpu.memory_space<vmem>>, vector<16xf32>,
      %get3A_265 = arith.index_cast %mul3A_262 : i32 to index
      %get3A_266 = tpu.vector_load %arg7[%get3A_265] {strides = array<i32>} : memref<640xf32, #tpu.memory_space<vmem>>, vector<16xf32>,
      %add3A_267 = arith.addf %get3A_264, %get3A_266 : vector<16xf32>
      %swap3A_268 = arith.index_cast %mul3A_262 : i32 to index
      %swap3A_269 = tpu.vector_load %arg5[%swap3A_268] {strides = array<i32>} : memref<10240xf32, #tpu.memory_space<vmem>>, vector<16xf32>,
      tpu.vector_store %arg5[%swap3A_268], %add3A_267 {strides = array<i32>} : memref<10240xf32, #tpu.memory_space<vmem>>, vector<16xf32>,
      %scan3A_270 = arith.constant 6 : i32
      %scan3A_271 = arith.addi %scan3A_182, %scan3A_270 : i32
      %mul3A_272 = arith.constant 1 : i32
      %mul3A_273 = arith.muli %scan3A_271, %mul3A_272 : i32
      %add3A_274 = arith.constant 0 : i32
      %add3A_275 = arith.addi %add3A_274, %mul3A_273 : i32
      %mul3A_276 = arith.constant 16 : i32
      %mul3A_277 = arith.muli %add3A_275, %mul3A_276 : i32
      %get3A_278 = arith.index_cast %mul3A_277 : i32 to index
      %get3A_279 = tpu.vector_load %arg5[%get3A_278] {strides = array<i32>} : memref<10240xf32, #tpu.memory_space<vmem>>, vector<16xf32>,
      %get3A_280 = arith.index_cast %mul3A_277 : i32 to index
      %get3A_281 = tpu.vector_load %arg7[%get3A_280] {strides = array<i32>} : memref<640xf32, #tpu.memory_space<vmem>>, vector<16xf32>,
      %add3A_282 = arith.addf %get3A_279, %get3A_281 : vector<16xf32>
      %swap3A_283 = arith.index_cast %mul3A_277 : i32 to index
      %swap3A_284 = tpu.vector_load %arg5[%swap3A_283] {strides = array<i32>} : memref<10240xf32, #tpu.memory_space<vmem>>, vector<16xf32>,
      tpu.vector_store %arg5[%swap3A_283], %add3A_282 {strides = array<i32>} : memref<10240xf32, #tpu.memory_space<vmem>>, vector<16xf32>,
      %scan3A_285 = arith.constant 7 : i32
      %scan3A_286 = arith.addi %scan3A_182, %scan3A_285 : i32
      %mul3A_287 = arith.constant 1 : i32
      %mul3A_288 = arith.muli %scan3A_286, %mul3A_287 : i32
      %add3A_289 = arith.constant 0 : i32
      %add3A_290 = arith.addi %add3A_289, %mul3A_288 : i32
      %mul3A_291 = arith.constant 16 : i32
      %mul3A_292 = arith.muli %add3A_290, %mul3A_291 : i32
      %get3A_293 = arith.index_cast %mul3A_292 : i32 to index
      %get3A_294 = tpu.vector_load %arg5[%get3A_293] {strides = array<i32>} : memref<10240xf32, #tpu.memory_space<vmem>>, vector<16xf32>,
      %get3A_295 = arith.index_cast %mul3A_292 : i32 to index
      %get3A_296 = tpu.vector_load %arg7[%get3A_295] {strides = array<i32>} : memref<640xf32, #tpu.memory_space<vmem>>, vector<16xf32>,
      %add3A_297 = arith.addf %get3A_294, %get3A_296 : vector<16xf32>
      %swap3A_298 = arith.index_cast %mul3A_292 : i32 to index
      %swap3A_299 = tpu.vector_load %arg5[%swap3A_298] {strides = array<i32>} : memref<10240xf32, #tpu.memory_space<vmem>>, vector<16xf32>,
      tpu.vector_store %arg5[%swap3A_298], %add3A_297 {strides = array<i32>} : memref<10240xf32, #tpu.memory_space<vmem>>, vector<16xf32>,
    }
    %scan3A_118 = arith.constant 40 : i32
    %mul3A_119 = arith.constant 640 : i32
    %mul3A_120 = arith.muli %arg1, %mul3A_119 : i32
    %add3A_121 = arith.constant 102400 : i32
    %add3A_122 = arith.addi %add3A_121, %mul3A_120 : i32
    "tpu.region"() ({
      %run_scoped3A = tpu.sem_alloc : memref<!tpu.dma_semaphore, #tpu.memory_space<semaphore_mem>>
      %dma_start3A = tpu.memref_slice %arg4[%add3A_122] : memref<163840xf32, #tpu.memory_space<vmem_shared>> -> memref<640xf32, #tpu.memory_space<vmem_shared>>
      %dma_start3A_182 = tpu.memref_slice %arg4[%add3A_122] : memref<163840xf32, #tpu.memory_space<vmem_shared>> -> memref<640xf32, #tpu.memory_space<vmem_shared>>
      tpu.enqueue_dma source(%dma_start3A_182 : memref<640xf32, #tpu.memory_space<vmem_shared>>) target(%arg7 : memref<640xf32, #tpu.memory_space<vmem>>) target_semaphore(%run_scoped3A : memref<!tpu.dma_semaphore, #tpu.memory_space<semaphore_mem>>)
      %dma_wait3A = tpu.memref_slice %arg4[%add3A_122] : memref<163840xf32, #tpu.memory_space<vmem_shared>> -> memref<640xf32, #tpu.memory_space<vmem_shared>>
      %dma_wait3A_183 = tpu.memref_slice %arg4[%add3A_122] : memref<163840xf32, #tpu.memory_space<vmem_shared>> -> memref<640xf32, #tpu.memory_space<vmem_shared>>
      tpu.wait_dma2 semaphore(%run_scoped3A : memref<!tpu.dma_semaphore, #tpu.memory_space<semaphore_mem>>) src(%dma_wait3A_183 : memref<640xf32, #tpu.memory_space<vmem_shared>>) dst(%arg7 : memref<640xf32, #tpu.memory_space<vmem>>)
      tpu.yield
    }) : () -> ()
    %scan3A_123 = arith.constant 0 : i32
    %scan3A_124 = arith.constant 40 : i32
    %scan3A_125 = arith.addi %scan3A_123, %scan3A_124 : i32
    %scan3A_126 = arith.constant 8 : i32
    scf.for %scan3A_182 = %scan3A_123 to %scan3A_125 step %scan3A_126  : i32 {
      %mul3A_183 = arith.constant 1 : i32
      %mul3A_184 = arith.muli %scan3A_182, %mul3A_183 : i32
      %add3A_185 = arith.constant 0 : i32
      %add3A_186 = arith.addi %add3A_185, %mul3A_184 : i32
      %mul3A_187 = arith.constant 16 : i32
      %mul3A_188 = arith.muli %add3A_186, %mul3A_187 : i32
      %get3A_189 = arith.index_cast %mul3A_188 : i32 to index
      %get3A_190 = tpu.vector_load %arg5[%get3A_189] {strides = array<i32>} : memref<10240xf32, #tpu.memory_space<vmem>>, vector<16xf32>,
      %get3A_191 = arith.index_cast %mul3A_188 : i32 to index
      %get3A_192 = tpu.vector_load %arg7[%get3A_191] {strides = array<i32>} : memref<640xf32, #tpu.memory_space<vmem>>, vector<16xf32>,
      %add3A_193 = arith.addf %get3A_190, %get3A_192 : vector<16xf32>
      %swap3A = arith.index_cast %mul3A_188 : i32 to index
      %swap3A_194 = tpu.vector_load %arg5[%swap3A] {strides = array<i32>} : memref<10240xf32, #tpu.memory_space<vmem>>, vector<16xf32>,
      tpu.vector_store %arg5[%swap3A], %add3A_193 {strides = array<i32>} : memref<10240xf32, #tpu.memory_space<vmem>>, vector<16xf32>,
      %scan3A_195 = arith.constant 1 : i32
      %scan3A_196 = arith.addi %scan3A_182, %scan3A_195 : i32
      %mul3A_197 = arith.constant 1 : i32
      %mul3A_198 = arith.muli %scan3A_196, %mul3A_197 : i32
      %add3A_199 = arith.constant 0 : i32
      %add3A_200 = arith.addi %add3A_199, %mul3A_198 : i32
      %mul3A_201 = arith.constant 16 : i32
      %mul3A_202 = arith.muli %add3A_200, %mul3A_201 : i32
      %get3A_203 = arith.index_cast %mul3A_202 : i32 to index
      %get3A_204 = tpu.vector_load %arg5[%get3A_203] {strides = array<i32>} : memref<10240xf32, #tpu.memory_space<vmem>>, vector<16xf32>,
      %get3A_205 = arith.index_cast %mul3A_202 : i32 to index
      %get3A_206 = tpu.vector_load %arg7[%get3A_205] {strides = array<i32>} : memref<640xf32, #tpu.memory_space<vmem>>, vector<16xf32>,
      %add3A_207 = arith.addf %get3A_204, %get3A_206 : vector<16xf32>
      %swap3A_208 = arith.index_cast %mul3A_202 : i32 to index
      %swap3A_209 = tpu.vector_load %arg5[%swap3A_208] {strides = array<i32>} : memref<10240xf32, #tpu.memory_space<vmem>>, vector<16xf32>,
      tpu.vector_store %arg5[%swap3A_208], %add3A_207 {strides = array<i32>} : memref<10240xf32, #tpu.memory_space<vmem>>, vector<16xf32>,
      %scan3A_210 = arith.constant 2 : i32
      %scan3A_211 = arith.addi %scan3A_182, %scan3A_210 : i32
      %mul3A_212 = arith.constant 1 : i32
      %mul3A_213 = arith.muli %scan3A_211, %mul3A_212 : i32
      %add3A_214 = arith.constant 0 : i32
      %add3A_215 = arith.addi %add3A_214, %mul3A_213 : i32
      %mul3A_216 = arith.constant 16 : i32
      %mul3A_217 = arith.muli %add3A_215, %mul3A_216 : i32
      %get3A_218 = arith.index_cast %mul3A_217 : i32 to index
      %get3A_219 = tpu.vector_load %arg5[%get3A_218] {strides = array<i32>} : memref<10240xf32, #tpu.memory_space<vmem>>, vector<16xf32>,
      %get3A_220 = arith.index_cast %mul3A_217 : i32 to index
      %get3A_221 = tpu.vector_load %arg7[%get3A_220] {strides = array<i32>} : memref<640xf32, #tpu.memory_space<vmem>>, vector<16xf32>,
      %add3A_222 = arith.addf %get3A_219, %get3A_221 : vector<16xf32>
      %swap3A_223 = arith.index_cast %mul3A_217 : i32 to index
      %swap3A_224 = tpu.vector_load %arg5[%swap3A_223] {strides = array<i32>} : memref<10240xf32, #tpu.memory_space<vmem>>, vector<16xf32>,
      tpu.vector_store %arg5[%swap3A_223], %add3A_222 {strides = array<i32>} : memref<10240xf32, #tpu.memory_space<vmem>>, vector<16xf32>,
      %scan3A_225 = arith.constant 3 : i32
      %scan3A_226 = arith.addi %scan3A_182, %scan3A_225 : i32
      %mul3A_227 = arith.constant 1 : i32
      %mul3A_228 = arith.muli %scan3A_226, %mul3A_227 : i32
      %add3A_229 = arith.constant 0 : i32
      %add3A_230 = arith.addi %add3A_229, %mul3A_228 : i32
      %mul3A_231 = arith.constant 16 : i32
      %mul3A_232 = arith.muli %add3A_230, %mul3A_231 : i32
      %get3A_233 = arith.index_cast %mul3A_232 : i32 to index
      %get3A_234 = tpu.vector_load %arg5[%get3A_233] {strides = array<i32>} : memref<10240xf32, #tpu.memory_space<vmem>>, vector<16xf32>,
      %get3A_235 = arith.index_cast %mul3A_232 : i32 to index
      %get3A_236 = tpu.vector_load %arg7[%get3A_235] {strides = array<i32>} : memref<640xf32, #tpu.memory_space<vmem>>, vector<16xf32>,
      %add3A_237 = arith.addf %get3A_234, %get3A_236 : vector<16xf32>
      %swap3A_238 = arith.index_cast %mul3A_232 : i32 to index
      %swap3A_239 = tpu.vector_load %arg5[%swap3A_238] {strides = array<i32>} : memref<10240xf32, #tpu.memory_space<vmem>>, vector<16xf32>,
      tpu.vector_store %arg5[%swap3A_238], %add3A_237 {strides = array<i32>} : memref<10240xf32, #tpu.memory_space<vmem>>, vector<16xf32>,
      %scan3A_240 = arith.constant 4 : i32
      %scan3A_241 = arith.addi %scan3A_182, %scan3A_240 : i32
      %mul3A_242 = arith.constant 1 : i32
      %mul3A_243 = arith.muli %scan3A_241, %mul3A_242 : i32
      %add3A_244 = arith.constant 0 : i32
      %add3A_245 = arith.addi %add3A_244, %mul3A_243 : i32
      %mul3A_246 = arith.constant 16 : i32
      %mul3A_247 = arith.muli %add3A_245, %mul3A_246 : i32
      %get3A_248 = arith.index_cast %mul3A_247 : i32 to index
      %get3A_249 = tpu.vector_load %arg5[%get3A_248] {strides = array<i32>} : memref<10240xf32, #tpu.memory_space<vmem>>, vector<16xf32>,
      %get3A_250 = arith.index_cast %mul3A_247 : i32 to index
      %get3A_251 = tpu.vector_load %arg7[%get3A_250] {strides = array<i32>} : memref<640xf32, #tpu.memory_space<vmem>>, vector<16xf32>,
      %add3A_252 = arith.addf %get3A_249, %get3A_251 : vector<16xf32>
      %swap3A_253 = arith.index_cast %mul3A_247 : i32 to index
      %swap3A_254 = tpu.vector_load %arg5[%swap3A_253] {strides = array<i32>} : memref<10240xf32, #tpu.memory_space<vmem>>, vector<16xf32>,
      tpu.vector_store %arg5[%swap3A_253], %add3A_252 {strides = array<i32>} : memref<10240xf32, #tpu.memory_space<vmem>>, vector<16xf32>,
      %scan3A_255 = arith.constant 5 : i32
      %scan3A_256 = arith.addi %scan3A_182, %scan3A_255 : i32
      %mul3A_257 = arith.constant 1 : i32
      %mul3A_258 = arith.muli %scan3A_256, %mul3A_257 : i32
      %add3A_259 = arith.constant 0 : i32
      %add3A_260 = arith.addi %add3A_259, %mul3A_258 : i32
      %mul3A_261 = arith.constant 16 : i32
      %mul3A_262 = arith.muli %add3A_260, %mul3A_261 : i32
      %get3A_263 = arith.index_cast %mul3A_262 : i32 to index
      %get3A_264 = tpu.vector_load %arg5[%get3A_263] {strides = array<i32>} : memref<10240xf32, #tpu.memory_space<vmem>>, vector<16xf32>,
      %get3A_265 = arith.index_cast %mul3A_262 : i32 to index
      %get3A_266 = tpu.vector_load %arg7[%get3A_265] {strides = array<i32>} : memref<640xf32, #tpu.memory_space<vmem>>, vector<16xf32>,
      %add3A_267 = arith.addf %get3A_264, %get3A_266 : vector<16xf32>
      %swap3A_268 = arith.index_cast %mul3A_262 : i32 to index
      %swap3A_269 = tpu.vector_load %arg5[%swap3A_268] {strides = array<i32>} : memref<10240xf32, #tpu.memory_space<vmem>>, vector<16xf32>,
      tpu.vector_store %arg5[%swap3A_268], %add3A_267 {strides = array<i32>} : memref<10240xf32, #tpu.memory_space<vmem>>, vector<16xf32>,
      %scan3A_270 = arith.constant 6 : i32
      %scan3A_271 = arith.addi %scan3A_182, %scan3A_270 : i32
      %mul3A_272 = arith.constant 1 : i32
      %mul3A_273 = arith.muli %scan3A_271, %mul3A_272 : i32
      %add3A_274 = arith.constant 0 : i32
      %add3A_275 = arith.addi %add3A_274, %mul3A_273 : i32
      %mul3A_276 = arith.constant 16 : i32
      %mul3A_277 = arith.muli %add3A_275, %mul3A_276 : i32
      %get3A_278 = arith.index_cast %mul3A_277 : i32 to index
      %get3A_279 = tpu.vector_load %arg5[%get3A_278] {strides = array<i32>} : memref<10240xf32, #tpu.memory_space<vmem>>, vector<16xf32>,
      %get3A_280 = arith.index_cast %mul3A_277 : i32 to index
      %get3A_281 = tpu.vector_load %arg7[%get3A_280] {strides = array<i32>} : memref<640xf32, #tpu.memory_space<vmem>>, vector<16xf32>,
      %add3A_282 = arith.addf %get3A_279, %get3A_281 : vector<16xf32>
      %swap3A_283 = arith.index_cast %mul3A_277 : i32 to index
      %swap3A_284 = tpu.vector_load %arg5[%swap3A_283] {strides = array<i32>} : memref<10240xf32, #tpu.memory_space<vmem>>, vector<16xf32>,
      tpu.vector_store %arg5[%swap3A_283], %add3A_282 {strides = array<i32>} : memref<10240xf32, #tpu.memory_space<vmem>>, vector<16xf32>,
      %scan3A_285 = arith.constant 7 : i32
      %scan3A_286 = arith.addi %scan3A_182, %scan3A_285 : i32
      %mul3A_287 = arith.constant 1 : i32
      %mul3A_288 = arith.muli %scan3A_286, %mul3A_287 : i32
      %add3A_289 = arith.constant 0 : i32
      %add3A_290 = arith.addi %add3A_289, %mul3A_288 : i32
      %mul3A_291 = arith.constant 16 : i32
      %mul3A_292 = arith.muli %add3A_290, %mul3A_291 : i32
      %get3A_293 = arith.index_cast %mul3A_292 : i32 to index
      %get3A_294 = tpu.vector_load %arg5[%get3A_293] {strides = array<i32>} : memref<10240xf32, #tpu.memory_space<vmem>>, vector<16xf32>,
      %get3A_295 = arith.index_cast %mul3A_292 : i32 to index
      %get3A_296 = tpu.vector_load %arg7[%get3A_295] {strides = array<i32>} : memref<640xf32, #tpu.memory_space<vmem>>, vector<16xf32>,
      %add3A_297 = arith.addf %get3A_294, %get3A_296 : vector<16xf32>
      %swap3A_298 = arith.index_cast %mul3A_292 : i32 to index
      %swap3A_299 = tpu.vector_load %arg5[%swap3A_298] {strides = array<i32>} : memref<10240xf32, #tpu.memory_space<vmem>>, vector<16xf32>,
      tpu.vector_store %arg5[%swap3A_298], %add3A_297 {strides = array<i32>} : memref<10240xf32, #tpu.memory_space<vmem>>, vector<16xf32>,
    }
    %scan3A_127 = arith.constant 40 : i32
    %mul3A_128 = arith.constant 640 : i32
    %mul3A_129 = arith.muli %arg1, %mul3A_128 : i32
    %add3A_130 = arith.constant 112640 : i32
    %add3A_131 = arith.addi %add3A_130, %mul3A_129 : i32
    "tpu.region"() ({
      %run_scoped3A = tpu.sem_alloc : memref<!tpu.dma_semaphore, #tpu.memory_space<semaphore_mem>>
      %dma_start3A = tpu.memref_slice %arg4[%add3A_131] : memref<163840xf32, #tpu.memory_space<vmem_shared>> -> memref<640xf32, #tpu.memory_space<vmem_shared>>
      %dma_start3A_182 = tpu.memref_slice %arg4[%add3A_131] : memref<163840xf32, #tpu.memory_space<vmem_shared>> -> memref<640xf32, #tpu.memory_space<vmem_shared>>
      tpu.enqueue_dma source(%dma_start3A_182 : memref<640xf32, #tpu.memory_space<vmem_shared>>) target(%arg7 : memref<640xf32, #tpu.memory_space<vmem>>) target_semaphore(%run_scoped3A : memref<!tpu.dma_semaphore, #tpu.memory_space<semaphore_mem>>)
      %dma_wait3A = tpu.memref_slice %arg4[%add3A_131] : memref<163840xf32, #tpu.memory_space<vmem_shared>> -> memref<640xf32, #tpu.memory_space<vmem_shared>>
      %dma_wait3A_183 = tpu.memref_slice %arg4[%add3A_131] : memref<163840xf32, #tpu.memory_space<vmem_shared>> -> memref<640xf32, #tpu.memory_space<vmem_shared>>
      tpu.wait_dma2 semaphore(%run_scoped3A : memref<!tpu.dma_semaphore, #tpu.memory_space<semaphore_mem>>) src(%dma_wait3A_183 : memref<640xf32, #tpu.memory_space<vmem_shared>>) dst(%arg7 : memref<640xf32, #tpu.memory_space<vmem>>)
      tpu.yield
    }) : () -> ()
    %scan3A_132 = arith.constant 0 : i32
    %scan3A_133 = arith.constant 40 : i32
    %scan3A_134 = arith.addi %scan3A_132, %scan3A_133 : i32
    %scan3A_135 = arith.constant 8 : i32
    scf.for %scan3A_182 = %scan3A_132 to %scan3A_134 step %scan3A_135  : i32 {
      %mul3A_183 = arith.constant 1 : i32
      %mul3A_184 = arith.muli %scan3A_182, %mul3A_183 : i32
      %add3A_185 = arith.constant 0 : i32
      %add3A_186 = arith.addi %add3A_185, %mul3A_184 : i32
      %mul3A_187 = arith.constant 16 : i32
      %mul3A_188 = arith.muli %add3A_186, %mul3A_187 : i32
      %get3A_189 = arith.index_cast %mul3A_188 : i32 to index
      %get3A_190 = tpu.vector_load %arg5[%get3A_189] {strides = array<i32>} : memref<10240xf32, #tpu.memory_space<vmem>>, vector<16xf32>,
      %get3A_191 = arith.index_cast %mul3A_188 : i32 to index
      %get3A_192 = tpu.vector_load %arg7[%get3A_191] {strides = array<i32>} : memref<640xf32, #tpu.memory_space<vmem>>, vector<16xf32>,
      %add3A_193 = arith.addf %get3A_190, %get3A_192 : vector<16xf32>
      %swap3A = arith.index_cast %mul3A_188 : i32 to index
      %swap3A_194 = tpu.vector_load %arg5[%swap3A] {strides = array<i32>} : memref<10240xf32, #tpu.memory_space<vmem>>, vector<16xf32>,
      tpu.vector_store %arg5[%swap3A], %add3A_193 {strides = array<i32>} : memref<10240xf32, #tpu.memory_space<vmem>>, vector<16xf32>,
      %scan3A_195 = arith.constant 1 : i32
      %scan3A_196 = arith.addi %scan3A_182, %scan3A_195 : i32
      %mul3A_197 = arith.constant 1 : i32
      %mul3A_198 = arith.muli %scan3A_196, %mul3A_197 : i32
      %add3A_199 = arith.constant 0 : i32
      %add3A_200 = arith.addi %add3A_199, %mul3A_198 : i32
      %mul3A_201 = arith.constant 16 : i32
      %mul3A_202 = arith.muli %add3A_200, %mul3A_201 : i32
      %get3A_203 = arith.index_cast %mul3A_202 : i32 to index
      %get3A_204 = tpu.vector_load %arg5[%get3A_203] {strides = array<i32>} : memref<10240xf32, #tpu.memory_space<vmem>>, vector<16xf32>,
      %get3A_205 = arith.index_cast %mul3A_202 : i32 to index
      %get3A_206 = tpu.vector_load %arg7[%get3A_205] {strides = array<i32>} : memref<640xf32, #tpu.memory_space<vmem>>, vector<16xf32>,
      %add3A_207 = arith.addf %get3A_204, %get3A_206 : vector<16xf32>
      %swap3A_208 = arith.index_cast %mul3A_202 : i32 to index
      %swap3A_209 = tpu.vector_load %arg5[%swap3A_208] {strides = array<i32>} : memref<10240xf32, #tpu.memory_space<vmem>>, vector<16xf32>,
      tpu.vector_store %arg5[%swap3A_208], %add3A_207 {strides = array<i32>} : memref<10240xf32, #tpu.memory_space<vmem>>, vector<16xf32>,
      %scan3A_210 = arith.constant 2 : i32
      %scan3A_211 = arith.addi %scan3A_182, %scan3A_210 : i32
      %mul3A_212 = arith.constant 1 : i32
      %mul3A_213 = arith.muli %scan3A_211, %mul3A_212 : i32
      %add3A_214 = arith.constant 0 : i32
      %add3A_215 = arith.addi %add3A_214, %mul3A_213 : i32
      %mul3A_216 = arith.constant 16 : i32
      %mul3A_217 = arith.muli %add3A_215, %mul3A_216 : i32
      %get3A_218 = arith.index_cast %mul3A_217 : i32 to index
      %get3A_219 = tpu.vector_load %arg5[%get3A_218] {strides = array<i32>} : memref<10240xf32, #tpu.memory_space<vmem>>, vector<16xf32>,
      %get3A_220 = arith.index_cast %mul3A_217 : i32 to index
      %get3A_221 = tpu.vector_load %arg7[%get3A_220] {strides = array<i32>} : memref<640xf32, #tpu.memory_space<vmem>>, vector<16xf32>,
      %add3A_222 = arith.addf %get3A_219, %get3A_221 : vector<16xf32>
      %swap3A_223 = arith.index_cast %mul3A_217 : i32 to index
      %swap3A_224 = tpu.vector_load %arg5[%swap3A_223] {strides = array<i32>} : memref<10240xf32, #tpu.memory_space<vmem>>, vector<16xf32>,
      tpu.vector_store %arg5[%swap3A_223], %add3A_222 {strides = array<i32>} : memref<10240xf32, #tpu.memory_space<vmem>>, vector<16xf32>,
      %scan3A_225 = arith.constant 3 : i32
      %scan3A_226 = arith.addi %scan3A_182, %scan3A_225 : i32
      %mul3A_227 = arith.constant 1 : i32
      %mul3A_228 = arith.muli %scan3A_226, %mul3A_227 : i32
      %add3A_229 = arith.constant 0 : i32
      %add3A_230 = arith.addi %add3A_229, %mul3A_228 : i32
      %mul3A_231 = arith.constant 16 : i32
      %mul3A_232 = arith.muli %add3A_230, %mul3A_231 : i32
      %get3A_233 = arith.index_cast %mul3A_232 : i32 to index
      %get3A_234 = tpu.vector_load %arg5[%get3A_233] {strides = array<i32>} : memref<10240xf32, #tpu.memory_space<vmem>>, vector<16xf32>,
      %get3A_235 = arith.index_cast %mul3A_232 : i32 to index
      %get3A_236 = tpu.vector_load %arg7[%get3A_235] {strides = array<i32>} : memref<640xf32, #tpu.memory_space<vmem>>, vector<16xf32>,
      %add3A_237 = arith.addf %get3A_234, %get3A_236 : vector<16xf32>
      %swap3A_238 = arith.index_cast %mul3A_232 : i32 to index
      %swap3A_239 = tpu.vector_load %arg5[%swap3A_238] {strides = array<i32>} : memref<10240xf32, #tpu.memory_space<vmem>>, vector<16xf32>,
      tpu.vector_store %arg5[%swap3A_238], %add3A_237 {strides = array<i32>} : memref<10240xf32, #tpu.memory_space<vmem>>, vector<16xf32>,
      %scan3A_240 = arith.constant 4 : i32
      %scan3A_241 = arith.addi %scan3A_182, %scan3A_240 : i32
      %mul3A_242 = arith.constant 1 : i32
      %mul3A_243 = arith.muli %scan3A_241, %mul3A_242 : i32
      %add3A_244 = arith.constant 0 : i32
      %add3A_245 = arith.addi %add3A_244, %mul3A_243 : i32
      %mul3A_246 = arith.constant 16 : i32
      %mul3A_247 = arith.muli %add3A_245, %mul3A_246 : i32
      %get3A_248 = arith.index_cast %mul3A_247 : i32 to index
      %get3A_249 = tpu.vector_load %arg5[%get3A_248] {strides = array<i32>} : memref<10240xf32, #tpu.memory_space<vmem>>, vector<16xf32>,
      %get3A_250 = arith.index_cast %mul3A_247 : i32 to index
      %get3A_251 = tpu.vector_load %arg7[%get3A_250] {strides = array<i32>} : memref<640xf32, #tpu.memory_space<vmem>>, vector<16xf32>,
      %add3A_252 = arith.addf %get3A_249, %get3A_251 : vector<16xf32>
      %swap3A_253 = arith.index_cast %mul3A_247 : i32 to index
      %swap3A_254 = tpu.vector_load %arg5[%swap3A_253] {strides = array<i32>} : memref<10240xf32, #tpu.memory_space<vmem>>, vector<16xf32>,
      tpu.vector_store %arg5[%swap3A_253], %add3A_252 {strides = array<i32>} : memref<10240xf32, #tpu.memory_space<vmem>>, vector<16xf32>,
      %scan3A_255 = arith.constant 5 : i32
      %scan3A_256 = arith.addi %scan3A_182, %scan3A_255 : i32
      %mul3A_257 = arith.constant 1 : i32
      %mul3A_258 = arith.muli %scan3A_256, %mul3A_257 : i32
      %add3A_259 = arith.constant 0 : i32
      %add3A_260 = arith.addi %add3A_259, %mul3A_258 : i32
      %mul3A_261 = arith.constant 16 : i32
      %mul3A_262 = arith.muli %add3A_260, %mul3A_261 : i32
      %get3A_263 = arith.index_cast %mul3A_262 : i32 to index
      %get3A_264 = tpu.vector_load %arg5[%get3A_263] {strides = array<i32>} : memref<10240xf32, #tpu.memory_space<vmem>>, vector<16xf32>,
      %get3A_265 = arith.index_cast %mul3A_262 : i32 to index
      %get3A_266 = tpu.vector_load %arg7[%get3A_265] {strides = array<i32>} : memref<640xf32, #tpu.memory_space<vmem>>, vector<16xf32>,
      %add3A_267 = arith.addf %get3A_264, %get3A_266 : vector<16xf32>
      %swap3A_268 = arith.index_cast %mul3A_262 : i32 to index
      %swap3A_269 = tpu.vector_load %arg5[%swap3A_268] {strides = array<i32>} : memref<10240xf32, #tpu.memory_space<vmem>>, vector<16xf32>,
      tpu.vector_store %arg5[%swap3A_268], %add3A_267 {strides = array<i32>} : memref<10240xf32, #tpu.memory_space<vmem>>, vector<16xf32>,
      %scan3A_270 = arith.constant 6 : i32
      %scan3A_271 = arith.addi %scan3A_182, %scan3A_270 : i32
      %mul3A_272 = arith.constant 1 : i32
      %mul3A_273 = arith.muli %scan3A_271, %mul3A_272 : i32
      %add3A_274 = arith.constant 0 : i32
      %add3A_275 = arith.addi %add3A_274, %mul3A_273 : i32
      %mul3A_276 = arith.constant 16 : i32
      %mul3A_277 = arith.muli %add3A_275, %mul3A_276 : i32
      %get3A_278 = arith.index_cast %mul3A_277 : i32 to index
      %get3A_279 = tpu.vector_load %arg5[%get3A_278] {strides = array<i32>} : memref<10240xf32, #tpu.memory_space<vmem>>, vector<16xf32>,
      %get3A_280 = arith.index_cast %mul3A_277 : i32 to index
      %get3A_281 = tpu.vector_load %arg7[%get3A_280] {strides = array<i32>} : memref<640xf32, #tpu.memory_space<vmem>>, vector<16xf32>,
      %add3A_282 = arith.addf %get3A_279, %get3A_281 : vector<16xf32>
      %swap3A_283 = arith.index_cast %mul3A_277 : i32 to index
      %swap3A_284 = tpu.vector_load %arg5[%swap3A_283] {strides = array<i32>} : memref<10240xf32, #tpu.memory_space<vmem>>, vector<16xf32>,
      tpu.vector_store %arg5[%swap3A_283], %add3A_282 {strides = array<i32>} : memref<10240xf32, #tpu.memory_space<vmem>>, vector<16xf32>,
      %scan3A_285 = arith.constant 7 : i32
      %scan3A_286 = arith.addi %scan3A_182, %scan3A_285 : i32
      %mul3A_287 = arith.constant 1 : i32
      %mul3A_288 = arith.muli %scan3A_286, %mul3A_287 : i32
      %add3A_289 = arith.constant 0 : i32
      %add3A_290 = arith.addi %add3A_289, %mul3A_288 : i32
      %mul3A_291 = arith.constant 16 : i32
      %mul3A_292 = arith.muli %add3A_290, %mul3A_291 : i32
      %get3A_293 = arith.index_cast %mul3A_292 : i32 to index
      %get3A_294 = tpu.vector_load %arg5[%get3A_293] {strides = array<i32>} : memref<10240xf32, #tpu.memory_space<vmem>>, vector<16xf32>,
      %get3A_295 = arith.index_cast %mul3A_292 : i32 to index
      %get3A_296 = tpu.vector_load %arg7[%get3A_295] {strides = array<i32>} : memref<640xf32, #tpu.memory_space<vmem>>, vector<16xf32>,
      %add3A_297 = arith.addf %get3A_294, %get3A_296 : vector<16xf32>
      %swap3A_298 = arith.index_cast %mul3A_292 : i32 to index
      %swap3A_299 = tpu.vector_load %arg5[%swap3A_298] {strides = array<i32>} : memref<10240xf32, #tpu.memory_space<vmem>>, vector<16xf32>,
      tpu.vector_store %arg5[%swap3A_298], %add3A_297 {strides = array<i32>} : memref<10240xf32, #tpu.memory_space<vmem>>, vector<16xf32>,
    }
    %scan3A_136 = arith.constant 40 : i32
    %mul3A_137 = arith.constant 640 : i32
    %mul3A_138 = arith.muli %arg1, %mul3A_137 : i32
    %add3A_139 = arith.constant 122880 : i32
    %add3A_140 = arith.addi %add3A_139, %mul3A_138 : i32
    "tpu.region"() ({
      %run_scoped3A = tpu.sem_alloc : memref<!tpu.dma_semaphore, #tpu.memory_space<semaphore_mem>>
      %dma_start3A = tpu.memref_slice %arg4[%add3A_140] : memref<163840xf32, #tpu.memory_space<vmem_shared>> -> memref<640xf32, #tpu.memory_space<vmem_shared>>
      %dma_start3A_182 = tpu.memref_slice %arg4[%add3A_140] : memref<163840xf32, #tpu.memory_space<vmem_shared>> -> memref<640xf32, #tpu.memory_space<vmem_shared>>
      tpu.enqueue_dma source(%dma_start3A_182 : memref<640xf32, #tpu.memory_space<vmem_shared>>) target(%arg7 : memref<640xf32, #tpu.memory_space<vmem>>) target_semaphore(%run_scoped3A : memref<!tpu.dma_semaphore, #tpu.memory_space<semaphore_mem>>)
      %dma_wait3A = tpu.memref_slice %arg4[%add3A_140] : memref<163840xf32, #tpu.memory_space<vmem_shared>> -> memref<640xf32, #tpu.memory_space<vmem_shared>>
      %dma_wait3A_183 = tpu.memref_slice %arg4[%add3A_140] : memref<163840xf32, #tpu.memory_space<vmem_shared>> -> memref<640xf32, #tpu.memory_space<vmem_shared>>
      tpu.wait_dma2 semaphore(%run_scoped3A : memref<!tpu.dma_semaphore, #tpu.memory_space<semaphore_mem>>) src(%dma_wait3A_183 : memref<640xf32, #tpu.memory_space<vmem_shared>>) dst(%arg7 : memref<640xf32, #tpu.memory_space<vmem>>)
      tpu.yield
    }) : () -> ()
    %scan3A_141 = arith.constant 0 : i32
    %scan3A_142 = arith.constant 40 : i32
    %scan3A_143 = arith.addi %scan3A_141, %scan3A_142 : i32
    %scan3A_144 = arith.constant 8 : i32
    scf.for %scan3A_182 = %scan3A_141 to %scan3A_143 step %scan3A_144  : i32 {
      %mul3A_183 = arith.constant 1 : i32
      %mul3A_184 = arith.muli %scan3A_182, %mul3A_183 : i32
      %add3A_185 = arith.constant 0 : i32
      %add3A_186 = arith.addi %add3A_185, %mul3A_184 : i32
      %mul3A_187 = arith.constant 16 : i32
      %mul3A_188 = arith.muli %add3A_186, %mul3A_187 : i32
      %get3A_189 = arith.index_cast %mul3A_188 : i32 to index
      %get3A_190 = tpu.vector_load %arg5[%get3A_189] {strides = array<i32>} : memref<10240xf32, #tpu.memory_space<vmem>>, vector<16xf32>,
      %get3A_191 = arith.index_cast %mul3A_188 : i32 to index
      %get3A_192 = tpu.vector_load %arg7[%get3A_191] {strides = array<i32>} : memref<640xf32, #tpu.memory_space<vmem>>, vector<16xf32>,
      %add3A_193 = arith.addf %get3A_190, %get3A_192 : vector<16xf32>
      %swap3A = arith.index_cast %mul3A_188 : i32 to index
      %swap3A_194 = tpu.vector_load %arg5[%swap3A] {strides = array<i32>} : memref<10240xf32, #tpu.memory_space<vmem>>, vector<16xf32>,
      tpu.vector_store %arg5[%swap3A], %add3A_193 {strides = array<i32>} : memref<10240xf32, #tpu.memory_space<vmem>>, vector<16xf32>,
      %scan3A_195 = arith.constant 1 : i32
      %scan3A_196 = arith.addi %scan3A_182, %scan3A_195 : i32
      %mul3A_197 = arith.constant 1 : i32
      %mul3A_198 = arith.muli %scan3A_196, %mul3A_197 : i32
      %add3A_199 = arith.constant 0 : i32
      %add3A_200 = arith.addi %add3A_199, %mul3A_198 : i32
      %mul3A_201 = arith.constant 16 : i32
      %mul3A_202 = arith.muli %add3A_200, %mul3A_201 : i32
      %get3A_203 = arith.index_cast %mul3A_202 : i32 to index
      %get3A_204 = tpu.vector_load %arg5[%get3A_203] {strides = array<i32>} : memref<10240xf32, #tpu.memory_space<vmem>>, vector<16xf32>,
      %get3A_205 = arith.index_cast %mul3A_202 : i32 to index
      %get3A_206 = tpu.vector_load %arg7[%get3A_205] {strides = array<i32>} : memref<640xf32, #tpu.memory_space<vmem>>, vector<16xf32>,
      %add3A_207 = arith.addf %get3A_204, %get3A_206 : vector<16xf32>
      %swap3A_208 = arith.index_cast %mul3A_202 : i32 to index
      %swap3A_209 = tpu.vector_load %arg5[%swap3A_208] {strides = array<i32>} : memref<10240xf32, #tpu.memory_space<vmem>>, vector<16xf32>,
      tpu.vector_store %arg5[%swap3A_208], %add3A_207 {strides = array<i32>} : memref<10240xf32, #tpu.memory_space<vmem>>, vector<16xf32>,
      %scan3A_210 = arith.constant 2 : i32
      %scan3A_211 = arith.addi %scan3A_182, %scan3A_210 : i32
      %mul3A_212 = arith.constant 1 : i32
      %mul3A_213 = arith.muli %scan3A_211, %mul3A_212 : i32
      %add3A_214 = arith.constant 0 : i32
      %add3A_215 = arith.addi %add3A_214, %mul3A_213 : i32
      %mul3A_216 = arith.constant 16 : i32
      %mul3A_217 = arith.muli %add3A_215, %mul3A_216 : i32
      %get3A_218 = arith.index_cast %mul3A_217 : i32 to index
      %get3A_219 = tpu.vector_load %arg5[%get3A_218] {strides = array<i32>} : memref<10240xf32, #tpu.memory_space<vmem>>, vector<16xf32>,
      %get3A_220 = arith.index_cast %mul3A_217 : i32 to index
      %get3A_221 = tpu.vector_load %arg7[%get3A_220] {strides = array<i32>} : memref<640xf32, #tpu.memory_space<vmem>>, vector<16xf32>,
      %add3A_222 = arith.addf %get3A_219, %get3A_221 : vector<16xf32>
      %swap3A_223 = arith.index_cast %mul3A_217 : i32 to index
      %swap3A_224 = tpu.vector_load %arg5[%swap3A_223] {strides = array<i32>} : memref<10240xf32, #tpu.memory_space<vmem>>, vector<16xf32>,
      tpu.vector_store %arg5[%swap3A_223], %add3A_222 {strides = array<i32>} : memref<10240xf32, #tpu.memory_space<vmem>>, vector<16xf32>,
      %scan3A_225 = arith.constant 3 : i32
      %scan3A_226 = arith.addi %scan3A_182, %scan3A_225 : i32
      %mul3A_227 = arith.constant 1 : i32
      %mul3A_228 = arith.muli %scan3A_226, %mul3A_227 : i32
      %add3A_229 = arith.constant 0 : i32
      %add3A_230 = arith.addi %add3A_229, %mul3A_228 : i32
      %mul3A_231 = arith.constant 16 : i32
      %mul3A_232 = arith.muli %add3A_230, %mul3A_231 : i32
      %get3A_233 = arith.index_cast %mul3A_232 : i32 to index
      %get3A_234 = tpu.vector_load %arg5[%get3A_233] {strides = array<i32>} : memref<10240xf32, #tpu.memory_space<vmem>>, vector<16xf32>,
      %get3A_235 = arith.index_cast %mul3A_232 : i32 to index
      %get3A_236 = tpu.vector_load %arg7[%get3A_235] {strides = array<i32>} : memref<640xf32, #tpu.memory_space<vmem>>, vector<16xf32>,
      %add3A_237 = arith.addf %get3A_234, %get3A_236 : vector<16xf32>
      %swap3A_238 = arith.index_cast %mul3A_232 : i32 to index
      %swap3A_239 = tpu.vector_load %arg5[%swap3A_238] {strides = array<i32>} : memref<10240xf32, #tpu.memory_space<vmem>>, vector<16xf32>,
      tpu.vector_store %arg5[%swap3A_238], %add3A_237 {strides = array<i32>} : memref<10240xf32, #tpu.memory_space<vmem>>, vector<16xf32>,
      %scan3A_240 = arith.constant 4 : i32
      %scan3A_241 = arith.addi %scan3A_182, %scan3A_240 : i32
      %mul3A_242 = arith.constant 1 : i32
      %mul3A_243 = arith.muli %scan3A_241, %mul3A_242 : i32
      %add3A_244 = arith.constant 0 : i32
      %add3A_245 = arith.addi %add3A_244, %mul3A_243 : i32
      %mul3A_246 = arith.constant 16 : i32
      %mul3A_247 = arith.muli %add3A_245, %mul3A_246 : i32
      %get3A_248 = arith.index_cast %mul3A_247 : i32 to index
      %get3A_249 = tpu.vector_load %arg5[%get3A_248] {strides = array<i32>} : memref<10240xf32, #tpu.memory_space<vmem>>, vector<16xf32>,
      %get3A_250 = arith.index_cast %mul3A_247 : i32 to index
      %get3A_251 = tpu.vector_load %arg7[%get3A_250] {strides = array<i32>} : memref<640xf32, #tpu.memory_space<vmem>>, vector<16xf32>,
      %add3A_252 = arith.addf %get3A_249, %get3A_251 : vector<16xf32>
      %swap3A_253 = arith.index_cast %mul3A_247 : i32 to index
      %swap3A_254 = tpu.vector_load %arg5[%swap3A_253] {strides = array<i32>} : memref<10240xf32, #tpu.memory_space<vmem>>, vector<16xf32>,
      tpu.vector_store %arg5[%swap3A_253], %add3A_252 {strides = array<i32>} : memref<10240xf32, #tpu.memory_space<vmem>>, vector<16xf32>,
      %scan3A_255 = arith.constant 5 : i32
      %scan3A_256 = arith.addi %scan3A_182, %scan3A_255 : i32
      %mul3A_257 = arith.constant 1 : i32
      %mul3A_258 = arith.muli %scan3A_256, %mul3A_257 : i32
      %add3A_259 = arith.constant 0 : i32
      %add3A_260 = arith.addi %add3A_259, %mul3A_258 : i32
      %mul3A_261 = arith.constant 16 : i32
      %mul3A_262 = arith.muli %add3A_260, %mul3A_261 : i32
      %get3A_263 = arith.index_cast %mul3A_262 : i32 to index
      %get3A_264 = tpu.vector_load %arg5[%get3A_263] {strides = array<i32>} : memref<10240xf32, #tpu.memory_space<vmem>>, vector<16xf32>,
      %get3A_265 = arith.index_cast %mul3A_262 : i32 to index
      %get3A_266 = tpu.vector_load %arg7[%get3A_265] {strides = array<i32>} : memref<640xf32, #tpu.memory_space<vmem>>, vector<16xf32>,
      %add3A_267 = arith.addf %get3A_264, %get3A_266 : vector<16xf32>
      %swap3A_268 = arith.index_cast %mul3A_262 : i32 to index
      %swap3A_269 = tpu.vector_load %arg5[%swap3A_268] {strides = array<i32>} : memref<10240xf32, #tpu.memory_space<vmem>>, vector<16xf32>,
      tpu.vector_store %arg5[%swap3A_268], %add3A_267 {strides = array<i32>} : memref<10240xf32, #tpu.memory_space<vmem>>, vector<16xf32>,
      %scan3A_270 = arith.constant 6 : i32
      %scan3A_271 = arith.addi %scan3A_182, %scan3A_270 : i32
      %mul3A_272 = arith.constant 1 : i32
      %mul3A_273 = arith.muli %scan3A_271, %mul3A_272 : i32
      %add3A_274 = arith.constant 0 : i32
      %add3A_275 = arith.addi %add3A_274, %mul3A_273 : i32
      %mul3A_276 = arith.constant 16 : i32
      %mul3A_277 = arith.muli %add3A_275, %mul3A_276 : i32
      %get3A_278 = arith.index_cast %mul3A_277 : i32 to index
      %get3A_279 = tpu.vector_load %arg5[%get3A_278] {strides = array<i32>} : memref<10240xf32, #tpu.memory_space<vmem>>, vector<16xf32>,
      %get3A_280 = arith.index_cast %mul3A_277 : i32 to index
      %get3A_281 = tpu.vector_load %arg7[%get3A_280] {strides = array<i32>} : memref<640xf32, #tpu.memory_space<vmem>>, vector<16xf32>,
      %add3A_282 = arith.addf %get3A_279, %get3A_281 : vector<16xf32>
      %swap3A_283 = arith.index_cast %mul3A_277 : i32 to index
      %swap3A_284 = tpu.vector_load %arg5[%swap3A_283] {strides = array<i32>} : memref<10240xf32, #tpu.memory_space<vmem>>, vector<16xf32>,
      tpu.vector_store %arg5[%swap3A_283], %add3A_282 {strides = array<i32>} : memref<10240xf32, #tpu.memory_space<vmem>>, vector<16xf32>,
      %scan3A_285 = arith.constant 7 : i32
      %scan3A_286 = arith.addi %scan3A_182, %scan3A_285 : i32
      %mul3A_287 = arith.constant 1 : i32
      %mul3A_288 = arith.muli %scan3A_286, %mul3A_287 : i32
      %add3A_289 = arith.constant 0 : i32
      %add3A_290 = arith.addi %add3A_289, %mul3A_288 : i32
      %mul3A_291 = arith.constant 16 : i32
      %mul3A_292 = arith.muli %add3A_290, %mul3A_291 : i32
      %get3A_293 = arith.index_cast %mul3A_292 : i32 to index
      %get3A_294 = tpu.vector_load %arg5[%get3A_293] {strides = array<i32>} : memref<10240xf32, #tpu.memory_space<vmem>>, vector<16xf32>,
      %get3A_295 = arith.index_cast %mul3A_292 : i32 to index
      %get3A_296 = tpu.vector_load %arg7[%get3A_295] {strides = array<i32>} : memref<640xf32, #tpu.memory_space<vmem>>, vector<16xf32>,
      %add3A_297 = arith.addf %get3A_294, %get3A_296 : vector<16xf32>
      %swap3A_298 = arith.index_cast %mul3A_292 : i32 to index
      %swap3A_299 = tpu.vector_load %arg5[%swap3A_298] {strides = array<i32>} : memref<10240xf32, #tpu.memory_space<vmem>>, vector<16xf32>,
      tpu.vector_store %arg5[%swap3A_298], %add3A_297 {strides = array<i32>} : memref<10240xf32, #tpu.memory_space<vmem>>, vector<16xf32>,
    }
    %scan3A_145 = arith.constant 40 : i32
    %mul3A_146 = arith.constant 640 : i32
    %mul3A_147 = arith.muli %arg1, %mul3A_146 : i32
    %add3A_148 = arith.constant 133120 : i32
    %add3A_149 = arith.addi %add3A_148, %mul3A_147 : i32
    "tpu.region"() ({
      %run_scoped3A = tpu.sem_alloc : memref<!tpu.dma_semaphore, #tpu.memory_space<semaphore_mem>>
      %dma_start3A = tpu.memref_slice %arg4[%add3A_149] : memref<163840xf32, #tpu.memory_space<vmem_shared>> -> memref<640xf32, #tpu.memory_space<vmem_shared>>
      %dma_start3A_182 = tpu.memref_slice %arg4[%add3A_149] : memref<163840xf32, #tpu.memory_space<vmem_shared>> -> memref<640xf32, #tpu.memory_space<vmem_shared>>
      tpu.enqueue_dma source(%dma_start3A_182 : memref<640xf32, #tpu.memory_space<vmem_shared>>) target(%arg7 : memref<640xf32, #tpu.memory_space<vmem>>) target_semaphore(%run_scoped3A : memref<!tpu.dma_semaphore, #tpu.memory_space<semaphore_mem>>)
      %dma_wait3A = tpu.memref_slice %arg4[%add3A_149] : memref<163840xf32, #tpu.memory_space<vmem_shared>> -> memref<640xf32, #tpu.memory_space<vmem_shared>>
      %dma_wait3A_183 = tpu.memref_slice %arg4[%add3A_149] : memref<163840xf32, #tpu.memory_space<vmem_shared>> -> memref<640xf32, #tpu.memory_space<vmem_shared>>
      tpu.wait_dma2 semaphore(%run_scoped3A : memref<!tpu.dma_semaphore, #tpu.memory_space<semaphore_mem>>) src(%dma_wait3A_183 : memref<640xf32, #tpu.memory_space<vmem_shared>>) dst(%arg7 : memref<640xf32, #tpu.memory_space<vmem>>)
      tpu.yield
    }) : () -> ()
    %scan3A_150 = arith.constant 0 : i32
    %scan3A_151 = arith.constant 40 : i32
    %scan3A_152 = arith.addi %scan3A_150, %scan3A_151 : i32
    %scan3A_153 = arith.constant 8 : i32
    scf.for %scan3A_182 = %scan3A_150 to %scan3A_152 step %scan3A_153  : i32 {
      %mul3A_183 = arith.constant 1 : i32
      %mul3A_184 = arith.muli %scan3A_182, %mul3A_183 : i32
      %add3A_185 = arith.constant 0 : i32
      %add3A_186 = arith.addi %add3A_185, %mul3A_184 : i32
      %mul3A_187 = arith.constant 16 : i32
      %mul3A_188 = arith.muli %add3A_186, %mul3A_187 : i32
      %get3A_189 = arith.index_cast %mul3A_188 : i32 to index
      %get3A_190 = tpu.vector_load %arg5[%get3A_189] {strides = array<i32>} : memref<10240xf32, #tpu.memory_space<vmem>>, vector<16xf32>,
      %get3A_191 = arith.index_cast %mul3A_188 : i32 to index
      %get3A_192 = tpu.vector_load %arg7[%get3A_191] {strides = array<i32>} : memref<640xf32, #tpu.memory_space<vmem>>, vector<16xf32>,
      %add3A_193 = arith.addf %get3A_190, %get3A_192 : vector<16xf32>
      %swap3A = arith.index_cast %mul3A_188 : i32 to index
      %swap3A_194 = tpu.vector_load %arg5[%swap3A] {strides = array<i32>} : memref<10240xf32, #tpu.memory_space<vmem>>, vector<16xf32>,
      tpu.vector_store %arg5[%swap3A], %add3A_193 {strides = array<i32>} : memref<10240xf32, #tpu.memory_space<vmem>>, vector<16xf32>,
      %scan3A_195 = arith.constant 1 : i32
      %scan3A_196 = arith.addi %scan3A_182, %scan3A_195 : i32
      %mul3A_197 = arith.constant 1 : i32
      %mul3A_198 = arith.muli %scan3A_196, %mul3A_197 : i32
      %add3A_199 = arith.constant 0 : i32
      %add3A_200 = arith.addi %add3A_199, %mul3A_198 : i32
      %mul3A_201 = arith.constant 16 : i32
      %mul3A_202 = arith.muli %add3A_200, %mul3A_201 : i32
      %get3A_203 = arith.index_cast %mul3A_202 : i32 to index
      %get3A_204 = tpu.vector_load %arg5[%get3A_203] {strides = array<i32>} : memref<10240xf32, #tpu.memory_space<vmem>>, vector<16xf32>,
      %get3A_205 = arith.index_cast %mul3A_202 : i32 to index
      %get3A_206 = tpu.vector_load %arg7[%get3A_205] {strides = array<i32>} : memref<640xf32, #tpu.memory_space<vmem>>, vector<16xf32>,
      %add3A_207 = arith.addf %get3A_204, %get3A_206 : vector<16xf32>
      %swap3A_208 = arith.index_cast %mul3A_202 : i32 to index
      %swap3A_209 = tpu.vector_load %arg5[%swap3A_208] {strides = array<i32>} : memref<10240xf32, #tpu.memory_space<vmem>>, vector<16xf32>,
      tpu.vector_store %arg5[%swap3A_208], %add3A_207 {strides = array<i32>} : memref<10240xf32, #tpu.memory_space<vmem>>, vector<16xf32>,
      %scan3A_210 = arith.constant 2 : i32
      %scan3A_211 = arith.addi %scan3A_182, %scan3A_210 : i32
      %mul3A_212 = arith.constant 1 : i32
      %mul3A_213 = arith.muli %scan3A_211, %mul3A_212 : i32
      %add3A_214 = arith.constant 0 : i32
      %add3A_215 = arith.addi %add3A_214, %mul3A_213 : i32
      %mul3A_216 = arith.constant 16 : i32
      %mul3A_217 = arith.muli %add3A_215, %mul3A_216 : i32
      %get3A_218 = arith.index_cast %mul3A_217 : i32 to index
      %get3A_219 = tpu.vector_load %arg5[%get3A_218] {strides = array<i32>} : memref<10240xf32, #tpu.memory_space<vmem>>, vector<16xf32>,
      %get3A_220 = arith.index_cast %mul3A_217 : i32 to index
      %get3A_221 = tpu.vector_load %arg7[%get3A_220] {strides = array<i32>} : memref<640xf32, #tpu.memory_space<vmem>>, vector<16xf32>,
      %add3A_222 = arith.addf %get3A_219, %get3A_221 : vector<16xf32>
      %swap3A_223 = arith.index_cast %mul3A_217 : i32 to index
      %swap3A_224 = tpu.vector_load %arg5[%swap3A_223] {strides = array<i32>} : memref<10240xf32, #tpu.memory_space<vmem>>, vector<16xf32>,
      tpu.vector_store %arg5[%swap3A_223], %add3A_222 {strides = array<i32>} : memref<10240xf32, #tpu.memory_space<vmem>>, vector<16xf32>,
      %scan3A_225 = arith.constant 3 : i32
      %scan3A_226 = arith.addi %scan3A_182, %scan3A_225 : i32
      %mul3A_227 = arith.constant 1 : i32
      %mul3A_228 = arith.muli %scan3A_226, %mul3A_227 : i32
      %add3A_229 = arith.constant 0 : i32
      %add3A_230 = arith.addi %add3A_229, %mul3A_228 : i32
      %mul3A_231 = arith.constant 16 : i32
      %mul3A_232 = arith.muli %add3A_230, %mul3A_231 : i32
      %get3A_233 = arith.index_cast %mul3A_232 : i32 to index
      %get3A_234 = tpu.vector_load %arg5[%get3A_233] {strides = array<i32>} : memref<10240xf32, #tpu.memory_space<vmem>>, vector<16xf32>,
      %get3A_235 = arith.index_cast %mul3A_232 : i32 to index
      %get3A_236 = tpu.vector_load %arg7[%get3A_235] {strides = array<i32>} : memref<640xf32, #tpu.memory_space<vmem>>, vector<16xf32>,
      %add3A_237 = arith.addf %get3A_234, %get3A_236 : vector<16xf32>
      %swap3A_238 = arith.index_cast %mul3A_232 : i32 to index
      %swap3A_239 = tpu.vector_load %arg5[%swap3A_238] {strides = array<i32>} : memref<10240xf32, #tpu.memory_space<vmem>>, vector<16xf32>,
      tpu.vector_store %arg5[%swap3A_238], %add3A_237 {strides = array<i32>} : memref<10240xf32, #tpu.memory_space<vmem>>, vector<16xf32>,
      %scan3A_240 = arith.constant 4 : i32
      %scan3A_241 = arith.addi %scan3A_182, %scan3A_240 : i32
      %mul3A_242 = arith.constant 1 : i32
      %mul3A_243 = arith.muli %scan3A_241, %mul3A_242 : i32
      %add3A_244 = arith.constant 0 : i32
      %add3A_245 = arith.addi %add3A_244, %mul3A_243 : i32
      %mul3A_246 = arith.constant 16 : i32
      %mul3A_247 = arith.muli %add3A_245, %mul3A_246 : i32
      %get3A_248 = arith.index_cast %mul3A_247 : i32 to index
      %get3A_249 = tpu.vector_load %arg5[%get3A_248] {strides = array<i32>} : memref<10240xf32, #tpu.memory_space<vmem>>, vector<16xf32>,
      %get3A_250 = arith.index_cast %mul3A_247 : i32 to index
      %get3A_251 = tpu.vector_load %arg7[%get3A_250] {strides = array<i32>} : memref<640xf32, #tpu.memory_space<vmem>>, vector<16xf32>,
      %add3A_252 = arith.addf %get3A_249, %get3A_251 : vector<16xf32>
      %swap3A_253 = arith.index_cast %mul3A_247 : i32 to index
      %swap3A_254 = tpu.vector_load %arg5[%swap3A_253] {strides = array<i32>} : memref<10240xf32, #tpu.memory_space<vmem>>, vector<16xf32>,
      tpu.vector_store %arg5[%swap3A_253], %add3A_252 {strides = array<i32>} : memref<10240xf32, #tpu.memory_space<vmem>>, vector<16xf32>,
      %scan3A_255 = arith.constant 5 : i32
      %scan3A_256 = arith.addi %scan3A_182, %scan3A_255 : i32
      %mul3A_257 = arith.constant 1 : i32
      %mul3A_258 = arith.muli %scan3A_256, %mul3A_257 : i32
      %add3A_259 = arith.constant 0 : i32
      %add3A_260 = arith.addi %add3A_259, %mul3A_258 : i32
      %mul3A_261 = arith.constant 16 : i32
      %mul3A_262 = arith.muli %add3A_260, %mul3A_261 : i32
      %get3A_263 = arith.index_cast %mul3A_262 : i32 to index
      %get3A_264 = tpu.vector_load %arg5[%get3A_263] {strides = array<i32>} : memref<10240xf32, #tpu.memory_space<vmem>>, vector<16xf32>,
      %get3A_265 = arith.index_cast %mul3A_262 : i32 to index
      %get3A_266 = tpu.vector_load %arg7[%get3A_265] {strides = array<i32>} : memref<640xf32, #tpu.memory_space<vmem>>, vector<16xf32>,
      %add3A_267 = arith.addf %get3A_264, %get3A_266 : vector<16xf32>
      %swap3A_268 = arith.index_cast %mul3A_262 : i32 to index
      %swap3A_269 = tpu.vector_load %arg5[%swap3A_268] {strides = array<i32>} : memref<10240xf32, #tpu.memory_space<vmem>>, vector<16xf32>,
      tpu.vector_store %arg5[%swap3A_268], %add3A_267 {strides = array<i32>} : memref<10240xf32, #tpu.memory_space<vmem>>, vector<16xf32>,
      %scan3A_270 = arith.constant 6 : i32
      %scan3A_271 = arith.addi %scan3A_182, %scan3A_270 : i32
      %mul3A_272 = arith.constant 1 : i32
      %mul3A_273 = arith.muli %scan3A_271, %mul3A_272 : i32
      %add3A_274 = arith.constant 0 : i32
      %add3A_275 = arith.addi %add3A_274, %mul3A_273 : i32
      %mul3A_276 = arith.constant 16 : i32
      %mul3A_277 = arith.muli %add3A_275, %mul3A_276 : i32
      %get3A_278 = arith.index_cast %mul3A_277 : i32 to index
      %get3A_279 = tpu.vector_load %arg5[%get3A_278] {strides = array<i32>} : memref<10240xf32, #tpu.memory_space<vmem>>, vector<16xf32>,
      %get3A_280 = arith.index_cast %mul3A_277 : i32 to index
      %get3A_281 = tpu.vector_load %arg7[%get3A_280] {strides = array<i32>} : memref<640xf32, #tpu.memory_space<vmem>>, vector<16xf32>,
      %add3A_282 = arith.addf %get3A_279, %get3A_281 : vector<16xf32>
      %swap3A_283 = arith.index_cast %mul3A_277 : i32 to index
      %swap3A_284 = tpu.vector_load %arg5[%swap3A_283] {strides = array<i32>} : memref<10240xf32, #tpu.memory_space<vmem>>, vector<16xf32>,
      tpu.vector_store %arg5[%swap3A_283], %add3A_282 {strides = array<i32>} : memref<10240xf32, #tpu.memory_space<vmem>>, vector<16xf32>,
      %scan3A_285 = arith.constant 7 : i32
      %scan3A_286 = arith.addi %scan3A_182, %scan3A_285 : i32
      %mul3A_287 = arith.constant 1 : i32
      %mul3A_288 = arith.muli %scan3A_286, %mul3A_287 : i32
      %add3A_289 = arith.constant 0 : i32
      %add3A_290 = arith.addi %add3A_289, %mul3A_288 : i32
      %mul3A_291 = arith.constant 16 : i32
      %mul3A_292 = arith.muli %add3A_290, %mul3A_291 : i32
      %get3A_293 = arith.index_cast %mul3A_292 : i32 to index
      %get3A_294 = tpu.vector_load %arg5[%get3A_293] {strides = array<i32>} : memref<10240xf32, #tpu.memory_space<vmem>>, vector<16xf32>,
      %get3A_295 = arith.index_cast %mul3A_292 : i32 to index
      %get3A_296 = tpu.vector_load %arg7[%get3A_295] {strides = array<i32>} : memref<640xf32, #tpu.memory_space<vmem>>, vector<16xf32>,
      %add3A_297 = arith.addf %get3A_294, %get3A_296 : vector<16xf32>
      %swap3A_298 = arith.index_cast %mul3A_292 : i32 to index
      %swap3A_299 = tpu.vector_load %arg5[%swap3A_298] {strides = array<i32>} : memref<10240xf32, #tpu.memory_space<vmem>>, vector<16xf32>,
      tpu.vector_store %arg5[%swap3A_298], %add3A_297 {strides = array<i32>} : memref<10240xf32, #tpu.memory_space<vmem>>, vector<16xf32>,
    }
    %scan3A_154 = arith.constant 40 : i32
    %mul3A_155 = arith.constant 640 : i32
    %mul3A_156 = arith.muli %arg1, %mul3A_155 : i32
    %add3A_157 = arith.constant 143360 : i32
    %add3A_158 = arith.addi %add3A_157, %mul3A_156 : i32
    "tpu.region"() ({
      %run_scoped3A = tpu.sem_alloc : memref<!tpu.dma_semaphore, #tpu.memory_space<semaphore_mem>>
      %dma_start3A = tpu.memref_slice %arg4[%add3A_158] : memref<163840xf32, #tpu.memory_space<vmem_shared>> -> memref<640xf32, #tpu.memory_space<vmem_shared>>
      %dma_start3A_182 = tpu.memref_slice %arg4[%add3A_158] : memref<163840xf32, #tpu.memory_space<vmem_shared>> -> memref<640xf32, #tpu.memory_space<vmem_shared>>
      tpu.enqueue_dma source(%dma_start3A_182 : memref<640xf32, #tpu.memory_space<vmem_shared>>) target(%arg7 : memref<640xf32, #tpu.memory_space<vmem>>) target_semaphore(%run_scoped3A : memref<!tpu.dma_semaphore, #tpu.memory_space<semaphore_mem>>)
      %dma_wait3A = tpu.memref_slice %arg4[%add3A_158] : memref<163840xf32, #tpu.memory_space<vmem_shared>> -> memref<640xf32, #tpu.memory_space<vmem_shared>>
      %dma_wait3A_183 = tpu.memref_slice %arg4[%add3A_158] : memref<163840xf32, #tpu.memory_space<vmem_shared>> -> memref<640xf32, #tpu.memory_space<vmem_shared>>
      tpu.wait_dma2 semaphore(%run_scoped3A : memref<!tpu.dma_semaphore, #tpu.memory_space<semaphore_mem>>) src(%dma_wait3A_183 : memref<640xf32, #tpu.memory_space<vmem_shared>>) dst(%arg7 : memref<640xf32, #tpu.memory_space<vmem>>)
      tpu.yield
    }) : () -> ()
    %scan3A_159 = arith.constant 0 : i32
    %scan3A_160 = arith.constant 40 : i32
    %scan3A_161 = arith.addi %scan3A_159, %scan3A_160 : i32
    %scan3A_162 = arith.constant 8 : i32
    scf.for %scan3A_182 = %scan3A_159 to %scan3A_161 step %scan3A_162  : i32 {
      %mul3A_183 = arith.constant 1 : i32
      %mul3A_184 = arith.muli %scan3A_182, %mul3A_183 : i32
      %add3A_185 = arith.constant 0 : i32
      %add3A_186 = arith.addi %add3A_185, %mul3A_184 : i32
      %mul3A_187 = arith.constant 16 : i32
      %mul3A_188 = arith.muli %add3A_186, %mul3A_187 : i32
      %get3A_189 = arith.index_cast %mul3A_188 : i32 to index
      %get3A_190 = tpu.vector_load %arg5[%get3A_189] {strides = array<i32>} : memref<10240xf32, #tpu.memory_space<vmem>>, vector<16xf32>,
      %get3A_191 = arith.index_cast %mul3A_188 : i32 to index
      %get3A_192 = tpu.vector_load %arg7[%get3A_191] {strides = array<i32>} : memref<640xf32, #tpu.memory_space<vmem>>, vector<16xf32>,
      %add3A_193 = arith.addf %get3A_190, %get3A_192 : vector<16xf32>
      %swap3A = arith.index_cast %mul3A_188 : i32 to index
      %swap3A_194 = tpu.vector_load %arg5[%swap3A] {strides = array<i32>} : memref<10240xf32, #tpu.memory_space<vmem>>, vector<16xf32>,
      tpu.vector_store %arg5[%swap3A], %add3A_193 {strides = array<i32>} : memref<10240xf32, #tpu.memory_space<vmem>>, vector<16xf32>,
      %scan3A_195 = arith.constant 1 : i32
      %scan3A_196 = arith.addi %scan3A_182, %scan3A_195 : i32
      %mul3A_197 = arith.constant 1 : i32
      %mul3A_198 = arith.muli %scan3A_196, %mul3A_197 : i32
      %add3A_199 = arith.constant 0 : i32
      %add3A_200 = arith.addi %add3A_199, %mul3A_198 : i32
      %mul3A_201 = arith.constant 16 : i32
      %mul3A_202 = arith.muli %add3A_200, %mul3A_201 : i32
      %get3A_203 = arith.index_cast %mul3A_202 : i32 to index
      %get3A_204 = tpu.vector_load %arg5[%get3A_203] {strides = array<i32>} : memref<10240xf32, #tpu.memory_space<vmem>>, vector<16xf32>,
      %get3A_205 = arith.index_cast %mul3A_202 : i32 to index
      %get3A_206 = tpu.vector_load %arg7[%get3A_205] {strides = array<i32>} : memref<640xf32, #tpu.memory_space<vmem>>, vector<16xf32>,
      %add3A_207 = arith.addf %get3A_204, %get3A_206 : vector<16xf32>
      %swap3A_208 = arith.index_cast %mul3A_202 : i32 to index
      %swap3A_209 = tpu.vector_load %arg5[%swap3A_208] {strides = array<i32>} : memref<10240xf32, #tpu.memory_space<vmem>>, vector<16xf32>,
      tpu.vector_store %arg5[%swap3A_208], %add3A_207 {strides = array<i32>} : memref<10240xf32, #tpu.memory_space<vmem>>, vector<16xf32>,
      %scan3A_210 = arith.constant 2 : i32
      %scan3A_211 = arith.addi %scan3A_182, %scan3A_210 : i32
      %mul3A_212 = arith.constant 1 : i32
      %mul3A_213 = arith.muli %scan3A_211, %mul3A_212 : i32
      %add3A_214 = arith.constant 0 : i32
      %add3A_215 = arith.addi %add3A_214, %mul3A_213 : i32
      %mul3A_216 = arith.constant 16 : i32
      %mul3A_217 = arith.muli %add3A_215, %mul3A_216 : i32
      %get3A_218 = arith.index_cast %mul3A_217 : i32 to index
      %get3A_219 = tpu.vector_load %arg5[%get3A_218] {strides = array<i32>} : memref<10240xf32, #tpu.memory_space<vmem>>, vector<16xf32>,
      %get3A_220 = arith.index_cast %mul3A_217 : i32 to index
      %get3A_221 = tpu.vector_load %arg7[%get3A_220] {strides = array<i32>} : memref<640xf32, #tpu.memory_space<vmem>>, vector<16xf32>,
      %add3A_222 = arith.addf %get3A_219, %get3A_221 : vector<16xf32>
      %swap3A_223 = arith.index_cast %mul3A_217 : i32 to index
      %swap3A_224 = tpu.vector_load %arg5[%swap3A_223] {strides = array<i32>} : memref<10240xf32, #tpu.memory_space<vmem>>, vector<16xf32>,
      tpu.vector_store %arg5[%swap3A_223], %add3A_222 {strides = array<i32>} : memref<10240xf32, #tpu.memory_space<vmem>>, vector<16xf32>,
      %scan3A_225 = arith.constant 3 : i32
      %scan3A_226 = arith.addi %scan3A_182, %scan3A_225 : i32
      %mul3A_227 = arith.constant 1 : i32
      %mul3A_228 = arith.muli %scan3A_226, %mul3A_227 : i32
      %add3A_229 = arith.constant 0 : i32
      %add3A_230 = arith.addi %add3A_229, %mul3A_228 : i32
      %mul3A_231 = arith.constant 16 : i32
      %mul3A_232 = arith.muli %add3A_230, %mul3A_231 : i32
      %get3A_233 = arith.index_cast %mul3A_232 : i32 to index
      %get3A_234 = tpu.vector_load %arg5[%get3A_233] {strides = array<i32>} : memref<10240xf32, #tpu.memory_space<vmem>>, vector<16xf32>,
      %get3A_235 = arith.index_cast %mul3A_232 : i32 to index
      %get3A_236 = tpu.vector_load %arg7[%get3A_235] {strides = array<i32>} : memref<640xf32, #tpu.memory_space<vmem>>, vector<16xf32>,
      %add3A_237 = arith.addf %get3A_234, %get3A_236 : vector<16xf32>
      %swap3A_238 = arith.index_cast %mul3A_232 : i32 to index
      %swap3A_239 = tpu.vector_load %arg5[%swap3A_238] {strides = array<i32>} : memref<10240xf32, #tpu.memory_space<vmem>>, vector<16xf32>,
      tpu.vector_store %arg5[%swap3A_238], %add3A_237 {strides = array<i32>} : memref<10240xf32, #tpu.memory_space<vmem>>, vector<16xf32>,
      %scan3A_240 = arith.constant 4 : i32
      %scan3A_241 = arith.addi %scan3A_182, %scan3A_240 : i32
      %mul3A_242 = arith.constant 1 : i32
      %mul3A_243 = arith.muli %scan3A_241, %mul3A_242 : i32
      %add3A_244 = arith.constant 0 : i32
      %add3A_245 = arith.addi %add3A_244, %mul3A_243 : i32
      %mul3A_246 = arith.constant 16 : i32
      %mul3A_247 = arith.muli %add3A_245, %mul3A_246 : i32
      %get3A_248 = arith.index_cast %mul3A_247 : i32 to index
      %get3A_249 = tpu.vector_load %arg5[%get3A_248] {strides = array<i32>} : memref<10240xf32, #tpu.memory_space<vmem>>, vector<16xf32>,
      %get3A_250 = arith.index_cast %mul3A_247 : i32 to index
      %get3A_251 = tpu.vector_load %arg7[%get3A_250] {strides = array<i32>} : memref<640xf32, #tpu.memory_space<vmem>>, vector<16xf32>,
      %add3A_252 = arith.addf %get3A_249, %get3A_251 : vector<16xf32>
      %swap3A_253 = arith.index_cast %mul3A_247 : i32 to index
      %swap3A_254 = tpu.vector_load %arg5[%swap3A_253] {strides = array<i32>} : memref<10240xf32, #tpu.memory_space<vmem>>, vector<16xf32>,
      tpu.vector_store %arg5[%swap3A_253], %add3A_252 {strides = array<i32>} : memref<10240xf32, #tpu.memory_space<vmem>>, vector<16xf32>,
      %scan3A_255 = arith.constant 5 : i32
      %scan3A_256 = arith.addi %scan3A_182, %scan3A_255 : i32
      %mul3A_257 = arith.constant 1 : i32
      %mul3A_258 = arith.muli %scan3A_256, %mul3A_257 : i32
      %add3A_259 = arith.constant 0 : i32
      %add3A_260 = arith.addi %add3A_259, %mul3A_258 : i32
      %mul3A_261 = arith.constant 16 : i32
      %mul3A_262 = arith.muli %add3A_260, %mul3A_261 : i32
      %get3A_263 = arith.index_cast %mul3A_262 : i32 to index
      %get3A_264 = tpu.vector_load %arg5[%get3A_263] {strides = array<i32>} : memref<10240xf32, #tpu.memory_space<vmem>>, vector<16xf32>,
      %get3A_265 = arith.index_cast %mul3A_262 : i32 to index
      %get3A_266 = tpu.vector_load %arg7[%get3A_265] {strides = array<i32>} : memref<640xf32, #tpu.memory_space<vmem>>, vector<16xf32>,
      %add3A_267 = arith.addf %get3A_264, %get3A_266 : vector<16xf32>
      %swap3A_268 = arith.index_cast %mul3A_262 : i32 to index
      %swap3A_269 = tpu.vector_load %arg5[%swap3A_268] {strides = array<i32>} : memref<10240xf32, #tpu.memory_space<vmem>>, vector<16xf32>,
      tpu.vector_store %arg5[%swap3A_268], %add3A_267 {strides = array<i32>} : memref<10240xf32, #tpu.memory_space<vmem>>, vector<16xf32>,
      %scan3A_270 = arith.constant 6 : i32
      %scan3A_271 = arith.addi %scan3A_182, %scan3A_270 : i32
      %mul3A_272 = arith.constant 1 : i32
      %mul3A_273 = arith.muli %scan3A_271, %mul3A_272 : i32
      %add3A_274 = arith.constant 0 : i32
      %add3A_275 = arith.addi %add3A_274, %mul3A_273 : i32
      %mul3A_276 = arith.constant 16 : i32
      %mul3A_277 = arith.muli %add3A_275, %mul3A_276 : i32
      %get3A_278 = arith.index_cast %mul3A_277 : i32 to index
      %get3A_279 = tpu.vector_load %arg5[%get3A_278] {strides = array<i32>} : memref<10240xf32, #tpu.memory_space<vmem>>, vector<16xf32>,
      %get3A_280 = arith.index_cast %mul3A_277 : i32 to index
      %get3A_281 = tpu.vector_load %arg7[%get3A_280] {strides = array<i32>} : memref<640xf32, #tpu.memory_space<vmem>>, vector<16xf32>,
      %add3A_282 = arith.addf %get3A_279, %get3A_281 : vector<16xf32>
      %swap3A_283 = arith.index_cast %mul3A_277 : i32 to index
      %swap3A_284 = tpu.vector_load %arg5[%swap3A_283] {strides = array<i32>} : memref<10240xf32, #tpu.memory_space<vmem>>, vector<16xf32>,
      tpu.vector_store %arg5[%swap3A_283], %add3A_282 {strides = array<i32>} : memref<10240xf32, #tpu.memory_space<vmem>>, vector<16xf32>,
      %scan3A_285 = arith.constant 7 : i32
      %scan3A_286 = arith.addi %scan3A_182, %scan3A_285 : i32
      %mul3A_287 = arith.constant 1 : i32
      %mul3A_288 = arith.muli %scan3A_286, %mul3A_287 : i32
      %add3A_289 = arith.constant 0 : i32
      %add3A_290 = arith.addi %add3A_289, %mul3A_288 : i32
      %mul3A_291 = arith.constant 16 : i32
      %mul3A_292 = arith.muli %add3A_290, %mul3A_291 : i32
      %get3A_293 = arith.index_cast %mul3A_292 : i32 to index
      %get3A_294 = tpu.vector_load %arg5[%get3A_293] {strides = array<i32>} : memref<10240xf32, #tpu.memory_space<vmem>>, vector<16xf32>,
      %get3A_295 = arith.index_cast %mul3A_292 : i32 to index
      %get3A_296 = tpu.vector_load %arg7[%get3A_295] {strides = array<i32>} : memref<640xf32, #tpu.memory_space<vmem>>, vector<16xf32>,
      %add3A_297 = arith.addf %get3A_294, %get3A_296 : vector<16xf32>
      %swap3A_298 = arith.index_cast %mul3A_292 : i32 to index
      %swap3A_299 = tpu.vector_load %arg5[%swap3A_298] {strides = array<i32>} : memref<10240xf32, #tpu.memory_space<vmem>>, vector<16xf32>,
      tpu.vector_store %arg5[%swap3A_298], %add3A_297 {strides = array<i32>} : memref<10240xf32, #tpu.memory_space<vmem>>, vector<16xf32>,
    }
    %scan3A_163 = arith.constant 40 : i32
    %mul3A_164 = arith.constant 640 : i32
    %mul3A_165 = arith.muli %arg1, %mul3A_164 : i32
    %add3A_166 = arith.constant 153600 : i32
    %add3A_167 = arith.addi %add3A_166, %mul3A_165 : i32
    "tpu.region"() ({
      %run_scoped3A = tpu.sem_alloc : memref<!tpu.dma_semaphore, #tpu.memory_space<semaphore_mem>>
      %dma_start3A = tpu.memref_slice %arg4[%add3A_167] : memref<163840xf32, #tpu.memory_space<vmem_shared>> -> memref<640xf32, #tpu.memory_space<vmem_shared>>
      %dma_start3A_182 = tpu.memref_slice %arg4[%add3A_167] : memref<163840xf32, #tpu.memory_space<vmem_shared>> -> memref<640xf32, #tpu.memory_space<vmem_shared>>
      tpu.enqueue_dma source(%dma_start3A_182 : memref<640xf32, #tpu.memory_space<vmem_shared>>) target(%arg7 : memref<640xf32, #tpu.memory_space<vmem>>) target_semaphore(%run_scoped3A : memref<!tpu.dma_semaphore, #tpu.memory_space<semaphore_mem>>)
      %dma_wait3A = tpu.memref_slice %arg4[%add3A_167] : memref<163840xf32, #tpu.memory_space<vmem_shared>> -> memref<640xf32, #tpu.memory_space<vmem_shared>>
      %dma_wait3A_183 = tpu.memref_slice %arg4[%add3A_167] : memref<163840xf32, #tpu.memory_space<vmem_shared>> -> memref<640xf32, #tpu.memory_space<vmem_shared>>
      tpu.wait_dma2 semaphore(%run_scoped3A : memref<!tpu.dma_semaphore, #tpu.memory_space<semaphore_mem>>) src(%dma_wait3A_183 : memref<640xf32, #tpu.memory_space<vmem_shared>>) dst(%arg7 : memref<640xf32, #tpu.memory_space<vmem>>)
      tpu.yield
    }) : () -> ()
    %scan3A_168 = arith.constant 0 : i32
    %scan3A_169 = arith.constant 40 : i32
    %scan3A_170 = arith.addi %scan3A_168, %scan3A_169 : i32
    %scan3A_171 = arith.constant 8 : i32
    scf.for %scan3A_182 = %scan3A_168 to %scan3A_170 step %scan3A_171  : i32 {
      %mul3A_183 = arith.constant 1 : i32
      %mul3A_184 = arith.muli %scan3A_182, %mul3A_183 : i32
      %add3A_185 = arith.constant 0 : i32
      %add3A_186 = arith.addi %add3A_185, %mul3A_184 : i32
      %mul3A_187 = arith.constant 16 : i32
      %mul3A_188 = arith.muli %add3A_186, %mul3A_187 : i32
      %get3A_189 = arith.index_cast %mul3A_188 : i32 to index
      %get3A_190 = tpu.vector_load %arg5[%get3A_189] {strides = array<i32>} : memref<10240xf32, #tpu.memory_space<vmem>>, vector<16xf32>,
      %get3A_191 = arith.index_cast %mul3A_188 : i32 to index
      %get3A_192 = tpu.vector_load %arg7[%get3A_191] {strides = array<i32>} : memref<640xf32, #tpu.memory_space<vmem>>, vector<16xf32>,
      %add3A_193 = arith.addf %get3A_190, %get3A_192 : vector<16xf32>
      %swap3A = arith.index_cast %mul3A_188 : i32 to index
      %swap3A_194 = tpu.vector_load %arg5[%swap3A] {strides = array<i32>} : memref<10240xf32, #tpu.memory_space<vmem>>, vector<16xf32>,
      tpu.vector_store %arg5[%swap3A], %add3A_193 {strides = array<i32>} : memref<10240xf32, #tpu.memory_space<vmem>>, vector<16xf32>,
      %scan3A_195 = arith.constant 1 : i32
      %scan3A_196 = arith.addi %scan3A_182, %scan3A_195 : i32
      %mul3A_197 = arith.constant 1 : i32
      %mul3A_198 = arith.muli %scan3A_196, %mul3A_197 : i32
      %add3A_199 = arith.constant 0 : i32
      %add3A_200 = arith.addi %add3A_199, %mul3A_198 : i32
      %mul3A_201 = arith.constant 16 : i32
      %mul3A_202 = arith.muli %add3A_200, %mul3A_201 : i32
      %get3A_203 = arith.index_cast %mul3A_202 : i32 to index
      %get3A_204 = tpu.vector_load %arg5[%get3A_203] {strides = array<i32>} : memref<10240xf32, #tpu.memory_space<vmem>>, vector<16xf32>,
      %get3A_205 = arith.index_cast %mul3A_202 : i32 to index
      %get3A_206 = tpu.vector_load %arg7[%get3A_205] {strides = array<i32>} : memref<640xf32, #tpu.memory_space<vmem>>, vector<16xf32>,
      %add3A_207 = arith.addf %get3A_204, %get3A_206 : vector<16xf32>
      %swap3A_208 = arith.index_cast %mul3A_202 : i32 to index
      %swap3A_209 = tpu.vector_load %arg5[%swap3A_208] {strides = array<i32>} : memref<10240xf32, #tpu.memory_space<vmem>>, vector<16xf32>,
      tpu.vector_store %arg5[%swap3A_208], %add3A_207 {strides = array<i32>} : memref<10240xf32, #tpu.memory_space<vmem>>, vector<16xf32>,
      %scan3A_210 = arith.constant 2 : i32
      %scan3A_211 = arith.addi %scan3A_182, %scan3A_210 : i32
      %mul3A_212 = arith.constant 1 : i32
      %mul3A_213 = arith.muli %scan3A_211, %mul3A_212 : i32
      %add3A_214 = arith.constant 0 : i32
      %add3A_215 = arith.addi %add3A_214, %mul3A_213 : i32
      %mul3A_216 = arith.constant 16 : i32
      %mul3A_217 = arith.muli %add3A_215, %mul3A_216 : i32
      %get3A_218 = arith.index_cast %mul3A_217 : i32 to index
      %get3A_219 = tpu.vector_load %arg5[%get3A_218] {strides = array<i32>} : memref<10240xf32, #tpu.memory_space<vmem>>, vector<16xf32>,
      %get3A_220 = arith.index_cast %mul3A_217 : i32 to index
      %get3A_221 = tpu.vector_load %arg7[%get3A_220] {strides = array<i32>} : memref<640xf32, #tpu.memory_space<vmem>>, vector<16xf32>,
      %add3A_222 = arith.addf %get3A_219, %get3A_221 : vector<16xf32>
      %swap3A_223 = arith.index_cast %mul3A_217 : i32 to index
      %swap3A_224 = tpu.vector_load %arg5[%swap3A_223] {strides = array<i32>} : memref<10240xf32, #tpu.memory_space<vmem>>, vector<16xf32>,
      tpu.vector_store %arg5[%swap3A_223], %add3A_222 {strides = array<i32>} : memref<10240xf32, #tpu.memory_space<vmem>>, vector<16xf32>,
      %scan3A_225 = arith.constant 3 : i32
      %scan3A_226 = arith.addi %scan3A_182, %scan3A_225 : i32
      %mul3A_227 = arith.constant 1 : i32
      %mul3A_228 = arith.muli %scan3A_226, %mul3A_227 : i32
      %add3A_229 = arith.constant 0 : i32
      %add3A_230 = arith.addi %add3A_229, %mul3A_228 : i32
      %mul3A_231 = arith.constant 16 : i32
      %mul3A_232 = arith.muli %add3A_230, %mul3A_231 : i32
      %get3A_233 = arith.index_cast %mul3A_232 : i32 to index
      %get3A_234 = tpu.vector_load %arg5[%get3A_233] {strides = array<i32>} : memref<10240xf32, #tpu.memory_space<vmem>>, vector<16xf32>,
      %get3A_235 = arith.index_cast %mul3A_232 : i32 to index
      %get3A_236 = tpu.vector_load %arg7[%get3A_235] {strides = array<i32>} : memref<640xf32, #tpu.memory_space<vmem>>, vector<16xf32>,
      %add3A_237 = arith.addf %get3A_234, %get3A_236 : vector<16xf32>
      %swap3A_238 = arith.index_cast %mul3A_232 : i32 to index
      %swap3A_239 = tpu.vector_load %arg5[%swap3A_238] {strides = array<i32>} : memref<10240xf32, #tpu.memory_space<vmem>>, vector<16xf32>,
      tpu.vector_store %arg5[%swap3A_238], %add3A_237 {strides = array<i32>} : memref<10240xf32, #tpu.memory_space<vmem>>, vector<16xf32>,
      %scan3A_240 = arith.constant 4 : i32
      %scan3A_241 = arith.addi %scan3A_182, %scan3A_240 : i32
      %mul3A_242 = arith.constant 1 : i32
      %mul3A_243 = arith.muli %scan3A_241, %mul3A_242 : i32
      %add3A_244 = arith.constant 0 : i32
      %add3A_245 = arith.addi %add3A_244, %mul3A_243 : i32
      %mul3A_246 = arith.constant 16 : i32
      %mul3A_247 = arith.muli %add3A_245, %mul3A_246 : i32
      %get3A_248 = arith.index_cast %mul3A_247 : i32 to index
      %get3A_249 = tpu.vector_load %arg5[%get3A_248] {strides = array<i32>} : memref<10240xf32, #tpu.memory_space<vmem>>, vector<16xf32>,
      %get3A_250 = arith.index_cast %mul3A_247 : i32 to index
      %get3A_251 = tpu.vector_load %arg7[%get3A_250] {strides = array<i32>} : memref<640xf32, #tpu.memory_space<vmem>>, vector<16xf32>,
      %add3A_252 = arith.addf %get3A_249, %get3A_251 : vector<16xf32>
      %swap3A_253 = arith.index_cast %mul3A_247 : i32 to index
      %swap3A_254 = tpu.vector_load %arg5[%swap3A_253] {strides = array<i32>} : memref<10240xf32, #tpu.memory_space<vmem>>, vector<16xf32>,
      tpu.vector_store %arg5[%swap3A_253], %add3A_252 {strides = array<i32>} : memref<10240xf32, #tpu.memory_space<vmem>>, vector<16xf32>,
      %scan3A_255 = arith.constant 5 : i32
      %scan3A_256 = arith.addi %scan3A_182, %scan3A_255 : i32
      %mul3A_257 = arith.constant 1 : i32
      %mul3A_258 = arith.muli %scan3A_256, %mul3A_257 : i32
      %add3A_259 = arith.constant 0 : i32
      %add3A_260 = arith.addi %add3A_259, %mul3A_258 : i32
      %mul3A_261 = arith.constant 16 : i32
      %mul3A_262 = arith.muli %add3A_260, %mul3A_261 : i32
      %get3A_263 = arith.index_cast %mul3A_262 : i32 to index
      %get3A_264 = tpu.vector_load %arg5[%get3A_263] {strides = array<i32>} : memref<10240xf32, #tpu.memory_space<vmem>>, vector<16xf32>,
      %get3A_265 = arith.index_cast %mul3A_262 : i32 to index
      %get3A_266 = tpu.vector_load %arg7[%get3A_265] {strides = array<i32>} : memref<640xf32, #tpu.memory_space<vmem>>, vector<16xf32>,
      %add3A_267 = arith.addf %get3A_264, %get3A_266 : vector<16xf32>
      %swap3A_268 = arith.index_cast %mul3A_262 : i32 to index
      %swap3A_269 = tpu.vector_load %arg5[%swap3A_268] {strides = array<i32>} : memref<10240xf32, #tpu.memory_space<vmem>>, vector<16xf32>,
      tpu.vector_store %arg5[%swap3A_268], %add3A_267 {strides = array<i32>} : memref<10240xf32, #tpu.memory_space<vmem>>, vector<16xf32>,
      %scan3A_270 = arith.constant 6 : i32
      %scan3A_271 = arith.addi %scan3A_182, %scan3A_270 : i32
      %mul3A_272 = arith.constant 1 : i32
      %mul3A_273 = arith.muli %scan3A_271, %mul3A_272 : i32
      %add3A_274 = arith.constant 0 : i32
      %add3A_275 = arith.addi %add3A_274, %mul3A_273 : i32
      %mul3A_276 = arith.constant 16 : i32
      %mul3A_277 = arith.muli %add3A_275, %mul3A_276 : i32
      %get3A_278 = arith.index_cast %mul3A_277 : i32 to index
      %get3A_279 = tpu.vector_load %arg5[%get3A_278] {strides = array<i32>} : memref<10240xf32, #tpu.memory_space<vmem>>, vector<16xf32>,
      %get3A_280 = arith.index_cast %mul3A_277 : i32 to index
      %get3A_281 = tpu.vector_load %arg7[%get3A_280] {strides = array<i32>} : memref<640xf32, #tpu.memory_space<vmem>>, vector<16xf32>,
      %add3A_282 = arith.addf %get3A_279, %get3A_281 : vector<16xf32>
      %swap3A_283 = arith.index_cast %mul3A_277 : i32 to index
      %swap3A_284 = tpu.vector_load %arg5[%swap3A_283] {strides = array<i32>} : memref<10240xf32, #tpu.memory_space<vmem>>, vector<16xf32>,
      tpu.vector_store %arg5[%swap3A_283], %add3A_282 {strides = array<i32>} : memref<10240xf32, #tpu.memory_space<vmem>>, vector<16xf32>,
      %scan3A_285 = arith.constant 7 : i32
      %scan3A_286 = arith.addi %scan3A_182, %scan3A_285 : i32
      %mul3A_287 = arith.constant 1 : i32
      %mul3A_288 = arith.muli %scan3A_286, %mul3A_287 : i32
      %add3A_289 = arith.constant 0 : i32
      %add3A_290 = arith.addi %add3A_289, %mul3A_288 : i32
      %mul3A_291 = arith.constant 16 : i32
      %mul3A_292 = arith.muli %add3A_290, %mul3A_291 : i32
      %get3A_293 = arith.index_cast %mul3A_292 : i32 to index
      %get3A_294 = tpu.vector_load %arg5[%get3A_293] {strides = array<i32>} : memref<10240xf32, #tpu.memory_space<vmem>>, vector<16xf32>,
      %get3A_295 = arith.index_cast %mul3A_292 : i32 to index
      %get3A_296 = tpu.vector_load %arg7[%get3A_295] {strides = array<i32>} : memref<640xf32, #tpu.memory_space<vmem>>, vector<16xf32>,
      %add3A_297 = arith.addf %get3A_294, %get3A_296 : vector<16xf32>
      %swap3A_298 = arith.index_cast %mul3A_292 : i32 to index
      %swap3A_299 = tpu.vector_load %arg5[%swap3A_298] {strides = array<i32>} : memref<10240xf32, #tpu.memory_space<vmem>>, vector<16xf32>,
      tpu.vector_store %arg5[%swap3A_298], %add3A_297 {strides = array<i32>} : memref<10240xf32, #tpu.memory_space<vmem>>, vector<16xf32>,
    }
    %scan3A_172 = arith.constant 40 : i32
    %broadcast_in_dim3A_173 = arith.constant 0 : i32
    %broadcast_in_dim3A_174 = vector.broadcast %broadcast_in_dim3A_173 : i32 to vector<16xi32>
    %scan3A_175 = arith.constant 0 : i32
    %scan3A_176 = arith.constant 40 : i32
    %scan3A_177 = arith.addi %scan3A_175, %scan3A_176 : i32
    %scan3A_178 = arith.constant 1 : i32
    scf.for %scan3A_182 = %scan3A_175 to %scan3A_177 step %scan3A_178  : i32 {
      %mul3A_183 = arith.constant 1 : i32
      %mul3A_184 = arith.muli %scan3A_182, %mul3A_183 : i32
      %add3A_185 = arith.constant 0 : i32
      %add3A_186 = arith.addi %add3A_185, %mul3A_184 : i32
      %iota3A = tpu.iota {dimensions = array<i32: 0>} : vector<16xi32>
      %mul3A_187 = arith.constant 16 : i32
      %mul3A_188 = arith.muli %add3A_186, %mul3A_187 : i32
      %add3A_189 = vector.broadcast %mul3A_188 : i32 to vector<16xi32>
      %add3A_190 = arith.addi %iota3A, %add3A_189 : vector<16xi32>
      %mul3A_191 = arith.constant 16 : i32
      %mul3A_192 = arith.muli %add3A_186, %mul3A_191 : i32
      %get3A_193 = arith.index_cast %mul3A_192 : i32 to index
      %get3A_194 = tpu.vector_load %arg5[%get3A_193] {strides = array<i32>} : memref<10240xf32, #tpu.memory_space<vmem>>, vector<16xf32>,
      tpu.vector_store_idx %arg8[%add3A_190, %broadcast_in_dim3A_174], %get3A_194 : memref<640x16xf32, #tpu.memory_space<vmem>>[vector<16xi32>, vector<16xi32>], vector<16xf32>,
    }
    %scan3A_179 = arith.constant 40 : i32
    %mul3A_180 = arith.constant 640 : i32
    %mul3A_181 = arith.muli %arg1, %mul3A_180 : i32
    "tpu.region"() ({
      %run_scoped3A = tpu.sem_alloc : memref<!tpu.dma_semaphore, #tpu.memory_space<semaphore_mem>>
      %dma_start3A = arith.constant 0 : i32
      %dma_start3A_182 = tpu.memref_slice %arg3[%arg0, %mul3A_181, %dma_start3A] : memref<2x10240x16xf32, #tpu.memory_space<hbm>> -> memref<1x640x16xf32, #tpu.memory_space<hbm>>
      %dma_start3A_183 = tpu.memref_squeeze %dma_start3A_182 : memref<1x640x16xf32, #tpu.memory_space<hbm>> -> memref<640x16xf32, #tpu.memory_space<hbm>>
      %dma_start3A_184 = arith.constant 0 : i32
      %dma_start3A_185 = tpu.memref_slice %arg3[%arg0, %mul3A_181, %dma_start3A_184] : memref<2x10240x16xf32, #tpu.memory_space<hbm>> -> memref<1x640x16xf32, #tpu.memory_space<hbm>>
      %dma_start3A_186 = tpu.memref_squeeze %dma_start3A_185 : memref<1x640x16xf32, #tpu.memory_space<hbm>> -> memref<640x16xf32, #tpu.memory_space<hbm>>
      tpu.enqueue_dma source(%arg8 : memref<640x16xf32, #tpu.memory_space<vmem>>) target(%dma_start3A_186 : memref<640x16xf32, #tpu.memory_space<hbm>>) target_semaphore(%run_scoped3A : memref<!tpu.dma_semaphore, #tpu.memory_space<semaphore_mem>>)
      %dma_wait3A = arith.constant 0 : i32
      %dma_wait3A_187 = tpu.memref_slice %arg3[%arg0, %mul3A_181, %dma_wait3A] : memref<2x10240x16xf32, #tpu.memory_space<hbm>> -> memref<1x640x16xf32, #tpu.memory_space<hbm>>
      %dma_wait3A_188 = tpu.memref_squeeze %dma_wait3A_187 : memref<1x640x16xf32, #tpu.memory_space<hbm>> -> memref<640x16xf32, #tpu.memory_space<hbm>>
      %dma_wait3A_189 = arith.constant 0 : i32
      %dma_wait3A_190 = tpu.memref_slice %arg3[%arg0, %mul3A_181, %dma_wait3A_189] : memref<2x10240x16xf32, #tpu.memory_space<hbm>> -> memref<1x640x16xf32, #tpu.memory_space<hbm>>
      %dma_wait3A_191 = tpu.memref_squeeze %dma_wait3A_190 : memref<1x640x16xf32, #tpu.memory_space<hbm>> -> memref<640x16xf32, #tpu.memory_space<hbm>>
      tpu.wait_dma2 semaphore(%run_scoped3A : memref<!tpu.dma_semaphore, #tpu.memory_space<semaphore_mem>>) src(%arg8 : memref<640x16xf32, #tpu.memory_space<vmem>>) dst(%dma_wait3A_191 : memref<640x16xf32, #tpu.memory_space<hbm>>)
      tpu.yield
    }) : () -> ()
    return
  }
}

#map = affine_map<(d0, d1) -> (0)>
#map1 = affine_map<(d0, d1) -> (0, 0)>
#map2 = affine_map<(d0, d1) -> (0, 0, 0)>
module attributes {stable_mosaic.version = 14 : i64} {
  func.func @_edge_body(%arg0: i32, %arg1: i32, %arg2: memref<320000xi32, #tpu.memory_space<hbm>>, %arg3: memref<320000xi32, #tpu.memory_space<hbm>>, %arg4: memref<10240x128xf32, #tpu.memory_space<hbm>>, %arg5: memref<10240x128xf32, #tpu.memory_space<hbm>>, %arg6: memref<2x10240x128xf32, #tpu.memory_space<hbm>>, %arg7: memref<10240x128xf32, #tpu.memory_space<vmem_shared>>, %arg8: memref<80xi32, #tpu.memory_space<vmem>>, %arg9: memref<80xi32, #tpu.memory_space<vmem>>, %arg10: memref<80xi32, #tpu.memory_space<vmem>>, %arg11: memref<80xi32, #tpu.memory_space<vmem>>, %arg12: memref<80xi32, #tpu.memory_space<vmem>>, %arg13: memref<80xi32, #tpu.memory_space<vmem>>, %arg14: memref<80xi32, #tpu.memory_space<vmem>>, %arg15: memref<80xi32, #tpu.memory_space<vmem>>, %arg16: memref<80x128xf32, #tpu.memory_space<vmem>>, %arg17: memref<80x128xf32, #tpu.memory_space<vmem>>, %arg18: memref<80x128xf32, #tpu.memory_space<vmem>>, %arg19: memref<80x128xf32, #tpu.memory_space<vmem>>, %arg20: memref<!tpu.dma_semaphore, #tpu.memory_space<semaphore_mem>>, %arg21: memref<!tpu.dma_semaphore, #tpu.memory_space<semaphore_mem>>, %arg22: memref<!tpu.dma_semaphore, #tpu.memory_space<semaphore_mem>>, %arg23: memref<!tpu.dma_semaphore, #tpu.memory_space<semaphore_mem>>, %arg24: memref<!tpu.dma_semaphore, #tpu.memory_space<semaphore_mem>>, %arg25: memref<!tpu.dma_semaphore, #tpu.memory_space<semaphore_mem>>, %arg26: memref<!tpu.dma_semaphore, #tpu.memory_space<semaphore_mem>>, %arg27: memref<!tpu.dma_semaphore, #tpu.memory_space<semaphore_mem>>, %arg28: memref<!tpu.dma_semaphore, #tpu.memory_space<semaphore_mem>>, %arg29: memref<!tpu.dma_semaphore, #tpu.memory_space<semaphore_mem>>, %arg30: memref<!tpu.dma_semaphore, #tpu.memory_space<semaphore_mem>>, %arg31: memref<!tpu.dma_semaphore, #tpu.memory_space<semaphore_mem>>) attributes {dimension_semantics = [#tpu.dimension_semantics<core_parallel>, #tpu.dimension_semantics<subcore_parallel>], iteration_bounds = array<i64: 2, 16>, scalar_prefetch = 0 : i64, scratch_operands = 25 : i64, tpu.core_type = #tpu.core_type<sc_vector_subcore>, window_params = [{transform_indices = #map}, {transform_indices = #map}, {transform_indices = #map1}, {transform_indices = #map1}, {transform_indices = #map2}]} {
    %mul3A = arith.constant 2 : i32
    %mul3A_0 = arith.muli %arg1, %mul3A : i32
    %add3A = arith.addi %mul3A_0, %arg0 : i32
    %eq3A = arith.constant 0 : i32
    %eq3A_1 = arith.cmpi eq, %arg0, %eq3A : i32
    %convert_element_type3A = arith.extui %eq3A_1 : i1 to i32
    %cond3A = arith.constant 0 : i32
    %cond3A_2 = arith.cmpi ne, %convert_element_type3A, %cond3A : i32
    scf.if %cond3A_2 {
      %mul3A_79 = arith.constant 640 : i32
      %mul3A_80 = arith.muli %arg1, %mul3A_79 : i32
      %mul3A_81 = arith.constant 640 : i32
      %mul3A_82 = arith.muli %arg1, %mul3A_81 : i32
      "tpu.region"() ({
        %run_scoped3A = tpu.sem_alloc : memref<!tpu.dma_semaphore, #tpu.memory_space<semaphore_mem>>
        %dma_start3A_83 = arith.constant 0 : i32
        %dma_start3A_84 = tpu.memref_slice %arg7[%mul3A_82, %dma_start3A_83] : memref<10240x128xf32, #tpu.memory_space<vmem_shared>> -> memref<640x128xf32, #tpu.memory_space<vmem_shared>>
        %dma_start3A_85 = arith.constant 0 : i32
        %dma_start3A_86 = tpu.memref_slice %arg4[%mul3A_80, %dma_start3A_85] : memref<10240x128xf32, #tpu.memory_space<hbm>> -> memref<640x128xf32, #tpu.memory_space<hbm>>
        tpu.enqueue_dma source(%dma_start3A_86 : memref<640x128xf32, #tpu.memory_space<hbm>>) target(%dma_start3A_84 : memref<640x128xf32, #tpu.memory_space<vmem_shared>>) target_semaphore(%run_scoped3A : memref<!tpu.dma_semaphore, #tpu.memory_space<semaphore_mem>>)
        %dma_wait3A_87 = arith.constant 0 : i32
        %dma_wait3A_88 = tpu.memref_slice %arg7[%mul3A_82, %dma_wait3A_87] : memref<10240x128xf32, #tpu.memory_space<vmem_shared>> -> memref<640x128xf32, #tpu.memory_space<vmem_shared>>
        %dma_wait3A_89 = arith.constant 0 : i32
        %dma_wait3A_90 = tpu.memref_slice %arg4[%mul3A_80, %dma_wait3A_89] : memref<10240x128xf32, #tpu.memory_space<hbm>> -> memref<640x128xf32, #tpu.memory_space<hbm>>
        tpu.wait_dma2 semaphore(%run_scoped3A : memref<!tpu.dma_semaphore, #tpu.memory_space<semaphore_mem>>) src(%dma_wait3A_90 : memref<640x128xf32, #tpu.memory_space<hbm>>) dst(%dma_wait3A_88 : memref<640x128xf32, #tpu.memory_space<vmem_shared>>)
        tpu.yield
      }) : () -> ()
    } else {
    }
    %eq3A_3 = arith.constant 1 : i32
    %eq3A_4 = arith.cmpi eq, %arg0, %eq3A_3 : i32
    %convert_element_type3A_5 = arith.extui %eq3A_4 : i1 to i32
    %cond3A_6 = arith.constant 0 : i32
    %cond3A_7 = arith.cmpi ne, %convert_element_type3A_5, %cond3A_6 : i32
    scf.if %cond3A_7 {
      %mul3A_79 = arith.constant 640 : i32
      %mul3A_80 = arith.muli %arg1, %mul3A_79 : i32
      %mul3A_81 = arith.constant 640 : i32
      %mul3A_82 = arith.muli %arg1, %mul3A_81 : i32
      "tpu.region"() ({
        %run_scoped3A = tpu.sem_alloc : memref<!tpu.dma_semaphore, #tpu.memory_space<semaphore_mem>>
        %dma_start3A_83 = arith.constant 0 : i32
        %dma_start3A_84 = tpu.memref_slice %arg7[%mul3A_82, %dma_start3A_83] : memref<10240x128xf32, #tpu.memory_space<vmem_shared>> -> memref<640x128xf32, #tpu.memory_space<vmem_shared>>
        %dma_start3A_85 = arith.constant 0 : i32
        %dma_start3A_86 = tpu.memref_slice %arg5[%mul3A_80, %dma_start3A_85] : memref<10240x128xf32, #tpu.memory_space<hbm>> -> memref<640x128xf32, #tpu.memory_space<hbm>>
        tpu.enqueue_dma source(%dma_start3A_86 : memref<640x128xf32, #tpu.memory_space<hbm>>) target(%dma_start3A_84 : memref<640x128xf32, #tpu.memory_space<vmem_shared>>) target_semaphore(%run_scoped3A : memref<!tpu.dma_semaphore, #tpu.memory_space<semaphore_mem>>)
        %dma_wait3A_87 = arith.constant 0 : i32
        %dma_wait3A_88 = tpu.memref_slice %arg7[%mul3A_82, %dma_wait3A_87] : memref<10240x128xf32, #tpu.memory_space<vmem_shared>> -> memref<640x128xf32, #tpu.memory_space<vmem_shared>>
        %dma_wait3A_89 = arith.constant 0 : i32
        %dma_wait3A_90 = tpu.memref_slice %arg5[%mul3A_80, %dma_wait3A_89] : memref<10240x128xf32, #tpu.memory_space<hbm>> -> memref<640x128xf32, #tpu.memory_space<hbm>>
        tpu.wait_dma2 semaphore(%run_scoped3A : memref<!tpu.dma_semaphore, #tpu.memory_space<semaphore_mem>>) src(%dma_wait3A_90 : memref<640x128xf32, #tpu.memory_space<hbm>>) dst(%dma_wait3A_88 : memref<640x128xf32, #tpu.memory_space<vmem_shared>>)
        tpu.yield
      }) : () -> ()
    } else {
    }
    %barrier3A = arith.constant 0 : index
    tpu.barrier barrier_id(%barrier3A)
    %mul3A_8 = arith.constant 10000 : i32
    %mul3A_9 = arith.muli %add3A, %mul3A_8 : i32
    %add3A_10 = arith.constant 0 : i32
    %add3A_11 = arith.addi %mul3A_9, %add3A_10 : i32
    %dma_start3A = tpu.memref_slice %arg2[%add3A_11] : memref<320000xi32, #tpu.memory_space<hbm>> -> memref<80xi32, #tpu.memory_space<hbm>>
    %dma_start3A_12 = tpu.memref_slice %arg2[%add3A_11] : memref<320000xi32, #tpu.memory_space<hbm>> -> memref<80xi32, #tpu.memory_space<hbm>>
    tpu.enqueue_dma source(%dma_start3A_12 : memref<80xi32, #tpu.memory_space<hbm>>) target(%arg8 : memref<80xi32, #tpu.memory_space<vmem>>) target_semaphore(%arg20 : memref<!tpu.dma_semaphore, #tpu.memory_space<semaphore_mem>>)
    %dma_start3A_13 = tpu.memref_slice %arg3[%add3A_11] : memref<320000xi32, #tpu.memory_space<hbm>> -> memref<80xi32, #tpu.memory_space<hbm>>
    %dma_start3A_14 = tpu.memref_slice %arg3[%add3A_11] : memref<320000xi32, #tpu.memory_space<hbm>> -> memref<80xi32, #tpu.memory_space<hbm>>
    tpu.enqueue_dma source(%dma_start3A_14 : memref<80xi32, #tpu.memory_space<hbm>>) target(%arg12 : memref<80xi32, #tpu.memory_space<vmem>>) target_semaphore(%arg20 : memref<!tpu.dma_semaphore, #tpu.memory_space<semaphore_mem>>)
    %mul3A_15 = arith.constant 10000 : i32
    %mul3A_16 = arith.muli %add3A, %mul3A_15 : i32
    %add3A_17 = arith.constant 80 : i32
    %add3A_18 = arith.addi %mul3A_16, %add3A_17 : i32
    %dma_start3A_19 = tpu.memref_slice %arg2[%add3A_18] : memref<320000xi32, #tpu.memory_space<hbm>> -> memref<80xi32, #tpu.memory_space<hbm>>
    %dma_start3A_20 = tpu.memref_slice %arg2[%add3A_18] : memref<320000xi32, #tpu.memory_space<hbm>> -> memref<80xi32, #tpu.memory_space<hbm>>
    tpu.enqueue_dma source(%dma_start3A_20 : memref<80xi32, #tpu.memory_space<hbm>>) target(%arg9 : memref<80xi32, #tpu.memory_space<vmem>>) target_semaphore(%arg21 : memref<!tpu.dma_semaphore, #tpu.memory_space<semaphore_mem>>)
    %dma_start3A_21 = tpu.memref_slice %arg3[%add3A_18] : memref<320000xi32, #tpu.memory_space<hbm>> -> memref<80xi32, #tpu.memory_space<hbm>>
    %dma_start3A_22 = tpu.memref_slice %arg3[%add3A_18] : memref<320000xi32, #tpu.memory_space<hbm>> -> memref<80xi32, #tpu.memory_space<hbm>>
    tpu.enqueue_dma source(%dma_start3A_22 : memref<80xi32, #tpu.memory_space<hbm>>) target(%arg13 : memref<80xi32, #tpu.memory_space<vmem>>) target_semaphore(%arg21 : memref<!tpu.dma_semaphore, #tpu.memory_space<semaphore_mem>>)
    %mul3A_23 = arith.constant 10000 : i32
    %mul3A_24 = arith.muli %add3A, %mul3A_23 : i32
    %add3A_25 = arith.constant 160 : i32
    %add3A_26 = arith.addi %mul3A_24, %add3A_25 : i32
    %dma_start3A_27 = tpu.memref_slice %arg2[%add3A_26] : memref<320000xi32, #tpu.memory_space<hbm>> -> memref<80xi32, #tpu.memory_space<hbm>>
    %dma_start3A_28 = tpu.memref_slice %arg2[%add3A_26] : memref<320000xi32, #tpu.memory_space<hbm>> -> memref<80xi32, #tpu.memory_space<hbm>>
    tpu.enqueue_dma source(%dma_start3A_28 : memref<80xi32, #tpu.memory_space<hbm>>) target(%arg10 : memref<80xi32, #tpu.memory_space<vmem>>) target_semaphore(%arg22 : memref<!tpu.dma_semaphore, #tpu.memory_space<semaphore_mem>>)
    %dma_start3A_29 = tpu.memref_slice %arg3[%add3A_26] : memref<320000xi32, #tpu.memory_space<hbm>> -> memref<80xi32, #tpu.memory_space<hbm>>
    %dma_start3A_30 = tpu.memref_slice %arg3[%add3A_26] : memref<320000xi32, #tpu.memory_space<hbm>> -> memref<80xi32, #tpu.memory_space<hbm>>
    tpu.enqueue_dma source(%dma_start3A_30 : memref<80xi32, #tpu.memory_space<hbm>>) target(%arg14 : memref<80xi32, #tpu.memory_space<vmem>>) target_semaphore(%arg22 : memref<!tpu.dma_semaphore, #tpu.memory_space<semaphore_mem>>)
    %mul3A_31 = arith.constant 10000 : i32
    %mul3A_32 = arith.muli %add3A, %mul3A_31 : i32
    %add3A_33 = arith.constant 0 : i32
    %add3A_34 = arith.addi %mul3A_32, %add3A_33 : i32
    %dma_wait3A = tpu.memref_slice %arg2[%add3A_34] : memref<320000xi32, #tpu.memory_space<hbm>> -> memref<80xi32, #tpu.memory_space<hbm>>
    %dma_wait3A_35 = tpu.memref_slice %arg2[%add3A_34] : memref<320000xi32, #tpu.memory_space<hbm>> -> memref<80xi32, #tpu.memory_space<hbm>>
    tpu.wait_dma2 semaphore(%arg20 : memref<!tpu.dma_semaphore, #tpu.memory_space<semaphore_mem>>) src(%dma_wait3A_35 : memref<80xi32, #tpu.memory_space<hbm>>) dst(%arg8 : memref<80xi32, #tpu.memory_space<vmem>>)
    %dma_wait3A_36 = tpu.memref_slice %arg3[%add3A_34] : memref<320000xi32, #tpu.memory_space<hbm>> -> memref<80xi32, #tpu.memory_space<hbm>>
    %dma_wait3A_37 = tpu.memref_slice %arg3[%add3A_34] : memref<320000xi32, #tpu.memory_space<hbm>> -> memref<80xi32, #tpu.memory_space<hbm>>
    tpu.wait_dma2 semaphore(%arg20 : memref<!tpu.dma_semaphore, #tpu.memory_space<semaphore_mem>>) src(%dma_wait3A_37 : memref<80xi32, #tpu.memory_space<hbm>>) dst(%arg12 : memref<80xi32, #tpu.memory_space<vmem>>)
    %dma_start3A_38 = arith.constant 0 : i32
    %dma_start3A_39 = arith.constant 0 : i32
    %dma_start3A_40 = tpu.memref_slice %arg4[%dma_start3A_38, %dma_start3A_39] : memref<10240x128xf32, #tpu.memory_space<hbm>> -> memref<10240x128xf32, #tpu.memory_space<hbm>>
    tpu.enqueue_indirect_dma source(%dma_start3A_40 : memref<10240x128xf32, #tpu.memory_space<hbm>>) target(%arg16 : memref<80x128xf32, #tpu.memory_space<vmem>>) offsets(%arg8 : memref<80xi32, #tpu.memory_space<vmem>>) semaphore(%arg24 : memref<!tpu.dma_semaphore, #tpu.memory_space<semaphore_mem>>)
    %mul3A_41 = arith.constant 10000 : i32
    %mul3A_42 = arith.muli %add3A, %mul3A_41 : i32
    %add3A_43 = arith.constant 80 : i32
    %add3A_44 = arith.addi %mul3A_42, %add3A_43 : i32
    %dma_wait3A_45 = tpu.memref_slice %arg2[%add3A_44] : memref<320000xi32, #tpu.memory_space<hbm>> -> memref<80xi32, #tpu.memory_space<hbm>>
    %dma_wait3A_46 = tpu.memref_slice %arg2[%add3A_44] : memref<320000xi32, #tpu.memory_space<hbm>> -> memref<80xi32, #tpu.memory_space<hbm>>
    tpu.wait_dma2 semaphore(%arg21 : memref<!tpu.dma_semaphore, #tpu.memory_space<semaphore_mem>>) src(%dma_wait3A_46 : memref<80xi32, #tpu.memory_space<hbm>>) dst(%arg9 : memref<80xi32, #tpu.memory_space<vmem>>)
    %dma_wait3A_47 = tpu.memref_slice %arg3[%add3A_44] : memref<320000xi32, #tpu.memory_space<hbm>> -> memref<80xi32, #tpu.memory_space<hbm>>
    %dma_wait3A_48 = tpu.memref_slice %arg3[%add3A_44] : memref<320000xi32, #tpu.memory_space<hbm>> -> memref<80xi32, #tpu.memory_space<hbm>>
    tpu.wait_dma2 semaphore(%arg21 : memref<!tpu.dma_semaphore, #tpu.memory_space<semaphore_mem>>) src(%dma_wait3A_48 : memref<80xi32, #tpu.memory_space<hbm>>) dst(%arg13 : memref<80xi32, #tpu.memory_space<vmem>>)
    %dma_start3A_49 = arith.constant 0 : i32
    %dma_start3A_50 = arith.constant 0 : i32
    %dma_start3A_51 = tpu.memref_slice %arg4[%dma_start3A_49, %dma_start3A_50] : memref<10240x128xf32, #tpu.memory_space<hbm>> -> memref<10240x128xf32, #tpu.memory_space<hbm>>
    tpu.enqueue_indirect_dma source(%dma_start3A_51 : memref<10240x128xf32, #tpu.memory_space<hbm>>) target(%arg17 : memref<80x128xf32, #tpu.memory_space<vmem>>) offsets(%arg9 : memref<80xi32, #tpu.memory_space<vmem>>) semaphore(%arg25 : memref<!tpu.dma_semaphore, #tpu.memory_space<semaphore_mem>>)
    %scan3A = arith.constant 0 : i32
    %scan3A_52 = arith.constant 31 : i32
    %scan3A_53 = arith.addi %scan3A, %scan3A_52 : i32
    %scan3A_54 = arith.constant 1 : i32
    scf.for %scan3A_79 = %scan3A to %scan3A_53 step %scan3A_54  : i32 {
      %mul3A_80 = arith.constant 4 : i32
      %mul3A_81 = arith.muli %scan3A_79, %mul3A_80 : i32
      %add3A_82 = arith.constant 0 : i32
      %add3A_83 = arith.addi %add3A_82, %mul3A_81 : i32
      %add3A_84 = arith.constant 0 : i32
      %add3A_85 = arith.addi %add3A_83, %add3A_84 : i32
      %add3A_86 = arith.constant 3 : i32
      %add3A_87 = arith.addi %add3A_85, %add3A_86 : i32
      %add3A_88 = arith.constant 2 : i32
      %add3A_89 = arith.addi %add3A_85, %add3A_88 : i32
      %dma_wait3A_90 = arith.constant 0 : i32
      %dma_wait3A_91 = arith.constant 0 : i32
      %dma_wait3A_92 = tpu.memref_slice %arg4[%dma_wait3A_90, %dma_wait3A_91] : memref<10240x128xf32, #tpu.memory_space<hbm>> -> memref<10240x128xf32, #tpu.memory_space<hbm>>
      tpu.wait_indirect_dma semaphore(%arg24 : memref<!tpu.dma_semaphore, #tpu.memory_space<semaphore_mem>>) src(%dma_wait3A_92 : memref<10240x128xf32, #tpu.memory_space<hbm>>) dst(%arg16 : memref<80x128xf32, #tpu.memory_space<vmem>>)
      %lt3A = arith.constant 125 : i32
      %lt3A_93 = arith.cmpi slt, %add3A_87, %lt3A : i32
      %ge3A = arith.constant 4 : i32
      %ge3A_94 = arith.cmpi sge, %add3A_87, %ge3A : i32
      %and3A = arith.andi %lt3A_93, %ge3A_94 : i1
      %convert_element_type3A_95 = arith.extui %and3A : i1 to i32
      %cond3A_96 = arith.constant 0 : i32
      %cond3A_97 = arith.cmpi ne, %convert_element_type3A_95, %cond3A_96 : i32
      scf.if %cond3A_97 {
        %dma_wait3A_201 = arith.constant 0 : i32
        %dma_wait3A_202 = arith.constant 0 : i32
        %dma_wait3A_203 = tpu.memref_slice %arg7[%dma_wait3A_201, %dma_wait3A_202] : memref<10240x128xf32, #tpu.memory_space<vmem_shared>> -> memref<10240x128xf32, #tpu.memory_space<vmem_shared>>
        tpu.wait_indirect_dma semaphore(%arg31 : memref<!tpu.dma_semaphore, #tpu.memory_space<semaphore_mem>>) src(%arg19 : memref<80x128xf32, #tpu.memory_space<vmem>>) dst(%dma_wait3A_203 : memref<10240x128xf32, #tpu.memory_space<vmem_shared>>)
      } else {
      }
      %lt3A_98 = arith.constant 125 : i32
      %lt3A_99 = arith.cmpi slt, %add3A_87, %lt3A_98 : i32
      %convert_element_type3A_100 = arith.extui %lt3A_99 : i1 to i32
      %cond3A_101 = arith.constant 0 : i32
      %cond3A_102 = arith.cmpi ne, %convert_element_type3A_100, %cond3A_101 : i32
      scf.if %cond3A_102 {
        %mul3A_201 = arith.constant 10000 : i32
        %mul3A_202 = arith.muli %add3A, %mul3A_201 : i32
        %mul3A_203 = arith.constant 80 : i32
        %mul3A_204 = arith.muli %add3A_87, %mul3A_203 : i32
        %add3A_205 = arith.addi %mul3A_202, %mul3A_204 : i32
        %dma_start3A_206 = tpu.memref_slice %arg2[%add3A_205] : memref<320000xi32, #tpu.memory_space<hbm>> -> memref<80xi32, #tpu.memory_space<hbm>>
        %dma_start3A_207 = tpu.memref_slice %arg2[%add3A_205] : memref<320000xi32, #tpu.memory_space<hbm>> -> memref<80xi32, #tpu.memory_space<hbm>>
        tpu.enqueue_dma source(%dma_start3A_207 : memref<80xi32, #tpu.memory_space<hbm>>) target(%arg11 : memref<80xi32, #tpu.memory_space<vmem>>) target_semaphore(%arg23 : memref<!tpu.dma_semaphore, #tpu.memory_space<semaphore_mem>>)
        %dma_start3A_208 = tpu.memref_slice %arg3[%add3A_205] : memref<320000xi32, #tpu.memory_space<hbm>> -> memref<80xi32, #tpu.memory_space<hbm>>
        %dma_start3A_209 = tpu.memref_slice %arg3[%add3A_205] : memref<320000xi32, #tpu.memory_space<hbm>> -> memref<80xi32, #tpu.memory_space<hbm>>
        tpu.enqueue_dma source(%dma_start3A_209 : memref<80xi32, #tpu.memory_space<hbm>>) target(%arg15 : memref<80xi32, #tpu.memory_space<vmem>>) target_semaphore(%arg23 : memref<!tpu.dma_semaphore, #tpu.memory_space<semaphore_mem>>)
      } else {
      }
      %lt3A_103 = arith.constant 125 : i32
      %lt3A_104 = arith.cmpi slt, %add3A_89, %lt3A_103 : i32
      %convert_element_type3A_105 = arith.extui %lt3A_104 : i1 to i32
      %cond3A_106 = arith.constant 0 : i32
      %cond3A_107 = arith.cmpi ne, %convert_element_type3A_105, %cond3A_106 : i32
      scf.if %cond3A_107 {
        %mul3A_201 = arith.constant 10000 : i32
        %mul3A_202 = arith.muli %add3A, %mul3A_201 : i32
        %mul3A_203 = arith.constant 80 : i32
        %mul3A_204 = arith.muli %add3A_89, %mul3A_203 : i32
        %add3A_205 = arith.addi %mul3A_202, %mul3A_204 : i32
        %dma_wait3A_206 = tpu.memref_slice %arg2[%add3A_205] : memref<320000xi32, #tpu.memory_space<hbm>> -> memref<80xi32, #tpu.memory_space<hbm>>
        %dma_wait3A_207 = tpu.memref_slice %arg2[%add3A_205] : memref<320000xi32, #tpu.memory_space<hbm>> -> memref<80xi32, #tpu.memory_space<hbm>>
        tpu.wait_dma2 semaphore(%arg22 : memref<!tpu.dma_semaphore, #tpu.memory_space<semaphore_mem>>) src(%dma_wait3A_207 : memref<80xi32, #tpu.memory_space<hbm>>) dst(%arg10 : memref<80xi32, #tpu.memory_space<vmem>>)
        %dma_wait3A_208 = tpu.memref_slice %arg3[%add3A_205] : memref<320000xi32, #tpu.memory_space<hbm>> -> memref<80xi32, #tpu.memory_space<hbm>>
        %dma_wait3A_209 = tpu.memref_slice %arg3[%add3A_205] : memref<320000xi32, #tpu.memory_space<hbm>> -> memref<80xi32, #tpu.memory_space<hbm>>
        tpu.wait_dma2 semaphore(%arg22 : memref<!tpu.dma_semaphore, #tpu.memory_space<semaphore_mem>>) src(%dma_wait3A_209 : memref<80xi32, #tpu.memory_space<hbm>>) dst(%arg14 : memref<80xi32, #tpu.memory_space<vmem>>)
        %dma_start3A_210 = arith.constant 0 : i32
        %dma_start3A_211 = arith.constant 0 : i32
        %dma_start3A_212 = tpu.memref_slice %arg4[%dma_start3A_210, %dma_start3A_211] : memref<10240x128xf32, #tpu.memory_space<hbm>> -> memref<10240x128xf32, #tpu.memory_space<hbm>>
        tpu.enqueue_indirect_dma source(%dma_start3A_212 : memref<10240x128xf32, #tpu.memory_space<hbm>>) target(%arg18 : memref<80x128xf32, #tpu.memory_space<vmem>>) offsets(%arg10 : memref<80xi32, #tpu.memory_space<vmem>>) semaphore(%arg26 : memref<!tpu.dma_semaphore, #tpu.memory_space<semaphore_mem>>)
      } else {
      }
      %dma_start3A_108 = arith.constant 0 : i32
      %dma_start3A_109 = arith.constant 0 : i32
      %dma_start3A_110 = tpu.memref_slice %arg7[%dma_start3A_108, %dma_start3A_109] : memref<10240x128xf32, #tpu.memory_space<vmem_shared>> -> memref<10240x128xf32, #tpu.memory_space<vmem_shared>>
      tpu.enqueue_indirect_dma source(%arg16 : memref<80x128xf32, #tpu.memory_space<vmem>>) target(%dma_start3A_110 : memref<10240x128xf32, #tpu.memory_space<vmem_shared>>) offsets(%arg12 : memref<80xi32, #tpu.memory_space<vmem>>) semaphore(%arg28 : memref<!tpu.dma_semaphore, #tpu.memory_space<semaphore_mem>>) {add = true}
      %add3A_111 = arith.constant 1 : i32
      %add3A_112 = arith.addi %add3A_83, %add3A_111 : i32
      %add3A_113 = arith.constant 3 : i32
      %add3A_114 = arith.addi %add3A_112, %add3A_113 : i32
      %add3A_115 = arith.constant 2 : i32
      %add3A_116 = arith.addi %add3A_112, %add3A_115 : i32
      %dma_wait3A_117 = arith.constant 0 : i32
      %dma_wait3A_118 = arith.constant 0 : i32
      %dma_wait3A_119 = tpu.memref_slice %arg4[%dma_wait3A_117, %dma_wait3A_118] : memref<10240x128xf32, #tpu.memory_space<hbm>> -> memref<10240x128xf32, #tpu.memory_space<hbm>>
      tpu.wait_indirect_dma semaphore(%arg25 : memref<!tpu.dma_semaphore, #tpu.memory_space<semaphore_mem>>) src(%dma_wait3A_119 : memref<10240x128xf32, #tpu.memory_space<hbm>>) dst(%arg17 : memref<80x128xf32, #tpu.memory_space<vmem>>)
      %lt3A_120 = arith.constant 125 : i32
      %lt3A_121 = arith.cmpi slt, %add3A_114, %lt3A_120 : i32
      %ge3A_122 = arith.constant 4 : i32
      %ge3A_123 = arith.cmpi sge, %add3A_114, %ge3A_122 : i32
      %and3A_124 = arith.andi %lt3A_121, %ge3A_123 : i1
      %convert_element_type3A_125 = arith.extui %and3A_124 : i1 to i32
      %cond3A_126 = arith.constant 0 : i32
      %cond3A_127 = arith.cmpi ne, %convert_element_type3A_125, %cond3A_126 : i32
      scf.if %cond3A_127 {
        %dma_wait3A_201 = arith.constant 0 : i32
        %dma_wait3A_202 = arith.constant 0 : i32
        %dma_wait3A_203 = tpu.memref_slice %arg7[%dma_wait3A_201, %dma_wait3A_202] : memref<10240x128xf32, #tpu.memory_space<vmem_shared>> -> memref<10240x128xf32, #tpu.memory_space<vmem_shared>>
        tpu.wait_indirect_dma semaphore(%arg28 : memref<!tpu.dma_semaphore, #tpu.memory_space<semaphore_mem>>) src(%arg16 : memref<80x128xf32, #tpu.memory_space<vmem>>) dst(%dma_wait3A_203 : memref<10240x128xf32, #tpu.memory_space<vmem_shared>>)
      } else {
      }
      %lt3A_128 = arith.constant 125 : i32
      %lt3A_129 = arith.cmpi slt, %add3A_114, %lt3A_128 : i32
      %convert_element_type3A_130 = arith.extui %lt3A_129 : i1 to i32
      %cond3A_131 = arith.constant 0 : i32
      %cond3A_132 = arith.cmpi ne, %convert_element_type3A_130, %cond3A_131 : i32
      scf.if %cond3A_132 {
        %mul3A_201 = arith.constant 10000 : i32
        %mul3A_202 = arith.muli %add3A, %mul3A_201 : i32
        %mul3A_203 = arith.constant 80 : i32
        %mul3A_204 = arith.muli %add3A_114, %mul3A_203 : i32
        %add3A_205 = arith.addi %mul3A_202, %mul3A_204 : i32
        %dma_start3A_206 = tpu.memref_slice %arg2[%add3A_205] : memref<320000xi32, #tpu.memory_space<hbm>> -> memref<80xi32, #tpu.memory_space<hbm>>
        %dma_start3A_207 = tpu.memref_slice %arg2[%add3A_205] : memref<320000xi32, #tpu.memory_space<hbm>> -> memref<80xi32, #tpu.memory_space<hbm>>
        tpu.enqueue_dma source(%dma_start3A_207 : memref<80xi32, #tpu.memory_space<hbm>>) target(%arg8 : memref<80xi32, #tpu.memory_space<vmem>>) target_semaphore(%arg20 : memref<!tpu.dma_semaphore, #tpu.memory_space<semaphore_mem>>)
        %dma_start3A_208 = tpu.memref_slice %arg3[%add3A_205] : memref<320000xi32, #tpu.memory_space<hbm>> -> memref<80xi32, #tpu.memory_space<hbm>>
        %dma_start3A_209 = tpu.memref_slice %arg3[%add3A_205] : memref<320000xi32, #tpu.memory_space<hbm>> -> memref<80xi32, #tpu.memory_space<hbm>>
        tpu.enqueue_dma source(%dma_start3A_209 : memref<80xi32, #tpu.memory_space<hbm>>) target(%arg12 : memref<80xi32, #tpu.memory_space<vmem>>) target_semaphore(%arg20 : memref<!tpu.dma_semaphore, #tpu.memory_space<semaphore_mem>>)
      } else {
      }
      %lt3A_133 = arith.constant 125 : i32
      %lt3A_134 = arith.cmpi slt, %add3A_116, %lt3A_133 : i32
      %convert_element_type3A_135 = arith.extui %lt3A_134 : i1 to i32
      %cond3A_136 = arith.constant 0 : i32
      %cond3A_137 = arith.cmpi ne, %convert_element_type3A_135, %cond3A_136 : i32
      scf.if %cond3A_137 {
        %mul3A_201 = arith.constant 10000 : i32
        %mul3A_202 = arith.muli %add3A, %mul3A_201 : i32
        %mul3A_203 = arith.constant 80 : i32
        %mul3A_204 = arith.muli %add3A_116, %mul3A_203 : i32
        %add3A_205 = arith.addi %mul3A_202, %mul3A_204 : i32
        %dma_wait3A_206 = tpu.memref_slice %arg2[%add3A_205] : memref<320000xi32, #tpu.memory_space<hbm>> -> memref<80xi32, #tpu.memory_space<hbm>>
        %dma_wait3A_207 = tpu.memref_slice %arg2[%add3A_205] : memref<320000xi32, #tpu.memory_space<hbm>> -> memref<80xi32, #tpu.memory_space<hbm>>
        tpu.wait_dma2 semaphore(%arg23 : memref<!tpu.dma_semaphore, #tpu.memory_space<semaphore_mem>>) src(%dma_wait3A_207 : memref<80xi32, #tpu.memory_space<hbm>>) dst(%arg11 : memref<80xi32, #tpu.memory_space<vmem>>)
        %dma_wait3A_208 = tpu.memref_slice %arg3[%add3A_205] : memref<320000xi32, #tpu.memory_space<hbm>> -> memref<80xi32, #tpu.memory_space<hbm>>
        %dma_wait3A_209 = tpu.memref_slice %arg3[%add3A_205] : memref<320000xi32, #tpu.memory_space<hbm>> -> memref<80xi32, #tpu.memory_space<hbm>>
        tpu.wait_dma2 semaphore(%arg23 : memref<!tpu.dma_semaphore, #tpu.memory_space<semaphore_mem>>) src(%dma_wait3A_209 : memref<80xi32, #tpu.memory_space<hbm>>) dst(%arg15 : memref<80xi32, #tpu.memory_space<vmem>>)
        %dma_start3A_210 = arith.constant 0 : i32
        %dma_start3A_211 = arith.constant 0 : i32
        %dma_start3A_212 = tpu.memref_slice %arg4[%dma_start3A_210, %dma_start3A_211] : memref<10240x128xf32, #tpu.memory_space<hbm>> -> memref<10240x128xf32, #tpu.memory_space<hbm>>
        tpu.enqueue_indirect_dma source(%dma_start3A_212 : memref<10240x128xf32, #tpu.memory_space<hbm>>) target(%arg19 : memref<80x128xf32, #tpu.memory_space<vmem>>) offsets(%arg11 : memref<80xi32, #tpu.memory_space<vmem>>) semaphore(%arg27 : memref<!tpu.dma_semaphore, #tpu.memory_space<semaphore_mem>>)
      } else {
      }
      %dma_start3A_138 = arith.constant 0 : i32
      %dma_start3A_139 = arith.constant 0 : i32
      %dma_start3A_140 = tpu.memref_slice %arg7[%dma_start3A_138, %dma_start3A_139] : memref<10240x128xf32, #tpu.memory_space<vmem_shared>> -> memref<10240x128xf32, #tpu.memory_space<vmem_shared>>
      tpu.enqueue_indirect_dma source(%arg17 : memref<80x128xf32, #tpu.memory_space<vmem>>) target(%dma_start3A_140 : memref<10240x128xf32, #tpu.memory_space<vmem_shared>>) offsets(%arg13 : memref<80xi32, #tpu.memory_space<vmem>>) semaphore(%arg29 : memref<!tpu.dma_semaphore, #tpu.memory_space<semaphore_mem>>) {add = true}
      %add3A_141 = arith.constant 2 : i32
      %add3A_142 = arith.addi %add3A_83, %add3A_141 : i32
      %add3A_143 = arith.constant 3 : i32
      %add3A_144 = arith.addi %add3A_142, %add3A_143 : i32
      %add3A_145 = arith.constant 2 : i32
      %add3A_146 = arith.addi %add3A_142, %add3A_145 : i32
      %dma_wait3A_147 = arith.constant 0 : i32
      %dma_wait3A_148 = arith.constant 0 : i32
      %dma_wait3A_149 = tpu.memref_slice %arg4[%dma_wait3A_147, %dma_wait3A_148] : memref<10240x128xf32, #tpu.memory_space<hbm>> -> memref<10240x128xf32, #tpu.memory_space<hbm>>
      tpu.wait_indirect_dma semaphore(%arg26 : memref<!tpu.dma_semaphore, #tpu.memory_space<semaphore_mem>>) src(%dma_wait3A_149 : memref<10240x128xf32, #tpu.memory_space<hbm>>) dst(%arg18 : memref<80x128xf32, #tpu.memory_space<vmem>>)
      %lt3A_150 = arith.constant 125 : i32
      %lt3A_151 = arith.cmpi slt, %add3A_144, %lt3A_150 : i32
      %ge3A_152 = arith.constant 4 : i32
      %ge3A_153 = arith.cmpi sge, %add3A_144, %ge3A_152 : i32
      %and3A_154 = arith.andi %lt3A_151, %ge3A_153 : i1
      %convert_element_type3A_155 = arith.extui %and3A_154 : i1 to i32
      %cond3A_156 = arith.constant 0 : i32
      %cond3A_157 = arith.cmpi ne, %convert_element_type3A_155, %cond3A_156 : i32
      scf.if %cond3A_157 {
        %dma_wait3A_201 = arith.constant 0 : i32
        %dma_wait3A_202 = arith.constant 0 : i32
        %dma_wait3A_203 = tpu.memref_slice %arg7[%dma_wait3A_201, %dma_wait3A_202] : memref<10240x128xf32, #tpu.memory_space<vmem_shared>> -> memref<10240x128xf32, #tpu.memory_space<vmem_shared>>
        tpu.wait_indirect_dma semaphore(%arg29 : memref<!tpu.dma_semaphore, #tpu.memory_space<semaphore_mem>>) src(%arg17 : memref<80x128xf32, #tpu.memory_space<vmem>>) dst(%dma_wait3A_203 : memref<10240x128xf32, #tpu.memory_space<vmem_shared>>)
      } else {
      }
      %lt3A_158 = arith.constant 125 : i32
      %lt3A_159 = arith.cmpi slt, %add3A_144, %lt3A_158 : i32
      %convert_element_type3A_160 = arith.extui %lt3A_159 : i1 to i32
      %cond3A_161 = arith.constant 0 : i32
      %cond3A_162 = arith.cmpi ne, %convert_element_type3A_160, %cond3A_161 : i32
      scf.if %cond3A_162 {
        %mul3A_201 = arith.constant 10000 : i32
        %mul3A_202 = arith.muli %add3A, %mul3A_201 : i32
        %mul3A_203 = arith.constant 80 : i32
        %mul3A_204 = arith.muli %add3A_144, %mul3A_203 : i32
        %add3A_205 = arith.addi %mul3A_202, %mul3A_204 : i32
        %dma_start3A_206 = tpu.memref_slice %arg2[%add3A_205] : memref<320000xi32, #tpu.memory_space<hbm>> -> memref<80xi32, #tpu.memory_space<hbm>>
        %dma_start3A_207 = tpu.memref_slice %arg2[%add3A_205] : memref<320000xi32, #tpu.memory_space<hbm>> -> memref<80xi32, #tpu.memory_space<hbm>>
        tpu.enqueue_dma source(%dma_start3A_207 : memref<80xi32, #tpu.memory_space<hbm>>) target(%arg9 : memref<80xi32, #tpu.memory_space<vmem>>) target_semaphore(%arg21 : memref<!tpu.dma_semaphore, #tpu.memory_space<semaphore_mem>>)
        %dma_start3A_208 = tpu.memref_slice %arg3[%add3A_205] : memref<320000xi32, #tpu.memory_space<hbm>> -> memref<80xi32, #tpu.memory_space<hbm>>
        %dma_start3A_209 = tpu.memref_slice %arg3[%add3A_205] : memref<320000xi32, #tpu.memory_space<hbm>> -> memref<80xi32, #tpu.memory_space<hbm>>
        tpu.enqueue_dma source(%dma_start3A_209 : memref<80xi32, #tpu.memory_space<hbm>>) target(%arg13 : memref<80xi32, #tpu.memory_space<vmem>>) target_semaphore(%arg21 : memref<!tpu.dma_semaphore, #tpu.memory_space<semaphore_mem>>)
      } else {
      }
      %lt3A_163 = arith.constant 125 : i32
      %lt3A_164 = arith.cmpi slt, %add3A_146, %lt3A_163 : i32
      %convert_element_type3A_165 = arith.extui %lt3A_164 : i1 to i32
      %cond3A_166 = arith.constant 0 : i32
      %cond3A_167 = arith.cmpi ne, %convert_element_type3A_165, %cond3A_166 : i32
      scf.if %cond3A_167 {
        %mul3A_201 = arith.constant 10000 : i32
        %mul3A_202 = arith.muli %add3A, %mul3A_201 : i32
        %mul3A_203 = arith.constant 80 : i32
        %mul3A_204 = arith.muli %add3A_146, %mul3A_203 : i32
        %add3A_205 = arith.addi %mul3A_202, %mul3A_204 : i32
        %dma_wait3A_206 = tpu.memref_slice %arg2[%add3A_205] : memref<320000xi32, #tpu.memory_space<hbm>> -> memref<80xi32, #tpu.memory_space<hbm>>
        %dma_wait3A_207 = tpu.memref_slice %arg2[%add3A_205] : memref<320000xi32, #tpu.memory_space<hbm>> -> memref<80xi32, #tpu.memory_space<hbm>>
        tpu.wait_dma2 semaphore(%arg20 : memref<!tpu.dma_semaphore, #tpu.memory_space<semaphore_mem>>) src(%dma_wait3A_207 : memref<80xi32, #tpu.memory_space<hbm>>) dst(%arg8 : memref<80xi32, #tpu.memory_space<vmem>>)
        %dma_wait3A_208 = tpu.memref_slice %arg3[%add3A_205] : memref<320000xi32, #tpu.memory_space<hbm>> -> memref<80xi32, #tpu.memory_space<hbm>>
        %dma_wait3A_209 = tpu.memref_slice %arg3[%add3A_205] : memref<320000xi32, #tpu.memory_space<hbm>> -> memref<80xi32, #tpu.memory_space<hbm>>
        tpu.wait_dma2 semaphore(%arg20 : memref<!tpu.dma_semaphore, #tpu.memory_space<semaphore_mem>>) src(%dma_wait3A_209 : memref<80xi32, #tpu.memory_space<hbm>>) dst(%arg12 : memref<80xi32, #tpu.memory_space<vmem>>)
        %dma_start3A_210 = arith.constant 0 : i32
        %dma_start3A_211 = arith.constant 0 : i32
        %dma_start3A_212 = tpu.memref_slice %arg4[%dma_start3A_210, %dma_start3A_211] : memref<10240x128xf32, #tpu.memory_space<hbm>> -> memref<10240x128xf32, #tpu.memory_space<hbm>>
        tpu.enqueue_indirect_dma source(%dma_start3A_212 : memref<10240x128xf32, #tpu.memory_space<hbm>>) target(%arg16 : memref<80x128xf32, #tpu.memory_space<vmem>>) offsets(%arg8 : memref<80xi32, #tpu.memory_space<vmem>>) semaphore(%arg24 : memref<!tpu.dma_semaphore, #tpu.memory_space<semaphore_mem>>)
      } else {
      }
      %dma_start3A_168 = arith.constant 0 : i32
      %dma_start3A_169 = arith.constant 0 : i32
      %dma_start3A_170 = tpu.memref_slice %arg7[%dma_start3A_168, %dma_start3A_169] : memref<10240x128xf32, #tpu.memory_space<vmem_shared>> -> memref<10240x128xf32, #tpu.memory_space<vmem_shared>>
      tpu.enqueue_indirect_dma source(%arg18 : memref<80x128xf32, #tpu.memory_space<vmem>>) target(%dma_start3A_170 : memref<10240x128xf32, #tpu.memory_space<vmem_shared>>) offsets(%arg14 : memref<80xi32, #tpu.memory_space<vmem>>) semaphore(%arg30 : memref<!tpu.dma_semaphore, #tpu.memory_space<semaphore_mem>>) {add = true}
      %add3A_171 = arith.constant 3 : i32
      %add3A_172 = arith.addi %add3A_83, %add3A_171 : i32
      %add3A_173 = arith.constant 3 : i32
      %add3A_174 = arith.addi %add3A_172, %add3A_173 : i32
      %add3A_175 = arith.constant 2 : i32
      %add3A_176 = arith.addi %add3A_172, %add3A_175 : i32
      %dma_wait3A_177 = arith.constant 0 : i32
      %dma_wait3A_178 = arith.constant 0 : i32
      %dma_wait3A_179 = tpu.memref_slice %arg4[%dma_wait3A_177, %dma_wait3A_178] : memref<10240x128xf32, #tpu.memory_space<hbm>> -> memref<10240x128xf32, #tpu.memory_space<hbm>>
      tpu.wait_indirect_dma semaphore(%arg27 : memref<!tpu.dma_semaphore, #tpu.memory_space<semaphore_mem>>) src(%dma_wait3A_179 : memref<10240x128xf32, #tpu.memory_space<hbm>>) dst(%arg19 : memref<80x128xf32, #tpu.memory_space<vmem>>)
      %lt3A_180 = arith.constant 125 : i32
      %lt3A_181 = arith.cmpi slt, %add3A_174, %lt3A_180 : i32
      %ge3A_182 = arith.constant 4 : i32
      %ge3A_183 = arith.cmpi sge, %add3A_174, %ge3A_182 : i32
      %and3A_184 = arith.andi %lt3A_181, %ge3A_183 : i1
      %convert_element_type3A_185 = arith.extui %and3A_184 : i1 to i32
      %cond3A_186 = arith.constant 0 : i32
      %cond3A_187 = arith.cmpi ne, %convert_element_type3A_185, %cond3A_186 : i32
      scf.if %cond3A_187 {
        %dma_wait3A_201 = arith.constant 0 : i32
        %dma_wait3A_202 = arith.constant 0 : i32
        %dma_wait3A_203 = tpu.memref_slice %arg7[%dma_wait3A_201, %dma_wait3A_202] : memref<10240x128xf32, #tpu.memory_space<vmem_shared>> -> memref<10240x128xf32, #tpu.memory_space<vmem_shared>>
        tpu.wait_indirect_dma semaphore(%arg30 : memref<!tpu.dma_semaphore, #tpu.memory_space<semaphore_mem>>) src(%arg18 : memref<80x128xf32, #tpu.memory_space<vmem>>) dst(%dma_wait3A_203 : memref<10240x128xf32, #tpu.memory_space<vmem_shared>>)
      } else {
      }
      %lt3A_188 = arith.constant 125 : i32
      %lt3A_189 = arith.cmpi slt, %add3A_174, %lt3A_188 : i32
      %convert_element_type3A_190 = arith.extui %lt3A_189 : i1 to i32
      %cond3A_191 = arith.constant 0 : i32
      %cond3A_192 = arith.cmpi ne, %convert_element_type3A_190, %cond3A_191 : i32
      scf.if %cond3A_192 {
        %mul3A_201 = arith.constant 10000 : i32
        %mul3A_202 = arith.muli %add3A, %mul3A_201 : i32
        %mul3A_203 = arith.constant 80 : i32
        %mul3A_204 = arith.muli %add3A_174, %mul3A_203 : i32
        %add3A_205 = arith.addi %mul3A_202, %mul3A_204 : i32
        %dma_start3A_206 = tpu.memref_slice %arg2[%add3A_205] : memref<320000xi32, #tpu.memory_space<hbm>> -> memref<80xi32, #tpu.memory_space<hbm>>
        %dma_start3A_207 = tpu.memref_slice %arg2[%add3A_205] : memref<320000xi32, #tpu.memory_space<hbm>> -> memref<80xi32, #tpu.memory_space<hbm>>
        tpu.enqueue_dma source(%dma_start3A_207 : memref<80xi32, #tpu.memory_space<hbm>>) target(%arg10 : memref<80xi32, #tpu.memory_space<vmem>>) target_semaphore(%arg22 : memref<!tpu.dma_semaphore, #tpu.memory_space<semaphore_mem>>)
        %dma_start3A_208 = tpu.memref_slice %arg3[%add3A_205] : memref<320000xi32, #tpu.memory_space<hbm>> -> memref<80xi32, #tpu.memory_space<hbm>>
        %dma_start3A_209 = tpu.memref_slice %arg3[%add3A_205] : memref<320000xi32, #tpu.memory_space<hbm>> -> memref<80xi32, #tpu.memory_space<hbm>>
        tpu.enqueue_dma source(%dma_start3A_209 : memref<80xi32, #tpu.memory_space<hbm>>) target(%arg14 : memref<80xi32, #tpu.memory_space<vmem>>) target_semaphore(%arg22 : memref<!tpu.dma_semaphore, #tpu.memory_space<semaphore_mem>>)
      } else {
      }
      %lt3A_193 = arith.constant 125 : i32
      %lt3A_194 = arith.cmpi slt, %add3A_176, %lt3A_193 : i32
      %convert_element_type3A_195 = arith.extui %lt3A_194 : i1 to i32
      %cond3A_196 = arith.constant 0 : i32
      %cond3A_197 = arith.cmpi ne, %convert_element_type3A_195, %cond3A_196 : i32
      scf.if %cond3A_197 {
        %mul3A_201 = arith.constant 10000 : i32
        %mul3A_202 = arith.muli %add3A, %mul3A_201 : i32
        %mul3A_203 = arith.constant 80 : i32
        %mul3A_204 = arith.muli %add3A_176, %mul3A_203 : i32
        %add3A_205 = arith.addi %mul3A_202, %mul3A_204 : i32
        %dma_wait3A_206 = tpu.memref_slice %arg2[%add3A_205] : memref<320000xi32, #tpu.memory_space<hbm>> -> memref<80xi32, #tpu.memory_space<hbm>>
        %dma_wait3A_207 = tpu.memref_slice %arg2[%add3A_205] : memref<320000xi32, #tpu.memory_space<hbm>> -> memref<80xi32, #tpu.memory_space<hbm>>
        tpu.wait_dma2 semaphore(%arg21 : memref<!tpu.dma_semaphore, #tpu.memory_space<semaphore_mem>>) src(%dma_wait3A_207 : memref<80xi32, #tpu.memory_space<hbm>>) dst(%arg9 : memref<80xi32, #tpu.memory_space<vmem>>)
        %dma_wait3A_208 = tpu.memref_slice %arg3[%add3A_205] : memref<320000xi32, #tpu.memory_space<hbm>> -> memref<80xi32, #tpu.memory_space<hbm>>
        %dma_wait3A_209 = tpu.memref_slice %arg3[%add3A_205] : memref<320000xi32, #tpu.memory_space<hbm>> -> memref<80xi32, #tpu.memory_space<hbm>>
        tpu.wait_dma2 semaphore(%arg21 : memref<!tpu.dma_semaphore, #tpu.memory_space<semaphore_mem>>) src(%dma_wait3A_209 : memref<80xi32, #tpu.memory_space<hbm>>) dst(%arg13 : memref<80xi32, #tpu.memory_space<vmem>>)
        %dma_start3A_210 = arith.constant 0 : i32
        %dma_start3A_211 = arith.constant 0 : i32
        %dma_start3A_212 = tpu.memref_slice %arg4[%dma_start3A_210, %dma_start3A_211] : memref<10240x128xf32, #tpu.memory_space<hbm>> -> memref<10240x128xf32, #tpu.memory_space<hbm>>
        tpu.enqueue_indirect_dma source(%dma_start3A_212 : memref<10240x128xf32, #tpu.memory_space<hbm>>) target(%arg17 : memref<80x128xf32, #tpu.memory_space<vmem>>) offsets(%arg9 : memref<80xi32, #tpu.memory_space<vmem>>) semaphore(%arg25 : memref<!tpu.dma_semaphore, #tpu.memory_space<semaphore_mem>>)
      } else {
      }
      %dma_start3A_198 = arith.constant 0 : i32
      %dma_start3A_199 = arith.constant 0 : i32
      %dma_start3A_200 = tpu.memref_slice %arg7[%dma_start3A_198, %dma_start3A_199] : memref<10240x128xf32, #tpu.memory_space<vmem_shared>> -> memref<10240x128xf32, #tpu.memory_space<vmem_shared>>
      tpu.enqueue_indirect_dma source(%arg19 : memref<80x128xf32, #tpu.memory_space<vmem>>) target(%dma_start3A_200 : memref<10240x128xf32, #tpu.memory_space<vmem_shared>>) offsets(%arg15 : memref<80xi32, #tpu.memory_space<vmem>>) semaphore(%arg31 : memref<!tpu.dma_semaphore, #tpu.memory_space<semaphore_mem>>) {add = true}
    }
    %scan3A_55 = arith.constant 31 : i32
    %dma_wait3A_56 = arith.constant 0 : i32
    %dma_wait3A_57 = arith.constant 0 : i32
    %dma_wait3A_58 = tpu.memref_slice %arg4[%dma_wait3A_56, %dma_wait3A_57] : memref<10240x128xf32, #tpu.memory_space<hbm>> -> memref<10240x128xf32, #tpu.memory_space<hbm>>
    tpu.wait_indirect_dma semaphore(%arg24 : memref<!tpu.dma_semaphore, #tpu.memory_space<semaphore_mem>>) src(%dma_wait3A_58 : memref<10240x128xf32, #tpu.memory_space<hbm>>) dst(%arg16 : memref<80x128xf32, #tpu.memory_space<vmem>>)
    %dma_start3A_59 = arith.constant 0 : i32
    %dma_start3A_60 = arith.constant 0 : i32
    %dma_start3A_61 = tpu.memref_slice %arg7[%dma_start3A_59, %dma_start3A_60] : memref<10240x128xf32, #tpu.memory_space<vmem_shared>> -> memref<10240x128xf32, #tpu.memory_space<vmem_shared>>
    tpu.enqueue_indirect_dma source(%arg16 : memref<80x128xf32, #tpu.memory_space<vmem>>) target(%dma_start3A_61 : memref<10240x128xf32, #tpu.memory_space<vmem_shared>>) offsets(%arg12 : memref<80xi32, #tpu.memory_space<vmem>>) semaphore(%arg28 : memref<!tpu.dma_semaphore, #tpu.memory_space<semaphore_mem>>) {add = true}
    %dma_wait3A_62 = arith.constant 0 : i32
    %dma_wait3A_63 = arith.constant 0 : i32
    %dma_wait3A_64 = tpu.memref_slice %arg7[%dma_wait3A_62, %dma_wait3A_63] : memref<10240x128xf32, #tpu.memory_space<vmem_shared>> -> memref<10240x128xf32, #tpu.memory_space<vmem_shared>>
    tpu.wait_indirect_dma semaphore(%arg28 : memref<!tpu.dma_semaphore, #tpu.memory_space<semaphore_mem>>) src(%arg16 : memref<80x128xf32, #tpu.memory_space<vmem>>) dst(%dma_wait3A_64 : memref<10240x128xf32, #tpu.memory_space<vmem_shared>>)
    %dma_wait3A_65 = arith.constant 0 : i32
    %dma_wait3A_66 = arith.constant 0 : i32
    %dma_wait3A_67 = tpu.memref_slice %arg7[%dma_wait3A_65, %dma_wait3A_66] : memref<10240x128xf32, #tpu.memory_space<vmem_shared>> -> memref<10240x128xf32, #tpu.memory_space<vmem_shared>>
    tpu.wait_indirect_dma semaphore(%arg29 : memref<!tpu.dma_semaphore, #tpu.memory_space<semaphore_mem>>) src(%arg17 : memref<80x128xf32, #tpu.memory_space<vmem>>) dst(%dma_wait3A_67 : memref<10240x128xf32, #tpu.memory_space<vmem_shared>>)
    %dma_wait3A_68 = arith.constant 0 : i32
    %dma_wait3A_69 = arith.constant 0 : i32
    %dma_wait3A_70 = tpu.memref_slice %arg7[%dma_wait3A_68, %dma_wait3A_69] : memref<10240x128xf32, #tpu.memory_space<vmem_shared>> -> memref<10240x128xf32, #tpu.memory_space<vmem_shared>>
    tpu.wait_indirect_dma semaphore(%arg30 : memref<!tpu.dma_semaphore, #tpu.memory_space<semaphore_mem>>) src(%arg18 : memref<80x128xf32, #tpu.memory_space<vmem>>) dst(%dma_wait3A_70 : memref<10240x128xf32, #tpu.memory_space<vmem_shared>>)
    %dma_wait3A_71 = arith.constant 0 : i32
    %dma_wait3A_72 = arith.constant 0 : i32
    %dma_wait3A_73 = tpu.memref_slice %arg7[%dma_wait3A_71, %dma_wait3A_72] : memref<10240x128xf32, #tpu.memory_space<vmem_shared>> -> memref<10240x128xf32, #tpu.memory_space<vmem_shared>>
    tpu.wait_indirect_dma semaphore(%arg31 : memref<!tpu.dma_semaphore, #tpu.memory_space<semaphore_mem>>) src(%arg19 : memref<80x128xf32, #tpu.memory_space<vmem>>) dst(%dma_wait3A_73 : memref<10240x128xf32, #tpu.memory_space<vmem_shared>>)
    %barrier3A_74 = arith.constant 0 : index
    tpu.barrier barrier_id(%barrier3A_74)
    %mul3A_75 = arith.constant 640 : i32
    %mul3A_76 = arith.muli %arg1, %mul3A_75 : i32
    %mul3A_77 = arith.constant 640 : i32
    %mul3A_78 = arith.muli %arg1, %mul3A_77 : i32
    "tpu.region"() ({
      %run_scoped3A = tpu.sem_alloc : memref<!tpu.dma_semaphore, #tpu.memory_space<semaphore_mem>>
      %dma_start3A_79 = arith.constant 0 : i32
      %dma_start3A_80 = tpu.memref_slice %arg6[%arg0, %mul3A_78, %dma_start3A_79] : memref<2x10240x128xf32, #tpu.memory_space<hbm>> -> memref<1x640x128xf32, #tpu.memory_space<hbm>>
      %dma_start3A_81 = tpu.memref_squeeze %dma_start3A_80 : memref<1x640x128xf32, #tpu.memory_space<hbm>> -> memref<640x128xf32, #tpu.memory_space<hbm>>
      %dma_start3A_82 = arith.constant 0 : i32
      %dma_start3A_83 = tpu.memref_slice %arg7[%mul3A_76, %dma_start3A_82] : memref<10240x128xf32, #tpu.memory_space<vmem_shared>> -> memref<640x128xf32, #tpu.memory_space<vmem_shared>>
      tpu.enqueue_dma source(%dma_start3A_83 : memref<640x128xf32, #tpu.memory_space<vmem_shared>>) target(%dma_start3A_81 : memref<640x128xf32, #tpu.memory_space<hbm>>) target_semaphore(%run_scoped3A : memref<!tpu.dma_semaphore, #tpu.memory_space<semaphore_mem>>)
      %dma_wait3A_84 = arith.constant 0 : i32
      %dma_wait3A_85 = tpu.memref_slice %arg6[%arg0, %mul3A_78, %dma_wait3A_84] : memref<2x10240x128xf32, #tpu.memory_space<hbm>> -> memref<1x640x128xf32, #tpu.memory_space<hbm>>
      %dma_wait3A_86 = tpu.memref_squeeze %dma_wait3A_85 : memref<1x640x128xf32, #tpu.memory_space<hbm>> -> memref<640x128xf32, #tpu.memory_space<hbm>>
      %dma_wait3A_87 = arith.constant 0 : i32
      %dma_wait3A_88 = tpu.memref_slice %arg7[%mul3A_76, %dma_wait3A_87] : memref<10240x128xf32, #tpu.memory_space<vmem_shared>> -> memref<640x128xf32, #tpu.memory_space<vmem_shared>>
      tpu.wait_dma2 semaphore(%run_scoped3A : memref<!tpu.dma_semaphore, #tpu.memory_space<semaphore_mem>>) src(%dma_wait3A_88 : memref<640x128xf32, #tpu.memory_space<vmem_shared>>) dst(%dma_wait3A_86 : memref<640x128xf32, #tpu.memory_space<hbm>>)
      tpu.yield
    }) : () -> ()
    return
  }
}

module attributes {stable_mosaic.version = 14 : i64} {
  func.func @_final_body(%arg0: i32, %arg1: memref<2x2000x128xf32, #tpu.memory_space<vmem>>, %arg2: memref<2000x1xf32, #tpu.memory_space<vmem>>, %arg3: memref<1x128xf32, #tpu.memory_space<vmem>>, %arg4: memref<2000x128xf32, #tpu.memory_space<vmem>>) attributes {dimension_semantics = [#tpu.dimension_semantics<arbitrary>], iteration_bounds = array<i64: 5>, scalar_prefetch = 0 : i64, scratch_operands = 0 : i64, tpu.core_type = #tpu.core_type<tc>, window_params = [{transform_indices = @transform_0, window_bounds = array<i64: 2, 2000, 128>}, {transform_indices = @transform_1, window_bounds = array<i64: 2000, 1>}, {pipeline_mode = #tpu.pipeline_mode<synchronous>, transform_indices = @transform_2, window_bounds = array<i64: 1, 128>}, {transform_indices = @transform_3, window_bounds = array<i64: 2000, 128>}]} {
    %get3A = arith.constant 0 : index
    %get3A_0 = arith.constant 0 : index
    %get3A_1 = arith.constant 0 : index
    %get3A_2 = vector.load %arg1[%get3A, %get3A_0, %get3A_1] : memref<2x2000x128xf32, #tpu.memory_space<vmem>>, vector<1x2000x128xf32>
    %get3A_3 = vector.shape_cast %get3A_2 : vector<1x2000x128xf32> to vector<2000x128xf32>
    %get3A_4 = arith.constant 1 : index
    %get3A_5 = arith.constant 0 : index
    %get3A_6 = arith.constant 0 : index
    %get3A_7 = vector.load %arg1[%get3A_4, %get3A_5, %get3A_6] : memref<2x2000x128xf32, #tpu.memory_space<vmem>>, vector<1x2000x128xf32>
    %get3A_8 = vector.shape_cast %get3A_7 : vector<1x2000x128xf32> to vector<2000x128xf32>
    %add3A = arith.addf %get3A_3, %get3A_8 : vector<2000x128xf32>
    %get3A_9 = arith.constant 0 : index
    %get3A_10 = arith.constant 0 : index
    %get3A_11 = vector.load %arg2[%get3A_9, %get3A_10] : memref<2000x1xf32, #tpu.memory_space<vmem>>, vector<2000x1xf32>
    %mul3A = vector.broadcast %get3A_11 : vector<2000x1xf32> to vector<2000x128xf32>
    %mul3A_12 = arith.mulf %mul3A, %add3A : vector<2000x128xf32>
    %get3A_13 = arith.constant 0 : index
    %get3A_14 = arith.constant 0 : index
    %get3A_15 = vector.load %arg3[%get3A_13, %get3A_14] : memref<1x128xf32, #tpu.memory_space<vmem>>, vector<1x128xf32>
    %add3A_16 = vector.broadcast %get3A_15 : vector<1x128xf32> to vector<2000x128xf32>
    %add3A_17 = arith.addf %mul3A_12, %add3A_16 : vector<2000x128xf32>
    %swap3A = arith.constant 0 : index
    %swap3A_18 = arith.constant 0 : index
    %swap3A_19 = vector.load %arg4[%swap3A, %swap3A_18] : memref<2000x128xf32, #tpu.memory_space<vmem>>, vector<2000x128xf32>
    tpu.vector_store %arg4[%swap3A, %swap3A_18], %add3A_17 {strides = array<i32>} : memref<2000x128xf32, #tpu.memory_space<vmem>>, vector<2000x128xf32>,
    return
  }
  func.func @transform_0(%arg0: i32) -> (i32, i32, i32) {
    %c0_i32 = arith.constant 0 : i32
    %c0_i32_0 = arith.constant 0 : i32
    %c0_i32_1 = arith.constant 0 : i32
    return %c0_i32, %arg0, %c0_i32_0 : i32, i32, i32
  }
  func.func @transform_1(%arg0: i32) -> (i32, i32) {
    %c0_i32 = arith.constant 0 : i32
    %c0_i32_0 = arith.constant 0 : i32
    return %arg0, %c0_i32 : i32, i32
  }
  func.func @transform_2(%arg0: i32) -> (i32, i32) {
    %c0_i32 = arith.constant 0 : i32
    %c0_i32_0 = arith.constant 0 : i32
    %c0_i32_1 = arith.constant 0 : i32
    return %c0_i32, %c0_i32_0 : i32, i32
  }
  func.func @transform_3(%arg0: i32) -> (i32, i32) {
    %c0_i32 = arith.constant 0 : i32
    %c0_i32_0 = arith.constant 0 : i32
    return %arg0, %c0_i32 : i32, i32
  }
}

module attributes {stable_mosaic.version = 14 : i64} {
  func.func @_scale_body(%arg0: i32, %arg1: memref<2x2000x16xf32, #tpu.memory_space<vmem>>, %arg2: memref<2000x128xf32, #tpu.memory_space<vmem>>, %arg3: memref<128x128xf32, #tpu.memory_space<vmem>>, %arg4: memref<2000x128xf32, #tpu.memory_space<vmem>>, %arg5: memref<2000x1xf32, #tpu.memory_space<vmem>>) attributes {dimension_semantics = [#tpu.dimension_semantics<arbitrary>], iteration_bounds = array<i64: 5>, scalar_prefetch = 0 : i64, scratch_operands = 0 : i64, tpu.core_type = #tpu.core_type<tc>, window_params = [{transform_indices = @transform_0, window_bounds = array<i64: 2, 2000, 16>}, {transform_indices = @transform_1, window_bounds = array<i64: 2000, 128>}, {pipeline_mode = #tpu.pipeline_mode<synchronous>, transform_indices = @transform_2, window_bounds = array<i64: 128, 128>}, {transform_indices = @transform_3, window_bounds = array<i64: 2000, 128>}, {transform_indices = @transform_4, window_bounds = array<i64: 2000, 1>}]} {
    %get3A = arith.constant 0 : index
    %get3A_0 = arith.constant 0 : index
    %get3A_1 = arith.constant 0 : index
    %get3A_2 = vector.load %arg1[%get3A, %get3A_0, %get3A_1] : memref<2x2000x16xf32, #tpu.memory_space<vmem>>, vector<1x2000x1xf32>
    %get3A_3 = vector.shape_cast %get3A_2 : vector<1x2000x1xf32> to vector<2000x1xf32>
    %get3A_4 = arith.constant 1 : index
    %get3A_5 = arith.constant 0 : index
    %get3A_6 = arith.constant 0 : index
    %get3A_7 = vector.load %arg1[%get3A_4, %get3A_5, %get3A_6] : memref<2x2000x16xf32, #tpu.memory_space<vmem>>, vector<1x2000x1xf32>
    %get3A_8 = vector.shape_cast %get3A_7 : vector<1x2000x1xf32> to vector<2000x1xf32>
    %add3A = arith.addf %get3A_3, %get3A_8 : vector<2000x1xf32>
    %add3A_9 = arith.constant 1.000000e+00 : f32
    %add3A_10 = vector.broadcast %add3A_9 : f32 to vector<2000x1xf32>
    %add3A_11 = arith.addf %add3A, %add3A_10 : vector<2000x1xf32>
    %max3A = arith.constant 1.000000e+00 : f32
    %max3A_12 = vector.broadcast %max3A : f32 to vector<2000x1xf32>
    %max3A_13 = arith.maximumf %add3A_11, %max3A_12 : vector<2000x1xf32>
    %rsqrt3A = math.rsqrt %max3A_13 : vector<2000x1xf32>
    %get3A_14 = arith.constant 0 : index
    %get3A_15 = arith.constant 0 : index
    %get3A_16 = vector.load %arg2[%get3A_14, %get3A_15] : memref<2000x128xf32, #tpu.memory_space<vmem>>, vector<2000x128xf32>
    %get3A_17 = arith.constant 0 : index
    %get3A_18 = arith.constant 0 : index
    %get3A_19 = vector.load %arg3[%get3A_17, %get3A_18] : memref<128x128xf32, #tpu.memory_space<vmem>>, vector<128x128xf32>
    %dot_general3A = arith.constant dense<0.000000e+00> : vector<2000x128xf32>
    %dot_general3A_20 = tpu.matmul %get3A_16, %get3A_19, %dot_general3A {dimension_numbers = #tpu.dot_dimension_numbers<[1], [0], [0], [1], [0, 0, 1, 1], [], []>, transpose_lhs_hint = false} : vector<2000x128xf32>, vector<128x128xf32>, vector<2000x128xf32> -> vector<2000x128xf32>
    %mul3A = vector.broadcast %rsqrt3A : vector<2000x1xf32> to vector<2000x128xf32>
    %mul3A_21 = arith.mulf %dot_general3A_20, %mul3A : vector<2000x128xf32>
    %swap3A = arith.constant 0 : index
    %swap3A_22 = arith.constant 0 : index
    %swap3A_23 = vector.load %arg4[%swap3A, %swap3A_22] : memref<2000x128xf32, #tpu.memory_space<vmem>>, vector<2000x128xf32>
    tpu.vector_store %arg4[%swap3A, %swap3A_22], %mul3A_21 {strides = array<i32>} : memref<2000x128xf32, #tpu.memory_space<vmem>>, vector<2000x128xf32>,
    %swap3A_24 = arith.constant 0 : index
    %swap3A_25 = arith.constant 0 : index
    %swap3A_26 = vector.load %arg5[%swap3A_24, %swap3A_25] : memref<2000x1xf32, #tpu.memory_space<vmem>>, vector<2000x1xf32>
    tpu.vector_store %arg5[%swap3A_24, %swap3A_25], %rsqrt3A {strides = array<i32>} : memref<2000x1xf32, #tpu.memory_space<vmem>>, vector<2000x1xf32>,
    return
  }
  func.func @transform_0(%arg0: i32) -> (i32, i32, i32) {
    %c0_i32 = arith.constant 0 : i32
    %c0_i32_0 = arith.constant 0 : i32
    %c0_i32_1 = arith.constant 0 : i32
    return %c0_i32, %arg0, %c0_i32_0 : i32, i32, i32
  }
  func.func @transform_1(%arg0: i32) -> (i32, i32) {
    %c0_i32 = arith.constant 0 : i32
    %c0_i32_0 = arith.constant 0 : i32
    return %arg0, %c0_i32 : i32, i32
  }
  func.func @transform_2(%arg0: i32) -> (i32, i32) {
    %c0_i32 = arith.constant 0 : i32
    %c0_i32_0 = arith.constant 0 : i32
    %c0_i32_1 = arith.constant 0 : i32
    return %c0_i32, %c0_i32_0 : i32, i32
  }
  func.func @transform_3(%arg0: i32) -> (i32, i32) {
    %c0_i32 = arith.constant 0 : i32
    %c0_i32_0 = arith.constant 0 : i32
    return %arg0, %c0_i32 : i32, i32
  }
  func.func @transform_4(%arg0: i32) -> (i32, i32) {
    %c0_i32 = arith.constant 0 : i32
    %c0_i32_0 = arith.constant 0 : i32
    return %arg0, %c0_i32 : i32, i32
  }
}

</mosaic_0001>

<sc_bundles>
// kernel: kernel.6.cloned.1.call-start
scs
__scs_entry_jumppad:
0x0: {  	(pc) =	sbr.rel $0x88, $3  }
0x1: {  	(tag) =	ssettag $0x0;
	lr =	simm.s32 $0x1  }
0x2: {  	[smem:$0x3F9D] =	sst lr;
	_ =	strace $0xD0000000  }
0x3: {  	_ = 	snop  }
0x4: {  	_ = 	snop  }
0x5: {  	_ = 	snop  }
0x6: {  	_ = 	snop  }
0x7: {  	_ = 	snop  }
__scs_overlays_trampoline_lowered:
0x8: {  	[smem:$0x3FAC] =	sst s0  }
0x9: {  	[smem:$0x3FAD] =	sst s1  }
0xa: {  	[smem:$0x3FAE] =	sst s2  }
0xb: {  	[smem:$0x3FAF] =	sst s3  }
0xc: {  	[smem:$0x3FB0] =	sst s4  }
0xd: {  	[smem:$0x3FB1] =	sst s5  }
0xe: {  	[smem:$0x3FB2] =	sst s6  }
0xf: {  	[smem:$0x3FB3] =	sst s7  }
0x10: {  	[smem:$0x3FB4] =	sst s8  }
0x11: {  	[smem:$0x3FB5] =	sst s9;
	s0 =	simm.s32 @!p0 $0x0  }
0x12: {  	s1 =	sld [smem:$0x3F9B];
	s0 =	simm.s32 @p0 $0x1  }
0x13: {  	[smem:$0x3FB6] =	sst s0;
	s0 =	simm.s32 @!p1 $0x0  }
0x14: {  	s2 =	sld [smem:$0x3F9A];
	s0 =	simm.s32 @p1 $0x1  }
0x15: {  	[smem:$0x3FB7] =	sst s0;
	s0 =	simm.s32 @!p2 $0x0  }
0x16: {  	s3 =	sld [smem:$0x3FDB];
	s0 =	simm.s32 @p2 $0x1  }
0x17: {  	s4 =	simm.s32 $0x1BF5;
	[smem:$0x3FB9] =	sst s0  }
0x18: {  	s0 =	sld [smem:$0x3F9C];
	_ =	swait.ge [sflag:s4], $0x0  }
0x19: {  	s7 =	sld [smem:$0x3F9D]  }
0x1a: {  	s8 =	sadd.s32 $0xFFFFE003, lr  }
0x1b: {  	s9 =	sadd.s32 $0xFFFFFEF7, lr;
	s5 =	simm.s32 $0xFFFFFFFF;
	p2 =	slt.u32 s8, $0xFFFFF086  }
0x1c: {  	p1 =	slt.u32 s9, $0xF7A;
	s5 =	simm.s32 @!p2 $0x0  }
0x1d: {  	s5 =	simm.s32 @p1 $0x1;
	p0 =	seq.s32 s7, s2  }
0x1e: {  	s7 =	smul.u32 @!p0 $0xF7A, s2;
	p2 =	seq.s32 @!p0 s5, $0x0  }
0x1f: {  	s9 =	smul.u32 $0xF7A, s1;
	s8 =	simm.s32 @!p0 $0x1BF5;
	p2 =	por !p2, p0  }
0x20: {  	[sflag:s8] =	ssyncset.s32 @!p0 $0xFFFFF086;
	s6 =	sadd.s32 @!p0 s3, s7;
	s7 =	simm.s32 @!p0 $0x108  }
0x21: {  	s3 =	sadd.s32 s3, s9;
	s6 =	sadd.s32 @!p0 $0x88, s6;
	s7 =	simm.s32 @p2 $0x1082  }
0x22: {  	[simem:s7], [sflag:s8] =	dma.local @!p0 [hbm:s6], $0xF7A  }
0x23: {  	s9 =	sor.u32 $0xD0000000, s2;
	s6 =	simm.s32 $0x108;
	_ =	swait.ge @!p0 [sflag:s8], $0x0  }
0x24: {  	s3 =	sadd.s32 $0x88, s3;
	s6 =	simm.s32 @!p1 $0x1082;
	[sflag:s4] =	ssyncset.s32 $0xFFFFF086  }
0x25: {  	[simem:s6], [sflag:s4] =	dma.local [hbm:s3], $0xF7A  }
0x26: {  	[smem:$0x3F9D] =	sst s1;
	(tag) =	ssettag s2;
	_ =	strace s9  }
0x27: {  	s1 =	sld [smem:$0x3FAD]  }
0x28: {  	s2 =	sld [smem:$0x3FAE]  }
0x29: {  	s4 =	sld [smem:$0x3FB0]  }
0x2a: {  	p0 =	seq.s32 s5, $0x0;
	s5 =	sld [smem:$0x3FB1]  }
0x2b: {  	s6 =	sld [smem:$0x3FB2]  }
0x2c: {  	s7 =	sld [smem:$0x3FB3]  }
0x2d: {  	s3 =	simm.s32 $0x108;
	s8 =	sld [smem:$0x3FB4]  }
0x2e: {  	s3 =	simm.s32 @!p0 $0x1082;
	s9 =	sld [smem:$0x3FB5]  }
0x2f: {  	lr =	sadd.s32 s0, s3;
	s0 =	sld [smem:$0x3FAC]  }
0x30: {  	s3 =	sld [smem:$0x3FAF]  }
0x31: {  	[smem:$0x3FB8] =	sst s10  }
0x32: {  	s10 =	sld [smem:$0x3FB6];
	_ =	sdelay $0x3  }
0x33: {  	p0 =	seq.s32 s10, $0x1;
	s10 =	sld [smem:$0x3FB8];
	_ =	sdelay $0x3  }
0x34: {  	[smem:$0x3FB8] =	sst s10  }
0x35: {  	s10 =	sld [smem:$0x3FB7];
	_ =	sdelay $0x3  }
0x36: {  	p1 =	seq.s32 s10, $0x1;
	s10 =	sld [smem:$0x3FB8];
	_ =	sdelay $0x3  }
0x37: {  	[smem:$0x3FB8] =	sst s10  }
0x38: {  	s10 =	sld [smem:$0x3FB9]  }
0x39: {  	_ = 	snop;
	(pc) =	sbr.ind lr, $3  }
0x3a: {  	_ = 	snop  }
0x3b: {  	_ = 	snop  }
0x3c: {  	p2 =	seq.s32 s10, $0x1;
	s10 =	sld [smem:$0x3FB8]  }
0x3d: {  	_ =	shalt  }
0x3e: {  	_ =	shalt  }
0x3f: {  	_ =	shalt  }
0x40: {  	_ =	shalt  }
0x41: {  	_ =	shalt  }
0x42: {  	_ =	shalt  }
0x43: {  	_ =	shalt  }
0x44: {  	_ =	shalt  }
0x45: {  	_ =	shalt  }
0x46: {  	_ =	shalt  }
0x47: {  	_ =	shalt  }
0x48: {  	_ =	shalt  }
0x49: {  	_ =	shalt  }
0x4a: {  	_ =	shalt  }
0x4b: {  	_ =	shalt  }
0x4c: {  	_ =	shalt  }
0x4d: {  	_ =	shalt  }
0x4e: {  	_ =	shalt  }
0x4f: {  	_ =	shalt  }
0x50: {  	_ =	shalt  }
0x51: {  	_ =	shalt  }
0x52: {  	_ =	shalt  }
0x53: {  	_ =	shalt  }
0x54: {  	_ =	shalt  }
0x55: {  	_ =	shalt  }
0x56: {  	_ =	shalt  }
0x57: {  	_ =	shalt  }
0x58: {  	_ =	shalt  }
0x59: {  	_ =	shalt  }
0x5a: {  	_ =	shalt  }
0x5b: {  	_ =	shalt  }
0x5c: {  	_ =	shalt  }
0x5d: {  	_ =	shalt  }
0x5e: {  	_ =	shalt  }
0x5f: {  	_ =	shalt  }
0x60: {  	_ =	shalt  }
0x61: {  	_ =	shalt  }
0x62: {  	_ =	shalt  }
0x63: {  	_ =	shalt  }
0x64: {  	_ =	shalt  }
0x65: {  	_ =	shalt  }
0x66: {  	_ =	shalt  }
0x67: {  	_ =	shalt  }
0x68: {  	_ =	shalt  }
0x69: {  	_ =	shalt  }
0x6a: {  	_ =	shalt  }
0x6b: {  	_ =	shalt  }
0x6c: {  	_ =	shalt  }
0x6d: {  	_ =	shalt  }
0x6e: {  	_ =	shalt  }
0x6f: {  	_ =	shalt  }
0x70: {  	_ =	shalt  }
0x71: {  	_ =	shalt  }
0x72: {  	_ =	shalt  }
0x73: {  	_ =	shalt  }
0x74: {  	_ =	shalt  }
0x75: {  	_ =	shalt  }
0x76: {  	_ =	shalt  }
0x77: {  	_ =	shalt  }
0x78: {  	_ =	shalt  }
0x79: {  	_ =	shalt  }
0x7a: {  	_ =	shalt  }
0x7b: {  	_ =	shalt  }
0x7c: {  	_ =	shalt  }
0x7d: {  	_ =	shalt  }
0x7e: {  	_ =	shalt  }
0x7f: {  	_ =	shalt  }
0x80: {  	_ =	shalt  }
0x81: {  	_ =	shalt  }
0x82: {  	_ =	shalt  }
0x83: {  	_ =	shalt  }
0x84: {  	_ =	shalt  }
0x85: {  	_ =	shalt  }
0x86: {  	_ =	shalt  }
0x87: {  	_ =	shalt  }
.Lfunc_end0:
.L_simem_size_0:
called_computation_lowered:
.L_overlay_start_0:
0x88: {  	s2 =	sld [smem:$0x3FD9]  }
0x89: {  	s3 =	sld [smem:$0x3FFE];
	_ =	sdelay $0x1  }
0x8a: {  	s1 =	srdreg.scid  }
0x8b: {  	s0 =	sand.u32 $0x1, s1  }
0x8c: {  	s17 =	sshll.u32 s0, $0xA;
	s2 =	sadd.s32 s3, s2  }
0x8d: {  	s2 =	sadd.s32 s2, s17  }
0x8e: {  	[smem:$0x3FC4] =	sst s2  }
0x8f: {  	_ = 	snop  }
0x90: {  	s2 =	sld [smem:$0x3FD0];
	(tm) =	ssettm $0x1  }
0x91: {  	s18 =	sld [smem:$0x3FFB];
	_ =	sdelay $0x3  }
0x92: {  	_ =	strace s18  }
0x93: {  	s3 =	sld [smem:$0x3FFC];
	_ =	sdelay $0x3  }
0x94: {  	_ =	strace s3  }
0x95: {  	s3 =	sld [smem:$0x3FFD];
	_ =	sdelay $0x3  }
0x96: {  	_ =	strace s3  }
0x97: {  	_ =	strace $0x8FFFFFFF  }
0x98: {  	s19 =	sld [smem:$0x3FDB];
	_ =	sdelay $0x1  }
0x99: {  	s4 =	simm.s32 $_scs_section_size  }
0x9a: {  	s5 =	simm.s32 $_size__tile_overlayer_lowered;
	s6 =	simm.s32 $_tile_overlayer_lowered  }
0x9b: {  	s22 =	simm.s32 $0x1BFF;
	s21 =	sshll.u32 s6, $0x1;
	s3 =	sadd.s32 s4, s19  }
0x9c: {  	s7 =	simm.s32 $0x0;
	s20 =	sshll.u32 s5, $0x1;
	s5 =	sadd.s32 s21, s3  }
0x9d: {  	[timem:s7], [sflag:s22] =	dma.local [hbm:s5], s20  }
0x9e: {  	_ =	swait.ge [sflag:s22], s20  }
0x9f: {  	s4 =	ssub.s32 $0x0, s20;
	[sflag:s22] =	ssyncset.done $0x0  }
0xa0: {  	[sflag:s22] =	ssyncadd.s32 s4;
	_ =	sdelay $0x1  }
0xa1: {  	s23 =	simm.s32 $0x1B8B  }
0xa2: {  	_ =	swait.ge [sflag:s23], $0x1  }
0xa3: {  	[sflag:s23] =	ssyncset.done $0x0  }
0xa4: {  	s25 =	simm.s32 $0x1B8E;
	s24 =	sld [smem:$0x3FFE];
	[sflag:s23] =	ssyncadd.s32 $0xFFFFFFFF  }
0xa5: {  	s26 =	simm.s32 $execute0_lowered;
	[smem:$0x3FD2] =	sst s25  }
0xa6: {  	s5 =	sshll.u32 s26, $0x1;
	_ =	strace $0x80000046;
	[dreg:$0x1] =	wrdreg $0xFFFFFFFF  }
0xa7: {  	s28 =	simm.s32 $_size_execute0_lowered;
	s3 =	sadd.s32 s3, s5;
	[dreg:$0x0] =	wrdreg $0x0  }
0xa8: {  	s5 =	sshll.u32 s28, $0x1;
	[dreg:$0x2] =	wrdreg s3  }
0xa9: {  	[dreg:$0x3] =	wrdreg s5  }
0xaa: {  	[dreg:$0x4] =	wrdreg $0xC0  }
0xab: {  	_ =	task [dreg:s7], $0x5FFFF  }
0xac: {  	[dreg:$0x1] =	wrdreg $0xFFFFFFFF  }
0xad: {  	[dreg:$0x0] =	wrdreg $0x60  }
0xae: {  	[dreg:$0x2] =	wrdreg s2  }
0xaf: {  	[dreg:$0x3] =	wrdreg s24  }
0xb0: {  	[dreg:$0x4] =	wrdreg $0x0  }
0xb1: {  	[dreg:$0x5] =	wrdreg $0x9  }
0xb2: {  	_ =	task.clear_ibuf [dreg:s7], $0x6FFFF;
	_ =	strace $0x90000046  }
0xb3: {  	s29 =	simm.s32 $0x9;
	_ =	strace $0x80000048  }
0xb4: {  	_ =	swait.ge [sflag:s29], $0x1  }
0xb5: {  	[sflag:s29] =	ssyncadd.s32 $0xFFFFFFFF  }
0xb6: {  	_ =	strace $0x90000048  }
0xb7: {  	_ =	sfence  }
0xb8: {  	s30 =	sld [smem:$0x0];
	_ =	sdelay $0x2  }
0xb9: {  	s31 =	sshll.u32 s1, $0xD;
	s1 =	sshrl.u32 s1, $0x2  }
0xba: {  	s3 =	sand.u32 $0x4000, s31;
	s1 =	sadd.s32 s1, s30  }
0xbb: {  	s0 =	sor.u32 s3, s0;
	s1 =	sshll.u32 s1, $0x11  }
0xbc: {  	s0 =	sor.u32 s1, s0  }
0xbd: {  	s0 =	sadd.s32 $0x8F2B, s0  }
0xbe: {  	[sflag:s0] =	ssyncadd.remote.s32 $0x1  }
0xbf: {  	_ =	sfence.sel $0xFFFF  }
0xc0: {  	[dreg:$0x0] =	wrdreg $0xFFFFFFFF;
	(pc) =	sbr.abs _section_cstart, $3  }
0xc1: {  	[dreg:$0x1] =	wrdreg $0xFFFFFFFF  }
0xc2: {  	_ =	task.clear_ibuf [dreg:s7], $0x2FFFF;
	_ =	strace $0x9FFFFFFF  }
0xc3: {  	(tm) =	ssettm $0x7FFFFFFF  }
tec
execute0_lowered:
.L_overlay_start_1:
0x0: {  	(tag) =	ssettag $0x1  }
0x1: {  	s0 =	rddreg [dreg:$0x0]  }
0x2: {  	s1 =	rddreg [dreg:$0x1]  }
0x3: {  	s5 =	rddreg [dreg:$0x2]  }
0x4: {  	s2 =	srdreg.scid;
	s9 =	stileid.u32  }
0x5: {  	s23 =	simm.s32 $0x5000;
	s24 =	simm.s32 $0x1;
	s7 =	smul.u32 $0x14000, s9  }
0x6: {  	s25 =	simm.s32 $0x2800;
	s28 =	simm.s32 $0x7A00;
	s26 =	smul.u32 $0xA00, s9  }
0x7: {  	s3 =	sand.u32 $0x1, s2;
	s6 =	sshll.u32 s9, $0x1;
	s9 =	smul.u32 $0xA000, s9  }
0x8: {  	s29 =	simm.s32 $0x0;
	s2 =	simm.s32 $0x0;
	s4 =	smul.u32 $0x140000, s3  }
0x9: {  	[smem:$0x7FF] =	sst s2;
	s6 =	sor.u32 s3, s6;
	s3 =	ssub.s32 $0x2, s3  }
0xa: {  	_ =	strace $0x80000047;
	s6 =	smul.u32 $0x4E2, s6;
	s8 =	sshrl.u32 s3, $0x1  }
0xb: {  	s30 =	sshrl.u32 s26, $0x2;
	s31 =	sshrl.u32 s9, $0x2;
	s4 =	sadd.s32 s7, s4  }
0xc: {  	s26 =	simm.s32 $0x7780;
	s22 =	ssub.s32 s3, s8;
	s4 =	sshrl.u32 s4, $0x3  }
0xd: {  	s3 =	sadd.s32 s0, s6;
	s1 =	sadd.s32 s4, s1;
	s4 =	sadd.s32 s30, s5  }
0xe: {  	s22 =	smax.u32 s22, $0x1;
	s5 =	sadd.s32 s31, s5;
	s6 =	sadd.s32 $0x2800, s4  }
0xf: {  	s7 =	sadd.s32 $0x5000, s4;
	s8 =	sadd.s32 $0x7800, s4;
	s9 =	sadd.s32 $0xA000, s4  }
0x10: {  	s10 =	sadd.s32 $0xC800, s4;
	s11 =	sadd.s32 $0xF000, s4;
	s12 =	sadd.s32 $0x11800, s4  }
0x11: {  	s13 =	sadd.s32 $0x14000, s4;
	s14 =	sadd.s32 $0x16800, s4;
	s15 =	sadd.s32 $0x19000, s4  }
0x12: {  	v2 =	vlaneseq.u32;
	s16 =	sadd.s32 $0x1B800, s4;
	s17 =	sadd.s32 $0x1E000, s4;
	s18 =	sadd.s32 $0x20800, s4  }
0x13: {  	v0 =	vimm.f32 $0.0e+00;
	v1 =	vimm.f32 $1.000000000e+00;
	v2 =	vmul.u32 $0x80, v2;
	s19 =	sadd.s32 $0x23000, s4;
	s20 =	sadd.s32 $0x25800, s4;
	s21 =	sadd.s32 $0xB000, s1  }
.LBB2_1:
0x14: {  	[tilespmem:s23], [sflag:$0x1] =	stream.linear.gather [hbm4b:s3+s2], $0x2710, $0x38;
	[tilespmem:$0x1BA00] =	vst v63  }
0x15: {  	_ =	swait.ge [sflag:s24], $0x2710  }
0x16: {  	[sflag:s24] =	ssyncset.done $0x0  }
0x17: {  	s0 =	simm.s32 $0x2840;
	[sflag:s24] =	ssyncadd.s32 $0xFFFFD8F0  }
0x18: {  	[tilespmem:s0+$0xFFFFFFC0] =	vst v0  }
0x19: {  	[tilespmem:s0+$0x30] =	vst v0  }
0x1a: {  	[tilespmem:s0+$0x20] =	vst v0  }
0x1b: {  	[tilespmem:s0+$0x10] =	vst v0  }
0x1c: {  	[tilespmem:s0+$0x0] =	vst v0  }
0x1d: {  	[tilespmem:s0+$0xFFFFFFF0] =	vst v0  }
0x1e: {  	s30 =	simm.s32 $0xFFFFFFF8;
	s1 =	simm.s32 $0x0;
	[tilespmem:s0+$0xFFFFFFE0] =	vst v0  }
.LBB2_2:
0x1f: {  	s1 =	sadd.s32 $0x8, s1;
	[tilespmem:s0+$0xFFFFFFD0] =	vst v0;
	s0 =	sadd.s32 $0x80, s0;
	s31 =	simm.s32 $0x5040  }
0x20: {  	[tilespmem:s0+$0xFFFFFFC0] =	vst v0;
	p0 =	slt.u32 s1, $0x278  }
0x21: {  	[tilespmem:s0+$0x30] =	vst v0  }
.Ltmp0:
0x22: {  	[tilespmem:s0+$0x20] =	vst v0;
	(pc) =	sbr.rel @p0 .LBB2_2-.Ltmp0, $4  }
0x23: {  	[tilespmem:s0+$0x10] =	vst v0  }
0x24: {  	[tilespmem:s0+$0x0] =	vst v0  }
0x25: {  	[tilespmem:s0+$0xFFFFFFF0] =	vst v0  }
0x26: {  	[tilespmem:s0+$0xFFFFFFE0] =	vst v0  }
0x27: {  	[tilespmem:s0+$0xFFFFFFD0] =	vst v0  }
.LBB2_4:
0x28: {  	v3 =	vld [tilespmem:s31+$0xFFFFFFC0];
	_ =	sdelay $0x7  }
0x29: {  	[tilespmem:v3+s25+$0x0] =	vst.idx.add.f32.msk $0xffff, v1  }
0x2a: {  	v3 =	vld [tilespmem:s31+$0xFFFFFFD0];
	_ =	sdelay $0x7  }
0x2b: {  	[tilespmem:v3+s25+$0x0] =	vst.idx.add.f32.msk $0xffff, v1  }
0x2c: {  	v3 =	vld [tilespmem:s31+$0xFFFFFFE0];
	_ =	sdelay $0x7  }
0x2d: {  	[tilespmem:v3+s25+$0x0] =	vst.idx.add.f32.msk $0xffff, v1  }
0x2e: {  	v3 =	vld [tilespmem:s31+$0xFFFFFFF0];
	_ =	sdelay $0x7  }
0x2f: {  	[tilespmem:v3+s25+$0x0] =	vst.idx.add.f32.msk $0xffff, v1  }
0x30: {  	v3 =	vld [tilespmem:s31+$0x0];
	_ =	sdelay $0x7  }
0x31: {  	[tilespmem:v3+s25+$0x0] =	vst.idx.add.f32.msk $0xffff, v1  }
0x32: {  	v3 =	vld [tilespmem:s31+$0x10];
	_ =	sdelay $0x7  }
0x33: {  	[tilespmem:v3+s25+$0x0] =	vst.idx.add.f32.msk $0xffff, v1  }
0x34: {  	v3 =	vld [tilespmem:s31+$0x20];
	_ =	sdelay $0x7  }
0x35: {  	[tilespmem:v3+s25+$0x0] =	vst.idx.add.f32.msk $0xffff, v1  }
0x36: {  	v3 =	vld [tilespmem:s31+$0x30];
	_ =	sdelay $0x1  }
0x37: {  	s30 =	sadd.s32 $0x8, s30  }
0x38: {  	p0 =	slt.u32 s30, $0x268  }
.Ltmp1:
0x39: {  	_ = 	snop;
	(pc) =	sbr.rel @p0 .LBB2_4-.Ltmp1, $2  }
0x3a: {  	_ =	sdelay $0x2  }
0x3b: {  	s31 =	sadd.s32 $0x80, s31;
	[tilespmem:v3+s25+$0x0] =	vst.idx.add.f32.msk $0xffff, v1  }
0x3c: {  	v3 =	vld [tilespmem:$0x7700];
	_ =	sdelay $0x7  }
0x3d: {  	[tilespmem:v3+s25+$0x0] =	vst.idx.add.f32.msk $0xffff, v1  }
0x3e: {  	[spmem:s5] =	stream.linear.scatter [tilespmem:s25], [sflag:$0x1], $0x2800, $0x38;
	[tilespmem:$0x1BA00] =	vst v63  }
0x3f: {  	_ =	swait.ge [sflag:s24], $0x2800  }
0x40: {  	[sflag:s24] =	ssyncset.done $0x0  }
0x41: {  	[sflag:s24] =	ssyncadd.s32 $0xFFFFD800  }
0x42: {  	s0 =	simm.s32 $0x2840;
	[bflag:$0x0] =	sbarrier.arrive $0xFFFF  }
0x43: {  	[tilespmem:s0+$0xFFFFFFC0] =	vst v0  }
0x44: {  	[tilespmem:s0+$0x30] =	vst v0  }
0x45: {  	[tilespmem:s0+$0x20] =	vst v0  }
0x46: {  	[tilespmem:s0+$0x10] =	vst v0  }
0x47: {  	[tilespmem:s0+$0x0] =	vst v0  }
0x48: {  	[tilespmem:s0+$0xFFFFFFF0] =	vst v0  }
0x49: {  	s1 =	simm.s32 $0x0;
	[tilespmem:s0+$0xFFFFFFE0] =	vst v0  }
.LBB2_6:
0x4a: {  	s1 =	sadd.s32 $0x8, s1;
	[tilespmem:s0+$0xFFFFFFD0] =	vst v0;
	s0 =	sadd.s32 $0x80, s0  }
0x4b: {  	[tilespmem:s0+$0xFFFFFFC0] =	vst v0;
	p0 =	slt.u32 s1, $0x278  }
0x4c: {  	[tilespmem:s0+$0x30] =	vst v0  }
.Ltmp2:
0x4d: {  	[tilespmem:s0+$0x20] =	vst v0;
	(pc) =	sbr.rel @p0 .LBB2_6-.Ltmp2, $4  }
0x4e: {  	[tilespmem:s0+$0x10] =	vst v0  }
0x4f: {  	[tilespmem:s0+$0x0] =	vst v0  }
0x50: {  	[tilespmem:s0+$0xFFFFFFF0] =	vst v0  }
0x51: {  	[tilespmem:s0+$0xFFFFFFE0] =	vst v0  }
0x52: {  	[tilespmem:s0+$0xFFFFFFD0] =	vst v0  }
0x53: {  	[tilespmem:s26], [sflag:$0x1] =	stream.linear.gather [spmem:s4], $0x280, $0x38;
	[tilespmem:$0x1BA00] =	vst v63  }
0x54: {  	_ =	swait.ge [sflag:s24], $0x280  }
0x55: {  	[sflag:s24] =	ssyncset.done $0x0  }
0x56: {  	[sflag:s24] =	ssyncadd.s32 $0xFFFFFD80  }
0x57: {  	v3 =	vld [tilespmem:$0x2800]  }
0x58: {  	v4 =	vld [tilespmem:$0x7780]  }
0x59: {  	v5 =	vld [tilespmem:$0x2810]  }
0x5a: {  	v6 =	vld [tilespmem:$0x7790]  }
0x5b: {  	v7 =	vld [tilespmem:$0x2820]  }
0x5c: {  	v8 =	vld [tilespmem:$0x77A0]  }
0x5d: {  	v9 =	vld [tilespmem:$0x2830]  }
0x5e: {  	v10 =	vld [tilespmem:$0x77B0]  }
0x5f: {  	v11 =	vld [tilespmem:$0x2840]  }
0x60: {  	v12 =	vld [tilespmem:$0x77C0]  }
0x61: {  	v13 =	vld [tilespmem:$0x2850]  }
0x62: {  	v14 =	vld [tilespmem:$0x77D0]  }
0x63: {  	v15 =	vld [tilespmem:$0x2860]  }
0x64: {  	v16 =	vld [tilespmem:$0x77E0]  }
0x65: {  	v17 =	vld [tilespmem:$0x2870]  }
0x66: {  	v18 =	vld [tilespmem:$0x77F0]  }
0x67: {  	v19 =	vld [tilespmem:$0x2880]  }
0x68: {  	v20 =	vld [tilespmem:$0x7800]  }
0x69: {  	v21 =	vld [tilespmem:$0x2890]  }
0x6a: {  	v22 =	vld [tilespmem:$0x7810]  }
0x6b: {  	v23 =	vld [tilespmem:$0x28A0]  }
0x6c: {  	v24 =	vld [tilespmem:$0x7820]  }
0x6d: {  	v25 =	vld [tilespmem:$0x28B0]  }
0x6e: {  	v26 =	vld [tilespmem:$0x7830]  }
0x6f: {  	v27 =	vld [tilespmem:$0x28C0]  }
0x70: {  	v28 =	vld [tilespmem:$0x7840]  }
0x71: {  	v29 =	vld [tilespmem:$0x28D0]  }
0x72: {  	v30 =	vld [tilespmem:$0x7850]  }
0x73: {  	v31 =	vld [tilespmem:$0x28E0]  }
0x74: {  	v32 =	vld [tilespmem:$0x7860]  }
0x75: {  	v33 =	vld [tilespmem:$0x28F0]  }
0x76: {  	v34 =	vld [tilespmem:$0x7870]  }
0x77: {  	v35 =	vld [tilespmem:$0x2900]  }
0x78: {  	v36 =	vld [tilespmem:$0x7880]  }
0x79: {  	v37 =	vld [tilespmem:$0x2910]  }
0x7a: {  	v38 =	vld [tilespmem:$0x7890]  }
0x7b: {  	v39 =	vld [tilespmem:$0x2920]  }
0x7c: {  	v40 =	vld [tilespmem:$0x78A0]  }
0x7d: {  	v41 =	vld [tilespmem:$0x2930]  }
0x7e: {  	v42 =	vld [tilespmem:$0x78B0]  }
0x7f: {  	v43 =	vld [tilespmem:$0x2940]  }
0x80: {  	v44 =	vld [tilespmem:$0x78C0]  }
0x81: {  	v45 =	vld [tilespmem:$0x2950]  }
0x82: {  	v46 =	vld [tilespmem:$0x78D0]  }
0x83: {  	v47 =	vld [tilespmem:$0x2960]  }
0x84: {  	v55 =	vld [tilespmem:$0x2980];
	v3 =	vadd.f32 v4, v3  }
0x85: {  	v56 =	vld [tilespmem:$0x7900];
	v5 =	vadd.f32 v6, v5  }
0x86: {  	v57 =	vld [tilespmem:$0x2990];
	[tilespmem:$0x2800] =	vst v3;
	v3 =	vadd.f32 v8, v7  }
0x87: {  	v58 =	vld [tilespmem:$0x7910];
	[tilespmem:$0x2810] =	vst v5;
	v5 =	vadd.f32 v10, v9  }
0x88: {  	v59 =	vld [tilespmem:$0x29A0];
	[tilespmem:$0x2820] =	vst v3;
	v3 =	vadd.f32 v12, v11  }
0x89: {  	v60 =	vld [tilespmem:$0x7920];
	[tilespmem:$0x2830] =	vst v5;
	v5 =	vadd.f32 v14, v13  }
0x8a: {  	v61 =	vld [tilespmem:$0x29B0];
	[tilespmem:$0x2840] =	vst v3;
	v3 =	vadd.f32 v16, v15  }
0x8b: {  	v62 =	vld [tilespmem:$0x7930];
	[tilespmem:$0x2850] =	vst v5;
	v5 =	vadd.f32 v18, v17  }
0x8c: {  	v63 =	vld [tilespmem:$0x29C0];
	[tilespmem:$0x2860] =	vst v3;
	v3 =	vadd.f32 v20, v19  }
0x8d: {  	v48 =	vld [tilespmem:$0x79B0];
	[tilespmem:$0x2870] =	vst v5;
	v5 =	vadd.f32 v22, v21  }
0x8e: {  	v49 =	vld [tilespmem:$0x2A40];
	[tilespmem:$0x2880] =	vst v3;
	v3 =	vadd.f32 v24, v23  }
0x8f: {  	v50 =	vld [tilespmem:$0x79C0];
	[tilespmem:$0x2890] =	vst v5;
	v5 =	vadd.f32 v26, v25  }
0x90: {  	v51 =	vld [tilespmem:$0x2A50];
	[tilespmem:$0x28A0] =	vst v3;
	v3 =	vadd.f32 v28, v27  }
0x91: {  	v52 =	vld [tilespmem:$0x79D0];
	[tilespmem:$0x28B0] =	vst v5;
	v5 =	vadd.f32 v30, v29  }
0x92: {  	v4 =	vld [tilespmem:$0x78E0];
	[tilespmem:$0x28C0] =	vst v3;
	v3 =	vadd.f32 v32, v31  }
0x93: {  	v6 =	vld [tilespmem:$0x2970];
	[tilespmem:$0x28D0] =	vst v5;
	v5 =	vadd.f32 v34, v33  }
0x94: {  	v7 =	vld [tilespmem:$0x78F0];
	[tilespmem:$0x28E0] =	vst v3;
	v3 =	vadd.f32 v36, v35  }
0x95: {  	v28 =	vld [tilespmem:$0x7940];
	[tilespmem:$0x28F0] =	vst v5;
	v5 =	vadd.f32 v38, v37  }
0x96: {  	v30 =	vld [tilespmem:$0x29D0];
	[tilespmem:$0x2900] =	vst v3;
	v3 =	vadd.f32 v40, v39  }
0x97: {  	v32 =	vld [tilespmem:$0x7950];
	[tilespmem:$0x2910] =	vst v5;
	v5 =	vadd.f32 v42, v41  }
0x98: {  	v34 =	vld [tilespmem:$0x29E0];
	[tilespmem:$0x2920] =	vst v3;
	v3 =	vadd.f32 v44, v43  }
0x99: {  	v36 =	vld [tilespmem:$0x7960];
	[tilespmem:$0x2930] =	vst v5;
	v5 =	vadd.f32 v46, v45  }
0x9a: {  	v38 =	vld [tilespmem:$0x29F0];
	[tilespmem:$0x2940] =	vst v3;
	v3 =	vadd.f32 v4, v47  }
0x9b: {  	v40 =	vld [tilespmem:$0x7970];
	[tilespmem:$0x2950] =	vst v5;
	v5 =	vadd.f32 v7, v6  }
0x9c: {  	v42 =	vld [tilespmem:$0x2A00];
	[tilespmem:$0x2960] =	vst v3;
	v3 =	vadd.f32 v56, v55  }
0x9d: {  	v44 =	vld [tilespmem:$0x7980];
	[tilespmem:$0x2970] =	vst v5;
	v5 =	vadd.f32 v58, v57  }
0x9e: {  	v46 =	vld [tilespmem:$0x2A10];
	[tilespmem:$0x2980] =	vst v3;
	v3 =	vadd.f32 v60, v59  }
0x9f: {  	v4 =	vld [tilespmem:$0x7990];
	[tilespmem:$0x2990] =	vst v5;
	v5 =	vadd.f32 v62, v61  }
0xa0: {  	v6 =	vld [tilespmem:$0x2A20];
	[tilespmem:$0x29A0] =	vst v3;
	v3 =	vadd.f32 v28, v63  }
0xa1: {  	v7 =	vld [tilespmem:$0x79A0];
	[tilespmem:$0x29B0] =	vst v5;
	v5 =	vadd.f32 v32, v30  }
0xa2: {  	v47 =	vld [tilespmem:$0x2A30];
	[tilespmem:$0x29C0] =	vst v3;
	v3 =	vadd.f32 v36, v34  }
0xa3: {  	v53 =	vld [tilespmem:$0x2A60];
	[tilespmem:$0x29D0] =	vst v5;
	v5 =	vadd.f32 v40, v38  }
0xa4: {  	v54 =	vld [tilespmem:$0x79E0];
	[tilespmem:$0x29E0] =	vst v3;
	v3 =	vadd.f32 v44, v42  }
0xa5: {  	v4 =	vadd.f32 v4, v46;
	[tilespmem:$0x29F0] =	vst v5;
	v5 =	vld [tilespmem:$0x2A70]  }
0xa6: {  	[tilespmem:$0x2A00] =	vst v3;
	v3 =	vadd.f32 v7, v6;
	v6 =	vld [tilespmem:$0x79F0]  }
0xa7: {  	[tilespmem:$0x2A10] =	vst v4;
	v4 =	vadd.f32 v48, v47  }
0xa8: {  	[tilespmem:$0x2A20] =	vst v3;
	v3 =	vadd.f32 v50, v49  }
0xa9: {  	[tilespmem:$0x2A30] =	vst v4;
	v4 =	vadd.f32 v52, v51  }
0xaa: {  	[tilespmem:$0x2A40] =	vst v3;
	v3 =	vadd.f32 v54, v53  }
0xab: {  	[tilespmem:$0x2A50] =	vst v4;
	v4 =	vadd.f32 v6, v5  }
0xac: {  	[tilespmem:$0x2A60] =	vst v3  }
0xad: {  	[tilespmem:$0x2A70] =	vst v4  }
0xae: {  	[tilespmem:s26], [sflag:$0x1] =	stream.linear.gather [spmem:s6], $0x280, $0x38;
	[tilespmem:$0x1BA00] =	vst v63  }
0xaf: {  	_ =	swait.ge [sflag:s24], $0x280  }
0xb0: {  	[sflag:s24] =	ssyncset.done $0x0  }
0xb1: {  	[sflag:s24] =	ssyncadd.s32 $0xFFFFFD80  }
0xb2: {  	v3 =	vld [tilespmem:$0x2800]  }
0xb3: {  	v4 =	vld [tilespmem:$0x7780]  }
0xb4: {  	v5 =	vld [tilespmem:$0x2810]  }
0xb5: {  	v6 =	vld [tilespmem:$0x7790]  }
0xb6: {  	v7 =	vld [tilespmem:$0x2820]  }
0xb7: {  	v8 =	vld [tilespmem:$0x77A0]  }
0xb8: {  	v9 =	vld [tilespmem:$0x2830]  }
0xb9: {  	v55 =	vld [tilespmem:$0x77B0]  }
0xba: {  	v11 =	vld [tilespmem:$0x2840]  }
0xbb: {  	v56 =	vld [tilespmem:$0x77C0]  }
0xbc: {  	v13 =	vld [tilespmem:$0x2850]  }
0xbd: {  	v57 =	vld [tilespmem:$0x77D0]  }
0xbe: {  	v15 =	vld [tilespmem:$0x2860]  }
0xbf: {  	v58 =	vld [tilespmem:$0x77E0]  }
0xc0: {  	v17 =	vld [tilespmem:$0x2870]  }
0xc1: {  	v59 =	vld [tilespmem:$0x77F0]  }
0xc2: {  	v19 =	vld [tilespmem:$0x2880]  }
0xc3: {  	v60 =	vld [tilespmem:$0x7800]  }
0xc4: {  	v21 =	vld [tilespmem:$0x2890]  }
0xc5: {  	v61 =	vld [tilespmem:$0x7810]  }
0xc6: {  	v23 =	vld [tilespmem:$0x28A0]  }
0xc7: {  	v62 =	vld [tilespmem:$0x7820]  }
0xc8: {  	v25 =	vld [tilespmem:$0x28B0]  }
0xc9: {  	v63 =	vld [tilespmem:$0x7830]  }
0xca: {  	v27 =	vld [tilespmem:$0x28C0]  }
0xcb: {  	v28 =	vld [tilespmem:$0x7840]  }
0xcc: {  	v29 =	vld [tilespmem:$0x28D0]  }
0xcd: {  	v30 =	vld [tilespmem:$0x7850]  }
0xce: {  	v31 =	vld [tilespmem:$0x28E0]  }
0xcf: {  	v32 =	vld [tilespmem:$0x7860]  }
0xd0: {  	v33 =	vld [tilespmem:$0x28F0]  }
0xd1: {  	v34 =	vld [tilespmem:$0x7870]  }
0xd2: {  	v35 =	vld [tilespmem:$0x2900]  }
0xd3: {  	v36 =	vld [tilespmem:$0x7880]  }
0xd4: {  	v37 =	vld [tilespmem:$0x2910]  }
0xd5: {  	v38 =	vld [tilespmem:$0x7890]  }
0xd6: {  	v39 =	vld [tilespmem:$0x2920]  }
0xd7: {  	v40 =	vld [tilespmem:$0x78A0]  }
0xd8: {  	v48 =	vld [tilespmem:$0x2930]  }
0xd9: {  	v49 =	vld [tilespmem:$0x78B0]  }
0xda: {  	v50 =	vld [tilespmem:$0x2940]  }
0xdb: {  	v51 =	vld [tilespmem:$0x78C0]  }
0xdc: {  	v52 =	vld [tilespmem:$0x2950]  }
0xdd: {  	v53 =	vld [tilespmem:$0x78D0]  }
0xde: {  	v54 =	vld [tilespmem:$0x2960]  }
0xdf: {  	v42 =	vld [tilespmem:$0x2A00];
	v3 =	vadd.f32 v4, v3  }
0xe0: {  	v44 =	vld [tilespmem:$0x7980];
	v5 =	vadd.f32 v6, v5  }
0xe1: {  	v46 =	vld [tilespmem:$0x2A10];
	[tilespmem:$0x2800] =	vst v3;
	v3 =	vadd.f32 v8, v7  }
0xe2: {  	v47 =	vld [tilespmem:$0x2A30];
	[tilespmem:$0x2810] =	vst v5;
	v5 =	vadd.f32 v55, v9  }
0xe3: {  	v4 =	vld [tilespmem:$0x78E0];
	[tilespmem:$0x2820] =	vst v3;
	v3 =	vadd.f32 v56, v11  }
0xe4: {  	v6 =	vld [tilespmem:$0x2970];
	[tilespmem:$0x2830] =	vst v5;
	v5 =	vadd.f32 v57, v13  }
0xe5: {  	v7 =	vld [tilespmem:$0x78F0];
	[tilespmem:$0x2840] =	vst v3;
	v3 =	vadd.f32 v58, v15  }
0xe6: {  	v55 =	vld [tilespmem:$0x2980];
	[tilespmem:$0x2850] =	vst v5;
	v5 =	vadd.f32 v59, v17  }
0xe7: {  	v56 =	vld [tilespmem:$0x7900];
	[tilespmem:$0x2860] =	vst v3;
	v3 =	vadd.f32 v60, v19  }
0xe8: {  	v57 =	vld [tilespmem:$0x2990];
	[tilespmem:$0x2870] =	vst v5;
	v5 =	vadd.f32 v61, v21  }
0xe9: {  	v58 =	vld [tilespmem:$0x7910];
	[tilespmem:$0x2880] =	vst v3;
	v3 =	vadd.f32 v62, v23  }
0xea: {  	v59 =	vld [tilespmem:$0x29A0];
	[tilespmem:$0x2890] =	vst v5;
	v5 =	vadd.f32 v63, v25  }
0xeb: {  	v60 =	vld [tilespmem:$0x7920];
	[tilespmem:$0x28A0] =	vst v3;
	v3 =	vadd.f32 v28, v27  }
0xec: {  	v61 =	vld [tilespmem:$0x29B0];
	[tilespmem:$0x28B0] =	vst v5;
	v5 =	vadd.f32 v30, v29  }
0xed: {  	v62 =	vld [tilespmem:$0x7930];
	[tilespmem:$0x28C0] =	vst v3;
	v3 =	vadd.f32 v32, v31  }
0xee: {  	v63 =	vld [tilespmem:$0x29C0];
	[tilespmem:$0x28D0] =	vst v5;
	v5 =	vadd.f32 v34, v33  }
0xef: {  	v28 =	vld [tilespmem:$0x7940];
	[tilespmem:$0x28E0] =	vst v3;
	v3 =	vadd.f32 v36, v35  }
0xf0: {  	v30 =	vld [tilespmem:$0x29D0];
	[tilespmem:$0x28F0] =	vst v5;
	v5 =	vadd.f32 v38, v37  }
0xf1: {  	v32 =	vld [tilespmem:$0x7950];
	[tilespmem:$0x2900] =	vst v3;
	v3 =	vadd.f32 v40, v39  }
0xf2: {  	v34 =	vld [tilespmem:$0x29E0];
	[tilespmem:$0x2910] =	vst v5;
	v5 =	vadd.f32 v49, v48  }
0xf3: {  	v36 =	vld [tilespmem:$0x7960];
	[tilespmem:$0x2920] =	vst v3;
	v3 =	vadd.f32 v51, v50  }
0xf4: {  	v38 =	vld [tilespmem:$0x29F0];
	[tilespmem:$0x2930] =	vst v5;
	v5 =	vadd.f32 v53, v52  }
0xf5: {  	v40 =	vld [tilespmem:$0x7970];
	[tilespmem:$0x2940] =	vst v3;
	v3 =	vadd.f32 v4, v54  }
0xf6: {  	v48 =	vld [tilespmem:$0x79B0];
	[tilespmem:$0x2950] =	vst v5;
	v5 =	vadd.f32 v7, v6  }
0xf7: {  	v49 =	vld [tilespmem:$0x2A40];
	[tilespmem:$0x2960] =	vst v3;
	v3 =	vadd.f32 v56, v55  }
0xf8: {  	v50 =	vld [tilespmem:$0x79C0];
	[tilespmem:$0x2970] =	vst v5;
	v5 =	vadd.f32 v58, v57  }
0xf9: {  	v51 =	vld [tilespmem:$0x2A50];
	[tilespmem:$0x2980] =	vst v3;
	v3 =	vadd.f32 v60, v59  }
0xfa: {  	v4 =	vld [tilespmem:$0x7990];
	[tilespmem:$0x2990] =	vst v5;
	v5 =	vadd.f32 v62, v61  }
0xfb: {  	v6 =	vld [tilespmem:$0x2A20];
	[tilespmem:$0x29A0] =	vst v3;
	v3 =	vadd.f32 v28, v63  }
0xfc: {  	v7 =	vld [tilespmem:$0x79A0];
	[tilespmem:$0x29B0] =	vst v5;
	v5 =	vadd.f32 v32, v30  }
0xfd: {  	v52 =	vld [tilespmem:$0x79D0];
	[tilespmem:$0x29C0] =	vst v3;
	v3 =	vadd.f32 v36, v34  }
0xfe: {  	v53 =	vld [tilespmem:$0x2A60];
	[tilespmem:$0x29D0] =	vst v5;
	v5 =	vadd.f32 v40, v38  }
0xff: {  	v54 =	vld [tilespmem:$0x79E0];
	[tilespmem:$0x29E0] =	vst v3;
	v3 =	vadd.f32 v44, v42  }
0x100: {  	v4 =	vadd.f32 v4, v46;
	[tilespmem:$0x29F0] =	vst v5;
	v5 =	vld [tilespmem:$0x2A70]  }
0x101: {  	[tilespmem:$0x2A00] =	vst v3;
	v3 =	vadd.f32 v7, v6;
	v6 =	vld [tilespmem:$0x79F0]  }
0x102: {  	[tilespmem:$0x2A10] =	vst v4;
	v4 =	vadd.f32 v48, v47  }
0x103: {  	[tilespmem:$0x2A20] =	vst v3;
	v3 =	vadd.f32 v50, v49  }
0x104: {  	[tilespmem:$0x2A30] =	vst v4;
	v4 =	vadd.f32 v52, v51  }
0x105: {  	[tilespmem:$0x2A40] =	vst v3;
	v3 =	vadd.f32 v54, v53  }
0x106: {  	[tilespmem:$0x2A50] =	vst v4;
	v4 =	vadd.f32 v6, v5  }
0x107: {  	[tilespmem:$0x2A60] =	vst v3  }
0x108: {  	[tilespmem:$0x2A70] =	vst v4  }
0x109: {  	[tilespmem:s26], [sflag:$0x1] =	stream.linear.gather [spmem:s7], $0x280, $0x38;
	[tilespmem:$0x1BA00] =	vst v63  }
0x10a: {  	_ =	swait.ge [sflag:s24], $0x280  }
0x10b: {  	[sflag:s24] =	ssyncset.done $0x0  }
0x10c: {  	[sflag:s24] =	ssyncadd.s32 $0xFFFFFD80  }
0x10d: {  	v3 =	vld [tilespmem:$0x2800]  }
0x10e: {  	v4 =	vld [tilespmem:$0x7780]  }
0x10f: {  	v5 =	vld [tilespmem:$0x2810]  }
0x110: {  	v6 =	vld [tilespmem:$0x7790]  }
0x111: {  	v7 =	vld [tilespmem:$0x2820]  }
0x112: {  	v8 =	vld [tilespmem:$0x77A0]  }
0x113: {  	v9 =	vld [tilespmem:$0x2830]  }
0x114: {  	v55 =	vld [tilespmem:$0x77B0]  }
0x115: {  	v11 =	vld [tilespmem:$0x2840]  }
0x116: {  	v56 =	vld [tilespmem:$0x77C0]  }
0x117: {  	v13 =	vld [tilespmem:$0x2850]  }
0x118: {  	v57 =	vld [tilespmem:$0x77D0]  }
0x119: {  	v15 =	vld [tilespmem:$0x2860]  }
0x11a: {  	v58 =	vld [tilespmem:$0x77E0]  }
0x11b: {  	v17 =	vld [tilespmem:$0x2870]  }
0x11c: {  	v59 =	vld [tilespmem:$0x77F0]  }
0x11d: {  	v19 =	vld [tilespmem:$0x2880]  }
0x11e: {  	v60 =	vld [tilespmem:$0x7800]  }
0x11f: {  	v21 =	vld [tilespmem:$0x2890]  }
0x120: {  	v61 =	vld [tilespmem:$0x7810]  }
0x121: {  	v23 =	vld [tilespmem:$0x28A0]  }
0x122: {  	v62 =	vld [tilespmem:$0x7820]  }
0x123: {  	v25 =	vld [tilespmem:$0x28B0]  }
0x124: {  	v63 =	vld [tilespmem:$0x7830]  }
0x125: {  	v27 =	vld [tilespmem:$0x28C0]  }
0x126: {  	v28 =	vld [tilespmem:$0x7840]  }
0x127: {  	v29 =	vld [tilespmem:$0x28D0]  }
0x128: {  	v30 =	vld [tilespmem:$0x7850]  }
0x129: {  	v31 =	vld [tilespmem:$0x28E0]  }
0x12a: {  	v32 =	vld [tilespmem:$0x7860]  }
0x12b: {  	v33 =	vld [tilespmem:$0x28F0]  }
0x12c: {  	v34 =	vld [tilespmem:$0x7870]  }
0x12d: {  	v35 =	vld [tilespmem:$0x2900]  }
0x12e: {  	v36 =	vld [tilespmem:$0x7880]  }
0x12f: {  	v37 =	vld [tilespmem:$0x2910]  }
0x130: {  	v38 =	vld [tilespmem:$0x7890]  }
0x131: {  	v39 =	vld [tilespmem:$0x2920]  }
0x132: {  	v40 =	vld [tilespmem:$0x78A0]  }
0x133: {  	v48 =	vld [tilespmem:$0x2930]  }
0x134: {  	v49 =	vld [tilespmem:$0x78B0]  }
0x135: {  	v50 =	vld [tilespmem:$0x2940]  }
0x136: {  	v51 =	vld [tilespmem:$0x78C0]  }
0x137: {  	v52 =	vld [tilespmem:$0x2950]  }
0x138: {  	v53 =	vld [tilespmem:$0x78D0]  }
0x139: {  	v54 =	vld [tilespmem:$0x2960]  }
0x13a: {  	v42 =	vld [tilespmem:$0x2A00];
	v3 =	vadd.f32 v4, v3  }
0x13b: {  	v44 =	vld [tilespmem:$0x7980];
	v5 =	vadd.f32 v6, v5  }
0x13c: {  	v4 =	vld [tilespmem:$0x78E0];
	[tilespmem:$0x2800] =	vst v3;
	v3 =	vadd.f32 v8, v7  }
0x13d: {  	v6 =	vld [tilespmem:$0x2970];
	[tilespmem:$0x2810] =	vst v5;
	v5 =	vadd.f32 v55, v9  }
0x13e: {  	v7 =	vld [tilespmem:$0x78F0];
	[tilespmem:$0x2820] =	vst v3;
	v3 =	vadd.f32 v56, v11  }
0x13f: {  	v55 =	vld [tilespmem:$0x2980];
	[tilespmem:$0x2830] =	vst v5;
	v5 =	vadd.f32 v57, v13  }
0x140: {  	v56 =	vld [tilespmem:$0x7900];
	[tilespmem:$0x2840] =	vst v3;
	v3 =	vadd.f32 v58, v15  }
0x141: {  	v57 =	vld [tilespmem:$0x2990];
	[tilespmem:$0x2850] =	vst v5;
	v5 =	vadd.f32 v59, v17  }
0x142: {  	v58 =	vld [tilespmem:$0x7910];
	[tilespmem:$0x2860] =	vst v3;
	v3 =	vadd.f32 v60, v19  }
0x143: {  	v59 =	vld [tilespmem:$0x29A0];
	[tilespmem:$0x2870] =	vst v5;
	v5 =	vadd.f32 v61, v21  }
0x144: {  	v60 =	vld [tilespmem:$0x7920];
	[tilespmem:$0x2880] =	vst v3;
	v3 =	vadd.f32 v62, v23  }
0x145: {  	v61 =	vld [tilespmem:$0x29B0];
	[tilespmem:$0x2890] =	vst v5;
	v5 =	vadd.f32 v63, v25  }
0x146: {  	v62 =	vld [tilespmem:$0x7930];
	[tilespmem:$0x28A0] =	vst v3;
	v3 =	vadd.f32 v28, v27  }
0x147: {  	v63 =	vld [tilespmem:$0x29C0];
	[tilespmem:$0x28B0] =	vst v5;
	v5 =	vadd.f32 v30, v29  }
0x148: {  	v28 =	vld [tilespmem:$0x7940];
	[tilespmem:$0x28C0] =	vst v3;
	v3 =	vadd.f32 v32, v31  }
0x149: {  	v30 =	vld [tilespmem:$0x29D0];
	[tilespmem:$0x28D0] =	vst v5;
	v5 =	vadd.f32 v34, v33  }
0x14a: {  	v32 =	vld [tilespmem:$0x7950];
	[tilespmem:$0x28E0] =	vst v3;
	v3 =	vadd.f32 v36, v35  }
0x14b: {  	v34 =	vld [tilespmem:$0x29E0];
	[tilespmem:$0x28F0] =	vst v5;
	v5 =	vadd.f32 v38, v37  }
0x14c: {  	v36 =	vld [tilespmem:$0x7960];
	[tilespmem:$0x2900] =	vst v3;
	v3 =	vadd.f32 v40, v39  }
0x14d: {  	v38 =	vld [tilespmem:$0x29F0];
	[tilespmem:$0x2910] =	vst v5;
	v5 =	vadd.f32 v49, v48  }
0x14e: {  	v40 =	vld [tilespmem:$0x7970];
	[tilespmem:$0x2920] =	vst v3;
	v3 =	vadd.f32 v51, v50  }
0x14f: {  	v48 =	vld [tilespmem:$0x2A10];
	[tilespmem:$0x2930] =	vst v5;
	v5 =	vadd.f32 v53, v52  }
0x150: {  	v49 =	vld [tilespmem:$0x2A30];
	[tilespmem:$0x2940] =	vst v3;
	v3 =	vadd.f32 v4, v54  }
0x151: {  	v50 =	vld [tilespmem:$0x79B0];
	[tilespmem:$0x2950] =	vst v5;
	v5 =	vadd.f32 v7, v6  }
0x152: {  	v51 =	vld [tilespmem:$0x2A40];
	[tilespmem:$0x2960] =	vst v3;
	v3 =	vadd.f32 v56, v55  }
0x153: {  	v52 =	vld [tilespmem:$0x79C0];
	[tilespmem:$0x2970] =	vst v5;
	v5 =	vadd.f32 v58, v57  }
0x154: {  	v53 =	vld [tilespmem:$0x2A50];
	[tilespmem:$0x2980] =	vst v3;
	v3 =	vadd.f32 v60, v59  }
0x155: {  	v4 =	vld [tilespmem:$0x7990];
	[tilespmem:$0x2990] =	vst v5;
	v5 =	vadd.f32 v62, v61  }
0x156: {  	v6 =	vld [tilespmem:$0x2A20];
	[tilespmem:$0x29A0] =	vst v3;
	v3 =	vadd.f32 v28, v63  }
0x157: {  	v7 =	vld [tilespmem:$0x79A0];
	[tilespmem:$0x29B0] =	vst v5;
	v5 =	vadd.f32 v32, v30  }
0x158: {  	v54 =	vld [tilespmem:$0x79D0];
	[tilespmem:$0x29C0] =	vst v3;
	v3 =	vadd.f32 v36, v34  }
0x159: {  	v55 =	vld [tilespmem:$0x2A60];
	[tilespmem:$0x29D0] =	vst v5;
	v5 =	vadd.f32 v40, v38  }
0x15a: {  	v56 =	vld [tilespmem:$0x79E0];
	[tilespmem:$0x29E0] =	vst v3;
	v3 =	vadd.f32 v44, v42  }
0x15b: {  	v4 =	vadd.f32 v4, v48;
	[tilespmem:$0x29F0] =	vst v5;
	v5 =	vld [tilespmem:$0x2A70]  }
0x15c: {  	[tilespmem:$0x2A00] =	vst v3;
	v3 =	vadd.f32 v7, v6;
	v6 =	vld [tilespmem:$0x79F0]  }
0x15d: {  	[tilespmem:$0x2A10] =	vst v4;
	v4 =	vadd.f32 v50, v49  }
0x15e: {  	[tilespmem:$0x2A20] =	vst v3;
	v3 =	vadd.f32 v52, v51  }
0x15f: {  	[tilespmem:$0x2A30] =	vst v4;
	v4 =	vadd.f32 v54, v53  }
0x160: {  	[tilespmem:$0x2A40] =	vst v3;
	v3 =	vadd.f32 v56, v55  }
0x161: {  	[tilespmem:$0x2A50] =	vst v4;
	v4 =	vadd.f32 v6, v5  }
0x162: {  	[tilespmem:$0x2A60] =	vst v3  }
0x163: {  	[tilespmem:$0x2A70] =	vst v4  }
0x164: {  	[tilespmem:s26], [sflag:$0x1] =	stream.linear.gather [spmem:s8], $0x280, $0x38;
	[tilespmem:$0x1BA00] =	vst v63  }
0x165: {  	_ =	swait.ge [sflag:s24], $0x280  }
0x166: {  	[sflag:s24] =	ssyncset.done $0x0  }
0x167: {  	[sflag:s24] =	ssyncadd.s32 $0xFFFFFD80  }
0x168: {  	v3 =	vld [tilespmem:$0x2800]  }
0x169: {  	v4 =	vld [tilespmem:$0x7780]  }
0x16a: {  	v5 =	vld [tilespmem:$0x2810]  }
0x16b: {  	v6 =	vld [tilespmem:$0x7790]  }
0x16c: {  	v7 =	vld [tilespmem:$0x2820]  }
0x16d: {  	v8 =	vld [tilespmem:$0x77A0]  }
0x16e: {  	v9 =	vld [tilespmem:$0x2830]  }
0x16f: {  	v57 =	vld [tilespmem:$0x77B0]  }
0x170: {  	v11 =	vld [tilespmem:$0x2840]  }
0x171: {  	v58 =	vld [tilespmem:$0x77C0]  }
0x172: {  	v13 =	vld [tilespmem:$0x2850]  }
0x173: {  	v59 =	vld [tilespmem:$0x77D0]  }
0x174: {  	v15 =	vld [tilespmem:$0x2860]  }
0x175: {  	v60 =	vld [tilespmem:$0x77E0]  }
0x176: {  	v17 =	vld [tilespmem:$0x2870]  }
0x177: {  	v61 =	vld [tilespmem:$0x77F0]  }
0x178: {  	v19 =	vld [tilespmem:$0x2880]  }
0x179: {  	v62 =	vld [tilespmem:$0x7800]  }
0x17a: {  	v21 =	vld [tilespmem:$0x2890]  }
0x17b: {  	v63 =	vld [tilespmem:$0x7810]  }
0x17c: {  	v23 =	vld [tilespmem:$0x28A0]  }
0x17d: {  	v24 =	vld [tilespmem:$0x7820]  }
0x17e: {  	v42 =	vld [tilespmem:$0x28B0]  }
0x17f: {  	v43 =	vld [tilespmem:$0x7830]  }
0x180: {  	v44 =	vld [tilespmem:$0x28C0]  }
0x181: {  	v45 =	vld [tilespmem:$0x7840]  }
0x182: {  	v46 =	vld [tilespmem:$0x28D0]  }
0x183: {  	v47 =	vld [tilespmem:$0x7850]  }
0x184: {  	v48 =	vld [tilespmem:$0x28E0]  }
0x185: {  	v49 =	vld [tilespmem:$0x7860]  }
0x186: {  	v50 =	vld [tilespmem:$0x28F0]  }
0x187: {  	v51 =	vld [tilespmem:$0x7870]  }
0x188: {  	v52 =	vld [tilespmem:$0x2900]  }
0x189: {  	v53 =	vld [tilespmem:$0x7880]  }
0x18a: {  	v54 =	vld [tilespmem:$0x2910]  }
0x18b: {  	v55 =	vld [tilespmem:$0x7890]  }
0x18c: {  	v56 =	vld [tilespmem:$0x2920]  }
0x18d: {  	v26 =	vld [tilespmem:$0x2980];
	v3 =	vadd.f32 v4, v3  }
0x18e: {  	v28 =	vld [tilespmem:$0x7900];
	v5 =	vadd.f32 v6, v5  }
0x18f: {  	v30 =	vld [tilespmem:$0x2990];
	[tilespmem:$0x2800] =	vst v3;
	v3 =	vadd.f32 v8, v7  }
0x190: {  	v32 =	vld [tilespmem:$0x7910];
	[tilespmem:$0x2810] =	vst v5;
	v5 =	vadd.f32 v57, v9  }
0x191: {  	v34 =	vld [tilespmem:$0x29A0];
	[tilespmem:$0x2820] =	vst v3;
	v3 =	vadd.f32 v58, v11  }
0x192: {  	v36 =	vld [tilespmem:$0x7920];
	[tilespmem:$0x2830] =	vst v5;
	v5 =	vadd.f32 v59, v13  }
0x193: {  	v40 =	vld [tilespmem:$0x29B0];
	[tilespmem:$0x2840] =	vst v3;
	v3 =	vadd.f32 v60, v15  }
0x194: {  	v41 =	vld [tilespmem:$0x29D0];
	[tilespmem:$0x2850] =	vst v5;
	v5 =	vadd.f32 v61, v17  }
0x195: {  	v4 =	vld [tilespmem:$0x78A0];
	[tilespmem:$0x2860] =	vst v3;
	v3 =	vadd.f32 v62, v19  }
0x196: {  	v6 =	vld [tilespmem:$0x2930];
	[tilespmem:$0x2870] =	vst v5;
	v5 =	vadd.f32 v63, v21  }
0x197: {  	v7 =	vld [tilespmem:$0x78B0];
	[tilespmem:$0x2880] =	vst v3;
	v3 =	vadd.f32 v24, v23  }
0x198: {  	v57 =	vld [tilespmem:$0x2940];
	[tilespmem:$0x2890] =	vst v5;
	v5 =	vadd.f32 v43, v42  }
0x199: {  	v58 =	vld [tilespmem:$0x78C0];
	[tilespmem:$0x28A0] =	vst v3;
	v3 =	vadd.f32 v45, v44  }
0x19a: {  	v59 =	vld [tilespmem:$0x2950];
	[tilespmem:$0x28B0] =	vst v5;
	v5 =	vadd.f32 v47, v46  }
0x19b: {  	v60 =	vld [tilespmem:$0x78D0];
	[tilespmem:$0x28C0] =	vst v3;
	v3 =	vadd.f32 v49, v48  }
0x19c: {  	v61 =	vld [tilespmem:$0x2960];
	[tilespmem:$0x28D0] =	vst v5;
	v5 =	vadd.f32 v51, v50  }
0x19d: {  	v62 =	vld [tilespmem:$0x78E0];
	[tilespmem:$0x28E0] =	vst v3;
	v3 =	vadd.f32 v53, v52  }
0x19e: {  	v63 =	vld [tilespmem:$0x2970];
	[tilespmem:$0x28F0] =	vst v5;
	v5 =	vadd.f32 v55, v54  }
0x19f: {  	v24 =	vld [tilespmem:$0x78F0];
	[tilespmem:$0x2900] =	vst v3;
	v3 =	vadd.f32 v4, v56  }
0x1a0: {  	v4 =	vld [tilespmem:$0x7930];
	[tilespmem:$0x2910] =	vst v5;
	v5 =	vadd.f32 v7, v6  }
0x1a1: {  	v42 =	vld [tilespmem:$0x7950];
	[tilespmem:$0x2920] =	vst v3;
	v3 =	vadd.f32 v58, v57  }
0x1a2: {  	v43 =	vld [tilespmem:$0x29E0];
	[tilespmem:$0x2930] =	vst v5;
	v5 =	vadd.f32 v60, v59  }
0x1a3: {  	v45 =	vld [tilespmem:$0x29F0];
	[tilespmem:$0x2940] =	vst v3;
	v3 =	vadd.f32 v62, v61  }
0x1a4: {  	v6 =	vld [tilespmem:$0x29C0];
	[tilespmem:$0x2950] =	vst v5;
	v5 =	vadd.f32 v24, v63  }
0x1a5: {  	v7 =	vld [tilespmem:$0x7940];
	v4 =	vadd.f32 v4, v40;
	[tilespmem:$0x2960] =	vst v3  }
0x1a6: {  	v46 =	vld [tilespmem:$0x7970];
	v3 =	vadd.f32 v28, v26;
	[tilespmem:$0x2970] =	vst v5  }
0x1a7: {  	v44 =	vld [tilespmem:$0x7960];
	v5 =	vadd.f32 v32, v30;
	[tilespmem:$0x29B0] =	vst v4  }
0x1a8: {  	[tilespmem:$0x2980] =	vst v3;
	v3 =	vadd.f32 v36, v34  }
0x1a9: {  	v4 =	vadd.f32 v42, v41;
	[tilespmem:$0x2990] =	vst v5  }
0x1aa: {  	[tilespmem:$0x29A0] =	vst v3;
	v3 =	vadd.f32 v7, v6  }
0x1ab: {  	[tilespmem:$0x29D0] =	vst v4;
	v4 =	vadd.f32 v46, v45  }
0x1ac: {  	[tilespmem:$0x29C0] =	vst v3;
	v3 =	vadd.f32 v44, v43  }
0x1ad: {  	[tilespmem:$0x29F0] =	vst v4  }
0x1ae: {  	[tilespmem:$0x29E0] =	vst v3;
	v3 =	vld [tilespmem:$0x2A00]  }
0x1af: {  	v4 =	vld [tilespmem:$0x7980]  }
0x1b0: {  	v5 =	vld [tilespmem:$0x2A10]  }
0x1b1: {  	v6 =	vld [tilespmem:$0x7990]  }
0x1b2: {  	v7 =	vld [tilespmem:$0x2A20]  }
0x1b3: {  	v47 =	vld [tilespmem:$0x79A0]  }
0x1b4: {  	v48 =	vld [tilespmem:$0x2A30]  }
0x1b5: {  	v49 =	vld [tilespmem:$0x79B0]  }
0x1b6: {  	v50 =	vld [tilespmem:$0x2A40]  }
0x1b7: {  	v51 =	vld [tilespmem:$0x79C0]  }
0x1b8: {  	v52 =	vld [tilespmem:$0x2A50]  }
0x1b9: {  	v53 =	vld [tilespmem:$0x79D0]  }
0x1ba: {  	v54 =	vld [tilespmem:$0x2A60]  }
0x1bb: {  	v3 =	vadd.f32 v4, v3;
	v4 =	vld [tilespmem:$0x79E0]  }
0x1bc: {  	v5 =	vadd.f32 v6, v5;
	v6 =	vld [tilespmem:$0x2A70]  }
0x1bd: {  	[tilespmem:$0x2A00] =	vst v3;
	v3 =	vadd.f32 v47, v7;
	v7 =	vld [tilespmem:$0x79F0]  }
0x1be: {  	[tilespmem:$0x2A10] =	vst v5;
	v5 =	vadd.f32 v49, v48  }
0x1bf: {  	[tilespmem:$0x2A20] =	vst v3;
	v3 =	vadd.f32 v51, v50  }
0x1c0: {  	[tilespmem:$0x2A30] =	vst v5;
	v5 =	vadd.f32 v53, v52  }
0x1c1: {  	[tilespmem:$0x2A40] =	vst v3;
	v3 =	vadd.f32 v4, v54  }
0x1c2: {  	[tilespmem:$0x2A50] =	vst v5;
	v4 =	vadd.f32 v7, v6  }
0x1c3: {  	[tilespmem:$0x2A60] =	vst v3  }
0x1c4: {  	[tilespmem:$0x2A70] =	vst v4  }
0x1c5: {  	[tilespmem:s26], [sflag:$0x1] =	stream.linear.gather [spmem:s9], $0x280, $0x38;
	[tilespmem:$0x1BA00] =	vst v63  }
0x1c6: {  	_ =	swait.ge [sflag:s24], $0x280  }
0x1c7: {  	[sflag:s24] =	ssyncset.done $0x0  }
0x1c8: {  	[sflag:s24] =	ssyncadd.s32 $0xFFFFFD80  }
0x1c9: {  	v3 =	vld [tilespmem:$0x2800]  }
0x1ca: {  	v4 =	vld [tilespmem:$0x7780]  }
0x1cb: {  	v5 =	vld [tilespmem:$0x2810]  }
0x1cc: {  	v6 =	vld [tilespmem:$0x7790]  }
0x1cd: {  	v7 =	vld [tilespmem:$0x2820]  }
0x1ce: {  	v8 =	vld [tilespmem:$0x77A0]  }
0x1cf: {  	v9 =	vld [tilespmem:$0x2830]  }
0x1d0: {  	v55 =	vld [tilespmem:$0x77B0]  }
0x1d1: {  	v11 =	vld [tilespmem:$0x2840]  }
0x1d2: {  	v56 =	vld [tilespmem:$0x77C0]  }
0x1d3: {  	v13 =	vld [tilespmem:$0x2850]  }
0x1d4: {  	v57 =	vld [tilespmem:$0x77D0]  }
0x1d5: {  	v15 =	vld [tilespmem:$0x2860]  }
0x1d6: {  	v58 =	vld [tilespmem:$0x77E0]  }
0x1d7: {  	v17 =	vld [tilespmem:$0x2870]  }
0x1d8: {  	v59 =	vld [tilespmem:$0x77F0]  }
0x1d9: {  	v19 =	vld [tilespmem:$0x2880]  }
0x1da: {  	v60 =	vld [tilespmem:$0x7800]  }
0x1db: {  	v21 =	vld [tilespmem:$0x2890]  }
0x1dc: {  	v61 =	vld [tilespmem:$0x7810]  }
0x1dd: {  	v23 =	vld [tilespmem:$0x28A0]  }
0x1de: {  	v62 =	vld [tilespmem:$0x7820]  }
0x1df: {  	v25 =	vld [tilespmem:$0x28B0]  }
0x1e0: {  	v63 =	vld [tilespmem:$0x7830]  }
0x1e1: {  	v27 =	vld [tilespmem:$0x28C0]  }
0x1e2: {  	v28 =	vld [tilespmem:$0x7840]  }
0x1e3: {  	v29 =	vld [tilespmem:$0x28D0]  }
0x1e4: {  	v30 =	vld [tilespmem:$0x7850]  }
0x1e5: {  	v31 =	vld [tilespmem:$0x28E0]  }
0x1e6: {  	v32 =	vld [tilespmem:$0x7860]  }
0x1e7: {  	v33 =	vld [tilespmem:$0x28F0]  }
0x1e8: {  	v34 =	vld [tilespmem:$0x7870]  }
0x1e9: {  	v35 =	vld [tilespmem:$0x2900]  }
0x1ea: {  	v36 =	vld [tilespmem:$0x7880]  }
0x1eb: {  	v37 =	vld [tilespmem:$0x2910]  }
0x1ec: {  	v38 =	vld [tilespmem:$0x7890]  }
0x1ed: {  	v39 =	vld [tilespmem:$0x2920]  }
0x1ee: {  	v40 =	vld [tilespmem:$0x78A0]  }
0x1ef: {  	v48 =	vld [tilespmem:$0x2930]  }
0x1f0: {  	v49 =	vld [tilespmem:$0x78B0]  }
0x1f1: {  	v50 =	vld [tilespmem:$0x2940]  }
0x1f2: {  	v51 =	vld [tilespmem:$0x78C0]  }
0x1f3: {  	v52 =	vld [tilespmem:$0x2950]  }
0x1f4: {  	v53 =	vld [tilespmem:$0x78D0]  }
0x1f5: {  	v54 =	vld [tilespmem:$0x2960]  }
0x1f6: {  	v42 =	vld [tilespmem:$0x2A00];
	v3 =	vadd.f32 v4, v3  }
0x1f7: {  	v44 =	vld [tilespmem:$0x7980];
	v5 =	vadd.f32 v6, v5  }
0x1f8: {  	v46 =	vld [tilespmem:$0x2A10];
	[tilespmem:$0x2800] =	vst v3;
	v3 =	vadd.f32 v8, v7  }
0x1f9: {  	v47 =	vld [tilespmem:$0x2A30];
	[tilespmem:$0x2810] =	vst v5;
	v5 =	vadd.f32 v55, v9  }
0x1fa: {  	v4 =	vld [tilespmem:$0x78E0];
	[tilespmem:$0x2820] =	vst v3;
	v3 =	vadd.f32 v56, v11  }
0x1fb: {  	v6 =	vld [tilespmem:$0x2970];
	[tilespmem:$0x2830] =	vst v5;
	v5 =	vadd.f32 v57, v13  }
0x1fc: {  	v7 =	vld [tilespmem:$0x78F0];
	[tilespmem:$0x2840] =	vst v3;
	v3 =	vadd.f32 v58, v15  }
0x1fd: {  	v55 =	vld [tilespmem:$0x2980];
	[tilespmem:$0x2850] =	vst v5;
	v5 =	vadd.f32 v59, v17  }
0x1fe: {  	v56 =	vld [tilespmem:$0x7900];
	[tilespmem:$0x2860] =	vst v3;
	v3 =	vadd.f32 v60, v19  }
0x1ff: {  	v57 =	vld [tilespmem:$0x2990];
	[tilespmem:$0x2870] =	vst v5;
	v5 =	vadd.f32 v61, v21  }
0x200: {  	v58 =	vld [tilespmem:$0x7910];
	[tilespmem:$0x2880] =	vst v3;
	v3 =	vadd.f32 v62, v23  }
0x201: {  	v59 =	vld [tilespmem:$0x29A0];
	[tilespmem:$0x2890] =	vst v5;
	v5 =	vadd.f32 v63, v25  }
0x202: {  	v60 =	vld [tilespmem:$0x7920];
	[tilespmem:$0x28A0] =	vst v3;
	v3 =	vadd.f32 v28, v27  }
0x203: {  	v61 =	vld [tilespmem:$0x29B0];
	[tilespmem:$0x28B0] =	vst v5;
	v5 =	vadd.f32 v30, v29  }
0x204: {  	v62 =	vld [tilespmem:$0x7930];
	[tilespmem:$0x28C0] =	vst v3;
	v3 =	vadd.f32 v32, v31  }
0x205: {  	v63 =	vld [tilespmem:$0x29C0];
	[tilespmem:$0x28D0] =	vst v5;
	v5 =	vadd.f32 v34, v33  }
0x206: {  	v28 =	vld [tilespmem:$0x7940];
	[tilespmem:$0x28E0] =	vst v3;
	v3 =	vadd.f32 v36, v35  }
0x207: {  	v30 =	vld [tilespmem:$0x29D0];
	[tilespmem:$0x28F0] =	vst v5;
	v5 =	vadd.f32 v38, v37  }
0x208: {  	v32 =	vld [tilespmem:$0x7950];
	[tilespmem:$0x2900] =	vst v3;
	v3 =	vadd.f32 v40, v39  }
0x209: {  	v34 =	vld [tilespmem:$0x29E0];
	[tilespmem:$0x2910] =	vst v5;
	v5 =	vadd.f32 v49, v48  }
0x20a: {  	v36 =	vld [tilespmem:$0x7960];
	[tilespmem:$0x2920] =	vst v3;
	v3 =	vadd.f32 v51, v50  }
0x20b: {  	v38 =	vld [tilespmem:$0x29F0];
	[tilespmem:$0x2930] =	vst v5;
	v5 =	vadd.f32 v53, v52  }
0x20c: {  	v40 =	vld [tilespmem:$0x7970];
	[tilespmem:$0x2940] =	vst v3;
	v3 =	vadd.f32 v4, v54  }
0x20d: {  	v48 =	vld [tilespmem:$0x79B0];
	[tilespmem:$0x2950] =	vst v5;
	v5 =	vadd.f32 v7, v6  }
0x20e: {  	v49 =	vld [tilespmem:$0x2A40];
	[tilespmem:$0x2960] =	vst v3;
	v3 =	vadd.f32 v56, v55  }
0x20f: {  	v50 =	vld [tilespmem:$0x79C0];
	[tilespmem:$0x2970] =	vst v5;
	v5 =	vadd.f32 v58, v57  }
0x210: {  	v51 =	vld [tilespmem:$0x2A50];
	[tilespmem:$0x2980] =	vst v3;
	v3 =	vadd.f32 v60, v59  }
0x211: {  	v4 =	vld [tilespmem:$0x7990];
	[tilespmem:$0x2990] =	vst v5;
	v5 =	vadd.f32 v62, v61  }
0x212: {  	v6 =	vld [tilespmem:$0x2A20];
	[tilespmem:$0x29A0] =	vst v3;
	v3 =	vadd.f32 v28, v63  }
0x213: {  	v7 =	vld [tilespmem:$0x79A0];
	[tilespmem:$0x29B0] =	vst v5;
	v5 =	vadd.f32 v32, v30  }
0x214: {  	v52 =	vld [tilespmem:$0x79D0];
	[tilespmem:$0x29C0] =	vst v3;
	v3 =	vadd.f32 v36, v34  }
0x215: {  	v53 =	vld [tilespmem:$0x2A60];
	[tilespmem:$0x29D0] =	vst v5;
	v5 =	vadd.f32 v40, v38  }
0x216: {  	v54 =	vld [tilespmem:$0x79E0];
	[tilespmem:$0x29E0] =	vst v3;
	v3 =	vadd.f32 v44, v42  }
0x217: {  	v4 =	vadd.f32 v4, v46;
	[tilespmem:$0x29F0] =	vst v5;
	v5 =	vld [tilespmem:$0x2A70]  }
0x218: {  	[tilespmem:$0x2A00] =	vst v3;
	v3 =	vadd.f32 v7, v6;
	v6 =	vld [tilespmem:$0x79F0]  }
0x219: {  	[tilespmem:$0x2A10] =	vst v4;
	v4 =	vadd.f32 v48, v47  }
0x21a: {  	[tilespmem:$0x2A20] =	vst v3;
	v3 =	vadd.f32 v50, v49  }
0x21b: {  	[tilespmem:$0x2A30] =	vst v4;
	v4 =	vadd.f32 v52, v51  }
0x21c: {  	[tilespmem:$0x2A40] =	vst v3;
	v3 =	vadd.f32 v54, v53  }
0x21d: {  	[tilespmem:$0x2A50] =	vst v4;
	v4 =	vadd.f32 v6, v5  }
0x21e: {  	[tilespmem:$0x2A60] =	vst v3  }
0x21f: {  	[tilespmem:$0x2A70] =	vst v4  }
0x220: {  	[tilespmem:s26], [sflag:$0x1] =	stream.linear.gather [spmem:s10], $0x280, $0x38;
	[tilespmem:$0x1BA00] =	vst v63  }
0x221: {  	_ =	swait.ge [sflag:s24], $0x280  }
0x222: {  	[sflag:s24] =	ssyncset.done $0x0  }
0x223: {  	[sflag:s24] =	ssyncadd.s32 $0xFFFFFD80  }
0x224: {  	v3 =	vld [tilespmem:$0x2800]  }
0x225: {  	v4 =	vld [tilespmem:$0x7780]  }
0x226: {  	v5 =	vld [tilespmem:$0x2810]  }
0x227: {  	v6 =	vld [tilespmem:$0x7790]  }
0x228: {  	v7 =	vld [tilespmem:$0x2820]  }
0x229: {  	v8 =	vld [tilespmem:$0x77A0]  }
0x22a: {  	v9 =	vld [tilespmem:$0x2830]  }
0x22b: {  	v55 =	vld [tilespmem:$0x77B0]  }
0x22c: {  	v11 =	vld [tilespmem:$0x2840]  }
0x22d: {  	v56 =	vld [tilespmem:$0x77C0]  }
0x22e: {  	v13 =	vld [tilespmem:$0x2850]  }
0x22f: {  	v57 =	vld [tilespmem:$0x77D0]  }
0x230: {  	v15 =	vld [tilespmem:$0x2860]  }
0x231: {  	v58 =	vld [tilespmem:$0x77E0]  }
0x232: {  	v17 =	vld [tilespmem:$0x2870]  }
0x233: {  	v59 =	vld [tilespmem:$0x77F0]  }
0x234: {  	v19 =	vld [tilespmem:$0x2880]  }
0x235: {  	v60 =	vld [tilespmem:$0x7800]  }
0x236: {  	v21 =	vld [tilespmem:$0x2890]  }
0x237: {  	v61 =	vld [tilespmem:$0x7810]  }
0x238: {  	v23 =	vld [tilespmem:$0x28A0]  }
0x239: {  	v62 =	vld [tilespmem:$0x7820]  }
0x23a: {  	v25 =	vld [tilespmem:$0x28B0]  }
0x23b: {  	v63 =	vld [tilespmem:$0x7830]  }
0x23c: {  	v27 =	vld [tilespmem:$0x28C0]  }
0x23d: {  	v28 =	vld [tilespmem:$0x7840]  }
0x23e: {  	v29 =	vld [tilespmem:$0x28D0]  }
0x23f: {  	v30 =	vld [tilespmem:$0x7850]  }
0x240: {  	v31 =	vld [tilespmem:$0x28E0]  }
0x241: {  	v32 =	vld [tilespmem:$0x7860]  }
0x242: {  	v33 =	vld [tilespmem:$0x28F0]  }
0x243: {  	v34 =	vld [tilespmem:$0x7870]  }
0x244: {  	v35 =	vld [tilespmem:$0x2900]  }
0x245: {  	v36 =	vld [tilespmem:$0x7880]  }
0x246: {  	v37 =	vld [tilespmem:$0x2910]  }
0x247: {  	v38 =	vld [tilespmem:$0x7890]  }
0x248: {  	v39 =	vld [tilespmem:$0x2920]  }
0x249: {  	v40 =	vld [tilespmem:$0x78A0]  }
0x24a: {  	v48 =	vld [tilespmem:$0x2930]  }
0x24b: {  	v49 =	vld [tilespmem:$0x78B0]  }
0x24c: {  	v50 =	vld [tilespmem:$0x2940]  }
0x24d: {  	v51 =	vld [tilespmem:$0x78C0]  }
0x24e: {  	v52 =	vld [tilespmem:$0x2950]  }
0x24f: {  	v53 =	vld [tilespmem:$0x78D0]  }
0x250: {  	v54 =	vld [tilespmem:$0x2960]  }
0x251: {  	v42 =	vld [tilespmem:$0x2A00];
	v3 =	vadd.f32 v4, v3  }
0x252: {  	v44 =	vld [tilespmem:$0x7980];
	v5 =	vadd.f32 v6, v5  }
0x253: {  	v46 =	vld [tilespmem:$0x2A10];
	[tilespmem:$0x2800] =	vst v3;
	v3 =	vadd.f32 v8, v7  }
0x254: {  	v47 =	vld [tilespmem:$0x2A30];
	[tilespmem:$0x2810] =	vst v5;
	v5 =	vadd.f32 v55, v9  }
0x255: {  	v4 =	vld [tilespmem:$0x78E0];
	[tilespmem:$0x2820] =	vst v3;
	v3 =	vadd.f32 v56, v11  }
0x256: {  	v6 =	vld [tilespmem:$0x2970];
	[tilespmem:$0x2830] =	vst v5;
	v5 =	vadd.f32 v57, v13  }
0x257: {  	v7 =	vld [tilespmem:$0x78F0];
	[tilespmem:$0x2840] =	vst v3;
	v3 =	vadd.f32 v58, v15  }
0x258: {  	v55 =	vld [tilespmem:$0x2980];
	[tilespmem:$0x2850] =	vst v5;
	v5 =	vadd.f32 v59, v17  }
0x259: {  	v56 =	vld [tilespmem:$0x7900];
	[tilespmem:$0x2860] =	vst v3;
	v3 =	vadd.f32 v60, v19  }
0x25a: {  	v57 =	vld [tilespmem:$0x2990];
	[tilespmem:$0x2870] =	vst v5;
	v5 =	vadd.f32 v61, v21  }
0x25b: {  	v58 =	vld [tilespmem:$0x7910];
	[tilespmem:$0x2880] =	vst v3;
	v3 =	vadd.f32 v62, v23  }
0x25c: {  	v59 =	vld [tilespmem:$0x29A0];
	[tilespmem:$0x2890] =	vst v5;
	v5 =	vadd.f32 v63, v25  }
0x25d: {  	v60 =	vld [tilespmem:$0x7920];
	[tilespmem:$0x28A0] =	vst v3;
	v3 =	vadd.f32 v28, v27  }
0x25e: {  	v61 =	vld [tilespmem:$0x29B0];
	[tilespmem:$0x28B0] =	vst v5;
	v5 =	vadd.f32 v30, v29  }
0x25f: {  	v62 =	vld [tilespmem:$0x7930];
	[tilespmem:$0x28C0] =	vst v3;
	v3 =	vadd.f32 v32, v31  }
0x260: {  	v63 =	vld [tilespmem:$0x29C0];
	[tilespmem:$0x28D0] =	vst v5;
	v5 =	vadd.f32 v34, v33  }
0x261: {  	v28 =	vld [tilespmem:$0x7940];
	[tilespmem:$0x28E0] =	vst v3;
	v3 =	vadd.f32 v36, v35  }
0x262: {  	v30 =	vld [tilespmem:$0x29D0];
	[tilespmem:$0x28F0] =	vst v5;
	v5 =	vadd.f32 v38, v37  }
0x263: {  	v32 =	vld [tilespmem:$0x7950];
	[tilespmem:$0x2900] =	vst v3;
	v3 =	vadd.f32 v40, v39  }
0x264: {  	v34 =	vld [tilespmem:$0x29E0];
	[tilespmem:$0x2910] =	vst v5;
	v5 =	vadd.f32 v49, v48  }
0x265: {  	v36 =	vld [tilespmem:$0x7960];
	[tilespmem:$0x2920] =	vst v3;
	v3 =	vadd.f32 v51, v50  }
0x266: {  	v38 =	vld [tilespmem:$0x29F0];
	[tilespmem:$0x2930] =	vst v5;
	v5 =	vadd.f32 v53, v52  }
0x267: {  	v40 =	vld [tilespmem:$0x7970];
	[tilespmem:$0x2940] =	vst v3;
	v3 =	vadd.f32 v4, v54  }
0x268: {  	v48 =	vld [tilespmem:$0x79B0];
	[tilespmem:$0x2950] =	vst v5;
	v5 =	vadd.f32 v7, v6  }
0x269: {  	v49 =	vld [tilespmem:$0x2A40];
	[tilespmem:$0x2960] =	vst v3;
	v3 =	vadd.f32 v56, v55  }
0x26a: {  	v50 =	vld [tilespmem:$0x79C0];
	[tilespmem:$0x2970] =	vst v5;
	v5 =	vadd.f32 v58, v57  }
0x26b: {  	v51 =	vld [tilespmem:$0x2A50];
	[tilespmem:$0x2980] =	vst v3;
	v3 =	vadd.f32 v60, v59  }
0x26c: {  	v4 =	vld [tilespmem:$0x7990];
	[tilespmem:$0x2990] =	vst v5;
	v5 =	vadd.f32 v62, v61  }
0x26d: {  	v6 =	vld [tilespmem:$0x2A20];
	[tilespmem:$0x29A0] =	vst v3;
	v3 =	vadd.f32 v28, v63  }
0x26e: {  	v7 =	vld [tilespmem:$0x79A0];
	[tilespmem:$0x29B0] =	vst v5;
	v5 =	vadd.f32 v32, v30  }
0x26f: {  	v52 =	vld [tilespmem:$0x79D0];
	[tilespmem:$0x29C0] =	vst v3;
	v3 =	vadd.f32 v36, v34  }
0x270: {  	v53 =	vld [tilespmem:$0x2A60];
	[tilespmem:$0x29D0] =	vst v5;
	v5 =	vadd.f32 v40, v38  }
0x271: {  	v54 =	vld [tilespmem:$0x79E0];
	[tilespmem:$0x29E0] =	vst v3;
	v3 =	vadd.f32 v44, v42  }
0x272: {  	v4 =	vadd.f32 v4, v46;
	[tilespmem:$0x29F0] =	vst v5;
	v5 =	vld [tilespmem:$0x2A70]  }
0x273: {  	[tilespmem:$0x2A00] =	vst v3;
	v3 =	vadd.f32 v7, v6;
	v6 =	vld [tilespmem:$0x79F0]  }
0x274: {  	[tilespmem:$0x2A10] =	vst v4;
	v4 =	vadd.f32 v48, v47  }
0x275: {  	[tilespmem:$0x2A20] =	vst v3;
	v3 =	vadd.f32 v50, v49  }
0x276: {  	[tilespmem:$0x2A30] =	vst v4;
	v4 =	vadd.f32 v52, v51  }
0x277: {  	[tilespmem:$0x2A40] =	vst v3;
	v3 =	vadd.f32 v54, v53  }
0x278: {  	[tilespmem:$0x2A50] =	vst v4;
	v4 =	vadd.f32 v6, v5  }
0x279: {  	[tilespmem:$0x2A60] =	vst v3  }
0x27a: {  	[tilespmem:$0x2A70] =	vst v4  }
0x27b: {  	[tilespmem:s26], [sflag:$0x1] =	stream.linear.gather [spmem:s11], $0x280, $0x38;
	[tilespmem:$0x1BA00] =	vst v63  }
0x27c: {  	_ =	swait.ge [sflag:s24], $0x280  }
0x27d: {  	[sflag:s24] =	ssyncset.done $0x0  }
0x27e: {  	[sflag:s24] =	ssyncadd.s32 $0xFFFFFD80  }
0x27f: {  	v3 =	vld [tilespmem:$0x2800]  }
0x280: {  	v4 =	vld [tilespmem:$0x7780]  }
0x281: {  	v5 =	vld [tilespmem:$0x2810]  }
0x282: {  	v6 =	vld [tilespmem:$0x7790]  }
0x283: {  	v7 =	vld [tilespmem:$0x2820]  }
0x284: {  	v8 =	vld [tilespmem:$0x77A0]  }
0x285: {  	v9 =	vld [tilespmem:$0x2830]  }
0x286: {  	v55 =	vld [tilespmem:$0x77B0]  }
0x287: {  	v11 =	vld [tilespmem:$0x2840]  }
0x288: {  	v56 =	vld [tilespmem:$0x77C0]  }
0x289: {  	v13 =	vld [tilespmem:$0x2850]  }
0x28a: {  	v57 =	vld [tilespmem:$0x77D0]  }
0x28b: {  	v15 =	vld [tilespmem:$0x2860]  }
0x28c: {  	v58 =	vld [tilespmem:$0x77E0]  }
0x28d: {  	v17 =	vld [tilespmem:$0x2870]  }
0x28e: {  	v59 =	vld [tilespmem:$0x77F0]  }
0x28f: {  	v19 =	vld [tilespmem:$0x2880]  }
0x290: {  	v60 =	vld [tilespmem:$0x7800]  }
0x291: {  	v21 =	vld [tilespmem:$0x2890]  }
0x292: {  	v61 =	vld [tilespmem:$0x7810]  }
0x293: {  	v23 =	vld [tilespmem:$0x28A0]  }
0x294: {  	v62 =	vld [tilespmem:$0x7820]  }
0x295: {  	v25 =	vld [tilespmem:$0x28B0]  }
0x296: {  	v63 =	vld [tilespmem:$0x7830]  }
0x297: {  	v27 =	vld [tilespmem:$0x28C0]  }
0x298: {  	v28 =	vld [tilespmem:$0x7840]  }
0x299: {  	v29 =	vld [tilespmem:$0x28D0]  }
0x29a: {  	v30 =	vld [tilespmem:$0x7850]  }
0x29b: {  	v31 =	vld [tilespmem:$0x28E0]  }
0x29c: {  	v32 =	vld [tilespmem:$0x7860]  }
0x29d: {  	v33 =	vld [tilespmem:$0x28F0]  }
0x29e: {  	v34 =	vld [tilespmem:$0x7870]  }
0x29f: {  	v35 =	vld [tilespmem:$0x2900]  }
0x2a0: {  	v36 =	vld [tilespmem:$0x7880]  }
0x2a1: {  	v37 =	vld [tilespmem:$0x2910]  }
0x2a2: {  	v38 =	vld [tilespmem:$0x7890]  }
0x2a3: {  	v39 =	vld [tilespmem:$0x2920]  }
0x2a4: {  	v40 =	vld [tilespmem:$0x78A0]  }
0x2a5: {  	v48 =	vld [tilespmem:$0x2930]  }
0x2a6: {  	v49 =	vld [tilespmem:$0x78B0]  }
0x2a7: {  	v50 =	vld [tilespmem:$0x2940]  }
0x2a8: {  	v51 =	vld [tilespmem:$0x78C0]  }
0x2a9: {  	v52 =	vld [tilespmem:$0x2950]  }
0x2aa: {  	v53 =	vld [tilespmem:$0x78D0]  }
0x2ab: {  	v54 =	vld [tilespmem:$0x2960]  }
0x2ac: {  	v42 =	vld [tilespmem:$0x2A00];
	v3 =	vadd.f32 v4, v3  }
0x2ad: {  	v44 =	vld [tilespmem:$0x7980];
	v5 =	vadd.f32 v6, v5  }
0x2ae: {  	v46 =	vld [tilespmem:$0x2A10];
	[tilespmem:$0x2800] =	vst v3;
	v3 =	vadd.f32 v8, v7  }
0x2af: {  	v47 =	vld [tilespmem:$0x2A30];
	[tilespmem:$0x2810] =	vst v5;
	v5 =	vadd.f32 v55, v9  }
0x2b0: {  	v4 =	vld [tilespmem:$0x78E0];
	[tilespmem:$0x2820] =	vst v3;
	v3 =	vadd.f32 v56, v11  }
0x2b1: {  	v6 =	vld [tilespmem:$0x2970];
	[tilespmem:$0x2830] =	vst v5;
	v5 =	vadd.f32 v57, v13  }
0x2b2: {  	v7 =	vld [tilespmem:$0x78F0];
	[tilespmem:$0x2840] =	vst v3;
	v3 =	vadd.f32 v58, v15  }
0x2b3: {  	v55 =	vld [tilespmem:$0x2980];
	[tilespmem:$0x2850] =	vst v5;
	v5 =	vadd.f32 v59, v17  }
0x2b4: {  	v56 =	vld [tilespmem:$0x7900];
	[tilespmem:$0x2860] =	vst v3;
	v3 =	vadd.f32 v60, v19  }
0x2b5: {  	v57 =	vld [tilespmem:$0x2990];
	[tilespmem:$0x2870] =	vst v5;
	v5 =	vadd.f32 v61, v21  }
0x2b6: {  	v58 =	vld [tilespmem:$0x7910];
	[tilespmem:$0x2880] =	vst v3;
	v3 =	vadd.f32 v62, v23  }
0x2b7: {  	v59 =	vld [tilespmem:$0x29A0];
	[tilespmem:$0x2890] =	vst v5;
	v5 =	vadd.f32 v63, v25  }
0x2b8: {  	v60 =	vld [tilespmem:$0x7920];
	[tilespmem:$0x28A0] =	vst v3;
	v3 =	vadd.f32 v28, v27  }
0x2b9: {  	v61 =	vld [tilespmem:$0x29B0];
	[tilespmem:$0x28B0] =	vst v5;
	v5 =	vadd.f32 v30, v29  }
0x2ba: {  	v62 =	vld [tilespmem:$0x7930];
	[tilespmem:$0x28C0] =	vst v3;
	v3 =	vadd.f32 v32, v31  }
0x2bb: {  	v63 =	vld [tilespmem:$0x29C0];
	[tilespmem:$0x28D0] =	vst v5;
	v5 =	vadd.f32 v34, v33  }
0x2bc: {  	v28 =	vld [tilespmem:$0x7940];
	[tilespmem:$0x28E0] =	vst v3;
	v3 =	vadd.f32 v36, v35  }
0x2bd: {  	v30 =	vld [tilespmem:$0x29D0];
	[tilespmem:$0x28F0] =	vst v5;
	v5 =	vadd.f32 v38, v37  }
0x2be: {  	v32 =	vld [tilespmem:$0x7950];
	[tilespmem:$0x2900] =	vst v3;
	v3 =	vadd.f32 v40, v39  }
0x2bf: {  	v34 =	vld [tilespmem:$0x29E0];
	[tilespmem:$0x2910] =	vst v5;
	v5 =	vadd.f32 v49, v48  }
0x2c0: {  	v36 =	vld [tilespmem:$0x7960];
	[tilespmem:$0x2920] =	vst v3;
	v3 =	vadd.f32 v51, v50  }
0x2c1: {  	v38 =	vld [tilespmem:$0x29F0];
	[tilespmem:$0x2930] =	vst v5;
	v5 =	vadd.f32 v53, v52  }
0x2c2: {  	v40 =	vld [tilespmem:$0x7970];
	[tilespmem:$0x2940] =	vst v3;
	v3 =	vadd.f32 v4, v54  }
0x2c3: {  	v48 =	vld [tilespmem:$0x79B0];
	[tilespmem:$0x2950] =	vst v5;
	v5 =	vadd.f32 v7, v6  }
0x2c4: {  	v49 =	vld [tilespmem:$0x2A40];
	[tilespmem:$0x2960] =	vst v3;
	v3 =	vadd.f32 v56, v55  }
0x2c5: {  	v50 =	vld [tilespmem:$0x79C0];
	[tilespmem:$0x2970] =	vst v5;
	v5 =	vadd.f32 v58, v57  }
0x2c6: {  	v51 =	vld [tilespmem:$0x2A50];
	[tilespmem:$0x2980] =	vst v3;
	v3 =	vadd.f32 v60, v59  }
0x2c7: {  	v4 =	vld [tilespmem:$0x7990];
	[tilespmem:$0x2990] =	vst v5;
	v5 =	vadd.f32 v62, v61  }
0x2c8: {  	v6 =	vld [tilespmem:$0x2A20];
	[tilespmem:$0x29A0] =	vst v3;
	v3 =	vadd.f32 v28, v63  }
0x2c9: {  	v7 =	vld [tilespmem:$0x79A0];
	[tilespmem:$0x29B0] =	vst v5;
	v5 =	vadd.f32 v32, v30  }
0x2ca: {  	v52 =	vld [tilespmem:$0x79D0];
	[tilespmem:$0x29C0] =	vst v3;
	v3 =	vadd.f32 v36, v34  }
0x2cb: {  	v53 =	vld [tilespmem:$0x2A60];
	[tilespmem:$0x29D0] =	vst v5;
	v5 =	vadd.f32 v40, v38  }
0x2cc: {  	v54 =	vld [tilespmem:$0x79E0];
	[tilespmem:$0x29E0] =	vst v3;
	v3 =	vadd.f32 v44, v42  }
0x2cd: {  	v4 =	vadd.f32 v4, v46;
	[tilespmem:$0x29F0] =	vst v5;
	v5 =	vld [tilespmem:$0x2A70]  }
0x2ce: {  	[tilespmem:$0x2A00] =	vst v3;
	v3 =	vadd.f32 v7, v6;
	v6 =	vld [tilespmem:$0x79F0]  }
0x2cf: {  	[tilespmem:$0x2A10] =	vst v4;
	v4 =	vadd.f32 v48, v47  }
0x2d0: {  	[tilespmem:$0x2A20] =	vst v3;
	v3 =	vadd.f32 v50, v49  }
0x2d1: {  	[tilespmem:$0x2A30] =	vst v4;
	v4 =	vadd.f32 v52, v51  }
0x2d2: {  	[tilespmem:$0x2A40] =	vst v3;
	v3 =	vadd.f32 v54, v53  }
0x2d3: {  	[tilespmem:$0x2A50] =	vst v4;
	v4 =	vadd.f32 v6, v5  }
0x2d4: {  	[tilespmem:$0x2A60] =	vst v3  }
0x2d5: {  	[tilespmem:$0x2A70] =	vst v4  }
0x2d6: {  	[tilespmem:s26], [sflag:$0x1] =	stream.linear.gather [spmem:s12], $0x280, $0x38;
	[tilespmem:$0x1BA00] =	vst v63  }
0x2d7: {  	_ =	swait.ge [sflag:s24], $0x280  }
0x2d8: {  	[sflag:s24] =	ssyncset.done $0x0  }
0x2d9: {  	[sflag:s24] =	ssyncadd.s32 $0xFFFFFD80  }
0x2da: {  	v3 =	vld [tilespmem:$0x2800]  }
0x2db: {  	v4 =	vld [tilespmem:$0x7780]  }
0x2dc: {  	v5 =	vld [tilespmem:$0x2810]  }
0x2dd: {  	v6 =	vld [tilespmem:$0x7790]  }
0x2de: {  	v7 =	vld [tilespmem:$0x2820]  }
0x2df: {  	v8 =	vld [tilespmem:$0x77A0]  }
0x2e0: {  	v9 =	vld [tilespmem:$0x2830]  }
0x2e1: {  	v55 =	vld [tilespmem:$0x77B0]  }
0x2e2: {  	v11 =	vld [tilespmem:$0x2840]  }
0x2e3: {  	v56 =	vld [tilespmem:$0x77C0]  }
0x2e4: {  	v13 =	vld [tilespmem:$0x2850]  }
0x2e5: {  	v57 =	vld [tilespmem:$0x77D0]  }
0x2e6: {  	v15 =	vld [tilespmem:$0x2860]  }
0x2e7: {  	v58 =	vld [tilespmem:$0x77E0]  }
0x2e8: {  	v17 =	vld [tilespmem:$0x2870]  }
0x2e9: {  	v59 =	vld [tilespmem:$0x77F0]  }
0x2ea: {  	v19 =	vld [tilespmem:$0x2880]  }
0x2eb: {  	v60 =	vld [tilespmem:$0x7800]  }
0x2ec: {  	v21 =	vld [tilespmem:$0x2890]  }
0x2ed: {  	v61 =	vld [tilespmem:$0x7810]  }
0x2ee: {  	v23 =	vld [tilespmem:$0x28A0]  }
0x2ef: {  	v62 =	vld [tilespmem:$0x7820]  }
0x2f0: {  	v25 =	vld [tilespmem:$0x28B0]  }
0x2f1: {  	v63 =	vld [tilespmem:$0x7830]  }
0x2f2: {  	v27 =	vld [tilespmem:$0x28C0]  }
0x2f3: {  	v28 =	vld [tilespmem:$0x7840]  }
0x2f4: {  	v29 =	vld [tilespmem:$0x28D0]  }
0x2f5: {  	v30 =	vld [tilespmem:$0x7850]  }
0x2f6: {  	v31 =	vld [tilespmem:$0x28E0]  }
0x2f7: {  	v32 =	vld [tilespmem:$0x7860]  }
0x2f8: {  	v45 =	vld [tilespmem:$0x28F0]  }
0x2f9: {  	v46 =	vld [tilespmem:$0x7870]  }
0x2fa: {  	v47 =	vld [tilespmem:$0x2900]  }
0x2fb: {  	v48 =	vld [tilespmem:$0x7880]  }
0x2fc: {  	v49 =	vld [tilespmem:$0x2910]  }
0x2fd: {  	v50 =	vld [tilespmem:$0x7890]  }
0x2fe: {  	v51 =	vld [tilespmem:$0x2920]  }
0x2ff: {  	v52 =	vld [tilespmem:$0x78A0]  }
0x300: {  	v53 =	vld [tilespmem:$0x2930]  }
0x301: {  	v54 =	vld [tilespmem:$0x78B0]  }
0x302: {  	v34 =	vld [tilespmem:$0x7930];
	v3 =	vadd.f32 v4, v3  }
0x303: {  	v36 =	vld [tilespmem:$0x29C0];
	v5 =	vadd.f32 v6, v5  }
0x304: {  	v38 =	vld [tilespmem:$0x7940];
	[tilespmem:$0x2800] =	vst v3;
	v3 =	vadd.f32 v8, v7  }
0x305: {  	v40 =	vld [tilespmem:$0x29D0];
	[tilespmem:$0x2810] =	vst v5;
	v5 =	vadd.f32 v55, v9  }
0x306: {  	v42 =	vld [tilespmem:$0x7950];
	[tilespmem:$0x2820] =	vst v3;
	v3 =	vadd.f32 v56, v11  }
0x307: {  	v43 =	vld [tilespmem:$0x7970];
	[tilespmem:$0x2830] =	vst v5;
	v5 =	vadd.f32 v57, v13  }
0x308: {  	v44 =	vld [tilespmem:$0x2A00];
	[tilespmem:$0x2840] =	vst v3;
	v3 =	vadd.f32 v58, v15  }
0x309: {  	v4 =	vld [tilespmem:$0x2940];
	[tilespmem:$0x2850] =	vst v5;
	v5 =	vadd.f32 v59, v17  }
0x30a: {  	v6 =	vld [tilespmem:$0x78C0];
	[tilespmem:$0x2860] =	vst v3;
	v3 =	vadd.f32 v60, v19  }
0x30b: {  	v7 =	vld [tilespmem:$0x2950];
	[tilespmem:$0x2870] =	vst v5;
	v5 =	vadd.f32 v61, v21  }
0x30c: {  	v55 =	vld [tilespmem:$0x78D0];
	[tilespmem:$0x2880] =	vst v3;
	v3 =	vadd.f32 v62, v23  }
0x30d: {  	v56 =	vld [tilespmem:$0x2960];
	[tilespmem:$0x2890] =	vst v5;
	v5 =	vadd.f32 v63, v25  }
0x30e: {  	v57 =	vld [tilespmem:$0x78E0];
	[tilespmem:$0x28A0] =	vst v3;
	v3 =	vadd.f32 v28, v27  }
0x30f: {  	v58 =	vld [tilespmem:$0x2970];
	[tilespmem:$0x28B0] =	vst v5;
	v5 =	vadd.f32 v30, v29  }
0x310: {  	v59 =	vld [tilespmem:$0x78F0];
	[tilespmem:$0x28C0] =	vst v3;
	v3 =	vadd.f32 v32, v31  }
0x311: {  	v60 =	vld [tilespmem:$0x2980];
	[tilespmem:$0x28D0] =	vst v5;
	v5 =	vadd.f32 v46, v45  }
0x312: {  	v61 =	vld [tilespmem:$0x7900];
	[tilespmem:$0x28E0] =	vst v3;
	v3 =	vadd.f32 v48, v47  }
0x313: {  	v62 =	vld [tilespmem:$0x2990];
	[tilespmem:$0x28F0] =	vst v5;
	v5 =	vadd.f32 v50, v49  }
0x314: {  	v63 =	vld [tilespmem:$0x7910];
	[tilespmem:$0x2900] =	vst v3;
	v3 =	vadd.f32 v52, v51  }
0x315: {  	v28 =	vld [tilespmem:$0x29A0];
	[tilespmem:$0x2910] =	vst v5;
	v5 =	vadd.f32 v54, v53  }
0x316: {  	v30 =	vld [tilespmem:$0x7920];
	[tilespmem:$0x2920] =	vst v3;
	v3 =	vadd.f32 v6, v4  }
0x317: {  	v32 =	vld [tilespmem:$0x29B0];
	[tilespmem:$0x2930] =	vst v5;
	v5 =	vadd.f32 v55, v7  }
0x318: {  	v45 =	vld [tilespmem:$0x7980];
	[tilespmem:$0x2940] =	vst v3;
	v3 =	vadd.f32 v57, v56  }
0x319: {  	v46 =	vld [tilespmem:$0x2A10];
	[tilespmem:$0x2950] =	vst v5;
	v5 =	vadd.f32 v59, v58  }
0x31a: {  	v4 =	vld [tilespmem:$0x29E0];
	[tilespmem:$0x2960] =	vst v3;
	v3 =	vadd.f32 v61, v60  }
0x31b: {  	v6 =	vld [tilespmem:$0x7960];
	[tilespmem:$0x2970] =	vst v5;
	v5 =	vadd.f32 v63, v62  }
0x31c: {  	v7 =	vld [tilespmem:$0x29F0];
	[tilespmem:$0x2980] =	vst v3;
	v3 =	vadd.f32 v30, v28  }
0x31d: {  	v47 =	vld [tilespmem:$0x7990];
	[tilespmem:$0x2990] =	vst v5;
	v5 =	vadd.f32 v34, v32  }
0x31e: {  	v48 =	vld [tilespmem:$0x2A20];
	[tilespmem:$0x29A0] =	vst v3;
	v3 =	vadd.f32 v38, v36  }
0x31f: {  	v49 =	vld [tilespmem:$0x79A0];
	[tilespmem:$0x29B0] =	vst v5;
	v5 =	vadd.f32 v42, v40  }
0x320: {  	[tilespmem:$0x29C0] =	vst v3;
	v3 =	vadd.f32 v6, v4  }
0x321: {  	[tilespmem:$0x29D0] =	vst v5;
	v4 =	vadd.f32 v43, v7  }
0x322: {  	[tilespmem:$0x29E0] =	vst v3;
	v3 =	vadd.f32 v45, v44  }
0x323: {  	[tilespmem:$0x29F0] =	vst v4;
	v4 =	vadd.f32 v47, v46  }
0x324: {  	[tilespmem:$0x2A00] =	vst v3;
	v3 =	vadd.f32 v49, v48  }
0x325: {  	[tilespmem:$0x2A10] =	vst v4  }
0x326: {  	[tilespmem:$0x2A20] =	vst v3  }
0x327: {  	v3 =	vld [tilespmem:$0x2A30]  }
0x328: {  	v4 =	vld [tilespmem:$0x79B0]  }
0x329: {  	v5 =	vld [tilespmem:$0x2A40]  }
0x32a: {  	v6 =	vld [tilespmem:$0x79C0]  }
0x32b: {  	v7 =	vld [tilespmem:$0x2A50]  }
0x32c: {  	v50 =	vld [tilespmem:$0x79D0]  }
0x32d: {  	v51 =	vld [tilespmem:$0x2A60]  }
0x32e: {  	v52 =	vld [tilespmem:$0x79E0]  }
0x32f: {  	v53 =	vld [tilespmem:$0x2A70]  }
0x330: {  	v54 =	vld [tilespmem:$0x79F0]  }
0x331: {  	v3 =	vadd.f32 v4, v3  }
0x332: {  	v4 =	vadd.f32 v6, v5  }
0x333: {  	[tilespmem:$0x2A30] =	vst v3;
	v3 =	vadd.f32 v50, v7  }
0x334: {  	[tilespmem:$0x2A40] =	vst v4;
	v4 =	vadd.f32 v52, v51  }
0x335: {  	[tilespmem:$0x2A50] =	vst v3;
	v3 =	vadd.f32 v54, v53  }
0x336: {  	[tilespmem:$0x2A60] =	vst v4  }
0x337: {  	[tilespmem:$0x2A70] =	vst v3  }
0x338: {  	[tilespmem:s26], [sflag:$0x1] =	stream.linear.gather [spmem:s13], $0x280, $0x38;
	[tilespmem:$0x1BA00] =	vst v63  }
0x339: {  	_ =	swait.ge [sflag:s24], $0x280  }
0x33a: {  	[sflag:s24] =	ssyncset.done $0x0  }
0x33b: {  	[sflag:s24] =	ssyncadd.s32 $0xFFFFFD80  }
0x33c: {  	v3 =	vld [tilespmem:$0x2800]  }
0x33d: {  	v4 =	vld [tilespmem:$0x7780]  }
0x33e: {  	v5 =	vld [tilespmem:$0x2810]  }
0x33f: {  	v6 =	vld [tilespmem:$0x7790]  }
0x340: {  	v7 =	vld [tilespmem:$0x2820]  }
0x341: {  	v8 =	vld [tilespmem:$0x77A0]  }
0x342: {  	v9 =	vld [tilespmem:$0x2830]  }
0x343: {  	v55 =	vld [tilespmem:$0x77B0]  }
0x344: {  	v11 =	vld [tilespmem:$0x2840]  }
0x345: {  	v56 =	vld [tilespmem:$0x77C0]  }
0x346: {  	v13 =	vld [tilespmem:$0x2850]  }
0x347: {  	v57 =	vld [tilespmem:$0x77D0]  }
0x348: {  	v15 =	vld [tilespmem:$0x2860]  }
0x349: {  	v58 =	vld [tilespmem:$0x77E0]  }
0x34a: {  	v17 =	vld [tilespmem:$0x2870]  }
0x34b: {  	v59 =	vld [tilespmem:$0x77F0]  }
0x34c: {  	v19 =	vld [tilespmem:$0x2880]  }
0x34d: {  	v60 =	vld [tilespmem:$0x7800]  }
0x34e: {  	v21 =	vld [tilespmem:$0x2890]  }
0x34f: {  	v61 =	vld [tilespmem:$0x7810]  }
0x350: {  	v23 =	vld [tilespmem:$0x28A0]  }
0x351: {  	v62 =	vld [tilespmem:$0x7820]  }
0x352: {  	v25 =	vld [tilespmem:$0x28B0]  }
0x353: {  	v63 =	vld [tilespmem:$0x7830]  }
0x354: {  	v27 =	vld [tilespmem:$0x28C0]  }
0x355: {  	v28 =	vld [tilespmem:$0x7840]  }
0x356: {  	v29 =	vld [tilespmem:$0x28D0]  }
0x357: {  	v30 =	vld [tilespmem:$0x7850]  }
0x358: {  	v31 =	vld [tilespmem:$0x28E0]  }
0x359: {  	v32 =	vld [tilespmem:$0x7860]  }
0x35a: {  	v33 =	vld [tilespmem:$0x28F0]  }
0x35b: {  	v34 =	vld [tilespmem:$0x7870]  }
0x35c: {  	v35 =	vld [tilespmem:$0x2900]  }
0x35d: {  	v36 =	vld [tilespmem:$0x7880]  }
0x35e: {  	v37 =	vld [tilespmem:$0x2910]  }
0x35f: {  	v38 =	vld [tilespmem:$0x7890]  }
0x360: {  	v39 =	vld [tilespmem:$0x2920]  }
0x361: {  	v40 =	vld [tilespmem:$0x78A0]  }
0x362: {  	v48 =	vld [tilespmem:$0x2930]  }
0x363: {  	v49 =	vld [tilespmem:$0x78B0]  }
0x364: {  	v50 =	vld [tilespmem:$0x2940]  }
0x365: {  	v51 =	vld [tilespmem:$0x78C0]  }
0x366: {  	v52 =	vld [tilespmem:$0x2950]  }
0x367: {  	v53 =	vld [tilespmem:$0x78D0]  }
0x368: {  	v54 =	vld [tilespmem:$0x2960]  }
0x369: {  	v42 =	vld [tilespmem:$0x2A00];
	v3 =	vadd.f32 v4, v3  }
0x36a: {  	v44 =	vld [tilespmem:$0x7980];
	v5 =	vadd.f32 v6, v5  }
0x36b: {  	v46 =	vld [tilespmem:$0x2A10];
	[tilespmem:$0x2800] =	vst v3;
	v3 =	vadd.f32 v8, v7  }
0x36c: {  	v47 =	vld [tilespmem:$0x2A30];
	[tilespmem:$0x2810] =	vst v5;
	v5 =	vadd.f32 v55, v9  }
0x36d: {  	v4 =	vld [tilespmem:$0x78E0];
	[tilespmem:$0x2820] =	vst v3;
	v3 =	vadd.f32 v56, v11  }
0x36e: {  	v6 =	vld [tilespmem:$0x2970];
	[tilespmem:$0x2830] =	vst v5;
	v5 =	vadd.f32 v57, v13  }
0x36f: {  	v7 =	vld [tilespmem:$0x78F0];
	[tilespmem:$0x2840] =	vst v3;
	v3 =	vadd.f32 v58, v15  }
0x370: {  	v55 =	vld [tilespmem:$0x2980];
	[tilespmem:$0x2850] =	vst v5;
	v5 =	vadd.f32 v59, v17  }
0x371: {  	v56 =	vld [tilespmem:$0x7900];
	[tilespmem:$0x2860] =	vst v3;
	v3 =	vadd.f32 v60, v19  }
0x372: {  	v57 =	vld [tilespmem:$0x2990];
	[tilespmem:$0x2870] =	vst v5;
	v5 =	vadd.f32 v61, v21  }
0x373: {  	v58 =	vld [tilespmem:$0x7910];
	[tilespmem:$0x2880] =	vst v3;
	v3 =	vadd.f32 v62, v23  }
0x374: {  	v59 =	vld [tilespmem:$0x29A0];
	[tilespmem:$0x2890] =	vst v5;
	v5 =	vadd.f32 v63, v25  }
0x375: {  	v60 =	vld [tilespmem:$0x7920];
	[tilespmem:$0x28A0] =	vst v3;
	v3 =	vadd.f32 v28, v27  }
0x376: {  	v61 =	vld [tilespmem:$0x29B0];
	[tilespmem:$0x28B0] =	vst v5;
	v5 =	vadd.f32 v30, v29  }
0x377: {  	v62 =	vld [tilespmem:$0x7930];
	[tilespmem:$0x28C0] =	vst v3;
	v3 =	vadd.f32 v32, v31  }
0x378: {  	v63 =	vld [tilespmem:$0x29C0];
	[tilespmem:$0x28D0] =	vst v5;
	v5 =	vadd.f32 v34, v33  }
0x379: {  	v28 =	vld [tilespmem:$0x7940];
	[tilespmem:$0x28E0] =	vst v3;
	v3 =	vadd.f32 v36, v35  }
0x37a: {  	v30 =	vld [tilespmem:$0x29D0];
	[tilespmem:$0x28F0] =	vst v5;
	v5 =	vadd.f32 v38, v37  }
0x37b: {  	v32 =	vld [tilespmem:$0x7950];
	[tilespmem:$0x2900] =	vst v3;
	v3 =	vadd.f32 v40, v39  }
0x37c: {  	v34 =	vld [tilespmem:$0x29E0];
	[tilespmem:$0x2910] =	vst v5;
	v5 =	vadd.f32 v49, v48  }
0x37d: {  	v36 =	vld [tilespmem:$0x7960];
	[tilespmem:$0x2920] =	vst v3;
	v3 =	vadd.f32 v51, v50  }
0x37e: {  	v38 =	vld [tilespmem:$0x29F0];
	[tilespmem:$0x2930] =	vst v5;
	v5 =	vadd.f32 v53, v52  }
0x37f: {  	v40 =	vld [tilespmem:$0x7970];
	[tilespmem:$0x2940] =	vst v3;
	v3 =	vadd.f32 v4, v54  }
0x380: {  	v48 =	vld [tilespmem:$0x79B0];
	[tilespmem:$0x2950] =	vst v5;
	v5 =	vadd.f32 v7, v6  }
0x381: {  	v49 =	vld [tilespmem:$0x2A40];
	[tilespmem:$0x2960] =	vst v3;
	v3 =	vadd.f32 v56, v55  }
0x382: {  	v50 =	vld [tilespmem:$0x79C0];
	[tilespmem:$0x2970] =	vst v5;
	v5 =	vadd.f32 v58, v57  }
0x383: {  	v51 =	vld [tilespmem:$0x2A50];
	[tilespmem:$0x2980] =	vst v3;
	v3 =	vadd.f32 v60, v59  }
0x384: {  	v4 =	vld [tilespmem:$0x7990];
	[tilespmem:$0x2990] =	vst v5;
	v5 =	vadd.f32 v62, v61  }
0x385: {  	v6 =	vld [tilespmem:$0x2A20];
	[tilespmem:$0x29A0] =	vst v3;
	v3 =	vadd.f32 v28, v63  }
0x386: {  	v7 =	vld [tilespmem:$0x79A0];
	[tilespmem:$0x29B0] =	vst v5;
	v5 =	vadd.f32 v32, v30  }
0x387: {  	v52 =	vld [tilespmem:$0x79D0];
	[tilespmem:$0x29C0] =	vst v3;
	v3 =	vadd.f32 v36, v34  }
0x388: {  	v53 =	vld [tilespmem:$0x2A60];
	[tilespmem:$0x29D0] =	vst v5;
	v5 =	vadd.f32 v40, v38  }
0x389: {  	v54 =	vld [tilespmem:$0x79E0];
	[tilespmem:$0x29E0] =	vst v3;
	v3 =	vadd.f32 v44, v42  }
0x38a: {  	v4 =	vadd.f32 v4, v46;
	[tilespmem:$0x29F0] =	vst v5;
	v5 =	vld [tilespmem:$0x2A70]  }
0x38b: {  	[tilespmem:$0x2A00] =	vst v3;
	v3 =	vadd.f32 v7, v6;
	v6 =	vld [tilespmem:$0x79F0]  }
0x38c: {  	[tilespmem:$0x2A10] =	vst v4;
	v4 =	vadd.f32 v48, v47  }
0x38d: {  	[tilespmem:$0x2A20] =	vst v3;
	v3 =	vadd.f32 v50, v49  }
0x38e: {  	[tilespmem:$0x2A30] =	vst v4;
	v4 =	vadd.f32 v52, v51  }
0x38f: {  	[tilespmem:$0x2A40] =	vst v3;
	v3 =	vadd.f32 v54, v53  }
0x390: {  	[tilespmem:$0x2A50] =	vst v4;
	v4 =	vadd.f32 v6, v5  }
0x391: {  	[tilespmem:$0x2A60] =	vst v3  }
0x392: {  	[tilespmem:$0x2A70] =	vst v4  }
0x393: {  	[tilespmem:s26], [sflag:$0x1] =	stream.linear.gather [spmem:s14], $0x280, $0x38;
	[tilespmem:$0x1BA00] =	vst v63  }
0x394: {  	_ =	swait.ge [sflag:s24], $0x280  }
0x395: {  	[sflag:s24] =	ssyncset.done $0x0  }
0x396: {  	[sflag:s24] =	ssyncadd.s32 $0xFFFFFD80  }
0x397: {  	v3 =	vld [tilespmem:$0x2800]  }
0x398: {  	v4 =	vld [tilespmem:$0x7780]  }
0x399: {  	v5 =	vld [tilespmem:$0x2810]  }
0x39a: {  	v6 =	vld [tilespmem:$0x7790]  }
0x39b: {  	v7 =	vld [tilespmem:$0x2820]  }
0x39c: {  	v8 =	vld [tilespmem:$0x77A0]  }
0x39d: {  	v9 =	vld [tilespmem:$0x2830]  }
0x39e: {  	v55 =	vld [tilespmem:$0x77B0]  }
0x39f: {  	v11 =	vld [tilespmem:$0x2840]  }
0x3a0: {  	v56 =	vld [tilespmem:$0x77C0]  }
0x3a1: {  	v13 =	vld [tilespmem:$0x2850]  }
0x3a2: {  	v57 =	vld [tilespmem:$0x77D0]  }
0x3a3: {  	v15 =	vld [tilespmem:$0x2860]  }
0x3a4: {  	v58 =	vld [tilespmem:$0x77E0]  }
0x3a5: {  	v17 =	vld [tilespmem:$0x2870]  }
0x3a6: {  	v59 =	vld [tilespmem:$0x77F0]  }
0x3a7: {  	v19 =	vld [tilespmem:$0x2880]  }
0x3a8: {  	v60 =	vld [tilespmem:$0x7800]  }
0x3a9: {  	v21 =	vld [tilespmem:$0x2890]  }
0x3aa: {  	v61 =	vld [tilespmem:$0x7810]  }
0x3ab: {  	v23 =	vld [tilespmem:$0x28A0]  }
0x3ac: {  	v62 =	vld [tilespmem:$0x7820]  }
0x3ad: {  	v25 =	vld [tilespmem:$0x28B0]  }
0x3ae: {  	v63 =	vld [tilespmem:$0x7830]  }
0x3af: {  	v27 =	vld [tilespmem:$0x28C0]  }
0x3b0: {  	v28 =	vld [tilespmem:$0x7840]  }
0x3b1: {  	v29 =	vld [tilespmem:$0x28D0]  }
0x3b2: {  	v30 =	vld [tilespmem:$0x7850]  }
0x3b3: {  	v31 =	vld [tilespmem:$0x28E0]  }
0x3b4: {  	v32 =	vld [tilespmem:$0x7860]  }
0x3b5: {  	v33 =	vld [tilespmem:$0x28F0]  }
0x3b6: {  	v34 =	vld [tilespmem:$0x7870]  }
0x3b7: {  	v35 =	vld [tilespmem:$0x2900]  }
0x3b8: {  	v36 =	vld [tilespmem:$0x7880]  }
0x3b9: {  	v37 =	vld [tilespmem:$0x2910]  }
0x3ba: {  	v38 =	vld [tilespmem:$0x7890]  }
0x3bb: {  	v39 =	vld [tilespmem:$0x2920]  }
0x3bc: {  	v40 =	vld [tilespmem:$0x78A0]  }
0x3bd: {  	v48 =	vld [tilespmem:$0x2930]  }
0x3be: {  	v49 =	vld [tilespmem:$0x78B0]  }
0x3bf: {  	v50 =	vld [tilespmem:$0x2940]  }
0x3c0: {  	v51 =	vld [tilespmem:$0x78C0]  }
0x3c1: {  	v52 =	vld [tilespmem:$0x2950]  }
0x3c2: {  	v53 =	vld [tilespmem:$0x78D0]  }
0x3c3: {  	v54 =	vld [tilespmem:$0x2960]  }
0x3c4: {  	v42 =	vld [tilespmem:$0x2A00];
	v3 =	vadd.f32 v4, v3  }
0x3c5: {  	v44 =	vld [tilespmem:$0x7980];
	v5 =	vadd.f32 v6, v5  }
0x3c6: {  	v46 =	vld [tilespmem:$0x2A10];
	[tilespmem:$0x2800] =	vst v3;
	v3 =	vadd.f32 v8, v7  }
0x3c7: {  	v47 =	vld [tilespmem:$0x2A30];
	[tilespmem:$0x2810] =	vst v5;
	v5 =	vadd.f32 v55, v9  }
0x3c8: {  	v4 =	vld [tilespmem:$0x78E0];
	[tilespmem:$0x2820] =	vst v3;
	v3 =	vadd.f32 v56, v11  }
0x3c9: {  	v6 =	vld [tilespmem:$0x2970];
	[tilespmem:$0x2830] =	vst v5;
	v5 =	vadd.f32 v57, v13  }
0x3ca: {  	v7 =	vld [tilespmem:$0x78F0];
	[tilespmem:$0x2840] =	vst v3;
	v3 =	vadd.f32 v58, v15  }
0x3cb: {  	v55 =	vld [tilespmem:$0x2980];
	[tilespmem:$0x2850] =	vst v5;
	v5 =	vadd.f32 v59, v17  }
0x3cc: {  	v56 =	vld [tilespmem:$0x7900];
	[tilespmem:$0x2860] =	vst v3;
	v3 =	vadd.f32 v60, v19  }
0x3cd: {  	v57 =	vld [tilespmem:$0x2990];
	[tilespmem:$0x2870] =	vst v5;
	v5 =	vadd.f32 v61, v21  }
0x3ce: {  	v58 =	vld [tilespmem:$0x7910];
	[tilespmem:$0x2880] =	vst v3;
	v3 =	vadd.f32 v62, v23  }
0x3cf: {  	v59 =	vld [tilespmem:$0x29A0];
	[tilespmem:$0x2890] =	vst v5;
	v5 =	vadd.f32 v63, v25  }
0x3d0: {  	v60 =	vld [tilespmem:$0x7920];
	[tilespmem:$0x28A0] =	vst v3;
	v3 =	vadd.f32 v28, v27  }
0x3d1: {  	v61 =	vld [tilespmem:$0x29B0];
	[tilespmem:$0x28B0] =	vst v5;
	v5 =	vadd.f32 v30, v29  }
0x3d2: {  	v62 =	vld [tilespmem:$0x7930];
	[tilespmem:$0x28C0] =	vst v3;
	v3 =	vadd.f32 v32, v31  }
0x3d3: {  	v63 =	vld [tilespmem:$0x29C0];
	[tilespmem:$0x28D0] =	vst v5;
	v5 =	vadd.f32 v34, v33  }
0x3d4: {  	v28 =	vld [tilespmem:$0x7940];
	[tilespmem:$0x28E0] =	vst v3;
	v3 =	vadd.f32 v36, v35  }
0x3d5: {  	v30 =	vld [tilespmem:$0x29D0];
	[tilespmem:$0x28F0] =	vst v5;
	v5 =	vadd.f32 v38, v37  }
0x3d6: {  	v32 =	vld [tilespmem:$0x7950];
	[tilespmem:$0x2900] =	vst v3;
	v3 =	vadd.f32 v40, v39  }
0x3d7: {  	v34 =	vld [tilespmem:$0x29E0];
	[tilespmem:$0x2910] =	vst v5;
	v5 =	vadd.f32 v49, v48  }
0x3d8: {  	v36 =	vld [tilespmem:$0x7960];
	[tilespmem:$0x2920] =	vst v3;
	v3 =	vadd.f32 v51, v50  }
0x3d9: {  	v38 =	vld [tilespmem:$0x29F0];
	[tilespmem:$0x2930] =	vst v5;
	v5 =	vadd.f32 v53, v52  }
0x3da: {  	v40 =	vld [tilespmem:$0x7970];
	[tilespmem:$0x2940] =	vst v3;
	v3 =	vadd.f32 v4, v54  }
0x3db: {  	v48 =	vld [tilespmem:$0x79B0];
	[tilespmem:$0x2950] =	vst v5;
	v5 =	vadd.f32 v7, v6  }
0x3dc: {  	v49 =	vld [tilespmem:$0x2A40];
	[tilespmem:$0x2960] =	vst v3;
	v3 =	vadd.f32 v56, v55  }
0x3dd: {  	v50 =	vld [tilespmem:$0x79C0];
	[tilespmem:$0x2970] =	vst v5;
	v5 =	vadd.f32 v58, v57  }
0x3de: {  	v51 =	vld [tilespmem:$0x2A50];
	[tilespmem:$0x2980] =	vst v3;
	v3 =	vadd.f32 v60, v59  }
0x3df: {  	v4 =	vld [tilespmem:$0x7990];
	[tilespmem:$0x2990] =	vst v5;
	v5 =	vadd.f32 v62, v61  }
0x3e0: {  	v6 =	vld [tilespmem:$0x2A20];
	[tilespmem:$0x29A0] =	vst v3;
	v3 =	vadd.f32 v28, v63  }
0x3e1: {  	v7 =	vld [tilespmem:$0x79A0];
	[tilespmem:$0x29B0] =	vst v5;
	v5 =	vadd.f32 v32, v30  }
0x3e2: {  	v52 =	vld [tilespmem:$0x79D0];
	[tilespmem:$0x29C0] =	vst v3;
	v3 =	vadd.f32 v36, v34  }
0x3e3: {  	v53 =	vld [tilespmem:$0x2A60];
	[tilespmem:$0x29D0] =	vst v5;
	v5 =	vadd.f32 v40, v38  }
0x3e4: {  	v54 =	vld [tilespmem:$0x79E0];
	[tilespmem:$0x29E0] =	vst v3;
	v3 =	vadd.f32 v44, v42  }
0x3e5: {  	v4 =	vadd.f32 v4, v46;
	[tilespmem:$0x29F0] =	vst v5;
	v5 =	vld [tilespmem:$0x2A70]  }
0x3e6: {  	[tilespmem:$0x2A00] =	vst v3;
	v3 =	vadd.f32 v7, v6;
	v6 =	vld [tilespmem:$0x79F0]  }
0x3e7: {  	[tilespmem:$0x2A10] =	vst v4;
	v4 =	vadd.f32 v48, v47  }
0x3e8: {  	[tilespmem:$0x2A20] =	vst v3;
	v3 =	vadd.f32 v50, v49  }
0x3e9: {  	[tilespmem:$0x2A30] =	vst v4;
	v4 =	vadd.f32 v52, v51  }
0x3ea: {  	[tilespmem:$0x2A40] =	vst v3;
	v3 =	vadd.f32 v54, v53  }
0x3eb: {  	[tilespmem:$0x2A50] =	vst v4;
	v4 =	vadd.f32 v6, v5  }
0x3ec: {  	[tilespmem:$0x2A60] =	vst v3  }
0x3ed: {  	[tilespmem:$0x2A70] =	vst v4  }
0x3ee: {  	[tilespmem:s26], [sflag:$0x1] =	stream.linear.gather [spmem:s15], $0x280, $0x38;
	[tilespmem:$0x1BA00] =	vst v63  }
0x3ef: {  	_ =	swait.ge [sflag:s24], $0x280  }
0x3f0: {  	[sflag:s24] =	ssyncset.done $0x0  }
0x3f1: {  	[sflag:s24] =	ssyncadd.s32 $0xFFFFFD80  }
0x3f2: {  	v3 =	vld [tilespmem:$0x2800]  }
0x3f3: {  	v4 =	vld [tilespmem:$0x7780]  }
0x3f4: {  	v5 =	vld [tilespmem:$0x2810]  }
0x3f5: {  	v6 =	vld [tilespmem:$0x7790]  }
0x3f6: {  	v7 =	vld [tilespmem:$0x2820]  }
0x3f7: {  	v8 =	vld [tilespmem:$0x77A0]  }
0x3f8: {  	v9 =	vld [tilespmem:$0x2830]  }
0x3f9: {  	v55 =	vld [tilespmem:$0x77B0]  }
0x3fa: {  	v11 =	vld [tilespmem:$0x2840]  }
0x3fb: {  	v56 =	vld [tilespmem:$0x77C0]  }
0x3fc: {  	v13 =	vld [tilespmem:$0x2850]  }
0x3fd: {  	v57 =	vld [tilespmem:$0x77D0]  }
0x3fe: {  	v15 =	vld [tilespmem:$0x2860]  }
0x3ff: {  	v58 =	vld [tilespmem:$0x77E0]  }
0x400: {  	v17 =	vld [tilespmem:$0x2870]  }
0x401: {  	v59 =	vld [tilespmem:$0x77F0]  }
0x402: {  	v19 =	vld [tilespmem:$0x2880]  }
0x403: {  	v60 =	vld [tilespmem:$0x7800]  }
0x404: {  	v21 =	vld [tilespmem:$0x2890]  }
0x405: {  	v61 =	vld [tilespmem:$0x7810]  }
0x406: {  	v23 =	vld [tilespmem:$0x28A0]  }
0x407: {  	v62 =	vld [tilespmem:$0x7820]  }
0x408: {  	v25 =	vld [tilespmem:$0x28B0]  }
0x409: {  	v63 =	vld [tilespmem:$0x7830]  }
0x40a: {  	v27 =	vld [tilespmem:$0x28C0]  }
0x40b: {  	v28 =	vld [tilespmem:$0x7840]  }
0x40c: {  	v29 =	vld [tilespmem:$0x28D0]  }
0x40d: {  	v30 =	vld [tilespmem:$0x7850]  }
0x40e: {  	v31 =	vld [tilespmem:$0x28E0]  }
0x40f: {  	v32 =	vld [tilespmem:$0x7860]  }
0x410: {  	v33 =	vld [tilespmem:$0x28F0]  }
0x411: {  	v34 =	vld [tilespmem:$0x7870]  }
0x412: {  	v35 =	vld [tilespmem:$0x2900]  }
0x413: {  	v36 =	vld [tilespmem:$0x7880]  }
0x414: {  	v37 =	vld [tilespmem:$0x2910]  }
0x415: {  	v38 =	vld [tilespmem:$0x7890]  }
0x416: {  	v39 =	vld [tilespmem:$0x2920]  }
0x417: {  	v40 =	vld [tilespmem:$0x78A0]  }
0x418: {  	v48 =	vld [tilespmem:$0x2930]  }
0x419: {  	v49 =	vld [tilespmem:$0x78B0]  }
0x41a: {  	v50 =	vld [tilespmem:$0x2940]  }
0x41b: {  	v51 =	vld [tilespmem:$0x78C0]  }
0x41c: {  	v52 =	vld [tilespmem:$0x2950]  }
0x41d: {  	v53 =	vld [tilespmem:$0x78D0]  }
0x41e: {  	v54 =	vld [tilespmem:$0x2960]  }
0x41f: {  	v42 =	vld [tilespmem:$0x2A00];
	v3 =	vadd.f32 v4, v3  }
0x420: {  	v44 =	vld [tilespmem:$0x7980];
	v5 =	vadd.f32 v6, v5  }
0x421: {  	v46 =	vld [tilespmem:$0x2A10];
	[tilespmem:$0x2800] =	vst v3;
	v3 =	vadd.f32 v8, v7  }
0x422: {  	v47 =	vld [tilespmem:$0x2A30];
	[tilespmem:$0x2810] =	vst v5;
	v5 =	vadd.f32 v55, v9  }
0x423: {  	v4 =	vld [tilespmem:$0x78E0];
	[tilespmem:$0x2820] =	vst v3;
	v3 =	vadd.f32 v56, v11  }
0x424: {  	v6 =	vld [tilespmem:$0x2970];
	[tilespmem:$0x2830] =	vst v5;
	v5 =	vadd.f32 v57, v13  }
0x425: {  	v7 =	vld [tilespmem:$0x78F0];
	[tilespmem:$0x2840] =	vst v3;
	v3 =	vadd.f32 v58, v15  }
0x426: {  	v55 =	vld [tilespmem:$0x2980];
	[tilespmem:$0x2850] =	vst v5;
	v5 =	vadd.f32 v59, v17  }
0x427: {  	v56 =	vld [tilespmem:$0x7900];
	[tilespmem:$0x2860] =	vst v3;
	v3 =	vadd.f32 v60, v19  }
0x428: {  	v57 =	vld [tilespmem:$0x2990];
	[tilespmem:$0x2870] =	vst v5;
	v5 =	vadd.f32 v61, v21  }
0x429: {  	v58 =	vld [tilespmem:$0x7910];
	[tilespmem:$0x2880] =	vst v3;
	v3 =	vadd.f32 v62, v23  }
0x42a: {  	v59 =	vld [tilespmem:$0x29A0];
	[tilespmem:$0x2890] =	vst v5;
	v5 =	vadd.f32 v63, v25  }
0x42b: {  	v60 =	vld [tilespmem:$0x7920];
	[tilespmem:$0x28A0] =	vst v3;
	v3 =	vadd.f32 v28, v27  }
0x42c: {  	v61 =	vld [tilespmem:$0x29B0];
	[tilespmem:$0x28B0] =	vst v5;
	v5 =	vadd.f32 v30, v29  }
0x42d: {  	v62 =	vld [tilespmem:$0x7930];
	[tilespmem:$0x28C0] =	vst v3;
	v3 =	vadd.f32 v32, v31  }
0x42e: {  	v63 =	vld [tilespmem:$0x29C0];
	[tilespmem:$0x28D0] =	vst v5;
	v5 =	vadd.f32 v34, v33  }
0x42f: {  	v28 =	vld [tilespmem:$0x7940];
	[tilespmem:$0x28E0] =	vst v3;
	v3 =	vadd.f32 v36, v35  }
0x430: {  	v30 =	vld [tilespmem:$0x29D0];
	[tilespmem:$0x28F0] =	vst v5;
	v5 =	vadd.f32 v38, v37  }
0x431: {  	v32 =	vld [tilespmem:$0x7950];
	[tilespmem:$0x2900] =	vst v3;
	v3 =	vadd.f32 v40, v39  }
0x432: {  	v34 =	vld [tilespmem:$0x29E0];
	[tilespmem:$0x2910] =	vst v5;
	v5 =	vadd.f32 v49, v48  }
0x433: {  	v36 =	vld [tilespmem:$0x7960];
	[tilespmem:$0x2920] =	vst v3;
	v3 =	vadd.f32 v51, v50  }
0x434: {  	v38 =	vld [tilespmem:$0x29F0];
	[tilespmem:$0x2930] =	vst v5;
	v5 =	vadd.f32 v53, v52  }
0x435: {  	v40 =	vld [tilespmem:$0x7970];
	[tilespmem:$0x2940] =	vst v3;
	v3 =	vadd.f32 v4, v54  }
0x436: {  	v48 =	vld [tilespmem:$0x79B0];
	[tilespmem:$0x2950] =	vst v5;
	v5 =	vadd.f32 v7, v6  }
0x437: {  	v49 =	vld [tilespmem:$0x2A40];
	[tilespmem:$0x2960] =	vst v3;
	v3 =	vadd.f32 v56, v55  }
0x438: {  	v50 =	vld [tilespmem:$0x79C0];
	[tilespmem:$0x2970] =	vst v5;
	v5 =	vadd.f32 v58, v57  }
0x439: {  	v51 =	vld [tilespmem:$0x2A50];
	[tilespmem:$0x2980] =	vst v3;
	v3 =	vadd.f32 v60, v59  }
0x43a: {  	v4 =	vld [tilespmem:$0x7990];
	[tilespmem:$0x2990] =	vst v5;
	v5 =	vadd.f32 v62, v61  }
0x43b: {  	v6 =	vld [tilespmem:$0x2A20];
	[tilespmem:$0x29A0] =	vst v3;
	v3 =	vadd.f32 v28, v63  }
0x43c: {  	v7 =	vld [tilespmem:$0x79A0];
	[tilespmem:$0x29B0] =	vst v5;
	v5 =	vadd.f32 v32, v30  }
0x43d: {  	v52 =	vld [tilespmem:$0x79D0];
	[tilespmem:$0x29C0] =	vst v3;
	v3 =	vadd.f32 v36, v34  }
0x43e: {  	v53 =	vld [tilespmem:$0x2A60];
	[tilespmem:$0x29D0] =	vst v5;
	v5 =	vadd.f32 v40, v38  }
0x43f: {  	v54 =	vld [tilespmem:$0x79E0];
	[tilespmem:$0x29E0] =	vst v3;
	v3 =	vadd.f32 v44, v42  }
0x440: {  	v4 =	vadd.f32 v4, v46;
	[tilespmem:$0x29F0] =	vst v5;
	v5 =	vld [tilespmem:$0x2A70]  }
0x441: {  	[tilespmem:$0x2A00] =	vst v3;
	v3 =	vadd.f32 v7, v6;
	v6 =	vld [tilespmem:$0x79F0]  }
0x442: {  	[tilespmem:$0x2A10] =	vst v4;
	v4 =	vadd.f32 v48, v47  }
0x443: {  	[tilespmem:$0x2A20] =	vst v3;
	v3 =	vadd.f32 v50, v49  }
0x444: {  	[tilespmem:$0x2A30] =	vst v4;
	v4 =	vadd.f32 v52, v51  }
0x445: {  	[tilespmem:$0x2A40] =	vst v3;
	v3 =	vadd.f32 v54, v53  }
0x446: {  	[tilespmem:$0x2A50] =	vst v4;
	v4 =	vadd.f32 v6, v5  }
0x447: {  	[tilespmem:$0x2A60] =	vst v3  }
0x448: {  	[tilespmem:$0x2A70] =	vst v4  }
0x449: {  	[tilespmem:s26], [sflag:$0x1] =	stream.linear.gather [spmem:s16], $0x280, $0x38;
	[tilespmem:$0x1BA00] =	vst v63  }
0x44a: {  	_ =	swait.ge [sflag:s24], $0x280  }
0x44b: {  	[sflag:s24] =	ssyncset.done $0x0  }
0x44c: {  	[sflag:s24] =	ssyncadd.s32 $0xFFFFFD80  }
0x44d: {  	v3 =	vld [tilespmem:$0x2800]  }
0x44e: {  	v4 =	vld [tilespmem:$0x7780]  }
0x44f: {  	v5 =	vld [tilespmem:$0x2810]  }
0x450: {  	v6 =	vld [tilespmem:$0x7790]  }
0x451: {  	v7 =	vld [tilespmem:$0x2820]  }
0x452: {  	v8 =	vld [tilespmem:$0x77A0]  }
0x453: {  	v9 =	vld [tilespmem:$0x2830]  }
0x454: {  	v55 =	vld [tilespmem:$0x77B0]  }
0x455: {  	v11 =	vld [tilespmem:$0x2840]  }
0x456: {  	v56 =	vld [tilespmem:$0x77C0]  }
0x457: {  	v13 =	vld [tilespmem:$0x2850]  }
0x458: {  	v57 =	vld [tilespmem:$0x77D0]  }
0x459: {  	v15 =	vld [tilespmem:$0x2860]  }
0x45a: {  	v58 =	vld [tilespmem:$0x77E0]  }
0x45b: {  	v17 =	vld [tilespmem:$0x2870]  }
0x45c: {  	v59 =	vld [tilespmem:$0x77F0]  }
0x45d: {  	v19 =	vld [tilespmem:$0x2880]  }
0x45e: {  	v60 =	vld [tilespmem:$0x7800]  }
0x45f: {  	v21 =	vld [tilespmem:$0x2890]  }
0x460: {  	v61 =	vld [tilespmem:$0x7810]  }
0x461: {  	v23 =	vld [tilespmem:$0x28A0]  }
0x462: {  	v62 =	vld [tilespmem:$0x7820]  }
0x463: {  	v25 =	vld [tilespmem:$0x28B0]  }
0x464: {  	v63 =	vld [tilespmem:$0x7830]  }
0x465: {  	v27 =	vld [tilespmem:$0x28C0]  }
0x466: {  	v28 =	vld [tilespmem:$0x7840]  }
0x467: {  	v29 =	vld [tilespmem:$0x28D0]  }
0x468: {  	v30 =	vld [tilespmem:$0x7850]  }
0x469: {  	v31 =	vld [tilespmem:$0x28E0]  }
0x46a: {  	v32 =	vld [tilespmem:$0x7860]  }
0x46b: {  	v33 =	vld [tilespmem:$0x28F0]  }
0x46c: {  	v34 =	vld [tilespmem:$0x7870]  }
0x46d: {  	v35 =	vld [tilespmem:$0x2900]  }
0x46e: {  	v36 =	vld [tilespmem:$0x7880]  }
0x46f: {  	v37 =	vld [tilespmem:$0x2910]  }
0x470: {  	v38 =	vld [tilespmem:$0x7890]  }
0x471: {  	v48 =	vld [tilespmem:$0x2920]  }
0x472: {  	v49 =	vld [tilespmem:$0x78A0]  }
0x473: {  	v50 =	vld [tilespmem:$0x2930]  }
0x474: {  	v51 =	vld [tilespmem:$0x78B0]  }
0x475: {  	v52 =	vld [tilespmem:$0x2940]  }
0x476: {  	v53 =	vld [tilespmem:$0x78C0]  }
0x477: {  	v54 =	vld [tilespmem:$0x2950]  }
0x478: {  	v40 =	vld [tilespmem:$0x7960];
	v3 =	vadd.f32 v4, v3  }
0x479: {  	v42 =	vld [tilespmem:$0x29F0];
	v5 =	vadd.f32 v6, v5  }
0x47a: {  	v4 =	vld [tilespmem:$0x78D0];
	[tilespmem:$0x2800] =	vst v3;
	v3 =	vadd.f32 v8, v7  }
0x47b: {  	v46 =	vld [tilespmem:$0x7970];
	[tilespmem:$0x2810] =	vst v5;
	v5 =	vadd.f32 v55, v9  }
0x47c: {  	v47 =	vld [tilespmem:$0x7990];
	[tilespmem:$0x2820] =	vst v3;
	v3 =	vadd.f32 v56, v11  }
0x47d: {  	v6 =	vld [tilespmem:$0x2960];
	[tilespmem:$0x2830] =	vst v5;
	v5 =	vadd.f32 v57, v13  }
0x47e: {  	v7 =	vld [tilespmem:$0x78E0];
	[tilespmem:$0x2840] =	vst v3;
	v3 =	vadd.f32 v58, v15  }
0x47f: {  	v55 =	vld [tilespmem:$0x2970];
	v4 =	vadd.f32 v4, v54;
	[tilespmem:$0x2850] =	vst v5  }
0x480: {  	v56 =	vld [tilespmem:$0x78F0];
	[tilespmem:$0x2860] =	vst v3;
	v3 =	vadd.f32 v60, v19  }
0x481: {  	v57 =	vld [tilespmem:$0x2980];
	v5 =	vadd.f32 v59, v17;
	[tilespmem:$0x2950] =	vst v4  }
0x482: {  	v54 =	vld [tilespmem:$0x2A50];
	[tilespmem:$0x2880] =	vst v3;
	v3 =	vadd.f32 v62, v23  }
0x483: {  	v58 =	vld [tilespmem:$0x7900];
	[tilespmem:$0x2870] =	vst v5;
	v5 =	vadd.f32 v61, v21  }
0x484: {  	v59 =	vld [tilespmem:$0x2990];
	[tilespmem:$0x28A0] =	vst v3;
	v3 =	vadd.f32 v28, v27  }
0x485: {  	v60 =	vld [tilespmem:$0x7910];
	v4 =	vadd.f32 v56, v55;
	[tilespmem:$0x2890] =	vst v5  }
0x486: {  	v61 =	vld [tilespmem:$0x29A0];
	[tilespmem:$0x28C0] =	vst v3;
	v3 =	vadd.f32 v32, v31  }
0x487: {  	v62 =	vld [tilespmem:$0x7920];
	v5 =	vadd.f32 v63, v25;
	[tilespmem:$0x2970] =	vst v4  }
0x488: {  	v63 =	vld [tilespmem:$0x29B0];
	[tilespmem:$0x28E0] =	vst v3;
	v3 =	vadd.f32 v36, v35  }
0x489: {  	v28 =	vld [tilespmem:$0x7930];
	[tilespmem:$0x28B0] =	vst v5;
	v5 =	vadd.f32 v30, v29  }
0x48a: {  	v30 =	vld [tilespmem:$0x29C0];
	[tilespmem:$0x2900] =	vst v3;
	v3 =	vadd.f32 v49, v48  }
0x48b: {  	v32 =	vld [tilespmem:$0x7940];
	[tilespmem:$0x28D0] =	vst v5;
	v5 =	vadd.f32 v34, v33  }
0x48c: {  	v34 =	vld [tilespmem:$0x29D0];
	[tilespmem:$0x2920] =	vst v3;
	v3 =	vadd.f32 v53, v52  }
0x48d: {  	v36 =	vld [tilespmem:$0x7950];
	[tilespmem:$0x28F0] =	vst v5;
	v5 =	vadd.f32 v38, v37  }
0x48e: {  	v38 =	vld [tilespmem:$0x29E0];
	[tilespmem:$0x2940] =	vst v3;
	v3 =	vadd.f32 v7, v6  }
0x48f: {  	[tilespmem:$0x2910] =	vst v5;
	v5 =	vadd.f32 v51, v50;
	v48 =	vld [tilespmem:$0x2A20]  }
0x490: {  	v49 =	vld [tilespmem:$0x79A0];
	[tilespmem:$0x2960] =	vst v3;
	v3 =	vadd.f32 v58, v57  }
0x491: {  	v4 =	vadd.f32 v60, v59;
	v50 =	vld [tilespmem:$0x2A30];
	[tilespmem:$0x2930] =	vst v5  }
0x492: {  	v5 =	vld [tilespmem:$0x2A00];
	[tilespmem:$0x2980] =	vst v3;
	v3 =	vadd.f32 v62, v61  }
0x493: {  	[tilespmem:$0x2990] =	vst v4;
	v4 =	vadd.f32 v28, v63;
	v6 =	vld [tilespmem:$0x7980]  }
0x494: {  	v7 =	vld [tilespmem:$0x2A10];
	[tilespmem:$0x29A0] =	vst v3;
	v3 =	vadd.f32 v32, v30  }
0x495: {  	v51 =	vld [tilespmem:$0x79B0];
	[tilespmem:$0x29B0] =	vst v4;
	v4 =	vadd.f32 v36, v34  }
0x496: {  	v52 =	vld [tilespmem:$0x2A40];
	[tilespmem:$0x29C0] =	vst v3;
	v3 =	vadd.f32 v40, v38  }
0x497: {  	v53 =	vld [tilespmem:$0x79C0];
	[tilespmem:$0x29D0] =	vst v4;
	v4 =	vadd.f32 v46, v42  }
0x498: {  	[tilespmem:$0x29E0] =	vst v3;
	v3 =	vadd.f32 v6, v5;
	v5 =	vld [tilespmem:$0x79D0]  }
0x499: {  	[tilespmem:$0x29F0] =	vst v4;
	v4 =	vadd.f32 v47, v7  }
0x49a: {  	[tilespmem:$0x2A00] =	vst v3;
	v3 =	vadd.f32 v49, v48  }
0x49b: {  	[tilespmem:$0x2A10] =	vst v4;
	v4 =	vadd.f32 v51, v50  }
0x49c: {  	[tilespmem:$0x2A20] =	vst v3;
	v3 =	vadd.f32 v53, v52  }
0x49d: {  	[tilespmem:$0x2A30] =	vst v4;
	v4 =	vadd.f32 v5, v54  }
0x49e: {  	[tilespmem:$0x2A40] =	vst v3  }
0x49f: {  	[tilespmem:$0x2A50] =	vst v4  }
0x4a0: {  	v3 =	vld [tilespmem:$0x2A60]  }
0x4a1: {  	v4 =	vld [tilespmem:$0x79E0]  }
0x4a2: {  	v5 =	vld [tilespmem:$0x2A70]  }
0x4a3: {  	v6 =	vld [tilespmem:$0x79F0];
	_ =	sdelay $0x3  }
0x4a4: {  	v3 =	vadd.f32 v4, v3  }
0x4a5: {  	v4 =	vadd.f32 v6, v5  }
0x4a6: {  	[tilespmem:$0x2A60] =	vst v3  }
0x4a7: {  	[tilespmem:$0x2A70] =	vst v4  }
0x4a8: {  	[tilespmem:s26], [sflag:$0x1] =	stream.linear.gather [spmem:s17], $0x280, $0x38;
	[tilespmem:$0x1BA00] =	vst v63  }
0x4a9: {  	_ =	swait.ge [sflag:s24], $0x280  }
0x4aa: {  	[sflag:s24] =	ssyncset.done $0x0  }
0x4ab: {  	[sflag:s24] =	ssyncadd.s32 $0xFFFFFD80  }
0x4ac: {  	v3 =	vld [tilespmem:$0x2800]  }
0x4ad: {  	v4 =	vld [tilespmem:$0x7780]  }
0x4ae: {  	v5 =	vld [tilespmem:$0x2810]  }
0x4af: {  	v6 =	vld [tilespmem:$0x7790]  }
0x4b0: {  	v7 =	vld [tilespmem:$0x2820]  }
0x4b1: {  	v8 =	vld [tilespmem:$0x77A0]  }
0x4b2: {  	v9 =	vld [tilespmem:$0x2830]  }
0x4b3: {  	v55 =	vld [tilespmem:$0x77B0]  }
0x4b4: {  	v11 =	vld [tilespmem:$0x2840]  }
0x4b5: {  	v56 =	vld [tilespmem:$0x77C0]  }
0x4b6: {  	v13 =	vld [tilespmem:$0x2850]  }
0x4b7: {  	v57 =	vld [tilespmem:$0x77D0]  }
0x4b8: {  	v15 =	vld [tilespmem:$0x2860]  }
0x4b9: {  	v58 =	vld [tilespmem:$0x77E0]  }
0x4ba: {  	v17 =	vld [tilespmem:$0x2870]  }
0x4bb: {  	v59 =	vld [tilespmem:$0x77F0]  }
0x4bc: {  	v19 =	vld [tilespmem:$0x2880]  }
0x4bd: {  	v60 =	vld [tilespmem:$0x7800]  }
0x4be: {  	v21 =	vld [tilespmem:$0x2890]  }
0x4bf: {  	v61 =	vld [tilespmem:$0x7810]  }
0x4c0: {  	v23 =	vld [tilespmem:$0x28A0]  }
0x4c1: {  	v62 =	vld [tilespmem:$0x7820]  }
0x4c2: {  	v25 =	vld [tilespmem:$0x28B0]  }
0x4c3: {  	v63 =	vld [tilespmem:$0x7830]  }
0x4c4: {  	v27 =	vld [tilespmem:$0x28C0]  }
0x4c5: {  	v28 =	vld [tilespmem:$0x7840]  }
0x4c6: {  	v29 =	vld [tilespmem:$0x28D0]  }
0x4c7: {  	v30 =	vld [tilespmem:$0x7850]  }
0x4c8: {  	v31 =	vld [tilespmem:$0x28E0]  }
0x4c9: {  	v32 =	vld [tilespmem:$0x7860]  }
0x4ca: {  	v33 =	vld [tilespmem:$0x28F0]  }
0x4cb: {  	v34 =	vld [tilespmem:$0x7870]  }
0x4cc: {  	v35 =	vld [tilespmem:$0x2900]  }
0x4cd: {  	v36 =	vld [tilespmem:$0x7880]  }
0x4ce: {  	v37 =	vld [tilespmem:$0x2910]  }
0x4cf: {  	v38 =	vld [tilespmem:$0x7890]  }
0x4d0: {  	v39 =	vld [tilespmem:$0x2920]  }
0x4d1: {  	v40 =	vld [tilespmem:$0x78A0]  }
0x4d2: {  	v48 =	vld [tilespmem:$0x2930]  }
0x4d3: {  	v49 =	vld [tilespmem:$0x78B0]  }
0x4d4: {  	v50 =	vld [tilespmem:$0x2940]  }
0x4d5: {  	v51 =	vld [tilespmem:$0x78C0]  }
0x4d6: {  	v52 =	vld [tilespmem:$0x2950]  }
0x4d7: {  	v53 =	vld [tilespmem:$0x78D0]  }
0x4d8: {  	v54 =	vld [tilespmem:$0x2960]  }
0x4d9: {  	v42 =	vld [tilespmem:$0x2A00];
	v3 =	vadd.f32 v4, v3  }
0x4da: {  	v44 =	vld [tilespmem:$0x7980];
	v5 =	vadd.f32 v6, v5  }
0x4db: {  	v46 =	vld [tilespmem:$0x2A10];
	[tilespmem:$0x2800] =	vst v3;
	v3 =	vadd.f32 v8, v7  }
0x4dc: {  	v47 =	vld [tilespmem:$0x2A30];
	[tilespmem:$0x2810] =	vst v5;
	v5 =	vadd.f32 v55, v9  }
0x4dd: {  	v4 =	vld [tilespmem:$0x78E0];
	[tilespmem:$0x2820] =	vst v3;
	v3 =	vadd.f32 v56, v11  }
0x4de: {  	v6 =	vld [tilespmem:$0x2970];
	[tilespmem:$0x2830] =	vst v5;
	v5 =	vadd.f32 v57, v13  }
0x4df: {  	v7 =	vld [tilespmem:$0x78F0];
	[tilespmem:$0x2840] =	vst v3;
	v3 =	vadd.f32 v58, v15  }
0x4e0: {  	v55 =	vld [tilespmem:$0x2980];
	[tilespmem:$0x2850] =	vst v5;
	v5 =	vadd.f32 v59, v17  }
0x4e1: {  	v56 =	vld [tilespmem:$0x7900];
	[tilespmem:$0x2860] =	vst v3;
	v3 =	vadd.f32 v60, v19  }
0x4e2: {  	v57 =	vld [tilespmem:$0x2990];
	[tilespmem:$0x2870] =	vst v5;
	v5 =	vadd.f32 v61, v21  }
0x4e3: {  	v58 =	vld [tilespmem:$0x7910];
	[tilespmem:$0x2880] =	vst v3;
	v3 =	vadd.f32 v62, v23  }
0x4e4: {  	v59 =	vld [tilespmem:$0x29A0];
	[tilespmem:$0x2890] =	vst v5;
	v5 =	vadd.f32 v63, v25  }
0x4e5: {  	v60 =	vld [tilespmem:$0x7920];
	[tilespmem:$0x28A0] =	vst v3;
	v3 =	vadd.f32 v28, v27  }
0x4e6: {  	v61 =	vld [tilespmem:$0x29B0];
	[tilespmem:$0x28B0] =	vst v5;
	v5 =	vadd.f32 v30, v29  }
0x4e7: {  	v62 =	vld [tilespmem:$0x7930];
	[tilespmem:$0x28C0] =	vst v3;
	v3 =	vadd.f32 v32, v31  }
0x4e8: {  	v63 =	vld [tilespmem:$0x29C0];
	[tilespmem:$0x28D0] =	vst v5;
	v5 =	vadd.f32 v34, v33  }
0x4e9: {  	v28 =	vld [tilespmem:$0x7940];
	[tilespmem:$0x28E0] =	vst v3;
	v3 =	vadd.f32 v36, v35  }
0x4ea: {  	v30 =	vld [tilespmem:$0x29D0];
	[tilespmem:$0x28F0] =	vst v5;
	v5 =	vadd.f32 v38, v37  }
0x4eb: {  	v32 =	vld [tilespmem:$0x7950];
	[tilespmem:$0x2900] =	vst v3;
	v3 =	vadd.f32 v40, v39  }
0x4ec: {  	v34 =	vld [tilespmem:$0x29E0];
	[tilespmem:$0x2910] =	vst v5;
	v5 =	vadd.f32 v49, v48  }
0x4ed: {  	v36 =	vld [tilespmem:$0x7960];
	[tilespmem:$0x2920] =	vst v3;
	v3 =	vadd.f32 v51, v50  }
0x4ee: {  	v38 =	vld [tilespmem:$0x29F0];
	[tilespmem:$0x2930] =	vst v5;
	v5 =	vadd.f32 v53, v52  }
0x4ef: {  	v40 =	vld [tilespmem:$0x7970];
	[tilespmem:$0x2940] =	vst v3;
	v3 =	vadd.f32 v4, v54  }
0x4f0: {  	v48 =	vld [tilespmem:$0x79B0];
	[tilespmem:$0x2950] =	vst v5;
	v5 =	vadd.f32 v7, v6  }
0x4f1: {  	v49 =	vld [tilespmem:$0x2A40];
	[tilespmem:$0x2960] =	vst v3;
	v3 =	vadd.f32 v56, v55  }
0x4f2: {  	v50 =	vld [tilespmem:$0x79C0];
	[tilespmem:$0x2970] =	vst v5;
	v5 =	vadd.f32 v58, v57  }
0x4f3: {  	v51 =	vld [tilespmem:$0x2A50];
	[tilespmem:$0x2980] =	vst v3;
	v3 =	vadd.f32 v60, v59  }
0x4f4: {  	v4 =	vld [tilespmem:$0x7990];
	[tilespmem:$0x2990] =	vst v5;
	v5 =	vadd.f32 v62, v61  }
0x4f5: {  	v6 =	vld [tilespmem:$0x2A20];
	[tilespmem:$0x29A0] =	vst v3;
	v3 =	vadd.f32 v28, v63  }
0x4f6: {  	v7 =	vld [tilespmem:$0x79A0];
	[tilespmem:$0x29B0] =	vst v5;
	v5 =	vadd.f32 v32, v30  }
0x4f7: {  	v52 =	vld [tilespmem:$0x79D0];
	[tilespmem:$0x29C0] =	vst v3;
	v3 =	vadd.f32 v36, v34  }
0x4f8: {  	v53 =	vld [tilespmem:$0x2A60];
	[tilespmem:$0x29D0] =	vst v5;
	v5 =	vadd.f32 v40, v38  }
0x4f9: {  	v54 =	vld [tilespmem:$0x79E0];
	[tilespmem:$0x29E0] =	vst v3;
	v3 =	vadd.f32 v44, v42  }
0x4fa: {  	v4 =	vadd.f32 v4, v46;
	[tilespmem:$0x29F0] =	vst v5;
	v5 =	vld [tilespmem:$0x2A70]  }
0x4fb: {  	[tilespmem:$0x2A00] =	vst v3;
	v3 =	vadd.f32 v7, v6;
	v6 =	vld [tilespmem:$0x79F0]  }
0x4fc: {  	[tilespmem:$0x2A10] =	vst v4;
	v4 =	vadd.f32 v48, v47  }
0x4fd: {  	[tilespmem:$0x2A20] =	vst v3;
	v3 =	vadd.f32 v50, v49  }
0x4fe: {  	[tilespmem:$0x2A30] =	vst v4;
	v4 =	vadd.f32 v52, v51  }
0x4ff: {  	[tilespmem:$0x2A40] =	vst v3;
	v3 =	vadd.f32 v54, v53  }
0x500: {  	[tilespmem:$0x2A50] =	vst v4;
	v4 =	vadd.f32 v6, v5  }
0x501: {  	[tilespmem:$0x2A60] =	vst v3  }
0x502: {  	[tilespmem:$0x2A70] =	vst v4  }
0x503: {  	[tilespmem:s26], [sflag:$0x1] =	stream.linear.gather [spmem:s18], $0x280, $0x38;
	[tilespmem:$0x1BA00] =	vst v63  }
0x504: {  	_ =	swait.ge [sflag:s24], $0x280  }
0x505: {  	[sflag:s24] =	ssyncset.done $0x0  }
0x506: {  	[sflag:s24] =	ssyncadd.s32 $0xFFFFFD80  }
0x507: {  	v3 =	vld [tilespmem:$0x2800]  }
0x508: {  	v4 =	vld [tilespmem:$0x7780]  }
0x509: {  	v5 =	vld [tilespmem:$0x2810]  }
0x50a: {  	v6 =	vld [tilespmem:$0x7790]  }
0x50b: {  	v7 =	vld [tilespmem:$0x2820]  }
0x50c: {  	v8 =	vld [tilespmem:$0x77A0]  }
0x50d: {  	v9 =	vld [tilespmem:$0x2830]  }
0x50e: {  	v55 =	vld [tilespmem:$0x77B0]  }
0x50f: {  	v11 =	vld [tilespmem:$0x2840]  }
0x510: {  	v56 =	vld [tilespmem:$0x77C0]  }
0x511: {  	v13 =	vld [tilespmem:$0x2850]  }
0x512: {  	v57 =	vld [tilespmem:$0x77D0]  }
0x513: {  	v15 =	vld [tilespmem:$0x2860]  }
0x514: {  	v58 =	vld [tilespmem:$0x77E0]  }
0x515: {  	v17 =	vld [tilespmem:$0x2870]  }
0x516: {  	v59 =	vld [tilespmem:$0x77F0]  }
0x517: {  	v19 =	vld [tilespmem:$0x2880]  }
0x518: {  	v60 =	vld [tilespmem:$0x7800]  }
0x519: {  	v21 =	vld [tilespmem:$0x2890]  }
0x51a: {  	v61 =	vld [tilespmem:$0x7810]  }
0x51b: {  	v23 =	vld [tilespmem:$0x28A0]  }
0x51c: {  	v62 =	vld [tilespmem:$0x7820]  }
0x51d: {  	v25 =	vld [tilespmem:$0x28B0]  }
0x51e: {  	v63 =	vld [tilespmem:$0x7830]  }
0x51f: {  	v27 =	vld [tilespmem:$0x28C0]  }
0x520: {  	v28 =	vld [tilespmem:$0x7840]  }
0x521: {  	v29 =	vld [tilespmem:$0x28D0]  }
0x522: {  	v30 =	vld [tilespmem:$0x7850]  }
0x523: {  	v31 =	vld [tilespmem:$0x28E0]  }
0x524: {  	v32 =	vld [tilespmem:$0x7860]  }
0x525: {  	v33 =	vld [tilespmem:$0x28F0]  }
0x526: {  	v34 =	vld [tilespmem:$0x7870]  }
0x527: {  	v35 =	vld [tilespmem:$0x2900]  }
0x528: {  	v36 =	vld [tilespmem:$0x7880]  }
0x529: {  	v37 =	vld [tilespmem:$0x2910]  }
0x52a: {  	v38 =	vld [tilespmem:$0x7890]  }
0x52b: {  	v39 =	vld [tilespmem:$0x2920]  }
0x52c: {  	v40 =	vld [tilespmem:$0x78A0]  }
0x52d: {  	v48 =	vld [tilespmem:$0x2930]  }
0x52e: {  	v49 =	vld [tilespmem:$0x78B0]  }
0x52f: {  	v50 =	vld [tilespmem:$0x2940]  }
0x530: {  	v51 =	vld [tilespmem:$0x78C0]  }
0x531: {  	v52 =	vld [tilespmem:$0x2950]  }
0x532: {  	v53 =	vld [tilespmem:$0x78D0]  }
0x533: {  	v54 =	vld [tilespmem:$0x2960]  }
0x534: {  	v42 =	vld [tilespmem:$0x2A00];
	v3 =	vadd.f32 v4, v3  }
0x535: {  	v44 =	vld [tilespmem:$0x7980];
	v5 =	vadd.f32 v6, v5  }
0x536: {  	v46 =	vld [tilespmem:$0x2A10];
	[tilespmem:$0x2800] =	vst v3;
	v3 =	vadd.f32 v8, v7  }
0x537: {  	v47 =	vld [tilespmem:$0x2A30];
	[tilespmem:$0x2810] =	vst v5;
	v5 =	vadd.f32 v55, v9  }
0x538: {  	v4 =	vld [tilespmem:$0x78E0];
	[tilespmem:$0x2820] =	vst v3;
	v3 =	vadd.f32 v56, v11  }
0x539: {  	v6 =	vld [tilespmem:$0x2970];
	[tilespmem:$0x2830] =	vst v5;
	v5 =	vadd.f32 v57, v13  }
0x53a: {  	v7 =	vld [tilespmem:$0x78F0];
	[tilespmem:$0x2840] =	vst v3;
	v3 =	vadd.f32 v58, v15  }
0x53b: {  	v55 =	vld [tilespmem:$0x2980];
	[tilespmem:$0x2850] =	vst v5;
	v5 =	vadd.f32 v59, v17  }
0x53c: {  	v56 =	vld [tilespmem:$0x7900];
	[tilespmem:$0x2860] =	vst v3;
	v3 =	vadd.f32 v60, v19  }
0x53d: {  	v57 =	vld [tilespmem:$0x2990];
	[tilespmem:$0x2870] =	vst v5;
	v5 =	vadd.f32 v61, v21  }
0x53e: {  	v58 =	vld [tilespmem:$0x7910];
	[tilespmem:$0x2880] =	vst v3;
	v3 =	vadd.f32 v62, v23  }
0x53f: {  	v59 =	vld [tilespmem:$0x29A0];
	[tilespmem:$0x2890] =	vst v5;
	v5 =	vadd.f32 v63, v25  }
0x540: {  	v60 =	vld [tilespmem:$0x7920];
	[tilespmem:$0x28A0] =	vst v3;
	v3 =	vadd.f32 v28, v27  }
0x541: {  	v61 =	vld [tilespmem:$0x29B0];
	[tilespmem:$0x28B0] =	vst v5;
	v5 =	vadd.f32 v30, v29  }
0x542: {  	v62 =	vld [tilespmem:$0x7930];
	[tilespmem:$0x28C0] =	vst v3;
	v3 =	vadd.f32 v32, v31  }
0x543: {  	v63 =	vld [tilespmem:$0x29C0];
	[tilespmem:$0x28D0] =	vst v5;
	v5 =	vadd.f32 v34, v33  }
0x544: {  	v28 =	vld [tilespmem:$0x7940];
	[tilespmem:$0x28E0] =	vst v3;
	v3 =	vadd.f32 v36, v35  }
0x545: {  	v30 =	vld [tilespmem:$0x29D0];
	[tilespmem:$0x28F0] =	vst v5;
	v5 =	vadd.f32 v38, v37  }
0x546: {  	v32 =	vld [tilespmem:$0x7950];
	[tilespmem:$0x2900] =	vst v3;
	v3 =	vadd.f32 v40, v39  }
0x547: {  	v34 =	vld [tilespmem:$0x29E0];
	[tilespmem:$0x2910] =	vst v5;
	v5 =	vadd.f32 v49, v48  }
0x548: {  	v36 =	vld [tilespmem:$0x7960];
	[tilespmem:$0x2920] =	vst v3;
	v3 =	vadd.f32 v51, v50  }
0x549: {  	v38 =	vld [tilespmem:$0x29F0];
	[tilespmem:$0x2930] =	vst v5;
	v5 =	vadd.f32 v53, v52  }
0x54a: {  	v40 =	vld [tilespmem:$0x7970];
	[tilespmem:$0x2940] =	vst v3;
	v3 =	vadd.f32 v4, v54  }
0x54b: {  	v48 =	vld [tilespmem:$0x79B0];
	[tilespmem:$0x2950] =	vst v5;
	v5 =	vadd.f32 v7, v6  }
0x54c: {  	v49 =	vld [tilespmem:$0x2A40];
	[tilespmem:$0x2960] =	vst v3;
	v3 =	vadd.f32 v56, v55  }
0x54d: {  	v50 =	vld [tilespmem:$0x79C0];
	[tilespmem:$0x2970] =	vst v5;
	v5 =	vadd.f32 v58, v57  }
0x54e: {  	v51 =	vld [tilespmem:$0x2A50];
	[tilespmem:$0x2980] =	vst v3;
	v3 =	vadd.f32 v60, v59  }
0x54f: {  	v4 =	vld [tilespmem:$0x7990];
	[tilespmem:$0x2990] =	vst v5;
	v5 =	vadd.f32 v62, v61  }
0x550: {  	v6 =	vld [tilespmem:$0x2A20];
	[tilespmem:$0x29A0] =	vst v3;
	v3 =	vadd.f32 v28, v63  }
0x551: {  	v7 =	vld [tilespmem:$0x79A0];
	[tilespmem:$0x29B0] =	vst v5;
	v5 =	vadd.f32 v32, v30  }
0x552: {  	v52 =	vld [tilespmem:$0x79D0];
	[tilespmem:$0x29C0] =	vst v3;
	v3 =	vadd.f32 v36, v34  }
0x553: {  	v53 =	vld [tilespmem:$0x2A60];
	[tilespmem:$0x29D0] =	vst v5;
	v5 =	vadd.f32 v40, v38  }
0x554: {  	v54 =	vld [tilespmem:$0x79E0];
	[tilespmem:$0x29E0] =	vst v3;
	v3 =	vadd.f32 v44, v42  }
0x555: {  	v4 =	vadd.f32 v4, v46;
	[tilespmem:$0x29F0] =	vst v5;
	v5 =	vld [tilespmem:$0x2A70]  }
0x556: {  	[tilespmem:$0x2A00] =	vst v3;
	v3 =	vadd.f32 v7, v6;
	v6 =	vld [tilespmem:$0x79F0]  }
0x557: {  	[tilespmem:$0x2A10] =	vst v4;
	v4 =	vadd.f32 v48, v47  }
0x558: {  	[tilespmem:$0x2A20] =	vst v3;
	v3 =	vadd.f32 v50, v49  }
0x559: {  	[tilespmem:$0x2A30] =	vst v4;
	v4 =	vadd.f32 v52, v51  }
0x55a: {  	[tilespmem:$0x2A40] =	vst v3;
	v3 =	vadd.f32 v54, v53  }
0x55b: {  	[tilespmem:$0x2A50] =	vst v4;
	v4 =	vadd.f32 v6, v5  }
0x55c: {  	[tilespmem:$0x2A60] =	vst v3  }
0x55d: {  	[tilespmem:$0x2A70] =	vst v4  }
0x55e: {  	[tilespmem:s26], [sflag:$0x1] =	stream.linear.gather [spmem:s19], $0x280, $0x38;
	[tilespmem:$0x1BA00] =	vst v63  }
0x55f: {  	_ =	swait.ge [sflag:s24], $0x280  }
0x560: {  	[sflag:s24] =	ssyncset.done $0x0  }
0x561: {  	[sflag:s24] =	ssyncadd.s32 $0xFFFFFD80  }
0x562: {  	v3 =	vld [tilespmem:$0x2800]  }
0x563: {  	v4 =	vld [tilespmem:$0x7780]  }
0x564: {  	v5 =	vld [tilespmem:$0x2810]  }
0x565: {  	v6 =	vld [tilespmem:$0x7790]  }
0x566: {  	v7 =	vld [tilespmem:$0x2820]  }
0x567: {  	v8 =	vld [tilespmem:$0x77A0]  }
0x568: {  	v9 =	vld [tilespmem:$0x2830]  }
0x569: {  	v55 =	vld [tilespmem:$0x77B0]  }
0x56a: {  	v11 =	vld [tilespmem:$0x2840]  }
0x56b: {  	v56 =	vld [tilespmem:$0x77C0]  }
0x56c: {  	v13 =	vld [tilespmem:$0x2850]  }
0x56d: {  	v57 =	vld [tilespmem:$0x77D0]  }
0x56e: {  	v15 =	vld [tilespmem:$0x2860]  }
0x56f: {  	v58 =	vld [tilespmem:$0x77E0]  }
0x570: {  	v17 =	vld [tilespmem:$0x2870]  }
0x571: {  	v59 =	vld [tilespmem:$0x77F0]  }
0x572: {  	v19 =	vld [tilespmem:$0x2880]  }
0x573: {  	v60 =	vld [tilespmem:$0x7800]  }
0x574: {  	v21 =	vld [tilespmem:$0x2890]  }
0x575: {  	v61 =	vld [tilespmem:$0x7810]  }
0x576: {  	v23 =	vld [tilespmem:$0x28A0]  }
0x577: {  	v62 =	vld [tilespmem:$0x7820]  }
0x578: {  	v25 =	vld [tilespmem:$0x28B0]  }
0x579: {  	v63 =	vld [tilespmem:$0x7830]  }
0x57a: {  	v27 =	vld [tilespmem:$0x28C0]  }
0x57b: {  	v28 =	vld [tilespmem:$0x7840]  }
0x57c: {  	v29 =	vld [tilespmem:$0x28D0]  }
0x57d: {  	v30 =	vld [tilespmem:$0x7850]  }
0x57e: {  	v31 =	vld [tilespmem:$0x28E0]  }
0x57f: {  	v32 =	vld [tilespmem:$0x7860]  }
0x580: {  	v33 =	vld [tilespmem:$0x28F0]  }
0x581: {  	v34 =	vld [tilespmem:$0x7870]  }
0x582: {  	v35 =	vld [tilespmem:$0x2900]  }
0x583: {  	v36 =	vld [tilespmem:$0x7880]  }
0x584: {  	v37 =	vld [tilespmem:$0x2910]  }
0x585: {  	v38 =	vld [tilespmem:$0x7890]  }
0x586: {  	v39 =	vld [tilespmem:$0x2920]  }
0x587: {  	v40 =	vld [tilespmem:$0x78A0]  }
0x588: {  	v48 =	vld [tilespmem:$0x2930]  }
0x589: {  	v49 =	vld [tilespmem:$0x78B0]  }
0x58a: {  	v50 =	vld [tilespmem:$0x2940]  }
0x58b: {  	v51 =	vld [tilespmem:$0x78C0]  }
0x58c: {  	v52 =	vld [tilespmem:$0x2950]  }
0x58d: {  	v53 =	vld [tilespmem:$0x78D0]  }
0x58e: {  	v54 =	vld [tilespmem:$0x2960]  }
0x58f: {  	v42 =	vld [tilespmem:$0x2A00];
	v3 =	vadd.f32 v4, v3  }
0x590: {  	v44 =	vld [tilespmem:$0x7980];
	v5 =	vadd.f32 v6, v5  }
0x591: {  	v46 =	vld [tilespmem:$0x2A10];
	[tilespmem:$0x2800] =	vst v3;
	v3 =	vadd.f32 v8, v7  }
0x592: {  	v4 =	vld [tilespmem:$0x78E0];
	[tilespmem:$0x2810] =	vst v5;
	v5 =	vadd.f32 v55, v9  }
0x593: {  	v6 =	vld [tilespmem:$0x2970];
	[tilespmem:$0x2820] =	vst v3;
	v3 =	vadd.f32 v56, v11  }
0x594: {  	v7 =	vld [tilespmem:$0x78F0];
	[tilespmem:$0x2830] =	vst v5;
	v5 =	vadd.f32 v57, v13  }
0x595: {  	v55 =	vld [tilespmem:$0x2980];
	[tilespmem:$0x2840] =	vst v3;
	v3 =	vadd.f32 v58, v15  }
0x596: {  	v56 =	vld [tilespmem:$0x7900];
	[tilespmem:$0x2850] =	vst v5;
	v5 =	vadd.f32 v59, v17  }
0x597: {  	v57 =	vld [tilespmem:$0x2990];
	[tilespmem:$0x2860] =	vst v3;
	v3 =	vadd.f32 v60, v19  }
0x598: {  	v58 =	vld [tilespmem:$0x7910];
	[tilespmem:$0x2870] =	vst v5;
	v5 =	vadd.f32 v61, v21  }
0x599: {  	v59 =	vld [tilespmem:$0x29A0];
	[tilespmem:$0x2880] =	vst v3;
	v3 =	vadd.f32 v62, v23  }
0x59a: {  	v60 =	vld [tilespmem:$0x7920];
	[tilespmem:$0x2890] =	vst v5;
	v5 =	vadd.f32 v63, v25  }
0x59b: {  	v61 =	vld [tilespmem:$0x29B0];
	[tilespmem:$0x28A0] =	vst v3;
	v3 =	vadd.f32 v28, v27  }
0x59c: {  	v62 =	vld [tilespmem:$0x7930];
	[tilespmem:$0x28B0] =	vst v5;
	v5 =	vadd.f32 v30, v29  }
0x59d: {  	v63 =	vld [tilespmem:$0x29C0];
	[tilespmem:$0x28C0] =	vst v3;
	v3 =	vadd.f32 v32, v31  }
0x59e: {  	v28 =	vld [tilespmem:$0x7940];
	[tilespmem:$0x28D0] =	vst v5;
	v5 =	vadd.f32 v34, v33  }
0x59f: {  	v30 =	vld [tilespmem:$0x29D0];
	[tilespmem:$0x28E0] =	vst v3;
	v3 =	vadd.f32 v36, v35  }
0x5a0: {  	v32 =	vld [tilespmem:$0x7950];
	[tilespmem:$0x28F0] =	vst v5;
	v5 =	vadd.f32 v38, v37  }
0x5a1: {  	v34 =	vld [tilespmem:$0x29E0];
	[tilespmem:$0x2900] =	vst v3;
	v3 =	vadd.f32 v40, v39  }
0x5a2: {  	v36 =	vld [tilespmem:$0x7960];
	[tilespmem:$0x2910] =	vst v5;
	v5 =	vadd.f32 v49, v48  }
0x5a3: {  	v38 =	vld [tilespmem:$0x29F0];
	[tilespmem:$0x2920] =	vst v3;
	v3 =	vadd.f32 v51, v50  }
0x5a4: {  	v40 =	vld [tilespmem:$0x7970];
	[tilespmem:$0x2930] =	vst v5;
	v5 =	vadd.f32 v53, v52  }
0x5a5: {  	v48 =	vld [tilespmem:$0x2A30];
	[tilespmem:$0x2940] =	vst v3;
	v3 =	vadd.f32 v4, v54  }
0x5a6: {  	v49 =	vld [tilespmem:$0x79B0];
	[tilespmem:$0x2950] =	vst v5;
	v5 =	vadd.f32 v7, v6  }
0x5a7: {  	v50 =	vld [tilespmem:$0x2A40];
	[tilespmem:$0x2960] =	vst v3;
	v3 =	vadd.f32 v56, v55  }
0x5a8: {  	v51 =	vld [tilespmem:$0x79C0];
	[tilespmem:$0x2970] =	vst v5;
	v5 =	vadd.f32 v58, v57  }
0x5a9: {  	v52 =	vld [tilespmem:$0x2A50];
	[tilespmem:$0x2980] =	vst v3;
	v3 =	vadd.f32 v60, v59  }
0x5aa: {  	v4 =	vld [tilespmem:$0x7990];
	[tilespmem:$0x2990] =	vst v5;
	v5 =	vadd.f32 v62, v61  }
0x5ab: {  	v6 =	vld [tilespmem:$0x2A20];
	[tilespmem:$0x29A0] =	vst v3;
	v3 =	vadd.f32 v28, v63  }
0x5ac: {  	v7 =	vld [tilespmem:$0x79A0];
	[tilespmem:$0x29B0] =	vst v5;
	v5 =	vadd.f32 v32, v30  }
0x5ad: {  	v53 =	vld [tilespmem:$0x79D0];
	[tilespmem:$0x29C0] =	vst v3;
	v3 =	vadd.f32 v36, v34  }
0x5ae: {  	v54 =	vld [tilespmem:$0x2A60];
	[tilespmem:$0x29D0] =	vst v5;
	v5 =	vadd.f32 v40, v38  }
0x5af: {  	v55 =	vld [tilespmem:$0x79E0];
	[tilespmem:$0x29E0] =	vst v3;
	v3 =	vadd.f32 v44, v42  }
0x5b0: {  	v4 =	vadd.f32 v4, v46;
	[tilespmem:$0x29F0] =	vst v5;
	v5 =	vld [tilespmem:$0x2A70]  }
0x5b1: {  	[tilespmem:$0x2A00] =	vst v3;
	v3 =	vadd.f32 v7, v6;
	v6 =	vld [tilespmem:$0x79F0]  }
0x5b2: {  	[tilespmem:$0x2A10] =	vst v4;
	v4 =	vadd.f32 v49, v48  }
0x5b3: {  	[tilespmem:$0x2A20] =	vst v3;
	v3 =	vadd.f32 v51, v50  }
0x5b4: {  	[tilespmem:$0x2A30] =	vst v4;
	v4 =	vadd.f32 v53, v52  }
0x5b5: {  	[tilespmem:$0x2A40] =	vst v3;
	v3 =	vadd.f32 v55, v54  }
0x5b6: {  	[tilespmem:$0x2A50] =	vst v4;
	v4 =	vadd.f32 v6, v5  }
0x5b7: {  	[tilespmem:$0x2A60] =	vst v3  }
0x5b8: {  	[tilespmem:$0x2A70] =	vst v4  }
0x5b9: {  	[tilespmem:s26], [sflag:$0x1] =	stream.linear.gather [spmem:s20], $0x280, $0x38;
	[tilespmem:$0x1BA00] =	vst v63  }
0x5ba: {  	_ =	swait.ge [sflag:s24], $0x280  }
0x5bb: {  	[sflag:s24] =	ssyncset.done $0x0  }
0x5bc: {  	[sflag:s24] =	ssyncadd.s32 $0xFFFFFD80  }
0x5bd: {  	v3 =	vld [tilespmem:$0x2800]  }
0x5be: {  	v4 =	vld [tilespmem:$0x7780]  }
0x5bf: {  	v5 =	vld [tilespmem:$0x2810]  }
0x5c0: {  	v6 =	vld [tilespmem:$0x7790]  }
0x5c1: {  	v7 =	vld [tilespmem:$0x2820]  }
0x5c2: {  	v8 =	vld [tilespmem:$0x77A0]  }
0x5c3: {  	v9 =	vld [tilespmem:$0x2830]  }
0x5c4: {  	v10 =	vld [tilespmem:$0x77B0]  }
0x5c5: {  	v11 =	vld [tilespmem:$0x2840]  }
0x5c6: {  	v56 =	vld [tilespmem:$0x77C0]  }
0x5c7: {  	v13 =	vld [tilespmem:$0x2850]  }
0x5c8: {  	v57 =	vld [tilespmem:$0x77D0]  }
0x5c9: {  	v15 =	vld [tilespmem:$0x2860]  }
0x5ca: {  	v58 =	vld [tilespmem:$0x77E0]  }
0x5cb: {  	v17 =	vld [tilespmem:$0x2870]  }
0x5cc: {  	v59 =	vld [tilespmem:$0x77F0]  }
0x5cd: {  	v19 =	vld [tilespmem:$0x2880]  }
0x5ce: {  	v60 =	vld [tilespmem:$0x7800]  }
0x5cf: {  	v21 =	vld [tilespmem:$0x2890]  }
0x5d0: {  	v61 =	vld [tilespmem:$0x7810]  }
0x5d1: {  	v23 =	vld [tilespmem:$0x28A0]  }
0x5d2: {  	v62 =	vld [tilespmem:$0x7820]  }
0x5d3: {  	v25 =	vld [tilespmem:$0x28B0]  }
0x5d4: {  	v63 =	vld [tilespmem:$0x7830]  }
0x5d5: {  	v27 =	vld [tilespmem:$0x28C0]  }
0x5d6: {  	v28 =	vld [tilespmem:$0x7840]  }
0x5d7: {  	v29 =	vld [tilespmem:$0x28D0]  }
0x5d8: {  	v30 =	vld [tilespmem:$0x7850]  }
0x5d9: {  	v31 =	vld [tilespmem:$0x28E0]  }
0x5da: {  	v48 =	vld [tilespmem:$0x7860]  }
0x5db: {  	v33 =	vld [tilespmem:$0x28F0]  }
0x5dc: {  	v49 =	vld [tilespmem:$0x7870]  }
0x5dd: {  	v35 =	vld [tilespmem:$0x2900]  }
0x5de: {  	v50 =	vld [tilespmem:$0x7880]  }
0x5df: {  	v37 =	vld [tilespmem:$0x2910]  }
0x5e0: {  	v51 =	vld [tilespmem:$0x7890]  }
0x5e1: {  	v39 =	vld [tilespmem:$0x2920]  }
0x5e2: {  	v52 =	vld [tilespmem:$0x78A0]  }
0x5e3: {  	v41 =	vld [tilespmem:$0x2930]  }
0x5e4: {  	v53 =	vld [tilespmem:$0x78B0]  }
0x5e5: {  	v43 =	vld [tilespmem:$0x2940]  }
0x5e6: {  	v54 =	vld [tilespmem:$0x78C0]  }
0x5e7: {  	v45 =	vld [tilespmem:$0x2950]  }
0x5e8: {  	v55 =	vld [tilespmem:$0x78D0]  }
0x5e9: {  	v47 =	vld [tilespmem:$0x2960]  }
0x5ea: {  	v3 =	vadd.f32 v4, v3;
	v4 =	vld [tilespmem:$0x78E0]  }
0x5eb: {  	v5 =	vadd.f32 v6, v5;
	v6 =	vld [tilespmem:$0x2970]  }
0x5ec: {  	[tilespmem:$0x2800] =	vst v3;
	v3 =	vadd.f32 v8, v7;
	v7 =	vld [tilespmem:$0x78F0]  }
0x5ed: {  	[tilespmem:$0x2810] =	vst v5;
	v5 =	vadd.f32 v10, v9;
	v8 =	vld [tilespmem:$0x2980]  }
0x5ee: {  	[tilespmem:$0x2820] =	vst v3;
	v3 =	vadd.f32 v56, v11;
	v56 =	vld [tilespmem:$0x7900]  }
0x5ef: {  	[tilespmem:$0x2830] =	vst v5;
	v5 =	vadd.f32 v57, v13;
	v57 =	vld [tilespmem:$0x2990]  }
0x5f0: {  	[tilespmem:$0x2840] =	vst v3;
	v3 =	vadd.f32 v58, v15;
	v58 =	vld [tilespmem:$0x7910]  }
0x5f1: {  	[tilespmem:$0x2850] =	vst v5;
	v5 =	vadd.f32 v59, v17;
	v59 =	vld [tilespmem:$0x29A0]  }
0x5f2: {  	[tilespmem:$0x2860] =	vst v3;
	v3 =	vadd.f32 v60, v19;
	v60 =	vld [tilespmem:$0x7920]  }
0x5f3: {  	[tilespmem:$0x2870] =	vst v5;
	v5 =	vadd.f32 v61, v21;
	v61 =	vld [tilespmem:$0x29B0]  }
0x5f4: {  	[tilespmem:$0x2880] =	vst v3;
	v3 =	vadd.f32 v62, v23;
	v62 =	vld [tilespmem:$0x7930]  }
0x5f5: {  	[tilespmem:$0x2890] =	vst v5;
	v5 =	vadd.f32 v63, v25;
	v63 =	vld [tilespmem:$0x29C0]  }
0x5f6: {  	[tilespmem:$0x28A0] =	vst v3;
	v3 =	vadd.f32 v28, v27;
	v28 =	vld [tilespmem:$0x7940]  }
0x5f7: {  	[tilespmem:$0x28B0] =	vst v5;
	v5 =	vadd.f32 v30, v29;
	v30 =	vld [tilespmem:$0x29D0]  }
0x5f8: {  	[tilespmem:$0x28C0] =	vst v3;
	v3 =	vadd.f32 v48, v31;
	v48 =	vld [tilespmem:$0x7950]  }
0x5f9: {  	[tilespmem:$0x28D0] =	vst v5;
	v5 =	vadd.f32 v49, v33;
	v49 =	vld [tilespmem:$0x29E0]  }
0x5fa: {  	[tilespmem:$0x28E0] =	vst v3;
	v3 =	vadd.f32 v50, v35;
	v50 =	vld [tilespmem:$0x7960]  }
0x5fb: {  	[tilespmem:$0x28F0] =	vst v5;
	v5 =	vadd.f32 v51, v37;
	v51 =	vld [tilespmem:$0x29F0]  }
0x5fc: {  	[tilespmem:$0x2900] =	vst v3;
	v3 =	vadd.f32 v52, v39;
	v52 =	vld [tilespmem:$0x7970]  }
0x5fd: {  	[tilespmem:$0x2910] =	vst v5;
	v5 =	vadd.f32 v53, v41;
	v53 =	vld [tilespmem:$0x2A00]  }
0x5fe: {  	[tilespmem:$0x2920] =	vst v3;
	v3 =	vadd.f32 v54, v43;
	v54 =	vld [tilespmem:$0x7980]  }
0x5ff: {  	[tilespmem:$0x2930] =	vst v5;
	v5 =	vadd.f32 v55, v45;
	v55 =	vld [tilespmem:$0x2A10]  }
0x600: {  	[tilespmem:$0x2940] =	vst v3;
	v3 =	vadd.f32 v4, v47;
	v4 =	vld [tilespmem:$0x7990]  }
0x601: {  	[tilespmem:$0x2950] =	vst v5;
	v5 =	vadd.f32 v7, v6;
	v6 =	vld [tilespmem:$0x2A20]  }
0x602: {  	v7 =	vld [tilespmem:$0x79A0];
	[tilespmem:$0x2960] =	vst v3;
	v3 =	vadd.f32 v56, v8  }
0x603: {  	[tilespmem:$0x2970] =	vst v5;
	v5 =	vadd.f32 v58, v57;
	v56 =	vld [tilespmem:$0x2A30]  }
0x604: {  	v57 =	vld [tilespmem:$0x79B0];
	[tilespmem:$0x2980] =	vst v3;
	v3 =	vadd.f32 v60, v59  }
0x605: {  	v58 =	vld [tilespmem:$0x2A40];
	[tilespmem:$0x2990] =	vst v5;
	v5 =	vadd.f32 v62, v61  }
0x606: {  	v59 =	vld [tilespmem:$0x79C0];
	[tilespmem:$0x29A0] =	vst v3;
	v3 =	vadd.f32 v28, v63  }
0x607: {  	v60 =	vld [tilespmem:$0x2A50];
	[tilespmem:$0x29B0] =	vst v5;
	v5 =	vadd.f32 v48, v30  }
0x608: {  	v61 =	vld [tilespmem:$0x79D0];
	[tilespmem:$0x29C0] =	vst v3;
	v3 =	vadd.f32 v50, v49  }
0x609: {  	v62 =	vld [tilespmem:$0x2A60];
	[tilespmem:$0x29D0] =	vst v5;
	v5 =	vadd.f32 v52, v51  }
0x60a: {  	v63 =	vld [tilespmem:$0x79E0];
	[tilespmem:$0x29E0] =	vst v3;
	v3 =	vadd.f32 v54, v53  }
0x60b: {  	v4 =	vadd.f32 v4, v55;
	[tilespmem:$0x29F0] =	vst v5;
	v5 =	vld [tilespmem:$0x2A70]  }
0x60c: {  	[tilespmem:$0x2A00] =	vst v3;
	v3 =	vadd.f32 v7, v6;
	v6 =	vld [tilespmem:$0x79F0]  }
0x60d: {  	[tilespmem:$0x2A10] =	vst v4;
	v4 =	vadd.f32 v57, v56  }
0x60e: {  	[tilespmem:$0x2A20] =	vst v3;
	v3 =	vadd.f32 v59, v58  }
0x60f: {  	[tilespmem:$0x2A30] =	vst v4;
	v4 =	vadd.f32 v61, v60  }
0x610: {  	[tilespmem:$0x2A40] =	vst v3;
	v3 =	vadd.f32 v63, v62  }
0x611: {  	s31 =	simm.s32 $0x0;
	[tilespmem:$0x2A50] =	vst v4;
	v4 =	vadd.f32 v6, v5  }
0x612: {  	[tilespmem:$0x2A60] =	vst v3;
	v3 =	vmov s31  }
0x613: {  	s0 =	simm.s32 $0x2800;
	[tilespmem:$0x2A70] =	vst v4;
	v4 =	vshll.u32 v3, $0x7  }
0x614: {  	s1 =	simm.s32 $0x10;
	v3 =	vld [tilespmem:s0+$0x0];
	v4 =	vor.u32 v2, v4  }
.LBB2_8:
0x615: {  	p0 =	sne.s32 s1, $0x270  }
.Ltmp3:
0x616: {  	_ = 	snop;
	(pc) =	sbr.rel @p0 .LBB2_8-.Ltmp3, $4  }
0x617: {  	_ = 	snop  }
0x618: {  	v5 =	vmov s1;
	s1 =	sadd.s32 $0x10, s1  }
0x619: {  	s0 =	sadd.s32 $0x10, s0;
	v5 =	vshll.u32 v5, $0x7;
	[tilespmem:v4+s28+$0x0] =	vst.idx.msk $0xffff, v3  }
0x61a: {  	v4 =	vor.u32 v2, v5;
	v3 =	vld [tilespmem:s0+$0x0]  }
0x61b: {  	_ =	sdelay $0x1  }
0x61c: {  	s29 =	sadd.s32 $0x1, s29  }
0x61d: {  	p0 =	sne.s32 s29, s22  }
.Ltmp4:
0x61e: {  	[tilespmem:v4+s28+$0x0] =	vst.idx.msk $0xffff, v3;
	(pc) =	sbr.rel @p0 .LBB2_1-.Ltmp4, $4  }
0x61f: {  	[hbm4b:s21+s2] =	stream.linear.scatter [tilespmem:s28], [sflag:$0x1], $0x14000, $0x38;
	[tilespmem:$0x1BA00] =	vst v63  }
0x620: {  	_ =	swait.ge [sflag:s24], $0x14000  }
0x621: {  	[sflag:s24] =	ssyncset.done $0x0  }
0x622: {  	[sflag:s24] =	ssyncadd.s32 $0xFFFEC000  }
0x623: {  	_ =	sfence.sel $0x180000  }
0x624: {  	[bflag:$0x0] =	sbarrier.arrive $0xFFFF  }
0x625: {  	_ =	strace $0x90000047  }
0x626: {  	s0 =	stileid.u32;
	[bflag:$0x2] =	sbarrier.arrive $0xFFFF  }
0x627: {  	p0 =	sne.s32 s0, $0x0;
	s0 =	rddreg [dreg:$0x3]  }
0x628: {  	s0 =	sadd.s32 @!p0 $0x100000, s0  }
0x629: {  	[sflag:s0] =	ssyncadd.tile.s32 @!p0 $0x1;
	_ =	shalt  }
.Lfunc_end2:
_tile_overlayer_lowered:
.L_overlay_start_2:
0x62a: {  	(tag) =	ssettag $0x2  }
0x62b: {  	s0 =	rddreg [dreg:$0x0];
	s2 =	stileid.u32  }
0x62c: {  	s1 =	rddreg [dreg:$0x1];
	p0 =	sne.s32 s2, $0x0  }
0x62d: {  	s3 =	rddreg [dreg:$0x2];
	[bflag:$0x3] =	sbarrier.arrive $0xFFFF;
	s2 =	simm.s32 @!p0 $0x1C01  }
0x62e: {  	[timem:s3], [sflag:s2] =	dma.local @!p0 [hbm:s0], s1  }
0x62f: {  	s0 =	simm.s32 @!p0 $0x1  }
0x630: {  	_ =	swait.ge @!p0 [sflag:s0], s1  }
0x631: {  	s1 =	ssub.s32 @!p0 $0x0, s1;
	[sflag:s0] =	ssyncset.done @!p0 $0x0  }
0x632: {  	[sflag:s0] =	ssyncadd.s32 @!p0 s1  }
0x633: {  	[bflag:$0x3] =	sbarrier.arrive $0xFFFF  }
0x634: {  	_ =	shalt  }

// kernel: kernel.9.cloned.1.call-start
scs
__scs_entry_jumppad:
0x0: {  	(pc) =	sbr.rel $0x88, $3  }
0x1: {  	(tag) =	ssettag $0x0;
	lr =	simm.s32 $0x1  }
0x2: {  	[smem:$0x3F9D] =	sst lr;
	_ =	strace $0xD0000000  }
0x3: {  	_ = 	snop  }
0x4: {  	_ = 	snop  }
0x5: {  	_ = 	snop  }
0x6: {  	_ = 	snop  }
0x7: {  	_ = 	snop  }
__scs_overlays_trampoline_lowered:
0x8: {  	[smem:$0x3FAC] =	sst s0  }
0x9: {  	[smem:$0x3FAD] =	sst s1  }
0xa: {  	[smem:$0x3FAE] =	sst s2  }
0xb: {  	[smem:$0x3FAF] =	sst s3  }
0xc: {  	[smem:$0x3FB0] =	sst s4  }
0xd: {  	[smem:$0x3FB1] =	sst s5  }
0xe: {  	[smem:$0x3FB2] =	sst s6  }
0xf: {  	[smem:$0x3FB3] =	sst s7  }
0x10: {  	[smem:$0x3FB4] =	sst s8  }
0x11: {  	[smem:$0x3FB5] =	sst s9;
	s0 =	simm.s32 @!p0 $0x0  }
0x12: {  	s1 =	sld [smem:$0x3F9B];
	s0 =	simm.s32 @p0 $0x1  }
0x13: {  	[smem:$0x3FB6] =	sst s0;
	s0 =	simm.s32 @!p1 $0x0  }
0x14: {  	s2 =	sld [smem:$0x3F9A];
	s0 =	simm.s32 @p1 $0x1  }
0x15: {  	[smem:$0x3FB7] =	sst s0;
	s0 =	simm.s32 @!p2 $0x0  }
0x16: {  	s3 =	sld [smem:$0x3FDB];
	s0 =	simm.s32 @p2 $0x1  }
0x17: {  	s4 =	simm.s32 $0x1BF5;
	[smem:$0x3FB9] =	sst s0  }
0x18: {  	s0 =	sld [smem:$0x3F9C];
	_ =	swait.ge [sflag:s4], $0x0  }
0x19: {  	s7 =	sld [smem:$0x3F9D]  }
0x1a: {  	s8 =	sadd.s32 $0xFFFFE003, lr  }
0x1b: {  	s9 =	sadd.s32 $0xFFFFFEF7, lr;
	s5 =	simm.s32 $0xFFFFFFFF;
	p2 =	slt.u32 s8, $0xFFFFF086  }
0x1c: {  	p1 =	slt.u32 s9, $0xF7A;
	s5 =	simm.s32 @!p2 $0x0  }
0x1d: {  	s5 =	simm.s32 @p1 $0x1;
	p0 =	seq.s32 s7, s2  }
0x1e: {  	s7 =	smul.u32 @!p0 $0xF7A, s2;
	p2 =	seq.s32 @!p0 s5, $0x0  }
0x1f: {  	s9 =	smul.u32 $0xF7A, s1;
	s8 =	simm.s32 @!p0 $0x1BF5;
	p2 =	por !p2, p0  }
0x20: {  	[sflag:s8] =	ssyncset.s32 @!p0 $0xFFFFF086;
	s6 =	sadd.s32 @!p0 s3, s7;
	s7 =	simm.s32 @!p0 $0x108  }
0x21: {  	s3 =	sadd.s32 s3, s9;
	s6 =	sadd.s32 @!p0 $0x88, s6;
	s7 =	simm.s32 @p2 $0x1082  }
0x22: {  	[simem:s7], [sflag:s8] =	dma.local @!p0 [hbm:s6], $0xF7A  }
0x23: {  	s9 =	sor.u32 $0xD0000000, s2;
	s6 =	simm.s32 $0x108;
	_ =	swait.ge @!p0 [sflag:s8], $0x0  }
0x24: {  	s3 =	sadd.s32 $0x88, s3;
	s6 =	simm.s32 @!p1 $0x1082;
	[sflag:s4] =	ssyncset.s32 $0xFFFFF086  }
0x25: {  	[simem:s6], [sflag:s4] =	dma.local [hbm:s3], $0xF7A  }
0x26: {  	[smem:$0x3F9D] =	sst s1;
	(tag) =	ssettag s2;
	_ =	strace s9  }
0x27: {  	s1 =	sld [smem:$0x3FAD]  }
0x28: {  	s2 =	sld [smem:$0x3FAE]  }
0x29: {  	s4 =	sld [smem:$0x3FB0]  }
0x2a: {  	p0 =	seq.s32 s5, $0x0;
	s5 =	sld [smem:$0x3FB1]  }
0x2b: {  	s6 =	sld [smem:$0x3FB2]  }
0x2c: {  	s7 =	sld [smem:$0x3FB3]  }
0x2d: {  	s3 =	simm.s32 $0x108;
	s8 =	sld [smem:$0x3FB4]  }
0x2e: {  	s3 =	simm.s32 @!p0 $0x1082;
	s9 =	sld [smem:$0x3FB5]  }
0x2f: {  	lr =	sadd.s32 s0, s3;
	s0 =	sld [smem:$0x3FAC]  }
0x30: {  	s3 =	sld [smem:$0x3FAF]  }
0x31: {  	[smem:$0x3FB8] =	sst s10  }
0x32: {  	s10 =	sld [smem:$0x3FB6];
	_ =	sdelay $0x3  }
0x33: {  	p0 =	seq.s32 s10, $0x1;
	s10 =	sld [smem:$0x3FB8];
	_ =	sdelay $0x3  }
0x34: {  	[smem:$0x3FB8] =	sst s10  }
0x35: {  	s10 =	sld [smem:$0x3FB7];
	_ =	sdelay $0x3  }
0x36: {  	p1 =	seq.s32 s10, $0x1;
	s10 =	sld [smem:$0x3FB8];
	_ =	sdelay $0x3  }
0x37: {  	[smem:$0x3FB8] =	sst s10  }
0x38: {  	s10 =	sld [smem:$0x3FB9]  }
0x39: {  	_ = 	snop;
	(pc) =	sbr.ind lr, $3  }
0x3a: {  	_ = 	snop  }
0x3b: {  	_ = 	snop  }
0x3c: {  	p2 =	seq.s32 s10, $0x1;
	s10 =	sld [smem:$0x3FB8]  }
0x3d: {  	_ =	shalt  }
0x3e: {  	_ =	shalt  }
0x3f: {  	_ =	shalt  }
0x40: {  	_ =	shalt  }
0x41: {  	_ =	shalt  }
0x42: {  	_ =	shalt  }
0x43: {  	_ =	shalt  }
0x44: {  	_ =	shalt  }
0x45: {  	_ =	shalt  }
0x46: {  	_ =	shalt  }
0x47: {  	_ =	shalt  }
0x48: {  	_ =	shalt  }
0x49: {  	_ =	shalt  }
0x4a: {  	_ =	shalt  }
0x4b: {  	_ =	shalt  }
0x4c: {  	_ =	shalt  }
0x4d: {  	_ =	shalt  }
0x4e: {  	_ =	shalt  }
0x4f: {  	_ =	shalt  }
0x50: {  	_ =	shalt  }
0x51: {  	_ =	shalt  }
0x52: {  	_ =	shalt  }
0x53: {  	_ =	shalt  }
0x54: {  	_ =	shalt  }
0x55: {  	_ =	shalt  }
0x56: {  	_ =	shalt  }
0x57: {  	_ =	shalt  }
0x58: {  	_ =	shalt  }
0x59: {  	_ =	shalt  }
0x5a: {  	_ =	shalt  }
0x5b: {  	_ =	shalt  }
0x5c: {  	_ =	shalt  }
0x5d: {  	_ =	shalt  }
0x5e: {  	_ =	shalt  }
0x5f: {  	_ =	shalt  }
0x60: {  	_ =	shalt  }
0x61: {  	_ =	shalt  }
0x62: {  	_ =	shalt  }
0x63: {  	_ =	shalt  }
0x64: {  	_ =	shalt  }
0x65: {  	_ =	shalt  }
0x66: {  	_ =	shalt  }
0x67: {  	_ =	shalt  }
0x68: {  	_ =	shalt  }
0x69: {  	_ =	shalt  }
0x6a: {  	_ =	shalt  }
0x6b: {  	_ =	shalt  }
0x6c: {  	_ =	shalt  }
0x6d: {  	_ =	shalt  }
0x6e: {  	_ =	shalt  }
0x6f: {  	_ =	shalt  }
0x70: {  	_ =	shalt  }
0x71: {  	_ =	shalt  }
0x72: {  	_ =	shalt  }
0x73: {  	_ =	shalt  }
0x74: {  	_ =	shalt  }
0x75: {  	_ =	shalt  }
0x76: {  	_ =	shalt  }
0x77: {  	_ =	shalt  }
0x78: {  	_ =	shalt  }
0x79: {  	_ =	shalt  }
0x7a: {  	_ =	shalt  }
0x7b: {  	_ =	shalt  }
0x7c: {  	_ =	shalt  }
0x7d: {  	_ =	shalt  }
0x7e: {  	_ =	shalt  }
0x7f: {  	_ =	shalt  }
0x80: {  	_ =	shalt  }
0x81: {  	_ =	shalt  }
0x82: {  	_ =	shalt  }
0x83: {  	_ =	shalt  }
0x84: {  	_ =	shalt  }
0x85: {  	_ =	shalt  }
0x86: {  	_ =	shalt  }
0x87: {  	_ =	shalt  }
.Lfunc_end0:
.L_simem_size_0:
called_computation.1_lowered:
.L_overlay_start_0:
0x88: {  	s2 =	sld [smem:$0x3FD9]  }
0x89: {  	s3 =	sld [smem:$0x3FFE];
	_ =	sdelay $0x1  }
0x8a: {  	s1 =	srdreg.scid  }
0x8b: {  	s0 =	sand.u32 $0x1, s1  }
0x8c: {  	s17 =	sshll.u32 s0, $0xA;
	s2 =	sadd.s32 s3, s2  }
0x8d: {  	s2 =	sadd.s32 s2, s17  }
0x8e: {  	[smem:$0x3FC4] =	sst s2  }
0x8f: {  	_ = 	snop  }
0x90: {  	s2 =	sld [smem:$0x3FD0];
	(tm) =	ssettm $0x1  }
0x91: {  	s18 =	sld [smem:$0x3FFB];
	_ =	sdelay $0x3  }
0x92: {  	_ =	strace s18  }
0x93: {  	s3 =	sld [smem:$0x3FFC];
	_ =	sdelay $0x3  }
0x94: {  	_ =	strace s3  }
0x95: {  	s3 =	sld [smem:$0x3FFD];
	_ =	sdelay $0x3  }
0x96: {  	_ =	strace s3  }
0x97: {  	_ =	strace $0x8FFFFFFF  }
0x98: {  	s19 =	sld [smem:$0x3FDB];
	_ =	sdelay $0x1  }
0x99: {  	s4 =	simm.s32 $_scs_section_size  }
0x9a: {  	s5 =	simm.s32 $_size__tile_overlayer_lowered;
	s6 =	simm.s32 $_tile_overlayer_lowered  }
0x9b: {  	s22 =	simm.s32 $0x1BFF;
	s21 =	sshll.u32 s6, $0x1;
	s3 =	sadd.s32 s4, s19  }
0x9c: {  	s7 =	simm.s32 $0x0;
	s20 =	sshll.u32 s5, $0x1;
	s5 =	sadd.s32 s21, s3  }
0x9d: {  	[timem:s7], [sflag:s22] =	dma.local [hbm:s5], s20  }
0x9e: {  	_ =	swait.ge [sflag:s22], s20  }
0x9f: {  	s4 =	ssub.s32 $0x0, s20;
	[sflag:s22] =	ssyncset.done $0x0  }
0xa0: {  	[sflag:s22] =	ssyncadd.s32 s4;
	_ =	sdelay $0x1  }
0xa1: {  	s23 =	simm.s32 $0x1B8B  }
0xa2: {  	_ =	swait.ge [sflag:s23], $0x1  }
0xa3: {  	[sflag:s23] =	ssyncset.done $0x0  }
0xa4: {  	s25 =	simm.s32 $0x1B8E;
	s24 =	sld [smem:$0x3FFE];
	[sflag:s23] =	ssyncadd.s32 $0xFFFFFFFF  }
0xa5: {  	s26 =	simm.s32 $execute0_lowered;
	[smem:$0x3FD2] =	sst s25  }
0xa6: {  	s5 =	sshll.u32 s26, $0x1;
	_ =	strace $0x80000049;
	[dreg:$0x1] =	wrdreg $0xFFFFFFFF  }
0xa7: {  	s28 =	simm.s32 $_size_execute0_lowered;
	s3 =	sadd.s32 s3, s5;
	[dreg:$0x0] =	wrdreg $0x0  }
0xa8: {  	s5 =	sshll.u32 s28, $0x1;
	[dreg:$0x2] =	wrdreg s3  }
0xa9: {  	[dreg:$0x3] =	wrdreg s5  }
0xaa: {  	[dreg:$0x4] =	wrdreg $0xC0  }
0xab: {  	_ =	task [dreg:s7], $0x5FFFF  }
0xac: {  	[dreg:$0x1] =	wrdreg $0xFFFFFFFF  }
0xad: {  	[dreg:$0x0] =	wrdreg $0x60  }
0xae: {  	[dreg:$0x2] =	wrdreg s24  }
0xaf: {  	[dreg:$0x3] =	wrdreg s2  }
0xb0: {  	[dreg:$0x4] =	wrdreg $0x0  }
0xb1: {  	[dreg:$0x5] =	wrdreg $0x9  }
0xb2: {  	_ =	task.clear_ibuf [dreg:s7], $0x6FFFF;
	_ =	strace $0x90000049  }
0xb3: {  	s29 =	simm.s32 $0x9;
	_ =	strace $0x8000004B  }
0xb4: {  	_ =	swait.ge [sflag:s29], $0x1  }
0xb5: {  	[sflag:s29] =	ssyncadd.s32 $0xFFFFFFFF  }
0xb6: {  	_ =	strace $0x9000004B  }
0xb7: {  	_ =	sfence  }
0xb8: {  	s30 =	sld [smem:$0x0];
	_ =	sdelay $0x2  }
0xb9: {  	s31 =	sshll.u32 s1, $0xD;
	s1 =	sshrl.u32 s1, $0x2  }
0xba: {  	s3 =	sand.u32 $0x4000, s31;
	s1 =	sadd.s32 s1, s30  }
0xbb: {  	s0 =	sor.u32 s3, s0;
	s1 =	sshll.u32 s1, $0x11  }
0xbc: {  	s0 =	sor.u32 s1, s0  }
0xbd: {  	s0 =	sadd.s32 $0x8F2B, s0  }
0xbe: {  	[sflag:s0] =	ssyncadd.remote.s32 $0x1  }
0xbf: {  	_ =	sfence.sel $0xFFFF  }
0xc0: {  	[dreg:$0x0] =	wrdreg $0xFFFFFFFF;
	(pc) =	sbr.abs _section_cstart, $3  }
0xc1: {  	[dreg:$0x1] =	wrdreg $0xFFFFFFFF  }
0xc2: {  	_ =	task.clear_ibuf [dreg:s7], $0x2FFFF;
	_ =	strace $0x9FFFFFFF  }
0xc3: {  	(tm) =	ssettm $0x7FFFFFFF  }
tec
execute0_lowered:
.L_overlay_start_1:
0x0: {  	(tag) =	ssettag $0x1  }
0x1: {  	s0 =	rddreg [dreg:$0x0]  }
0x2: {  	s11 =	rddreg [dreg:$0x1]  }
0x3: {  	s2 =	rddreg [dreg:$0x2]  }
0x4: {  	s1 =	srdreg.scid;
	s4 =	simm.s32 $0x0;
	s12 =	stileid.u32  }
0x5: {  	s28 =	simm.s32 $0x14200;
	s31 =	simm.s32 $0x14100;
	s29 =	simm.s32 $0x8  }
0x6: {  	s30 =	simm.s32 $0xB;
	s1 =	sand.u32 $0x1, s1;
	s5 =	smul.u32 $0x14000, s12  }
0x7: {  	[smem:$0x7FF] =	sst s4;
	s13 =	sadd.s32 $0x1200, s0;
	s9 =	smul.u32 $0x50000, s12  }
0x8: {  	s6 =	sadd.s32 $0xB000, s0;
	s7 =	sshll.u32 s12, $0x1;
	s23 =	smul.u32 $0x2800, s12  }
0x9: {  	s14 =	smul.u32 $0x4E20, s12;
	s17 =	sshll.u32 s12, $0x6;
	s12 =	simm.s32 $0x14180  }
0xa: {  	s3 =	smul.u32 $0x140000, s1;
	_ =	strace $0x8000004A;
	s8 =	ssub.s32 $0x2, s1  }
0xb: {  	s7 =	sor.u32 s1, s7;
	p0 =	seq.s32 s1, $0x1;
	s1 =	smul.u32 $0x2710, s1  }
0xc: {  	s19 =	sor.u32 $0x1C0D, s17;
	s17 =	simm.s32 $0x4;
	s21 =	sshrl.u32 s8, $0x1  }
0xd: {  	s7 =	smul.u32 $0x2710, s7;
	s22 =	sshrl.u32 s9, $0x2;
	[dreg:$0xe] =	wrdreg s19  }
0xe: {  	s3 =	sadd.s32 s5, s3;
	s5 =	sadd.s32 $0x33000, s0;
	s1 =	sadd.s32 s1, s14  }
0xf: {  	s14 =	simm.s32 $0x3;
	s3 =	sshrl.u32 s3, $0x3;
	s7 =	sshrl.u32 s7, $0x3  }
0x10: {  	s18 =	sadd.s32 $0x190, s1;
	s20 =	sadd.s32 $0x140, s1;
	s0 =	sadd.s32 s3, s0  }
0x11: {  	s3 =	ssub.s32 s8, s21;
	s8 =	sadd.s32 s22, s2;
	[dreg:$0xf] =	wrdreg s20  }
0x12: {  	s24 =	sadd.s32 s13, s7;
	s25 =	sadd.s32 s11, s7;
	[dreg:$0x4] =	wrdreg s8  }
0x13: {  	s26 =	sadd.s32 $0xA, s7;
	s7 =	sadd.s32 $0x14, s7;
	[dreg:$0x5] =	wrdreg s24  }
0x14: {  	s21 =	sadd.s32 $0x1E0, s1;
	[dreg:$0x6] =	wrdreg s25;
	s10 =	sadd.s32 s13, s26  }
0x15: {  	s1 =	sadd.s32 $0xF0, s1;
	s9 =	sadd.s32 s11, s26;
	[dreg:$0x7] =	wrdreg s10  }
0x16: {  	s20 =	simm.s32 $0xD;
	s15 =	sadd.s32 s13, s7;
	[dreg:$0x8] =	wrdreg s9  }
0x17: {  	s7 =	sadd.s32 s11, s7;
	s0 =	sadd.s32 $0x5B000, s0;
	[dreg:$0x9] =	wrdreg s15  }
0x18: {  	s16 =	smax.u32 s3, $0x1;
	s3 =	sshrl.u32 s21, $0x3;
	[dreg:$0xa] =	wrdreg s7  }
0x19: {  	s24 =	sshrl.u32 s1, $0x3;
	s8 =	simm.s32 $0x14400;
	[dreg:$0xb] =	wrdreg s0  }
0x1a: {  	s1 =	simm.s32 $0x7;
	s21 =	simm.s32 $0x0;
	[dreg:$0xc] =	wrdreg s16  }
0x1b: {  	s0 =	smov.u32 s6;
	s25 =	sadd.s32 s3, s13;
	s26 =	sadd.s32 s24, s11  }
0x1c: {  	s24 =	sadd.s32 s24, s13;
	s7 =	simm.s32 $0x50;
	s9 =	simm.s32 $0x2  }
0x1d: {  	s10 =	simm.s32 $0x16C00;
	s15 =	simm.s32 $0x19400;
	[dreg:$0x13] =	wrdreg s25  }
0x1e: {  	s16 =	simm.s32 $0x6;
	s0 =	smov.u32 @p0 s5;
	[dreg:$0x14] =	wrdreg s26  }
0x1f: {  	s26 =	simm.s32 $0x14000;
	s25 =	simm.s32 $0x1BC00;
	s0 =	sadd.s32 s0, s23  }
.Ltmp0:
0x20: {  	s23 =	sadd.s32 s3, s11;
	[dreg:$0xd] =	wrdreg s0;
	(pc) =	sbr.rel .LBB2_1-.Ltmp0, $4  }
0x21: {  	s3 =	simm.s32 $0x1;
	s0 =	sshrl.u32 s18, $0x3;
	[dreg:$0x12] =	wrdreg s23  }
0x22: {  	s23 =	smov.u32 s13;
	s18 =	simm.s32 $0x9;
	s22 =	sadd.s32 s0, s11  }
0x23: {  	s0 =	sadd.s32 s0, s13;
	s11 =	simm.s32 $0x5;
	[dreg:$0x10] =	wrdreg s22  }
0x24: {  	s13 =	simm.s32 $0x14380;
	[dreg:$0x11] =	wrdreg s0;
	s0 =	simm.s32 $0x14300  }
.LBB2_4:
0x25: {  	[spmem:s2] =	stream.indirect.scatter.add.f32 [tilespmem:s25], [sflag:$0xC], $0x80, s13, s7, $0xb8;
	[tilespmem:$0x1E400] =	vst v63  }
0x26: {  	_ =	swait.ge [sflag:s11], $0x2800  }
0x27: {  	[sflag:s11] =	ssyncset.done $0x0  }
0x28: {  	[sflag:s11] =	ssyncadd.s32 $0xFFFFD800  }
0x29: {  	[spmem:s2] =	stream.indirect.scatter.add.f32 [tilespmem:s8], [sflag:$0x9], $0x80, s28, s7, $0xb8;
	[tilespmem:$0x1E400] =	vst v63  }
0x2a: {  	_ =	swait.ge [sflag:s18], $0x2800  }
0x2b: {  	[sflag:s18] =	ssyncset.done $0x0  }
0x2c: {  	s5 =	simm.s32 $0xA;
	[sflag:s18] =	ssyncadd.s32 $0xFFFFD800  }
0x2d: {  	_ =	swait.ge [sflag:s5], $0x2800  }
0x2e: {  	[sflag:s5] =	ssyncset.done $0x0  }
0x2f: {  	[sflag:s5] =	ssyncadd.s32 $0xFFFFD800  }
0x30: {  	_ =	swait.ge [sflag:s30], $0x2800  }
0x31: {  	[sflag:s30] =	ssyncset.done $0x0  }
0x32: {  	s20 =	simm.s32 $0xC;
	[sflag:s30] =	ssyncadd.s32 $0xFFFFD800  }
0x33: {  	_ =	swait.ge [sflag:s20], $0x2800  }
0x34: {  	[sflag:s20] =	ssyncset.done $0x0  }
0x35: {  	[sflag:s20] =	ssyncadd.s32 $0xFFFFD800  }
0x36: {  	[bflag:$0x0] =	sbarrier.arrive $0xFFFF  }
0x37: {  	s21 =	rddreg [dreg:$0xb]  }
0x38: {  	s19 =	rddreg [dreg:$0xe]  }
0x39: {  	s20 =	rddreg [dreg:$0x16]  }
0x3a: {  	[hbm:s21], [sflag:s19] =	dma.local [spmem:s20], $0x2800  }
0x3b: {  	s20 =	simm.s32 $0xD  }
0x3c: {  	_ =	swait.ge [sflag:s20], $0x2800  }
0x3d: {  	s21 =	rddreg [dreg:$0x15]  }
0x3e: {  	s22 =	rddreg [dreg:$0xc];
	s21 =	sadd.s32 $0x1, s21  }
0x3f: {  	p0 =	sne.s32 s21, s22  }
.Ltmp1:
0x40: {  	_ = 	snop;
	(pc) =	sbr.rel @!p0 .LBB2_5-.Ltmp1, $3  }
0x41: {  	_ =	sdelay $0x1  }
0x42: {  	[sflag:s20] =	ssyncset.done $0x0  }
0x43: {  	[sflag:s20] =	ssyncadd.s32 $0xFFFFD800  }
.LBB2_1:
0x44: {  	[dreg:$0x15] =	wrdreg s21  }
0x45: {  	s5 =	rddreg [dreg:$0x4]  }
0x46: {  	s22 =	rddreg [dreg:$0xd];
	s5 =	sshrl.u32 s5, $0x3  }
0x47: {  	[dreg:$0x16] =	wrdreg s5  }
0x48: {  	[spmem:s5], [sflag:s19] =	dma.local [hbm:s22], $0x2800  }
0x49: {  	_ =	swait.ge [sflag:s20], $0x2800  }
0x4a: {  	[sflag:s20] =	ssyncset.done $0x0  }
0x4b: {  	[sflag:s20] =	ssyncadd.s32 $0xFFFFD800  }
0x4c: {  	[bflag:$0x0] =	sbarrier.arrive $0xFFFF  }
0x4d: {  	s22 =	rddreg [dreg:$0x5]  }
0x4e: {  	[tilespmem:s26], [sflag:$0x1] =	stream.linear.gather [hbm4b:s22+s4], $0x50, $0x38;
	[tilespmem:$0x1E400] =	vst v63  }
0x4f: {  	s19 =	rddreg [dreg:$0x6]  }
0x50: {  	[tilespmem:s28], [sflag:$0x1] =	stream.linear.gather [hbm4b:s19+s4], $0x50, $0x38;
	[tilespmem:$0x1E400] =	vst v63  }
0x51: {  	s20 =	rddreg [dreg:$0x7];
	s19 =	simm.s32 $0x14080  }
0x52: {  	[tilespmem:s19], [sflag:$0x2] =	stream.linear.gather [hbm4b:s20+s4], $0x50, $0x38;
	[tilespmem:$0x1E400] =	vst v63  }
0x53: {  	s21 =	rddreg [dreg:$0x8];
	s22 =	simm.s32 $0x14280  }
0x54: {  	[tilespmem:s22], [sflag:$0x2] =	stream.linear.gather [hbm4b:s21+s4], $0x50, $0x38;
	[tilespmem:$0x1E400] =	vst v63  }
0x55: {  	s21 =	rddreg [dreg:$0x9]  }
0x56: {  	[tilespmem:s31], [sflag:$0x3] =	stream.linear.gather [hbm4b:s21+s4], $0x50, $0x38;
	[tilespmem:$0x1E400] =	vst v63  }
0x57: {  	s22 =	rddreg [dreg:$0xa]  }
0x58: {  	[tilespmem:s0], [sflag:$0x3] =	stream.linear.gather [hbm4b:s22+s4], $0x50, $0x38;
	[tilespmem:$0x1E400] =	vst v63  }
0x59: {  	_ =	swait.ge [sflag:s3], $0x50  }
0x5a: {  	[sflag:s3] =	ssyncset.done $0x0  }
0x5b: {  	[sflag:s3] =	ssyncadd.s32 $0xFFFFFFB0  }
0x5c: {  	_ =	swait.ge [sflag:s3], $0x50  }
0x5d: {  	[sflag:s3] =	ssyncset.done $0x0  }
0x5e: {  	[sflag:s3] =	ssyncadd.s32 $0xFFFFFFB0  }
0x5f: {  	[tilespmem:s8], [sflag:$0x5] =	stream.indirect.gather [hbm4b:s6+s7], $0x80, s26, s7, $0xb8;
	[tilespmem:$0x1E400] =	vst v63  }
0x60: {  	_ =	swait.ge [sflag:s9], $0x50  }
0x61: {  	[sflag:s9] =	ssyncset.done $0x0  }
0x62: {  	[sflag:s9] =	ssyncadd.s32 $0xFFFFFFB0  }
0x63: {  	_ =	swait.ge [sflag:s9], $0x50  }
0x64: {  	[sflag:s9] =	ssyncset.done $0x0  }
0x65: {  	s21 =	simm.s32 $0x0;
	s5 =	rddreg [dreg:$0xf];
	[sflag:s9] =	ssyncadd.s32 $0xFFFFFFB0  }
0x66: {  	[tilespmem:s10], [sflag:$0x6] =	stream.indirect.gather [hbm4b:s6+s7], $0x80, s19, s7, $0xb8;
	[tilespmem:$0x1E400] =	vst v63  }
.LBB2_2:
0x67: {  	_ =	swait.ge [sflag:s11], $0x2800  }
0x68: {  	p0 =	seq.s32 s21, $0x0;
	[sflag:s11] =	ssyncset.done $0x0  }
0x69: {  	s22 =	simm.s32 @!p0 $0xC;
	[sflag:s11] =	ssyncadd.s32 $0xFFFFD800  }
0x6a: {  	_ =	swait.ge @!p0 [sflag:s22], $0x2800  }
0x6b: {  	[sflag:s22] =	ssyncset.done @!p0 $0x0  }
0x6c: {  	s20 =	sadd.s32 s21, s24;
	s19 =	rddreg [dreg:$0x14];
	[sflag:s22] =	ssyncadd.s32 @!p0 $0xFFFFD800  }
0x6d: {  	[tilespmem:s12], [sflag:$0x4] =	stream.linear.gather [hbm4b:s20+s4], $0x50, $0x38;
	[tilespmem:$0x1E400] =	vst v63  }
0x6e: {  	s19 =	sadd.s32 s21, s19  }
0x6f: {  	[tilespmem:s13], [sflag:$0x4] =	stream.linear.gather [hbm4b:s19+s4], $0x50, $0x38;
	[tilespmem:$0x1E400] =	vst v63  }
0x70: {  	_ =	swait.ge [sflag:s14], $0x50  }
0x71: {  	[sflag:s14] =	ssyncset.done $0x0  }
0x72: {  	[sflag:s14] =	ssyncadd.s32 $0xFFFFFFB0  }
0x73: {  	_ =	swait.ge [sflag:s14], $0x50  }
0x74: {  	[sflag:s14] =	ssyncset.done $0x0  }
0x75: {  	[sflag:s14] =	ssyncadd.s32 $0xFFFFFFB0  }
0x76: {  	[tilespmem:s15], [sflag:$0x7] =	stream.indirect.gather [hbm4b:s6+s7], $0x80, s31, s7, $0xb8;
	[tilespmem:$0x1E400] =	vst v63  }
0x77: {  	_ = 	snop  }
0x78: {  	[spmem:s2] =	stream.indirect.scatter.add.f32 [tilespmem:s8], [sflag:$0x9], $0x80, s28, s7, $0xb8;
	[tilespmem:$0x1E400] =	vst v63  }
0x79: {  	_ =	swait.ge [sflag:s16], $0x2800  }
0x7a: {  	[sflag:s16] =	ssyncset.done $0x0  }
0x7b: {  	[sflag:s16] =	ssyncadd.s32 $0xFFFFD800  }
0x7c: {  	_ =	swait.ge [sflag:s18], $0x2800  }
0x7d: {  	s22 =	sshrl.u32 s5, $0x3;
	[sflag:s18] =	ssyncset.done $0x0  }
0x7e: {  	s20 =	sadd.s32 s23, s22;
	[sflag:s18] =	ssyncadd.s32 $0xFFFFD800  }
0x7f: {  	[tilespmem:s26], [sflag:$0x1] =	stream.linear.gather [hbm4b:s20+s4], $0x50, $0x38;
	[tilespmem:$0x1E400] =	vst v63  }
0x80: {  	s20 =	rddreg [dreg:$0x1]  }
0x81: {  	s19 =	sadd.s32 s20, s22  }
0x82: {  	[tilespmem:s28], [sflag:$0x1] =	stream.linear.gather [hbm4b:s19+s4], $0x50, $0x38;
	[tilespmem:$0x1E400] =	vst v63  }
0x83: {  	_ =	swait.ge [sflag:s17], $0x50  }
0x84: {  	[sflag:s17] =	ssyncset.done $0x0  }
0x85: {  	[sflag:s17] =	ssyncadd.s32 $0xFFFFFFB0  }
0x86: {  	_ =	swait.ge [sflag:s17], $0x50  }
0x87: {  	[sflag:s17] =	ssyncset.done $0x0  }
0x88: {  	[sflag:s17] =	ssyncadd.s32 $0xFFFFFFB0  }
0x89: {  	[tilespmem:s25], [sflag:$0x8] =	stream.indirect.gather [hbm4b:s6+s7], $0x80, s12, s7, $0xb8;
	[tilespmem:$0x1E400] =	vst v63  }
0x8a: {  	s22 =	simm.s32 $0x14280  }
0x8b: {  	[spmem:s2] =	stream.indirect.scatter.add.f32 [tilespmem:s10], [sflag:$0xA], $0x80, s22, s7, $0xb8;
	[tilespmem:$0x1E400] =	vst v63  }
0x8c: {  	_ =	swait.ge [sflag:s1], $0x2800  }
0x8d: {  	p0 =	seq.s32 s21, $0x4B0;
	[sflag:s1] =	ssyncset.done $0x0  }
0x8e: {  	s19 =	simm.s32 @!p0 $0xA;
	[sflag:s1] =	ssyncadd.s32 $0xFFFFD800  }
0x8f: {  	_ =	swait.ge @!p0 [sflag:s19], $0x2800  }
0x90: {  	[sflag:s19] =	ssyncset.done @!p0 $0x0  }
0x91: {  	[sflag:s19] =	ssyncadd.s32 @!p0 $0xFFFFD800;
	s19 =	rddreg [dreg:$0x11]  }
0x92: {  	s20 =	simm.s32 @!p0 $0x14080;
	s22 =	simm.s32 @!p0 $0x0;
	s19 =	sadd.s32 @!p0 s21, s19  }
0x93: {  	[tilespmem:s20], [sflag:$0x2] =	stream.linear.gather @!p0 [hbm4b:s19+s22], $0x50, $0x38;
	[tilespmem:$0x1E400] =	vst v63  }
0x94: {  	s19 =	rddreg [dreg:$0x10]  }
0x95: {  	s20 =	simm.s32 @!p0 $0x14280;
	s19 =	sadd.s32 @!p0 s21, s19  }
0x96: {  	[tilespmem:s20], [sflag:$0x2] =	stream.linear.gather @!p0 [hbm4b:s19+s22], $0x50, $0x38;
	[tilespmem:$0x1E400] =	vst v63  }
0x97: {  	_ =	swait.ge [sflag:s3], $0x50  }
0x98: {  	[sflag:s3] =	ssyncset.done $0x0  }
0x99: {  	[sflag:s3] =	ssyncadd.s32 $0xFFFFFFB0  }
0x9a: {  	_ =	swait.ge [sflag:s3], $0x50  }
0x9b: {  	[sflag:s3] =	ssyncset.done $0x0  }
0x9c: {  	[sflag:s3] =	ssyncadd.s32 $0xFFFFFFB0  }
0x9d: {  	[tilespmem:s8], [sflag:$0x5] =	stream.indirect.gather [hbm4b:s6+s7], $0x80, s26, s7, $0xb8;
	[tilespmem:$0x1E400] =	vst v63  }
.Ltmp2:
0x9e: {  	_ = 	snop;
	(pc) =	sbr.rel @p0 .LBB2_4-.Ltmp2, $4  }
0x9f: {  	[spmem:s2] =	stream.indirect.scatter.add.f32 [tilespmem:s15], [sflag:$0xB], $0x80, s0, s7, $0xb8;
	[tilespmem:$0x1E400] =	vst v63  }
0xa0: {  	_ =	swait.ge [sflag:s29], $0x2800  }
0xa1: {  	[sflag:s29] =	ssyncset.done $0x0  }
0xa2: {  	[sflag:s29] =	ssyncadd.s32 $0xFFFFD800  }
0xa3: {  	_ =	swait.ge [sflag:s30], $0x2800  }
0xa4: {  	[sflag:s30] =	ssyncset.done $0x0;
	s19 =	rddreg [dreg:$0x13]  }
0xa5: {  	s20 =	rddreg [dreg:$0x12];
	[sflag:s30] =	ssyncadd.s32 $0xFFFFD800;
	s19 =	sadd.s32 s21, s19  }
0xa6: {  	[tilespmem:s31], [sflag:$0x3] =	stream.linear.gather [hbm4b:s19+s4], $0x50, $0x38;
	[tilespmem:$0x1E400] =	vst v63  }
0xa7: {  	s19 =	sadd.s32 s21, s20  }
0xa8: {  	[tilespmem:s0], [sflag:$0x3] =	stream.linear.gather [hbm4b:s19+s4], $0x50, $0x38;
	[tilespmem:$0x1E400] =	vst v63  }
0xa9: {  	_ =	swait.ge [sflag:s9], $0x50  }
0xaa: {  	[sflag:s9] =	ssyncset.done $0x0  }
0xab: {  	[sflag:s9] =	ssyncadd.s32 $0xFFFFFFB0  }
0xac: {  	_ =	swait.ge [sflag:s9], $0x50  }
.Ltmp3:
0xad: {  	[sflag:s9] =	ssyncset.done $0x0;
	(pc) =	sbr.rel .LBB2_2-.Ltmp3, $4  }
0xae: {  	s22 =	simm.s32 $0x14080;
	[sflag:s9] =	ssyncadd.s32 $0xFFFFFFB0  }
0xaf: {  	[tilespmem:s10], [sflag:$0x6] =	stream.indirect.gather [hbm4b:s6+s7], $0x80, s22, s7, $0xb8;
	[tilespmem:$0x1E400] =	vst v63  }
0xb0: {  	s5 =	sadd.s32 $0x140, s5;
	s21 =	sadd.s32 $0x28, s21  }
0xb1: {  	[spmem:s2] =	stream.indirect.scatter.add.f32 [tilespmem:s25], [sflag:$0xC], $0x80, s13, s7, $0xb8;
	[tilespmem:$0x1E400] =	vst v63  }
.LBB2_5:
0xb2: {  	_ =	sfence.sel $0x180000  }
0xb3: {  	[bflag:$0x0] =	sbarrier.arrive $0xFFFF  }
0xb4: {  	_ =	strace $0x9000004A  }
0xb5: {  	s0 =	stileid.u32;
	[bflag:$0x2] =	sbarrier.arrive $0xFFFF  }
0xb6: {  	p0 =	sne.s32 s0, $0x0;
	s0 =	rddreg [dreg:$0x3]  }
0xb7: {  	s0 =	sadd.s32 @!p0 $0x100000, s0  }
0xb8: {  	[sflag:s0] =	ssyncadd.tile.s32 @!p0 $0x1;
	_ =	shalt  }
.Lfunc_end2:
_tile_overlayer_lowered:
.L_overlay_start_2:
0xb9: {  	(tag) =	ssettag $0x2  }
0xba: {  	s0 =	rddreg [dreg:$0x0];
	s2 =	stileid.u32  }
0xbb: {  	s1 =	rddreg [dreg:$0x1];
	p0 =	sne.s32 s2, $0x0  }
0xbc: {  	s3 =	rddreg [dreg:$0x2];
	[bflag:$0x3] =	sbarrier.arrive $0xFFFF;
	s2 =	simm.s32 @!p0 $0x1C0D  }
0xbd: {  	[timem:s3], [sflag:s2] =	dma.local @!p0 [hbm:s0], s1  }
0xbe: {  	s0 =	simm.s32 @!p0 $0xD  }
0xbf: {  	_ =	swait.ge @!p0 [sflag:s0], s1  }
0xc0: {  	s1 =	ssub.s32 @!p0 $0x0, s1;
	[sflag:s0] =	ssyncset.done @!p0 $0x0  }
0xc1: {  	[sflag:s0] =	ssyncadd.s32 @!p0 s1  }
0xc2: {  	[bflag:$0x3] =	sbarrier.arrive $0xFFFF  }
0xc3: {  	_ =	shalt  }

</sc_bundles>
